<compile_context>
chip_gen: v7x
topology: tpu7x:2x2x1
jax: 0.10.2.dev20260603
libtpu: 0.0.44.dev20260713+nightly
codegen_flags: <defaults>
</compile_context>

<pallas_src>
import functools

import jax
import jax.numpy as jnp
from jax import lax
from jax.experimental import pallas as pl
from jax.experimental.pallas import tpu as pltpu
from jax.experimental.pallas import tpu_sc as plsc

_NC = 2
_NS = 16
_NW = _NC * _NS
_LANES = 16

_S = 10

_SC_PARAMS = pltpu.CompilerParams(use_tc_tiling_on_sc=False,
                                  needs_layout_passes=False)


def _widx():
    return lax.axis_index("s") * _NC + lax.axis_index("c")


def _sc_sage(features, all_neighbors, nodes):
    n_rows, d = features.shape
    deg = all_neighbors.shape[1]
    b = nodes.shape[0]
    sb = b // _NW
    c = 32
    per_w = sb * (_S + 1)
    nch = per_w // c
    nself = sb // c
    assert per_w % c == 0 and nch % 2 == 0 and sb % _LANES == 0
    nv = d // _LANES
    ng = c // _LANES

    mesh = plsc.VectorSubcoreMesh(core_axis_name="c", subcore_axis_name="s")

    jb_types = [pltpu.VMEM((c, d), jnp.float32) for _ in range(2 * _S)]

    @functools.partial(
        pl.kernel,
        mesh=mesh,
        compiler_params=_SC_PARAMS,
        out_type=(jax.ShapeDtypeStruct((b * (_S + 1), d), jnp.float32),
                  jax.ShapeDtypeStruct((b * (_S + 1), d), jnp.float32)),
        scratch_types=[
            pltpu.VMEM((per_w,), jnp.int32),
            pltpu.VMEM((sb, deg), jnp.int32),
            pltpu.VMEM((c, deg), jnp.int32),
            pltpu.VMEM((c, deg), jnp.int32),
            pltpu.VMEM((_S, c), jnp.int32),
            pltpu.VMEM((_S, c), jnp.int32),
            pltpu.VMEM((c, d), jnp.float32),
            pltpu.VMEM((c, d), jnp.float32),
            pltpu.VMEM((c, d), jnp.float32),
            pltpu.VMEM((c, d), jnp.float32),
        ] + jb_types + [
            pltpu.SemaphoreType.DMA,
            pltpu.SemaphoreType.DMA,
            pltpu.SemaphoreType.DMA,
            pltpu.SemaphoreType.DMA,
            pltpu.SemaphoreType.DMA,
            pltpu.SemaphoreType.DMA,
            pltpu.SemaphoreType.DMA,
            pltpu.SemaphoreType.DMA,
            pltpu.SemaphoreType.DMA,
            pltpu.SemaphoreType.DMA,
        ],
    )
    def k(feat_hbm, an_hbm, nodes_hbm, self_hbm, nsum_hbm, ids_v, nbh,
          nbr0, nbr1, idx0, idx1, selfb0, selfb1, acc0, acc1, *rest):
        jbs = rest[:2 * _S]
        (sem_nbr0, sem_nbr1, sem_self0, sem_self1, sem_bank0, sem_bank1,
         sem_wS0, sem_wS1, sem_wA0, sem_wA1) = rest[2 * _S:]
        bank = (jbs[:_S], jbs[_S:])
        nbr = (nbr0, nbr1)
        idx = (idx0, idx1)
        selfb = (selfb0, selfb1)
        acc = (acc0, acc1)
        sem_nbr = (sem_nbr0, sem_nbr1)
        sem_self = (sem_self0, sem_self1)
        sem_bank = (sem_bank0, sem_bank1)
        sem_wS = (sem_wS0, sem_wS1)
        sem_wA = (sem_wA0, sem_wA1)

        w = _widx()
        nbase = w * sb * _S
        sbase = b * _S + w * sb

        rows16 = jnp.arange(_LANES, dtype=jnp.int32)

        def extract(src_ref, dst_ref, groups):
            for j in range(_S):
                cols = jnp.full((_LANES,), j, dtype=jnp.int32)
                for g in range(groups):
                    vals = plsc.load_gather(
                        src_ref, [rows16 + (g * _LANES), cols])
                    dst_ref[j, pl.ds(g * _LANES, _LANES)] = vals

        def fire_bank(ci_next, p_next):
            for j in range(_S):
                pltpu.async_copy(feat_hbm.at[idx[p_next].at[j]],
                                 bank[p_next][j], sem_bank[p_next])
            pltpu.async_copy(
                feat_hbm.at[ids_v.at[pl.ds(ci_next * c, c)]],
                selfb[p_next], sem_self[p_next])

        pltpu.sync_copy(nodes_hbm.at[pl.ds(w * sb, sb)],
                        ids_v.at[pl.ds(sb * _S, sb)])
        pltpu.async_copy(an_hbm.at[ids_v.at[pl.ds(sb * _S, sb)]],
                         nbh, sem_nbr0).wait()
        for j in range(_S):
            cols = jnp.full((_LANES,), j, dtype=jnp.int32)
            for g in range(sb // _LANES):
                srows = rows16 + (g * _LANES)
                vals = plsc.load_gather(nbh, [srows, cols])
                plsc.store_scatter(ids_v, [srows * _S + j], vals)

        pltpu.async_copy(an_hbm.at[ids_v.at[pl.ds(0, c)]],
                         nbr0, sem_nbr0).wait()
        extract(nbr0, idx0, ng)
        fire_bank(0, 0)
        pltpu.async_copy(an_hbm.at[ids_v.at[pl.ds(c, c)]], nbr1, sem_nbr1)

        def do_chunk(t, p):
            ci = 2 * t + p

            @pl.when(ci + 1 < nch)
            def _():
                pltpu.make_async_copy(an_hbm.at[ids_v.at[pl.ds(0, c)]],
                                      nbr[1 - p], sem_nbr[1 - p]).wait()
                extract(nbr[1 - p], idx[1 - p], ng)

            @pl.when(ci + 2 < nch)
            def _():
                pltpu.async_copy(
                    an_hbm.at[ids_v.at[pl.ds((ci + 2) * c, c)]],
                    nbr[p], sem_nbr[p])

            @pl.when(ci >= 1)
            def _():
                pltpu.make_async_copy(feat_hbm.at[pl.ds(0, c)],
                                      selfb[1 - p], sem_wS[1 - p]).wait()

            @pl.when(t >= 1)
            def _():
                pltpu.make_async_copy(feat_hbm.at[pl.ds(0, c)], acc[p],
                                      sem_wA[p]).wait()

            @pl.when(ci + 1 < nch)
            def _():
                fire_bank(ci + 1, 1 - p)

            for j in range(_S):
                pltpu.make_async_copy(feat_hbm.at[idx[p].at[j]],
                                      bank[p][j], sem_bank[p]).wait()

            def r_body(r, cr):
                for v in range(nv):
                    sl = pl.ds(v * _LANES, _LANES)
                    s = bank[p][0][r, sl]
                    for j in range(1, _S):
                        s = s + bank[p][j][r, sl]
                    acc[p][r, sl] = s
                return cr

            lax.fori_loop(0, c, r_body, 0)

            pltpu.make_async_copy(
                feat_hbm.at[ids_v.at[pl.ds(0, c)]], selfb[p],
                sem_self[p]).wait()
            orow = jnp.where(ci < nch - nself, nbase + ci * c,
                             sbase + (ci - (nch - nself)) * c)
            pltpu.async_copy(selfb[p], self_hbm.at[pl.ds(orow, c)], sem_wS[p])
            pltpu.async_copy(acc[p], nsum_hbm.at[pl.ds(orow, c)], sem_wA[p])

        def pair(t, carry):
            do_chunk(t, 0)
            do_chunk(t, 1)
            return carry

        lax.fori_loop(0, nch // 2, pair, 0)

        pltpu.make_async_copy(feat_hbm.at[pl.ds(0, c)], selfb[1],
                              sem_wS[1]).wait()
        for p in (0, 1):
            pltpu.make_async_copy(feat_hbm.at[pl.ds(0, c)], acc[p],
                                  sem_wA[p]).wait()

    return k(features, all_neighbors, nodes)


def _tc_head(selff, nsum, w1a, w1b, w2a, w2b, wc, b_seeds):
    nfeat = selff.shape[1]
    embed = w1a.shape[1]
    ncls = wc.shape[1]
    nb = 8
    bs = b_seeds // nb
    self_block0 = (b_seeds * _S) // bs

    def body(sn, nn, ss, ns, r1a, r1b, r2a, r2b, rc, o_ref):
        h1n = jnp.maximum(
            jnp.dot(sn[...], r1a[...], preferred_element_type=jnp.float32)
            + jnp.dot(nn[...], r1b[...], preferred_element_type=jnp.float32),
            0.0,
        )
        hsum = jnp.sum(h1n.reshape(bs, _S, embed), axis=1)
        h1s = jnp.maximum(
            jnp.dot(ss[...], r1a[...], preferred_element_type=jnp.float32)
            + jnp.dot(ns[...], r1b[...], preferred_element_type=jnp.float32),
            0.0,
        )
        emb = jnp.maximum(
            jnp.dot(h1s, r2a[...], preferred_element_type=jnp.float32)
            + jnp.dot(hsum, r2b[...], preferred_element_type=jnp.float32),
            0.0,
        )
        o_ref[...] = jax.nn.sigmoid(
            jnp.dot(emb, rc[...], preferred_element_type=jnp.float32)
        )

    wspec = lambda shp: pl.BlockSpec(shp, lambda i: (0, 0))
    return pl.pallas_call(
        body,
        grid=(nb,),
        in_specs=[
            pl.BlockSpec((bs * _S, nfeat), lambda i: (i, 0)),
            pl.BlockSpec((bs * _S, nfeat), lambda i: (i, 0)),
            pl.BlockSpec((bs, nfeat), lambda i: (i + self_block0, 0)),
            pl.BlockSpec((bs, nfeat), lambda i: (i + self_block0, 0)),
            wspec(w1a.shape),
            wspec(w1b.shape),
            wspec(w2a.shape),
            wspec(w2b.shape),
            wspec(wc.shape),
        ],
        out_specs=pl.BlockSpec((bs, ncls), lambda i: (i, 0)),
        out_shape=jax.ShapeDtypeStruct((b_seeds, ncls), jnp.float32),
    )(selff, nsum, selff, nsum, w1a, w1b, w2a, w2b, wc)


def kernel(nodes, all_neighbors, features, W1, W2, Wc):
    b = nodes.shape[0]
    nfeat = features.shape[1]
    embed = W1.shape[0]

    nodes = nodes.astype(jnp.int32)
    all_neighbors = all_neighbors.astype(jnp.int32)

    selff, nsum = _sc_sage(features, all_neighbors, nodes)

    inv_s = jnp.float32(1.0 / _S)
    w1a = W1[:, :nfeat].T
    w1b = W1[:, nfeat:].T * inv_s
    w2a = W2[:, :embed].T
    w2b = W2[:, embed:].T * inv_s
    wct = Wc.T
    return _tc_head(selff, nsum, w1a, w1b, w2a, w2b, wct, b)

# --- scband reference (transcript-rebuilt; emitter-appended) ---
"""Pipeline reference for scband-supervised-graph-sage-64441689309831 (READ-ONLY COPY).

The authoritative reference and input builder live on the scoring server;
editing this copy changes nothing except your own understanding.
"""

import jax, jax.numpy as jnp
import numpy as np

NUM_NODES = 100000
NUM_FEATS = 128
EMBED = 128
NUM_CLASSES = 64
DEG = 16
S1 = 10
S2 = 10
B = 4096


def setup_inputs(seed: int = 0) -> dict:
    key = jax.random.key(seed)
    k = jax.random.split(key, 6)
    nodes = jax.random.randint(k[0], (B,), 0, NUM_NODES)
    all_neighbors = jax.random.randint(k[1], (NUM_NODES, DEG), 0, NUM_NODES)
    features = jax.random.normal(k[2], (NUM_NODES, NUM_FEATS), dtype=jnp.float32)
    lim1 = (6.0 / (EMBED + 2 * NUM_FEATS)) ** 0.5
    W1 = jax.random.uniform(k[3], (EMBED, 2 * NUM_FEATS), minval=-lim1, maxval=lim1, dtype=jnp.float32)
    lim2 = (6.0 / (EMBED + 2 * EMBED)) ** 0.5
    W2 = jax.random.uniform(k[4], (EMBED, 2 * EMBED), minval=-lim2, maxval=lim2, dtype=jnp.float32)
    limc = (6.0 / (NUM_CLASSES + EMBED)) ** 0.5
    Wc = jax.random.uniform(k[5], (NUM_CLASSES, EMBED), minval=-limc, maxval=limc, dtype=jnp.float32)
    return {"nodes": nodes, "all_neighbors": all_neighbors, "features": features, "W1": W1, "W2": W2, "Wc": Wc}


def reference(nodes, all_neighbors, features, W1, W2, Wc):
    # Layer-1 GraphSAGE encoder: mean-aggregate S1 sampled neighbor raw features,
    # concat with self features, linear + relu. (Encoder returns [embed, n]; we keep [n, embed].)
    def layer1(ids):
        neigh = all_neighbors[ids][:, :S1]                      # sampled neighbors [n, S1]
        neigh_feats = jnp.take(features, neigh, axis=0).mean(axis=1)  # MeanAggregator
        self_feats = jnp.take(features, ids, axis=0)
        combined = jnp.concatenate([self_feats, neigh_feats], axis=1)  # [n, 2F]
        return jax.nn.relu(combined @ W1.T)                     # [n, embed]

    # Layer-2 encoder over layer-1 embeddings
    nb2 = all_neighbors[nodes][:, :S2]                          # [B, S2]
    neigh_emb = layer1(nb2.reshape(-1)).reshape(nodes.shape[0], S2, EMBED).mean(axis=1)
    self_emb = layer1(nodes)
    combined2 = jnp.concatenate([self_emb, neigh_emb], axis=1)  # [B, 2*embed]
    emb = jax.nn.relu(combined2 @ W2.T)                         # [B, embed]
    scores = emb @ Wc.T                                         # weight.mm(embeds) then .t()
    return jax.nn.sigmoid(scores)                               # [B, num_classes]

if __name__ == "__main__":
    import jax
    _d = setup_inputs()
    print(jax.jit(kernel)(*tuple(_d.values())))

</pallas_src>

<mosaic_0001>
#map = affine_map<(d0, d1) -> (0, 0)>
#map1 = affine_map<(d0, d1) -> (0)>
module attributes {stable_mosaic.version = 14 : i64} {
  func.func @k(%arg0: i32, %arg1: i32, %arg2: memref<100000x128xf32, #tpu.memory_space<hbm>>, %arg3: memref<100000x16xi32, #tpu.memory_space<hbm>>, %arg4: memref<4096xi32, #tpu.memory_space<hbm>>, %arg5: memref<45056x128xf32, #tpu.memory_space<hbm>>, %arg6: memref<45056x128xf32, #tpu.memory_space<hbm>>, %arg7: memref<1408xi32, #tpu.memory_space<vmem>>, %arg8: memref<128x16xi32, #tpu.memory_space<vmem>>, %arg9: memref<32x16xi32, #tpu.memory_space<vmem>>, %arg10: memref<32x16xi32, #tpu.memory_space<vmem>>, %arg11: memref<10x32xi32, #tpu.memory_space<vmem>>, %arg12: memref<10x32xi32, #tpu.memory_space<vmem>>, %arg13: memref<32x128xf32, #tpu.memory_space<vmem>>, %arg14: memref<32x128xf32, #tpu.memory_space<vmem>>, %arg15: memref<32x128xf32, #tpu.memory_space<vmem>>, %arg16: memref<32x128xf32, #tpu.memory_space<vmem>>, %arg17: memref<32x128xf32, #tpu.memory_space<vmem>>, %arg18: memref<32x128xf32, #tpu.memory_space<vmem>>, %arg19: memref<32x128xf32, #tpu.memory_space<vmem>>, %arg20: memref<32x128xf32, #tpu.memory_space<vmem>>, %arg21: memref<32x128xf32, #tpu.memory_space<vmem>>, %arg22: memref<32x128xf32, #tpu.memory_space<vmem>>, %arg23: memref<32x128xf32, #tpu.memory_space<vmem>>, %arg24: memref<32x128xf32, #tpu.memory_space<vmem>>, %arg25: memref<32x128xf32, #tpu.memory_space<vmem>>, %arg26: memref<32x128xf32, #tpu.memory_space<vmem>>, %arg27: memref<32x128xf32, #tpu.memory_space<vmem>>, %arg28: memref<32x128xf32, #tpu.memory_space<vmem>>, %arg29: memref<32x128xf32, #tpu.memory_space<vmem>>, %arg30: memref<32x128xf32, #tpu.memory_space<vmem>>, %arg31: memref<32x128xf32, #tpu.memory_space<vmem>>, %arg32: memref<32x128xf32, #tpu.memory_space<vmem>>, %arg33: memref<32x128xf32, #tpu.memory_space<vmem>>, %arg34: memref<32x128xf32, #tpu.memory_space<vmem>>, %arg35: memref<32x128xf32, #tpu.memory_space<vmem>>, %arg36: memref<32x128xf32, #tpu.memory_space<vmem>>, %arg37: memref<!tpu.dma_semaphore, #tpu.memory_space<semaphore_mem>>, %arg38: memref<!tpu.dma_semaphore, #tpu.memory_space<semaphore_mem>>, %arg39: memref<!tpu.dma_semaphore, #tpu.memory_space<semaphore_mem>>, %arg40: memref<!tpu.dma_semaphore, #tpu.memory_space<semaphore_mem>>, %arg41: memref<!tpu.dma_semaphore, #tpu.memory_space<semaphore_mem>>, %arg42: memref<!tpu.dma_semaphore, #tpu.memory_space<semaphore_mem>>, %arg43: memref<!tpu.dma_semaphore, #tpu.memory_space<semaphore_mem>>, %arg44: memref<!tpu.dma_semaphore, #tpu.memory_space<semaphore_mem>>, %arg45: memref<!tpu.dma_semaphore, #tpu.memory_space<semaphore_mem>>, %arg46: memref<!tpu.dma_semaphore, #tpu.memory_space<semaphore_mem>>) attributes {dimension_semantics = [#tpu.dimension_semantics<core_parallel>, #tpu.dimension_semantics<subcore_parallel>], iteration_bounds = array<i64: 2, 16>, scalar_prefetch = 0 : i64, scratch_operands = 40 : i64, tpu.core_type = #tpu.core_type<sc_vector_subcore>, window_params = [{transform_indices = #map}, {transform_indices = #map}, {transform_indices = #map1}, {transform_indices = #map}, {transform_indices = #map}]} {
    %mul3A = arith.constant 2 : i32
    %mul3A_0 = arith.muli %arg1, %mul3A : i32
    %add3A = arith.addi %mul3A_0, %arg0 : i32
    %mul3A_1 = arith.constant 128 : i32
    %mul3A_2 = arith.muli %add3A, %mul3A_1 : i32
    %mul3A_3 = arith.constant 10 : i32
    %mul3A_4 = arith.muli %mul3A_2, %mul3A_3 : i32
    %mul3A_5 = arith.constant 128 : i32
    %mul3A_6 = arith.muli %add3A, %mul3A_5 : i32
    %add3A_7 = arith.constant 40960 : i32
    %add3A_8 = arith.addi %add3A_7, %mul3A_6 : i32
    %iota3A = tpu.iota {dimensions = array<i32: 0>} : vector<16xi32>
    %mul3A_9 = arith.constant 128 : i32
    %mul3A_10 = arith.muli %add3A, %mul3A_9 : i32
    "tpu.region"() ({
      %run_scoped3A = tpu.sem_alloc : memref<!tpu.dma_semaphore, #tpu.memory_space<semaphore_mem>>
      %dma_start3A_1129 = arith.constant 1280 : i32
      %dma_start3A_1130 = tpu.memref_slice %arg7[%dma_start3A_1129] : memref<1408xi32, #tpu.memory_space<vmem>> -> memref<128xi32, #tpu.memory_space<vmem>>
      %dma_start3A_1131 = tpu.memref_slice %arg4[%mul3A_10] : memref<4096xi32, #tpu.memory_space<hbm>> -> memref<128xi32, #tpu.memory_space<hbm>>
      %dma_start3A_1132 = arith.constant 1280 : i32
      %dma_start3A_1133 = tpu.memref_slice %arg7[%dma_start3A_1132] : memref<1408xi32, #tpu.memory_space<vmem>> -> memref<128xi32, #tpu.memory_space<vmem>>
      %dma_start3A_1134 = tpu.memref_slice %arg4[%mul3A_10] : memref<4096xi32, #tpu.memory_space<hbm>> -> memref<128xi32, #tpu.memory_space<hbm>>
      tpu.enqueue_dma source(%dma_start3A_1134 : memref<128xi32, #tpu.memory_space<hbm>>) target(%dma_start3A_1133 : memref<128xi32, #tpu.memory_space<vmem>>) target_semaphore(%run_scoped3A : memref<!tpu.dma_semaphore, #tpu.memory_space<semaphore_mem>>)
      %dma_wait3A_1135 = arith.constant 1280 : i32
      %dma_wait3A_1136 = tpu.memref_slice %arg7[%dma_wait3A_1135] : memref<1408xi32, #tpu.memory_space<vmem>> -> memref<128xi32, #tpu.memory_space<vmem>>
      %dma_wait3A_1137 = tpu.memref_slice %arg4[%mul3A_10] : memref<4096xi32, #tpu.memory_space<hbm>> -> memref<128xi32, #tpu.memory_space<hbm>>
      %dma_wait3A_1138 = arith.constant 1280 : i32
      %dma_wait3A_1139 = tpu.memref_slice %arg7[%dma_wait3A_1138] : memref<1408xi32, #tpu.memory_space<vmem>> -> memref<128xi32, #tpu.memory_space<vmem>>
      %dma_wait3A_1140 = tpu.memref_slice %arg4[%mul3A_10] : memref<4096xi32, #tpu.memory_space<hbm>> -> memref<128xi32, #tpu.memory_space<hbm>>
      tpu.wait_dma2 semaphore(%run_scoped3A : memref<!tpu.dma_semaphore, #tpu.memory_space<semaphore_mem>>) src(%dma_wait3A_1140 : memref<128xi32, #tpu.memory_space<hbm>>) dst(%dma_wait3A_1139 : memref<128xi32, #tpu.memory_space<vmem>>)
      tpu.yield
    }) : () -> ()
    %dma_start3A = arith.constant 1280 : i32
    %dma_start3A_11 = tpu.memref_slice %arg7[%dma_start3A] : memref<1408xi32, #tpu.memory_space<vmem>> -> memref<128xi32, #tpu.memory_space<vmem>>
    %dma_start3A_12 = arith.constant 0 : i32
    %dma_start3A_13 = arith.constant 0 : i32
    %dma_start3A_14 = tpu.memref_slice %arg3[%dma_start3A_12, %dma_start3A_13] : memref<100000x16xi32, #tpu.memory_space<hbm>> -> memref<100000x16xi32, #tpu.memory_space<hbm>>
    tpu.enqueue_indirect_dma source(%dma_start3A_14 : memref<100000x16xi32, #tpu.memory_space<hbm>>) target(%arg8 : memref<128x16xi32, #tpu.memory_space<vmem>>) offsets(%dma_start3A_11 : memref<128xi32, #tpu.memory_space<vmem>>) semaphore(%arg37 : memref<!tpu.dma_semaphore, #tpu.memory_space<semaphore_mem>>)
    %dma_wait3A = arith.constant 1280 : i32
    %dma_wait3A_15 = tpu.memref_slice %arg7[%dma_wait3A] : memref<1408xi32, #tpu.memory_space<vmem>> -> memref<128xi32, #tpu.memory_space<vmem>>
    %dma_wait3A_16 = arith.constant 0 : i32
    %dma_wait3A_17 = arith.constant 0 : i32
    %dma_wait3A_18 = tpu.memref_slice %arg3[%dma_wait3A_16, %dma_wait3A_17] : memref<100000x16xi32, #tpu.memory_space<hbm>> -> memref<100000x16xi32, #tpu.memory_space<hbm>>
    tpu.wait_indirect_dma semaphore(%arg37 : memref<!tpu.dma_semaphore, #tpu.memory_space<semaphore_mem>>) src(%dma_wait3A_18 : memref<100000x16xi32, #tpu.memory_space<hbm>>) dst(%arg8 : memref<128x16xi32, #tpu.memory_space<vmem>>)
    %broadcast_in_dim3A = arith.constant 0 : i32
    %broadcast_in_dim3A_19 = vector.broadcast %broadcast_in_dim3A : i32 to vector<16xi32>
    %add3A_20 = arith.constant 0 : i32
    %add3A_21 = vector.broadcast %add3A_20 : i32 to vector<16xi32>
    %add3A_22 = arith.addi %iota3A, %add3A_21 : vector<16xi32>
    %gather3A = tpu.vector_load_idx %arg8[%add3A_22, %broadcast_in_dim3A_19] : memref<128x16xi32, #tpu.memory_space<vmem>>[vector<16xi32>, vector<16xi32>], vector<16xi32>,
    %mul3A_23 = arith.constant 10 : i32
    %mul3A_24 = vector.broadcast %mul3A_23 : i32 to vector<16xi32>
    %mul3A_25 = arith.muli %add3A_22, %mul3A_24 : vector<16xi32>
    %add3A_26 = arith.constant 0 : i32
    %add3A_27 = vector.broadcast %add3A_26 : i32 to vector<16xi32>
    %add3A_28 = arith.addi %mul3A_25, %add3A_27 : vector<16xi32>
    tpu.vector_store_idx %arg7[%add3A_28], %gather3A : memref<1408xi32, #tpu.memory_space<vmem>>[vector<16xi32>], vector<16xi32>,
    %add3A_29 = arith.constant 16 : i32
    %add3A_30 = vector.broadcast %add3A_29 : i32 to vector<16xi32>
    %add3A_31 = arith.addi %iota3A, %add3A_30 : vector<16xi32>
    %gather3A_32 = tpu.vector_load_idx %arg8[%add3A_31, %broadcast_in_dim3A_19] : memref<128x16xi32, #tpu.memory_space<vmem>>[vector<16xi32>, vector<16xi32>], vector<16xi32>,
    %mul3A_33 = arith.constant 10 : i32
    %mul3A_34 = vector.broadcast %mul3A_33 : i32 to vector<16xi32>
    %mul3A_35 = arith.muli %add3A_31, %mul3A_34 : vector<16xi32>
    %add3A_36 = arith.constant 0 : i32
    %add3A_37 = vector.broadcast %add3A_36 : i32 to vector<16xi32>
    %add3A_38 = arith.addi %mul3A_35, %add3A_37 : vector<16xi32>
    tpu.vector_store_idx %arg7[%add3A_38], %gather3A_32 : memref<1408xi32, #tpu.memory_space<vmem>>[vector<16xi32>], vector<16xi32>,
    %add3A_39 = arith.constant 32 : i32
    %add3A_40 = vector.broadcast %add3A_39 : i32 to vector<16xi32>
    %add3A_41 = arith.addi %iota3A, %add3A_40 : vector<16xi32>
    %gather3A_42 = tpu.vector_load_idx %arg8[%add3A_41, %broadcast_in_dim3A_19] : memref<128x16xi32, #tpu.memory_space<vmem>>[vector<16xi32>, vector<16xi32>], vector<16xi32>,
    %mul3A_43 = arith.constant 10 : i32
    %mul3A_44 = vector.broadcast %mul3A_43 : i32 to vector<16xi32>
    %mul3A_45 = arith.muli %add3A_41, %mul3A_44 : vector<16xi32>
    %add3A_46 = arith.constant 0 : i32
    %add3A_47 = vector.broadcast %add3A_46 : i32 to vector<16xi32>
    %add3A_48 = arith.addi %mul3A_45, %add3A_47 : vector<16xi32>
    tpu.vector_store_idx %arg7[%add3A_48], %gather3A_42 : memref<1408xi32, #tpu.memory_space<vmem>>[vector<16xi32>], vector<16xi32>,
    %add3A_49 = arith.constant 48 : i32
    %add3A_50 = vector.broadcast %add3A_49 : i32 to vector<16xi32>
    %add3A_51 = arith.addi %iota3A, %add3A_50 : vector<16xi32>
    %gather3A_52 = tpu.vector_load_idx %arg8[%add3A_51, %broadcast_in_dim3A_19] : memref<128x16xi32, #tpu.memory_space<vmem>>[vector<16xi32>, vector<16xi32>], vector<16xi32>,
    %mul3A_53 = arith.constant 10 : i32
    %mul3A_54 = vector.broadcast %mul3A_53 : i32 to vector<16xi32>
    %mul3A_55 = arith.muli %add3A_51, %mul3A_54 : vector<16xi32>
    %add3A_56 = arith.constant 0 : i32
    %add3A_57 = vector.broadcast %add3A_56 : i32 to vector<16xi32>
    %add3A_58 = arith.addi %mul3A_55, %add3A_57 : vector<16xi32>
    tpu.vector_store_idx %arg7[%add3A_58], %gather3A_52 : memref<1408xi32, #tpu.memory_space<vmem>>[vector<16xi32>], vector<16xi32>,
    %add3A_59 = arith.constant 64 : i32
    %add3A_60 = vector.broadcast %add3A_59 : i32 to vector<16xi32>
    %add3A_61 = arith.addi %iota3A, %add3A_60 : vector<16xi32>
    %gather3A_62 = tpu.vector_load_idx %arg8[%add3A_61, %broadcast_in_dim3A_19] : memref<128x16xi32, #tpu.memory_space<vmem>>[vector<16xi32>, vector<16xi32>], vector<16xi32>,
    %mul3A_63 = arith.constant 10 : i32
    %mul3A_64 = vector.broadcast %mul3A_63 : i32 to vector<16xi32>
    %mul3A_65 = arith.muli %add3A_61, %mul3A_64 : vector<16xi32>
    %add3A_66 = arith.constant 0 : i32
    %add3A_67 = vector.broadcast %add3A_66 : i32 to vector<16xi32>
    %add3A_68 = arith.addi %mul3A_65, %add3A_67 : vector<16xi32>
    tpu.vector_store_idx %arg7[%add3A_68], %gather3A_62 : memref<1408xi32, #tpu.memory_space<vmem>>[vector<16xi32>], vector<16xi32>,
    %add3A_69 = arith.constant 80 : i32
    %add3A_70 = vector.broadcast %add3A_69 : i32 to vector<16xi32>
    %add3A_71 = arith.addi %iota3A, %add3A_70 : vector<16xi32>
    %gather3A_72 = tpu.vector_load_idx %arg8[%add3A_71, %broadcast_in_dim3A_19] : memref<128x16xi32, #tpu.memory_space<vmem>>[vector<16xi32>, vector<16xi32>], vector<16xi32>,
    %mul3A_73 = arith.constant 10 : i32
    %mul3A_74 = vector.broadcast %mul3A_73 : i32 to vector<16xi32>
    %mul3A_75 = arith.muli %add3A_71, %mul3A_74 : vector<16xi32>
    %add3A_76 = arith.constant 0 : i32
    %add3A_77 = vector.broadcast %add3A_76 : i32 to vector<16xi32>
    %add3A_78 = arith.addi %mul3A_75, %add3A_77 : vector<16xi32>
    tpu.vector_store_idx %arg7[%add3A_78], %gather3A_72 : memref<1408xi32, #tpu.memory_space<vmem>>[vector<16xi32>], vector<16xi32>,
    %add3A_79 = arith.constant 96 : i32
    %add3A_80 = vector.broadcast %add3A_79 : i32 to vector<16xi32>
    %add3A_81 = arith.addi %iota3A, %add3A_80 : vector<16xi32>
    %gather3A_82 = tpu.vector_load_idx %arg8[%add3A_81, %broadcast_in_dim3A_19] : memref<128x16xi32, #tpu.memory_space<vmem>>[vector<16xi32>, vector<16xi32>], vector<16xi32>,
    %mul3A_83 = arith.constant 10 : i32
    %mul3A_84 = vector.broadcast %mul3A_83 : i32 to vector<16xi32>
    %mul3A_85 = arith.muli %add3A_81, %mul3A_84 : vector<16xi32>
    %add3A_86 = arith.constant 0 : i32
    %add3A_87 = vector.broadcast %add3A_86 : i32 to vector<16xi32>
    %add3A_88 = arith.addi %mul3A_85, %add3A_87 : vector<16xi32>
    tpu.vector_store_idx %arg7[%add3A_88], %gather3A_82 : memref<1408xi32, #tpu.memory_space<vmem>>[vector<16xi32>], vector<16xi32>,
    %add3A_89 = arith.constant 112 : i32
    %add3A_90 = vector.broadcast %add3A_89 : i32 to vector<16xi32>
    %add3A_91 = arith.addi %iota3A, %add3A_90 : vector<16xi32>
    %gather3A_92 = tpu.vector_load_idx %arg8[%add3A_91, %broadcast_in_dim3A_19] : memref<128x16xi32, #tpu.memory_space<vmem>>[vector<16xi32>, vector<16xi32>], vector<16xi32>,
    %mul3A_93 = arith.constant 10 : i32
    %mul3A_94 = vector.broadcast %mul3A_93 : i32 to vector<16xi32>
    %mul3A_95 = arith.muli %add3A_91, %mul3A_94 : vector<16xi32>
    %add3A_96 = arith.constant 0 : i32
    %add3A_97 = vector.broadcast %add3A_96 : i32 to vector<16xi32>
    %add3A_98 = arith.addi %mul3A_95, %add3A_97 : vector<16xi32>
    tpu.vector_store_idx %arg7[%add3A_98], %gather3A_92 : memref<1408xi32, #tpu.memory_space<vmem>>[vector<16xi32>], vector<16xi32>,
    %broadcast_in_dim3A_99 = arith.constant 1 : i32
    %broadcast_in_dim3A_100 = vector.broadcast %broadcast_in_dim3A_99 : i32 to vector<16xi32>
    %add3A_101 = arith.constant 0 : i32
    %add3A_102 = vector.broadcast %add3A_101 : i32 to vector<16xi32>
    %add3A_103 = arith.addi %iota3A, %add3A_102 : vector<16xi32>
    %gather3A_104 = tpu.vector_load_idx %arg8[%add3A_103, %broadcast_in_dim3A_100] : memref<128x16xi32, #tpu.memory_space<vmem>>[vector<16xi32>, vector<16xi32>], vector<16xi32>,
    %mul3A_105 = arith.constant 10 : i32
    %mul3A_106 = vector.broadcast %mul3A_105 : i32 to vector<16xi32>
    %mul3A_107 = arith.muli %add3A_103, %mul3A_106 : vector<16xi32>
    %add3A_108 = arith.constant 1 : i32
    %add3A_109 = vector.broadcast %add3A_108 : i32 to vector<16xi32>
    %add3A_110 = arith.addi %mul3A_107, %add3A_109 : vector<16xi32>
    tpu.vector_store_idx %arg7[%add3A_110], %gather3A_104 : memref<1408xi32, #tpu.memory_space<vmem>>[vector<16xi32>], vector<16xi32>,
    %add3A_111 = arith.constant 16 : i32
    %add3A_112 = vector.broadcast %add3A_111 : i32 to vector<16xi32>
    %add3A_113 = arith.addi %iota3A, %add3A_112 : vector<16xi32>
    %gather3A_114 = tpu.vector_load_idx %arg8[%add3A_113, %broadcast_in_dim3A_100] : memref<128x16xi32, #tpu.memory_space<vmem>>[vector<16xi32>, vector<16xi32>], vector<16xi32>,
    %mul3A_115 = arith.constant 10 : i32
    %mul3A_116 = vector.broadcast %mul3A_115 : i32 to vector<16xi32>
    %mul3A_117 = arith.muli %add3A_113, %mul3A_116 : vector<16xi32>
    %add3A_118 = arith.constant 1 : i32
    %add3A_119 = vector.broadcast %add3A_118 : i32 to vector<16xi32>
    %add3A_120 = arith.addi %mul3A_117, %add3A_119 : vector<16xi32>
    tpu.vector_store_idx %arg7[%add3A_120], %gather3A_114 : memref<1408xi32, #tpu.memory_space<vmem>>[vector<16xi32>], vector<16xi32>,
    %add3A_121 = arith.constant 32 : i32
    %add3A_122 = vector.broadcast %add3A_121 : i32 to vector<16xi32>
    %add3A_123 = arith.addi %iota3A, %add3A_122 : vector<16xi32>
    %gather3A_124 = tpu.vector_load_idx %arg8[%add3A_123, %broadcast_in_dim3A_100] : memref<128x16xi32, #tpu.memory_space<vmem>>[vector<16xi32>, vector<16xi32>], vector<16xi32>,
    %mul3A_125 = arith.constant 10 : i32
    %mul3A_126 = vector.broadcast %mul3A_125 : i32 to vector<16xi32>
    %mul3A_127 = arith.muli %add3A_123, %mul3A_126 : vector<16xi32>
    %add3A_128 = arith.constant 1 : i32
    %add3A_129 = vector.broadcast %add3A_128 : i32 to vector<16xi32>
    %add3A_130 = arith.addi %mul3A_127, %add3A_129 : vector<16xi32>
    tpu.vector_store_idx %arg7[%add3A_130], %gather3A_124 : memref<1408xi32, #tpu.memory_space<vmem>>[vector<16xi32>], vector<16xi32>,
    %add3A_131 = arith.constant 48 : i32
    %add3A_132 = vector.broadcast %add3A_131 : i32 to vector<16xi32>
    %add3A_133 = arith.addi %iota3A, %add3A_132 : vector<16xi32>
    %gather3A_134 = tpu.vector_load_idx %arg8[%add3A_133, %broadcast_in_dim3A_100] : memref<128x16xi32, #tpu.memory_space<vmem>>[vector<16xi32>, vector<16xi32>], vector<16xi32>,
    %mul3A_135 = arith.constant 10 : i32
    %mul3A_136 = vector.broadcast %mul3A_135 : i32 to vector<16xi32>
    %mul3A_137 = arith.muli %add3A_133, %mul3A_136 : vector<16xi32>
    %add3A_138 = arith.constant 1 : i32
    %add3A_139 = vector.broadcast %add3A_138 : i32 to vector<16xi32>
    %add3A_140 = arith.addi %mul3A_137, %add3A_139 : vector<16xi32>
    tpu.vector_store_idx %arg7[%add3A_140], %gather3A_134 : memref<1408xi32, #tpu.memory_space<vmem>>[vector<16xi32>], vector<16xi32>,
    %add3A_141 = arith.constant 64 : i32
    %add3A_142 = vector.broadcast %add3A_141 : i32 to vector<16xi32>
    %add3A_143 = arith.addi %iota3A, %add3A_142 : vector<16xi32>
    %gather3A_144 = tpu.vector_load_idx %arg8[%add3A_143, %broadcast_in_dim3A_100] : memref<128x16xi32, #tpu.memory_space<vmem>>[vector<16xi32>, vector<16xi32>], vector<16xi32>,
    %mul3A_145 = arith.constant 10 : i32
    %mul3A_146 = vector.broadcast %mul3A_145 : i32 to vector<16xi32>
    %mul3A_147 = arith.muli %add3A_143, %mul3A_146 : vector<16xi32>
    %add3A_148 = arith.constant 1 : i32
    %add3A_149 = vector.broadcast %add3A_148 : i32 to vector<16xi32>
    %add3A_150 = arith.addi %mul3A_147, %add3A_149 : vector<16xi32>
    tpu.vector_store_idx %arg7[%add3A_150], %gather3A_144 : memref<1408xi32, #tpu.memory_space<vmem>>[vector<16xi32>], vector<16xi32>,
    %add3A_151 = arith.constant 80 : i32
    %add3A_152 = vector.broadcast %add3A_151 : i32 to vector<16xi32>
    %add3A_153 = arith.addi %iota3A, %add3A_152 : vector<16xi32>
    %gather3A_154 = tpu.vector_load_idx %arg8[%add3A_153, %broadcast_in_dim3A_100] : memref<128x16xi32, #tpu.memory_space<vmem>>[vector<16xi32>, vector<16xi32>], vector<16xi32>,
    %mul3A_155 = arith.constant 10 : i32
    %mul3A_156 = vector.broadcast %mul3A_155 : i32 to vector<16xi32>
    %mul3A_157 = arith.muli %add3A_153, %mul3A_156 : vector<16xi32>
    %add3A_158 = arith.constant 1 : i32
    %add3A_159 = vector.broadcast %add3A_158 : i32 to vector<16xi32>
    %add3A_160 = arith.addi %mul3A_157, %add3A_159 : vector<16xi32>
    tpu.vector_store_idx %arg7[%add3A_160], %gather3A_154 : memref<1408xi32, #tpu.memory_space<vmem>>[vector<16xi32>], vector<16xi32>,
    %add3A_161 = arith.constant 96 : i32
    %add3A_162 = vector.broadcast %add3A_161 : i32 to vector<16xi32>
    %add3A_163 = arith.addi %iota3A, %add3A_162 : vector<16xi32>
    %gather3A_164 = tpu.vector_load_idx %arg8[%add3A_163, %broadcast_in_dim3A_100] : memref<128x16xi32, #tpu.memory_space<vmem>>[vector<16xi32>, vector<16xi32>], vector<16xi32>,
    %mul3A_165 = arith.constant 10 : i32
    %mul3A_166 = vector.broadcast %mul3A_165 : i32 to vector<16xi32>
    %mul3A_167 = arith.muli %add3A_163, %mul3A_166 : vector<16xi32>
    %add3A_168 = arith.constant 1 : i32
    %add3A_169 = vector.broadcast %add3A_168 : i32 to vector<16xi32>
    %add3A_170 = arith.addi %mul3A_167, %add3A_169 : vector<16xi32>
    tpu.vector_store_idx %arg7[%add3A_170], %gather3A_164 : memref<1408xi32, #tpu.memory_space<vmem>>[vector<16xi32>], vector<16xi32>,
    %add3A_171 = arith.constant 112 : i32
    %add3A_172 = vector.broadcast %add3A_171 : i32 to vector<16xi32>
    %add3A_173 = arith.addi %iota3A, %add3A_172 : vector<16xi32>
    %gather3A_174 = tpu.vector_load_idx %arg8[%add3A_173, %broadcast_in_dim3A_100] : memref<128x16xi32, #tpu.memory_space<vmem>>[vector<16xi32>, vector<16xi32>], vector<16xi32>,
    %mul3A_175 = arith.constant 10 : i32
    %mul3A_176 = vector.broadcast %mul3A_175 : i32 to vector<16xi32>
    %mul3A_177 = arith.muli %add3A_173, %mul3A_176 : vector<16xi32>
    %add3A_178 = arith.constant 1 : i32
    %add3A_179 = vector.broadcast %add3A_178 : i32 to vector<16xi32>
    %add3A_180 = arith.addi %mul3A_177, %add3A_179 : vector<16xi32>
    tpu.vector_store_idx %arg7[%add3A_180], %gather3A_174 : memref<1408xi32, #tpu.memory_space<vmem>>[vector<16xi32>], vector<16xi32>,
    %broadcast_in_dim3A_181 = arith.constant 2 : i32
    %broadcast_in_dim3A_182 = vector.broadcast %broadcast_in_dim3A_181 : i32 to vector<16xi32>
    %add3A_183 = arith.constant 0 : i32
    %add3A_184 = vector.broadcast %add3A_183 : i32 to vector<16xi32>
    %add3A_185 = arith.addi %iota3A, %add3A_184 : vector<16xi32>
    %gather3A_186 = tpu.vector_load_idx %arg8[%add3A_185, %broadcast_in_dim3A_182] : memref<128x16xi32, #tpu.memory_space<vmem>>[vector<16xi32>, vector<16xi32>], vector<16xi32>,
    %mul3A_187 = arith.constant 10 : i32
    %mul3A_188 = vector.broadcast %mul3A_187 : i32 to vector<16xi32>
    %mul3A_189 = arith.muli %add3A_185, %mul3A_188 : vector<16xi32>
    %add3A_190 = arith.constant 2 : i32
    %add3A_191 = vector.broadcast %add3A_190 : i32 to vector<16xi32>
    %add3A_192 = arith.addi %mul3A_189, %add3A_191 : vector<16xi32>
    tpu.vector_store_idx %arg7[%add3A_192], %gather3A_186 : memref<1408xi32, #tpu.memory_space<vmem>>[vector<16xi32>], vector<16xi32>,
    %add3A_193 = arith.constant 16 : i32
    %add3A_194 = vector.broadcast %add3A_193 : i32 to vector<16xi32>
    %add3A_195 = arith.addi %iota3A, %add3A_194 : vector<16xi32>
    %gather3A_196 = tpu.vector_load_idx %arg8[%add3A_195, %broadcast_in_dim3A_182] : memref<128x16xi32, #tpu.memory_space<vmem>>[vector<16xi32>, vector<16xi32>], vector<16xi32>,
    %mul3A_197 = arith.constant 10 : i32
    %mul3A_198 = vector.broadcast %mul3A_197 : i32 to vector<16xi32>
    %mul3A_199 = arith.muli %add3A_195, %mul3A_198 : vector<16xi32>
    %add3A_200 = arith.constant 2 : i32
    %add3A_201 = vector.broadcast %add3A_200 : i32 to vector<16xi32>
    %add3A_202 = arith.addi %mul3A_199, %add3A_201 : vector<16xi32>
    tpu.vector_store_idx %arg7[%add3A_202], %gather3A_196 : memref<1408xi32, #tpu.memory_space<vmem>>[vector<16xi32>], vector<16xi32>,
    %add3A_203 = arith.constant 32 : i32
    %add3A_204 = vector.broadcast %add3A_203 : i32 to vector<16xi32>
    %add3A_205 = arith.addi %iota3A, %add3A_204 : vector<16xi32>
    %gather3A_206 = tpu.vector_load_idx %arg8[%add3A_205, %broadcast_in_dim3A_182] : memref<128x16xi32, #tpu.memory_space<vmem>>[vector<16xi32>, vector<16xi32>], vector<16xi32>,
    %mul3A_207 = arith.constant 10 : i32
    %mul3A_208 = vector.broadcast %mul3A_207 : i32 to vector<16xi32>
    %mul3A_209 = arith.muli %add3A_205, %mul3A_208 : vector<16xi32>
    %add3A_210 = arith.constant 2 : i32
    %add3A_211 = vector.broadcast %add3A_210 : i32 to vector<16xi32>
    %add3A_212 = arith.addi %mul3A_209, %add3A_211 : vector<16xi32>
    tpu.vector_store_idx %arg7[%add3A_212], %gather3A_206 : memref<1408xi32, #tpu.memory_space<vmem>>[vector<16xi32>], vector<16xi32>,
    %add3A_213 = arith.constant 48 : i32
    %add3A_214 = vector.broadcast %add3A_213 : i32 to vector<16xi32>
    %add3A_215 = arith.addi %iota3A, %add3A_214 : vector<16xi32>
    %gather3A_216 = tpu.vector_load_idx %arg8[%add3A_215, %broadcast_in_dim3A_182] : memref<128x16xi32, #tpu.memory_space<vmem>>[vector<16xi32>, vector<16xi32>], vector<16xi32>,
    %mul3A_217 = arith.constant 10 : i32
    %mul3A_218 = vector.broadcast %mul3A_217 : i32 to vector<16xi32>
    %mul3A_219 = arith.muli %add3A_215, %mul3A_218 : vector<16xi32>
    %add3A_220 = arith.constant 2 : i32
    %add3A_221 = vector.broadcast %add3A_220 : i32 to vector<16xi32>
    %add3A_222 = arith.addi %mul3A_219, %add3A_221 : vector<16xi32>
    tpu.vector_store_idx %arg7[%add3A_222], %gather3A_216 : memref<1408xi32, #tpu.memory_space<vmem>>[vector<16xi32>], vector<16xi32>,
    %add3A_223 = arith.constant 64 : i32
    %add3A_224 = vector.broadcast %add3A_223 : i32 to vector<16xi32>
    %add3A_225 = arith.addi %iota3A, %add3A_224 : vector<16xi32>
    %gather3A_226 = tpu.vector_load_idx %arg8[%add3A_225, %broadcast_in_dim3A_182] : memref<128x16xi32, #tpu.memory_space<vmem>>[vector<16xi32>, vector<16xi32>], vector<16xi32>,
    %mul3A_227 = arith.constant 10 : i32
    %mul3A_228 = vector.broadcast %mul3A_227 : i32 to vector<16xi32>
    %mul3A_229 = arith.muli %add3A_225, %mul3A_228 : vector<16xi32>
    %add3A_230 = arith.constant 2 : i32
    %add3A_231 = vector.broadcast %add3A_230 : i32 to vector<16xi32>
    %add3A_232 = arith.addi %mul3A_229, %add3A_231 : vector<16xi32>
    tpu.vector_store_idx %arg7[%add3A_232], %gather3A_226 : memref<1408xi32, #tpu.memory_space<vmem>>[vector<16xi32>], vector<16xi32>,
    %add3A_233 = arith.constant 80 : i32
    %add3A_234 = vector.broadcast %add3A_233 : i32 to vector<16xi32>
    %add3A_235 = arith.addi %iota3A, %add3A_234 : vector<16xi32>
    %gather3A_236 = tpu.vector_load_idx %arg8[%add3A_235, %broadcast_in_dim3A_182] : memref<128x16xi32, #tpu.memory_space<vmem>>[vector<16xi32>, vector<16xi32>], vector<16xi32>,
    %mul3A_237 = arith.constant 10 : i32
    %mul3A_238 = vector.broadcast %mul3A_237 : i32 to vector<16xi32>
    %mul3A_239 = arith.muli %add3A_235, %mul3A_238 : vector<16xi32>
    %add3A_240 = arith.constant 2 : i32
    %add3A_241 = vector.broadcast %add3A_240 : i32 to vector<16xi32>
    %add3A_242 = arith.addi %mul3A_239, %add3A_241 : vector<16xi32>
    tpu.vector_store_idx %arg7[%add3A_242], %gather3A_236 : memref<1408xi32, #tpu.memory_space<vmem>>[vector<16xi32>], vector<16xi32>,
    %add3A_243 = arith.constant 96 : i32
    %add3A_244 = vector.broadcast %add3A_243 : i32 to vector<16xi32>
    %add3A_245 = arith.addi %iota3A, %add3A_244 : vector<16xi32>
    %gather3A_246 = tpu.vector_load_idx %arg8[%add3A_245, %broadcast_in_dim3A_182] : memref<128x16xi32, #tpu.memory_space<vmem>>[vector<16xi32>, vector<16xi32>], vector<16xi32>,
    %mul3A_247 = arith.constant 10 : i32
    %mul3A_248 = vector.broadcast %mul3A_247 : i32 to vector<16xi32>
    %mul3A_249 = arith.muli %add3A_245, %mul3A_248 : vector<16xi32>
    %add3A_250 = arith.constant 2 : i32
    %add3A_251 = vector.broadcast %add3A_250 : i32 to vector<16xi32>
    %add3A_252 = arith.addi %mul3A_249, %add3A_251 : vector<16xi32>
    tpu.vector_store_idx %arg7[%add3A_252], %gather3A_246 : memref<1408xi32, #tpu.memory_space<vmem>>[vector<16xi32>], vector<16xi32>,
    %add3A_253 = arith.constant 112 : i32
    %add3A_254 = vector.broadcast %add3A_253 : i32 to vector<16xi32>
    %add3A_255 = arith.addi %iota3A, %add3A_254 : vector<16xi32>
    %gather3A_256 = tpu.vector_load_idx %arg8[%add3A_255, %broadcast_in_dim3A_182] : memref<128x16xi32, #tpu.memory_space<vmem>>[vector<16xi32>, vector<16xi32>], vector<16xi32>,
    %mul3A_257 = arith.constant 10 : i32
    %mul3A_258 = vector.broadcast %mul3A_257 : i32 to vector<16xi32>
    %mul3A_259 = arith.muli %add3A_255, %mul3A_258 : vector<16xi32>
    %add3A_260 = arith.constant 2 : i32
    %add3A_261 = vector.broadcast %add3A_260 : i32 to vector<16xi32>
    %add3A_262 = arith.addi %mul3A_259, %add3A_261 : vector<16xi32>
    tpu.vector_store_idx %arg7[%add3A_262], %gather3A_256 : memref<1408xi32, #tpu.memory_space<vmem>>[vector<16xi32>], vector<16xi32>,
    %broadcast_in_dim3A_263 = arith.constant 3 : i32
    %broadcast_in_dim3A_264 = vector.broadcast %broadcast_in_dim3A_263 : i32 to vector<16xi32>
    %add3A_265 = arith.constant 0 : i32
    %add3A_266 = vector.broadcast %add3A_265 : i32 to vector<16xi32>
    %add3A_267 = arith.addi %iota3A, %add3A_266 : vector<16xi32>
    %gather3A_268 = tpu.vector_load_idx %arg8[%add3A_267, %broadcast_in_dim3A_264] : memref<128x16xi32, #tpu.memory_space<vmem>>[vector<16xi32>, vector<16xi32>], vector<16xi32>,
    %mul3A_269 = arith.constant 10 : i32
    %mul3A_270 = vector.broadcast %mul3A_269 : i32 to vector<16xi32>
    %mul3A_271 = arith.muli %add3A_267, %mul3A_270 : vector<16xi32>
    %add3A_272 = arith.constant 3 : i32
    %add3A_273 = vector.broadcast %add3A_272 : i32 to vector<16xi32>
    %add3A_274 = arith.addi %mul3A_271, %add3A_273 : vector<16xi32>
    tpu.vector_store_idx %arg7[%add3A_274], %gather3A_268 : memref<1408xi32, #tpu.memory_space<vmem>>[vector<16xi32>], vector<16xi32>,
    %add3A_275 = arith.constant 16 : i32
    %add3A_276 = vector.broadcast %add3A_275 : i32 to vector<16xi32>
    %add3A_277 = arith.addi %iota3A, %add3A_276 : vector<16xi32>
    %gather3A_278 = tpu.vector_load_idx %arg8[%add3A_277, %broadcast_in_dim3A_264] : memref<128x16xi32, #tpu.memory_space<vmem>>[vector<16xi32>, vector<16xi32>], vector<16xi32>,
    %mul3A_279 = arith.constant 10 : i32
    %mul3A_280 = vector.broadcast %mul3A_279 : i32 to vector<16xi32>
    %mul3A_281 = arith.muli %add3A_277, %mul3A_280 : vector<16xi32>
    %add3A_282 = arith.constant 3 : i32
    %add3A_283 = vector.broadcast %add3A_282 : i32 to vector<16xi32>
    %add3A_284 = arith.addi %mul3A_281, %add3A_283 : vector<16xi32>
    tpu.vector_store_idx %arg7[%add3A_284], %gather3A_278 : memref<1408xi32, #tpu.memory_space<vmem>>[vector<16xi32>], vector<16xi32>,
    %add3A_285 = arith.constant 32 : i32
    %add3A_286 = vector.broadcast %add3A_285 : i32 to vector<16xi32>
    %add3A_287 = arith.addi %iota3A, %add3A_286 : vector<16xi32>
    %gather3A_288 = tpu.vector_load_idx %arg8[%add3A_287, %broadcast_in_dim3A_264] : memref<128x16xi32, #tpu.memory_space<vmem>>[vector<16xi32>, vector<16xi32>], vector<16xi32>,
    %mul3A_289 = arith.constant 10 : i32
    %mul3A_290 = vector.broadcast %mul3A_289 : i32 to vector<16xi32>
    %mul3A_291 = arith.muli %add3A_287, %mul3A_290 : vector<16xi32>
    %add3A_292 = arith.constant 3 : i32
    %add3A_293 = vector.broadcast %add3A_292 : i32 to vector<16xi32>
    %add3A_294 = arith.addi %mul3A_291, %add3A_293 : vector<16xi32>
    tpu.vector_store_idx %arg7[%add3A_294], %gather3A_288 : memref<1408xi32, #tpu.memory_space<vmem>>[vector<16xi32>], vector<16xi32>,
    %add3A_295 = arith.constant 48 : i32
    %add3A_296 = vector.broadcast %add3A_295 : i32 to vector<16xi32>
    %add3A_297 = arith.addi %iota3A, %add3A_296 : vector<16xi32>
    %gather3A_298 = tpu.vector_load_idx %arg8[%add3A_297, %broadcast_in_dim3A_264] : memref<128x16xi32, #tpu.memory_space<vmem>>[vector<16xi32>, vector<16xi32>], vector<16xi32>,
    %mul3A_299 = arith.constant 10 : i32
    %mul3A_300 = vector.broadcast %mul3A_299 : i32 to vector<16xi32>
    %mul3A_301 = arith.muli %add3A_297, %mul3A_300 : vector<16xi32>
    %add3A_302 = arith.constant 3 : i32
    %add3A_303 = vector.broadcast %add3A_302 : i32 to vector<16xi32>
    %add3A_304 = arith.addi %mul3A_301, %add3A_303 : vector<16xi32>
    tpu.vector_store_idx %arg7[%add3A_304], %gather3A_298 : memref<1408xi32, #tpu.memory_space<vmem>>[vector<16xi32>], vector<16xi32>,
    %add3A_305 = arith.constant 64 : i32
    %add3A_306 = vector.broadcast %add3A_305 : i32 to vector<16xi32>
    %add3A_307 = arith.addi %iota3A, %add3A_306 : vector<16xi32>
    %gather3A_308 = tpu.vector_load_idx %arg8[%add3A_307, %broadcast_in_dim3A_264] : memref<128x16xi32, #tpu.memory_space<vmem>>[vector<16xi32>, vector<16xi32>], vector<16xi32>,
    %mul3A_309 = arith.constant 10 : i32
    %mul3A_310 = vector.broadcast %mul3A_309 : i32 to vector<16xi32>
    %mul3A_311 = arith.muli %add3A_307, %mul3A_310 : vector<16xi32>
    %add3A_312 = arith.constant 3 : i32
    %add3A_313 = vector.broadcast %add3A_312 : i32 to vector<16xi32>
    %add3A_314 = arith.addi %mul3A_311, %add3A_313 : vector<16xi32>
    tpu.vector_store_idx %arg7[%add3A_314], %gather3A_308 : memref<1408xi32, #tpu.memory_space<vmem>>[vector<16xi32>], vector<16xi32>,
    %add3A_315 = arith.constant 80 : i32
    %add3A_316 = vector.broadcast %add3A_315 : i32 to vector<16xi32>
    %add3A_317 = arith.addi %iota3A, %add3A_316 : vector<16xi32>
    %gather3A_318 = tpu.vector_load_idx %arg8[%add3A_317, %broadcast_in_dim3A_264] : memref<128x16xi32, #tpu.memory_space<vmem>>[vector<16xi32>, vector<16xi32>], vector<16xi32>,
    %mul3A_319 = arith.constant 10 : i32
    %mul3A_320 = vector.broadcast %mul3A_319 : i32 to vector<16xi32>
    %mul3A_321 = arith.muli %add3A_317, %mul3A_320 : vector<16xi32>
    %add3A_322 = arith.constant 3 : i32
    %add3A_323 = vector.broadcast %add3A_322 : i32 to vector<16xi32>
    %add3A_324 = arith.addi %mul3A_321, %add3A_323 : vector<16xi32>
    tpu.vector_store_idx %arg7[%add3A_324], %gather3A_318 : memref<1408xi32, #tpu.memory_space<vmem>>[vector<16xi32>], vector<16xi32>,
    %add3A_325 = arith.constant 96 : i32
    %add3A_326 = vector.broadcast %add3A_325 : i32 to vector<16xi32>
    %add3A_327 = arith.addi %iota3A, %add3A_326 : vector<16xi32>
    %gather3A_328 = tpu.vector_load_idx %arg8[%add3A_327, %broadcast_in_dim3A_264] : memref<128x16xi32, #tpu.memory_space<vmem>>[vector<16xi32>, vector<16xi32>], vector<16xi32>,
    %mul3A_329 = arith.constant 10 : i32
    %mul3A_330 = vector.broadcast %mul3A_329 : i32 to vector<16xi32>
    %mul3A_331 = arith.muli %add3A_327, %mul3A_330 : vector<16xi32>
    %add3A_332 = arith.constant 3 : i32
    %add3A_333 = vector.broadcast %add3A_332 : i32 to vector<16xi32>
    %add3A_334 = arith.addi %mul3A_331, %add3A_333 : vector<16xi32>
    tpu.vector_store_idx %arg7[%add3A_334], %gather3A_328 : memref<1408xi32, #tpu.memory_space<vmem>>[vector<16xi32>], vector<16xi32>,
    %add3A_335 = arith.constant 112 : i32
    %add3A_336 = vector.broadcast %add3A_335 : i32 to vector<16xi32>
    %add3A_337 = arith.addi %iota3A, %add3A_336 : vector<16xi32>
    %gather3A_338 = tpu.vector_load_idx %arg8[%add3A_337, %broadcast_in_dim3A_264] : memref<128x16xi32, #tpu.memory_space<vmem>>[vector<16xi32>, vector<16xi32>], vector<16xi32>,
    %mul3A_339 = arith.constant 10 : i32
    %mul3A_340 = vector.broadcast %mul3A_339 : i32 to vector<16xi32>
    %mul3A_341 = arith.muli %add3A_337, %mul3A_340 : vector<16xi32>
    %add3A_342 = arith.constant 3 : i32
    %add3A_343 = vector.broadcast %add3A_342 : i32 to vector<16xi32>
    %add3A_344 = arith.addi %mul3A_341, %add3A_343 : vector<16xi32>
    tpu.vector_store_idx %arg7[%add3A_344], %gather3A_338 : memref<1408xi32, #tpu.memory_space<vmem>>[vector<16xi32>], vector<16xi32>,
    %broadcast_in_dim3A_345 = arith.constant 4 : i32
    %broadcast_in_dim3A_346 = vector.broadcast %broadcast_in_dim3A_345 : i32 to vector<16xi32>
    %add3A_347 = arith.constant 0 : i32
    %add3A_348 = vector.broadcast %add3A_347 : i32 to vector<16xi32>
    %add3A_349 = arith.addi %iota3A, %add3A_348 : vector<16xi32>
    %gather3A_350 = tpu.vector_load_idx %arg8[%add3A_349, %broadcast_in_dim3A_346] : memref<128x16xi32, #tpu.memory_space<vmem>>[vector<16xi32>, vector<16xi32>], vector<16xi32>,
    %mul3A_351 = arith.constant 10 : i32
    %mul3A_352 = vector.broadcast %mul3A_351 : i32 to vector<16xi32>
    %mul3A_353 = arith.muli %add3A_349, %mul3A_352 : vector<16xi32>
    %add3A_354 = arith.constant 4 : i32
    %add3A_355 = vector.broadcast %add3A_354 : i32 to vector<16xi32>
    %add3A_356 = arith.addi %mul3A_353, %add3A_355 : vector<16xi32>
    tpu.vector_store_idx %arg7[%add3A_356], %gather3A_350 : memref<1408xi32, #tpu.memory_space<vmem>>[vector<16xi32>], vector<16xi32>,
    %add3A_357 = arith.constant 16 : i32
    %add3A_358 = vector.broadcast %add3A_357 : i32 to vector<16xi32>
    %add3A_359 = arith.addi %iota3A, %add3A_358 : vector<16xi32>
    %gather3A_360 = tpu.vector_load_idx %arg8[%add3A_359, %broadcast_in_dim3A_346] : memref<128x16xi32, #tpu.memory_space<vmem>>[vector<16xi32>, vector<16xi32>], vector<16xi32>,
    %mul3A_361 = arith.constant 10 : i32
    %mul3A_362 = vector.broadcast %mul3A_361 : i32 to vector<16xi32>
    %mul3A_363 = arith.muli %add3A_359, %mul3A_362 : vector<16xi32>
    %add3A_364 = arith.constant 4 : i32
    %add3A_365 = vector.broadcast %add3A_364 : i32 to vector<16xi32>
    %add3A_366 = arith.addi %mul3A_363, %add3A_365 : vector<16xi32>
    tpu.vector_store_idx %arg7[%add3A_366], %gather3A_360 : memref<1408xi32, #tpu.memory_space<vmem>>[vector<16xi32>], vector<16xi32>,
    %add3A_367 = arith.constant 32 : i32
    %add3A_368 = vector.broadcast %add3A_367 : i32 to vector<16xi32>
    %add3A_369 = arith.addi %iota3A, %add3A_368 : vector<16xi32>
    %gather3A_370 = tpu.vector_load_idx %arg8[%add3A_369, %broadcast_in_dim3A_346] : memref<128x16xi32, #tpu.memory_space<vmem>>[vector<16xi32>, vector<16xi32>], vector<16xi32>,
    %mul3A_371 = arith.constant 10 : i32
    %mul3A_372 = vector.broadcast %mul3A_371 : i32 to vector<16xi32>
    %mul3A_373 = arith.muli %add3A_369, %mul3A_372 : vector<16xi32>
    %add3A_374 = arith.constant 4 : i32
    %add3A_375 = vector.broadcast %add3A_374 : i32 to vector<16xi32>
    %add3A_376 = arith.addi %mul3A_373, %add3A_375 : vector<16xi32>
    tpu.vector_store_idx %arg7[%add3A_376], %gather3A_370 : memref<1408xi32, #tpu.memory_space<vmem>>[vector<16xi32>], vector<16xi32>,
    %add3A_377 = arith.constant 48 : i32
    %add3A_378 = vector.broadcast %add3A_377 : i32 to vector<16xi32>
    %add3A_379 = arith.addi %iota3A, %add3A_378 : vector<16xi32>
    %gather3A_380 = tpu.vector_load_idx %arg8[%add3A_379, %broadcast_in_dim3A_346] : memref<128x16xi32, #tpu.memory_space<vmem>>[vector<16xi32>, vector<16xi32>], vector<16xi32>,
    %mul3A_381 = arith.constant 10 : i32
    %mul3A_382 = vector.broadcast %mul3A_381 : i32 to vector<16xi32>
    %mul3A_383 = arith.muli %add3A_379, %mul3A_382 : vector<16xi32>
    %add3A_384 = arith.constant 4 : i32
    %add3A_385 = vector.broadcast %add3A_384 : i32 to vector<16xi32>
    %add3A_386 = arith.addi %mul3A_383, %add3A_385 : vector<16xi32>
    tpu.vector_store_idx %arg7[%add3A_386], %gather3A_380 : memref<1408xi32, #tpu.memory_space<vmem>>[vector<16xi32>], vector<16xi32>,
    %add3A_387 = arith.constant 64 : i32
    %add3A_388 = vector.broadcast %add3A_387 : i32 to vector<16xi32>
    %add3A_389 = arith.addi %iota3A, %add3A_388 : vector<16xi32>
    %gather3A_390 = tpu.vector_load_idx %arg8[%add3A_389, %broadcast_in_dim3A_346] : memref<128x16xi32, #tpu.memory_space<vmem>>[vector<16xi32>, vector<16xi32>], vector<16xi32>,
    %mul3A_391 = arith.constant 10 : i32
    %mul3A_392 = vector.broadcast %mul3A_391 : i32 to vector<16xi32>
    %mul3A_393 = arith.muli %add3A_389, %mul3A_392 : vector<16xi32>
    %add3A_394 = arith.constant 4 : i32
    %add3A_395 = vector.broadcast %add3A_394 : i32 to vector<16xi32>
    %add3A_396 = arith.addi %mul3A_393, %add3A_395 : vector<16xi32>
    tpu.vector_store_idx %arg7[%add3A_396], %gather3A_390 : memref<1408xi32, #tpu.memory_space<vmem>>[vector<16xi32>], vector<16xi32>,
    %add3A_397 = arith.constant 80 : i32
    %add3A_398 = vector.broadcast %add3A_397 : i32 to vector<16xi32>
    %add3A_399 = arith.addi %iota3A, %add3A_398 : vector<16xi32>
    %gather3A_400 = tpu.vector_load_idx %arg8[%add3A_399, %broadcast_in_dim3A_346] : memref<128x16xi32, #tpu.memory_space<vmem>>[vector<16xi32>, vector<16xi32>], vector<16xi32>,
    %mul3A_401 = arith.constant 10 : i32
    %mul3A_402 = vector.broadcast %mul3A_401 : i32 to vector<16xi32>
    %mul3A_403 = arith.muli %add3A_399, %mul3A_402 : vector<16xi32>
    %add3A_404 = arith.constant 4 : i32
    %add3A_405 = vector.broadcast %add3A_404 : i32 to vector<16xi32>
    %add3A_406 = arith.addi %mul3A_403, %add3A_405 : vector<16xi32>
    tpu.vector_store_idx %arg7[%add3A_406], %gather3A_400 : memref<1408xi32, #tpu.memory_space<vmem>>[vector<16xi32>], vector<16xi32>,
    %add3A_407 = arith.constant 96 : i32
    %add3A_408 = vector.broadcast %add3A_407 : i32 to vector<16xi32>
    %add3A_409 = arith.addi %iota3A, %add3A_408 : vector<16xi32>
    %gather3A_410 = tpu.vector_load_idx %arg8[%add3A_409, %broadcast_in_dim3A_346] : memref<128x16xi32, #tpu.memory_space<vmem>>[vector<16xi32>, vector<16xi32>], vector<16xi32>,
    %mul3A_411 = arith.constant 10 : i32
    %mul3A_412 = vector.broadcast %mul3A_411 : i32 to vector<16xi32>
    %mul3A_413 = arith.muli %add3A_409, %mul3A_412 : vector<16xi32>
    %add3A_414 = arith.constant 4 : i32
    %add3A_415 = vector.broadcast %add3A_414 : i32 to vector<16xi32>
    %add3A_416 = arith.addi %mul3A_413, %add3A_415 : vector<16xi32>
    tpu.vector_store_idx %arg7[%add3A_416], %gather3A_410 : memref<1408xi32, #tpu.memory_space<vmem>>[vector<16xi32>], vector<16xi32>,
    %add3A_417 = arith.constant 112 : i32
    %add3A_418 = vector.broadcast %add3A_417 : i32 to vector<16xi32>
    %add3A_419 = arith.addi %iota3A, %add3A_418 : vector<16xi32>
    %gather3A_420 = tpu.vector_load_idx %arg8[%add3A_419, %broadcast_in_dim3A_346] : memref<128x16xi32, #tpu.memory_space<vmem>>[vector<16xi32>, vector<16xi32>], vector<16xi32>,
    %mul3A_421 = arith.constant 10 : i32
    %mul3A_422 = vector.broadcast %mul3A_421 : i32 to vector<16xi32>
    %mul3A_423 = arith.muli %add3A_419, %mul3A_422 : vector<16xi32>
    %add3A_424 = arith.constant 4 : i32
    %add3A_425 = vector.broadcast %add3A_424 : i32 to vector<16xi32>
    %add3A_426 = arith.addi %mul3A_423, %add3A_425 : vector<16xi32>
    tpu.vector_store_idx %arg7[%add3A_426], %gather3A_420 : memref<1408xi32, #tpu.memory_space<vmem>>[vector<16xi32>], vector<16xi32>,
    %broadcast_in_dim3A_427 = arith.constant 5 : i32
    %broadcast_in_dim3A_428 = vector.broadcast %broadcast_in_dim3A_427 : i32 to vector<16xi32>
    %add3A_429 = arith.constant 0 : i32
    %add3A_430 = vector.broadcast %add3A_429 : i32 to vector<16xi32>
    %add3A_431 = arith.addi %iota3A, %add3A_430 : vector<16xi32>
    %gather3A_432 = tpu.vector_load_idx %arg8[%add3A_431, %broadcast_in_dim3A_428] : memref<128x16xi32, #tpu.memory_space<vmem>>[vector<16xi32>, vector<16xi32>], vector<16xi32>,
    %mul3A_433 = arith.constant 10 : i32
    %mul3A_434 = vector.broadcast %mul3A_433 : i32 to vector<16xi32>
    %mul3A_435 = arith.muli %add3A_431, %mul3A_434 : vector<16xi32>
    %add3A_436 = arith.constant 5 : i32
    %add3A_437 = vector.broadcast %add3A_436 : i32 to vector<16xi32>
    %add3A_438 = arith.addi %mul3A_435, %add3A_437 : vector<16xi32>
    tpu.vector_store_idx %arg7[%add3A_438], %gather3A_432 : memref<1408xi32, #tpu.memory_space<vmem>>[vector<16xi32>], vector<16xi32>,
    %add3A_439 = arith.constant 16 : i32
    %add3A_440 = vector.broadcast %add3A_439 : i32 to vector<16xi32>
    %add3A_441 = arith.addi %iota3A, %add3A_440 : vector<16xi32>
    %gather3A_442 = tpu.vector_load_idx %arg8[%add3A_441, %broadcast_in_dim3A_428] : memref<128x16xi32, #tpu.memory_space<vmem>>[vector<16xi32>, vector<16xi32>], vector<16xi32>,
    %mul3A_443 = arith.constant 10 : i32
    %mul3A_444 = vector.broadcast %mul3A_443 : i32 to vector<16xi32>
    %mul3A_445 = arith.muli %add3A_441, %mul3A_444 : vector<16xi32>
    %add3A_446 = arith.constant 5 : i32
    %add3A_447 = vector.broadcast %add3A_446 : i32 to vector<16xi32>
    %add3A_448 = arith.addi %mul3A_445, %add3A_447 : vector<16xi32>
    tpu.vector_store_idx %arg7[%add3A_448], %gather3A_442 : memref<1408xi32, #tpu.memory_space<vmem>>[vector<16xi32>], vector<16xi32>,
    %add3A_449 = arith.constant 32 : i32
    %add3A_450 = vector.broadcast %add3A_449 : i32 to vector<16xi32>
    %add3A_451 = arith.addi %iota3A, %add3A_450 : vector<16xi32>
    %gather3A_452 = tpu.vector_load_idx %arg8[%add3A_451, %broadcast_in_dim3A_428] : memref<128x16xi32, #tpu.memory_space<vmem>>[vector<16xi32>, vector<16xi32>], vector<16xi32>,
    %mul3A_453 = arith.constant 10 : i32
    %mul3A_454 = vector.broadcast %mul3A_453 : i32 to vector<16xi32>
    %mul3A_455 = arith.muli %add3A_451, %mul3A_454 : vector<16xi32>
    %add3A_456 = arith.constant 5 : i32
    %add3A_457 = vector.broadcast %add3A_456 : i32 to vector<16xi32>
    %add3A_458 = arith.addi %mul3A_455, %add3A_457 : vector<16xi32>
    tpu.vector_store_idx %arg7[%add3A_458], %gather3A_452 : memref<1408xi32, #tpu.memory_space<vmem>>[vector<16xi32>], vector<16xi32>,
    %add3A_459 = arith.constant 48 : i32
    %add3A_460 = vector.broadcast %add3A_459 : i32 to vector<16xi32>
    %add3A_461 = arith.addi %iota3A, %add3A_460 : vector<16xi32>
    %gather3A_462 = tpu.vector_load_idx %arg8[%add3A_461, %broadcast_in_dim3A_428] : memref<128x16xi32, #tpu.memory_space<vmem>>[vector<16xi32>, vector<16xi32>], vector<16xi32>,
    %mul3A_463 = arith.constant 10 : i32
    %mul3A_464 = vector.broadcast %mul3A_463 : i32 to vector<16xi32>
    %mul3A_465 = arith.muli %add3A_461, %mul3A_464 : vector<16xi32>
    %add3A_466 = arith.constant 5 : i32
    %add3A_467 = vector.broadcast %add3A_466 : i32 to vector<16xi32>
    %add3A_468 = arith.addi %mul3A_465, %add3A_467 : vector<16xi32>
    tpu.vector_store_idx %arg7[%add3A_468], %gather3A_462 : memref<1408xi32, #tpu.memory_space<vmem>>[vector<16xi32>], vector<16xi32>,
    %add3A_469 = arith.constant 64 : i32
    %add3A_470 = vector.broadcast %add3A_469 : i32 to vector<16xi32>
    %add3A_471 = arith.addi %iota3A, %add3A_470 : vector<16xi32>
    %gather3A_472 = tpu.vector_load_idx %arg8[%add3A_471, %broadcast_in_dim3A_428] : memref<128x16xi32, #tpu.memory_space<vmem>>[vector<16xi32>, vector<16xi32>], vector<16xi32>,
    %mul3A_473 = arith.constant 10 : i32
    %mul3A_474 = vector.broadcast %mul3A_473 : i32 to vector<16xi32>
    %mul3A_475 = arith.muli %add3A_471, %mul3A_474 : vector<16xi32>
    %add3A_476 = arith.constant 5 : i32
    %add3A_477 = vector.broadcast %add3A_476 : i32 to vector<16xi32>
    %add3A_478 = arith.addi %mul3A_475, %add3A_477 : vector<16xi32>
    tpu.vector_store_idx %arg7[%add3A_478], %gather3A_472 : memref<1408xi32, #tpu.memory_space<vmem>>[vector<16xi32>], vector<16xi32>,
    %add3A_479 = arith.constant 80 : i32
    %add3A_480 = vector.broadcast %add3A_479 : i32 to vector<16xi32>
    %add3A_481 = arith.addi %iota3A, %add3A_480 : vector<16xi32>
    %gather3A_482 = tpu.vector_load_idx %arg8[%add3A_481, %broadcast_in_dim3A_428] : memref<128x16xi32, #tpu.memory_space<vmem>>[vector<16xi32>, vector<16xi32>], vector<16xi32>,
    %mul3A_483 = arith.constant 10 : i32
    %mul3A_484 = vector.broadcast %mul3A_483 : i32 to vector<16xi32>
    %mul3A_485 = arith.muli %add3A_481, %mul3A_484 : vector<16xi32>
    %add3A_486 = arith.constant 5 : i32
    %add3A_487 = vector.broadcast %add3A_486 : i32 to vector<16xi32>
    %add3A_488 = arith.addi %mul3A_485, %add3A_487 : vector<16xi32>
    tpu.vector_store_idx %arg7[%add3A_488], %gather3A_482 : memref<1408xi32, #tpu.memory_space<vmem>>[vector<16xi32>], vector<16xi32>,
    %add3A_489 = arith.constant 96 : i32
    %add3A_490 = vector.broadcast %add3A_489 : i32 to vector<16xi32>
    %add3A_491 = arith.addi %iota3A, %add3A_490 : vector<16xi32>
    %gather3A_492 = tpu.vector_load_idx %arg8[%add3A_491, %broadcast_in_dim3A_428] : memref<128x16xi32, #tpu.memory_space<vmem>>[vector<16xi32>, vector<16xi32>], vector<16xi32>,
    %mul3A_493 = arith.constant 10 : i32
    %mul3A_494 = vector.broadcast %mul3A_493 : i32 to vector<16xi32>
    %mul3A_495 = arith.muli %add3A_491, %mul3A_494 : vector<16xi32>
    %add3A_496 = arith.constant 5 : i32
    %add3A_497 = vector.broadcast %add3A_496 : i32 to vector<16xi32>
    %add3A_498 = arith.addi %mul3A_495, %add3A_497 : vector<16xi32>
    tpu.vector_store_idx %arg7[%add3A_498], %gather3A_492 : memref<1408xi32, #tpu.memory_space<vmem>>[vector<16xi32>], vector<16xi32>,
    %add3A_499 = arith.constant 112 : i32
    %add3A_500 = vector.broadcast %add3A_499 : i32 to vector<16xi32>
    %add3A_501 = arith.addi %iota3A, %add3A_500 : vector<16xi32>
    %gather3A_502 = tpu.vector_load_idx %arg8[%add3A_501, %broadcast_in_dim3A_428] : memref<128x16xi32, #tpu.memory_space<vmem>>[vector<16xi32>, vector<16xi32>], vector<16xi32>,
    %mul3A_503 = arith.constant 10 : i32
    %mul3A_504 = vector.broadcast %mul3A_503 : i32 to vector<16xi32>
    %mul3A_505 = arith.muli %add3A_501, %mul3A_504 : vector<16xi32>
    %add3A_506 = arith.constant 5 : i32
    %add3A_507 = vector.broadcast %add3A_506 : i32 to vector<16xi32>
    %add3A_508 = arith.addi %mul3A_505, %add3A_507 : vector<16xi32>
    tpu.vector_store_idx %arg7[%add3A_508], %gather3A_502 : memref<1408xi32, #tpu.memory_space<vmem>>[vector<16xi32>], vector<16xi32>,
    %broadcast_in_dim3A_509 = arith.constant 6 : i32
    %broadcast_in_dim3A_510 = vector.broadcast %broadcast_in_dim3A_509 : i32 to vector<16xi32>
    %add3A_511 = arith.constant 0 : i32
    %add3A_512 = vector.broadcast %add3A_511 : i32 to vector<16xi32>
    %add3A_513 = arith.addi %iota3A, %add3A_512 : vector<16xi32>
    %gather3A_514 = tpu.vector_load_idx %arg8[%add3A_513, %broadcast_in_dim3A_510] : memref<128x16xi32, #tpu.memory_space<vmem>>[vector<16xi32>, vector<16xi32>], vector<16xi32>,
    %mul3A_515 = arith.constant 10 : i32
    %mul3A_516 = vector.broadcast %mul3A_515 : i32 to vector<16xi32>
    %mul3A_517 = arith.muli %add3A_513, %mul3A_516 : vector<16xi32>
    %add3A_518 = arith.constant 6 : i32
    %add3A_519 = vector.broadcast %add3A_518 : i32 to vector<16xi32>
    %add3A_520 = arith.addi %mul3A_517, %add3A_519 : vector<16xi32>
    tpu.vector_store_idx %arg7[%add3A_520], %gather3A_514 : memref<1408xi32, #tpu.memory_space<vmem>>[vector<16xi32>], vector<16xi32>,
    %add3A_521 = arith.constant 16 : i32
    %add3A_522 = vector.broadcast %add3A_521 : i32 to vector<16xi32>
    %add3A_523 = arith.addi %iota3A, %add3A_522 : vector<16xi32>
    %gather3A_524 = tpu.vector_load_idx %arg8[%add3A_523, %broadcast_in_dim3A_510] : memref<128x16xi32, #tpu.memory_space<vmem>>[vector<16xi32>, vector<16xi32>], vector<16xi32>,
    %mul3A_525 = arith.constant 10 : i32
    %mul3A_526 = vector.broadcast %mul3A_525 : i32 to vector<16xi32>
    %mul3A_527 = arith.muli %add3A_523, %mul3A_526 : vector<16xi32>
    %add3A_528 = arith.constant 6 : i32
    %add3A_529 = vector.broadcast %add3A_528 : i32 to vector<16xi32>
    %add3A_530 = arith.addi %mul3A_527, %add3A_529 : vector<16xi32>
    tpu.vector_store_idx %arg7[%add3A_530], %gather3A_524 : memref<1408xi32, #tpu.memory_space<vmem>>[vector<16xi32>], vector<16xi32>,
    %add3A_531 = arith.constant 32 : i32
    %add3A_532 = vector.broadcast %add3A_531 : i32 to vector<16xi32>
    %add3A_533 = arith.addi %iota3A, %add3A_532 : vector<16xi32>
    %gather3A_534 = tpu.vector_load_idx %arg8[%add3A_533, %broadcast_in_dim3A_510] : memref<128x16xi32, #tpu.memory_space<vmem>>[vector<16xi32>, vector<16xi32>], vector<16xi32>,
    %mul3A_535 = arith.constant 10 : i32
    %mul3A_536 = vector.broadcast %mul3A_535 : i32 to vector<16xi32>
    %mul3A_537 = arith.muli %add3A_533, %mul3A_536 : vector<16xi32>
    %add3A_538 = arith.constant 6 : i32
    %add3A_539 = vector.broadcast %add3A_538 : i32 to vector<16xi32>
    %add3A_540 = arith.addi %mul3A_537, %add3A_539 : vector<16xi32>
    tpu.vector_store_idx %arg7[%add3A_540], %gather3A_534 : memref<1408xi32, #tpu.memory_space<vmem>>[vector<16xi32>], vector<16xi32>,
    %add3A_541 = arith.constant 48 : i32
    %add3A_542 = vector.broadcast %add3A_541 : i32 to vector<16xi32>
    %add3A_543 = arith.addi %iota3A, %add3A_542 : vector<16xi32>
    %gather3A_544 = tpu.vector_load_idx %arg8[%add3A_543, %broadcast_in_dim3A_510] : memref<128x16xi32, #tpu.memory_space<vmem>>[vector<16xi32>, vector<16xi32>], vector<16xi32>,
    %mul3A_545 = arith.constant 10 : i32
    %mul3A_546 = vector.broadcast %mul3A_545 : i32 to vector<16xi32>
    %mul3A_547 = arith.muli %add3A_543, %mul3A_546 : vector<16xi32>
    %add3A_548 = arith.constant 6 : i32
    %add3A_549 = vector.broadcast %add3A_548 : i32 to vector<16xi32>
    %add3A_550 = arith.addi %mul3A_547, %add3A_549 : vector<16xi32>
    tpu.vector_store_idx %arg7[%add3A_550], %gather3A_544 : memref<1408xi32, #tpu.memory_space<vmem>>[vector<16xi32>], vector<16xi32>,
    %add3A_551 = arith.constant 64 : i32
    %add3A_552 = vector.broadcast %add3A_551 : i32 to vector<16xi32>
    %add3A_553 = arith.addi %iota3A, %add3A_552 : vector<16xi32>
    %gather3A_554 = tpu.vector_load_idx %arg8[%add3A_553, %broadcast_in_dim3A_510] : memref<128x16xi32, #tpu.memory_space<vmem>>[vector<16xi32>, vector<16xi32>], vector<16xi32>,
    %mul3A_555 = arith.constant 10 : i32
    %mul3A_556 = vector.broadcast %mul3A_555 : i32 to vector<16xi32>
    %mul3A_557 = arith.muli %add3A_553, %mul3A_556 : vector<16xi32>
    %add3A_558 = arith.constant 6 : i32
    %add3A_559 = vector.broadcast %add3A_558 : i32 to vector<16xi32>
    %add3A_560 = arith.addi %mul3A_557, %add3A_559 : vector<16xi32>
    tpu.vector_store_idx %arg7[%add3A_560], %gather3A_554 : memref<1408xi32, #tpu.memory_space<vmem>>[vector<16xi32>], vector<16xi32>,
    %add3A_561 = arith.constant 80 : i32
    %add3A_562 = vector.broadcast %add3A_561 : i32 to vector<16xi32>
    %add3A_563 = arith.addi %iota3A, %add3A_562 : vector<16xi32>
    %gather3A_564 = tpu.vector_load_idx %arg8[%add3A_563, %broadcast_in_dim3A_510] : memref<128x16xi32, #tpu.memory_space<vmem>>[vector<16xi32>, vector<16xi32>], vector<16xi32>,
    %mul3A_565 = arith.constant 10 : i32
    %mul3A_566 = vector.broadcast %mul3A_565 : i32 to vector<16xi32>
    %mul3A_567 = arith.muli %add3A_563, %mul3A_566 : vector<16xi32>
    %add3A_568 = arith.constant 6 : i32
    %add3A_569 = vector.broadcast %add3A_568 : i32 to vector<16xi32>
    %add3A_570 = arith.addi %mul3A_567, %add3A_569 : vector<16xi32>
    tpu.vector_store_idx %arg7[%add3A_570], %gather3A_564 : memref<1408xi32, #tpu.memory_space<vmem>>[vector<16xi32>], vector<16xi32>,
    %add3A_571 = arith.constant 96 : i32
    %add3A_572 = vector.broadcast %add3A_571 : i32 to vector<16xi32>
    %add3A_573 = arith.addi %iota3A, %add3A_572 : vector<16xi32>
    %gather3A_574 = tpu.vector_load_idx %arg8[%add3A_573, %broadcast_in_dim3A_510] : memref<128x16xi32, #tpu.memory_space<vmem>>[vector<16xi32>, vector<16xi32>], vector<16xi32>,
    %mul3A_575 = arith.constant 10 : i32
    %mul3A_576 = vector.broadcast %mul3A_575 : i32 to vector<16xi32>
    %mul3A_577 = arith.muli %add3A_573, %mul3A_576 : vector<16xi32>
    %add3A_578 = arith.constant 6 : i32
    %add3A_579 = vector.broadcast %add3A_578 : i32 to vector<16xi32>
    %add3A_580 = arith.addi %mul3A_577, %add3A_579 : vector<16xi32>
    tpu.vector_store_idx %arg7[%add3A_580], %gather3A_574 : memref<1408xi32, #tpu.memory_space<vmem>>[vector<16xi32>], vector<16xi32>,
    %add3A_581 = arith.constant 112 : i32
    %add3A_582 = vector.broadcast %add3A_581 : i32 to vector<16xi32>
    %add3A_583 = arith.addi %iota3A, %add3A_582 : vector<16xi32>
    %gather3A_584 = tpu.vector_load_idx %arg8[%add3A_583, %broadcast_in_dim3A_510] : memref<128x16xi32, #tpu.memory_space<vmem>>[vector<16xi32>, vector<16xi32>], vector<16xi32>,
    %mul3A_585 = arith.constant 10 : i32
    %mul3A_586 = vector.broadcast %mul3A_585 : i32 to vector<16xi32>
    %mul3A_587 = arith.muli %add3A_583, %mul3A_586 : vector<16xi32>
    %add3A_588 = arith.constant 6 : i32
    %add3A_589 = vector.broadcast %add3A_588 : i32 to vector<16xi32>
    %add3A_590 = arith.addi %mul3A_587, %add3A_589 : vector<16xi32>
    tpu.vector_store_idx %arg7[%add3A_590], %gather3A_584 : memref<1408xi32, #tpu.memory_space<vmem>>[vector<16xi32>], vector<16xi32>,
    %broadcast_in_dim3A_591 = arith.constant 7 : i32
    %broadcast_in_dim3A_592 = vector.broadcast %broadcast_in_dim3A_591 : i32 to vector<16xi32>
    %add3A_593 = arith.constant 0 : i32
    %add3A_594 = vector.broadcast %add3A_593 : i32 to vector<16xi32>
    %add3A_595 = arith.addi %iota3A, %add3A_594 : vector<16xi32>
    %gather3A_596 = tpu.vector_load_idx %arg8[%add3A_595, %broadcast_in_dim3A_592] : memref<128x16xi32, #tpu.memory_space<vmem>>[vector<16xi32>, vector<16xi32>], vector<16xi32>,
    %mul3A_597 = arith.constant 10 : i32
    %mul3A_598 = vector.broadcast %mul3A_597 : i32 to vector<16xi32>
    %mul3A_599 = arith.muli %add3A_595, %mul3A_598 : vector<16xi32>
    %add3A_600 = arith.constant 7 : i32
    %add3A_601 = vector.broadcast %add3A_600 : i32 to vector<16xi32>
    %add3A_602 = arith.addi %mul3A_599, %add3A_601 : vector<16xi32>
    tpu.vector_store_idx %arg7[%add3A_602], %gather3A_596 : memref<1408xi32, #tpu.memory_space<vmem>>[vector<16xi32>], vector<16xi32>,
    %add3A_603 = arith.constant 16 : i32
    %add3A_604 = vector.broadcast %add3A_603 : i32 to vector<16xi32>
    %add3A_605 = arith.addi %iota3A, %add3A_604 : vector<16xi32>
    %gather3A_606 = tpu.vector_load_idx %arg8[%add3A_605, %broadcast_in_dim3A_592] : memref<128x16xi32, #tpu.memory_space<vmem>>[vector<16xi32>, vector<16xi32>], vector<16xi32>,
    %mul3A_607 = arith.constant 10 : i32
    %mul3A_608 = vector.broadcast %mul3A_607 : i32 to vector<16xi32>
    %mul3A_609 = arith.muli %add3A_605, %mul3A_608 : vector<16xi32>
    %add3A_610 = arith.constant 7 : i32
    %add3A_611 = vector.broadcast %add3A_610 : i32 to vector<16xi32>
    %add3A_612 = arith.addi %mul3A_609, %add3A_611 : vector<16xi32>
    tpu.vector_store_idx %arg7[%add3A_612], %gather3A_606 : memref<1408xi32, #tpu.memory_space<vmem>>[vector<16xi32>], vector<16xi32>,
    %add3A_613 = arith.constant 32 : i32
    %add3A_614 = vector.broadcast %add3A_613 : i32 to vector<16xi32>
    %add3A_615 = arith.addi %iota3A, %add3A_614 : vector<16xi32>
    %gather3A_616 = tpu.vector_load_idx %arg8[%add3A_615, %broadcast_in_dim3A_592] : memref<128x16xi32, #tpu.memory_space<vmem>>[vector<16xi32>, vector<16xi32>], vector<16xi32>,
    %mul3A_617 = arith.constant 10 : i32
    %mul3A_618 = vector.broadcast %mul3A_617 : i32 to vector<16xi32>
    %mul3A_619 = arith.muli %add3A_615, %mul3A_618 : vector<16xi32>
    %add3A_620 = arith.constant 7 : i32
    %add3A_621 = vector.broadcast %add3A_620 : i32 to vector<16xi32>
    %add3A_622 = arith.addi %mul3A_619, %add3A_621 : vector<16xi32>
    tpu.vector_store_idx %arg7[%add3A_622], %gather3A_616 : memref<1408xi32, #tpu.memory_space<vmem>>[vector<16xi32>], vector<16xi32>,
    %add3A_623 = arith.constant 48 : i32
    %add3A_624 = vector.broadcast %add3A_623 : i32 to vector<16xi32>
    %add3A_625 = arith.addi %iota3A, %add3A_624 : vector<16xi32>
    %gather3A_626 = tpu.vector_load_idx %arg8[%add3A_625, %broadcast_in_dim3A_592] : memref<128x16xi32, #tpu.memory_space<vmem>>[vector<16xi32>, vector<16xi32>], vector<16xi32>,
    %mul3A_627 = arith.constant 10 : i32
    %mul3A_628 = vector.broadcast %mul3A_627 : i32 to vector<16xi32>
    %mul3A_629 = arith.muli %add3A_625, %mul3A_628 : vector<16xi32>
    %add3A_630 = arith.constant 7 : i32
    %add3A_631 = vector.broadcast %add3A_630 : i32 to vector<16xi32>
    %add3A_632 = arith.addi %mul3A_629, %add3A_631 : vector<16xi32>
    tpu.vector_store_idx %arg7[%add3A_632], %gather3A_626 : memref<1408xi32, #tpu.memory_space<vmem>>[vector<16xi32>], vector<16xi32>,
    %add3A_633 = arith.constant 64 : i32
    %add3A_634 = vector.broadcast %add3A_633 : i32 to vector<16xi32>
    %add3A_635 = arith.addi %iota3A, %add3A_634 : vector<16xi32>
    %gather3A_636 = tpu.vector_load_idx %arg8[%add3A_635, %broadcast_in_dim3A_592] : memref<128x16xi32, #tpu.memory_space<vmem>>[vector<16xi32>, vector<16xi32>], vector<16xi32>,
    %mul3A_637 = arith.constant 10 : i32
    %mul3A_638 = vector.broadcast %mul3A_637 : i32 to vector<16xi32>
    %mul3A_639 = arith.muli %add3A_635, %mul3A_638 : vector<16xi32>
    %add3A_640 = arith.constant 7 : i32
    %add3A_641 = vector.broadcast %add3A_640 : i32 to vector<16xi32>
    %add3A_642 = arith.addi %mul3A_639, %add3A_641 : vector<16xi32>
    tpu.vector_store_idx %arg7[%add3A_642], %gather3A_636 : memref<1408xi32, #tpu.memory_space<vmem>>[vector<16xi32>], vector<16xi32>,
    %add3A_643 = arith.constant 80 : i32
    %add3A_644 = vector.broadcast %add3A_643 : i32 to vector<16xi32>
    %add3A_645 = arith.addi %iota3A, %add3A_644 : vector<16xi32>
    %gather3A_646 = tpu.vector_load_idx %arg8[%add3A_645, %broadcast_in_dim3A_592] : memref<128x16xi32, #tpu.memory_space<vmem>>[vector<16xi32>, vector<16xi32>], vector<16xi32>,
    %mul3A_647 = arith.constant 10 : i32
    %mul3A_648 = vector.broadcast %mul3A_647 : i32 to vector<16xi32>
    %mul3A_649 = arith.muli %add3A_645, %mul3A_648 : vector<16xi32>
    %add3A_650 = arith.constant 7 : i32
    %add3A_651 = vector.broadcast %add3A_650 : i32 to vector<16xi32>
    %add3A_652 = arith.addi %mul3A_649, %add3A_651 : vector<16xi32>
    tpu.vector_store_idx %arg7[%add3A_652], %gather3A_646 : memref<1408xi32, #tpu.memory_space<vmem>>[vector<16xi32>], vector<16xi32>,
    %add3A_653 = arith.constant 96 : i32
    %add3A_654 = vector.broadcast %add3A_653 : i32 to vector<16xi32>
    %add3A_655 = arith.addi %iota3A, %add3A_654 : vector<16xi32>
    %gather3A_656 = tpu.vector_load_idx %arg8[%add3A_655, %broadcast_in_dim3A_592] : memref<128x16xi32, #tpu.memory_space<vmem>>[vector<16xi32>, vector<16xi32>], vector<16xi32>,
    %mul3A_657 = arith.constant 10 : i32
    %mul3A_658 = vector.broadcast %mul3A_657 : i32 to vector<16xi32>
    %mul3A_659 = arith.muli %add3A_655, %mul3A_658 : vector<16xi32>
    %add3A_660 = arith.constant 7 : i32
    %add3A_661 = vector.broadcast %add3A_660 : i32 to vector<16xi32>
    %add3A_662 = arith.addi %mul3A_659, %add3A_661 : vector<16xi32>
    tpu.vector_store_idx %arg7[%add3A_662], %gather3A_656 : memref<1408xi32, #tpu.memory_space<vmem>>[vector<16xi32>], vector<16xi32>,
    %add3A_663 = arith.constant 112 : i32
    %add3A_664 = vector.broadcast %add3A_663 : i32 to vector<16xi32>
    %add3A_665 = arith.addi %iota3A, %add3A_664 : vector<16xi32>
    %gather3A_666 = tpu.vector_load_idx %arg8[%add3A_665, %broadcast_in_dim3A_592] : memref<128x16xi32, #tpu.memory_space<vmem>>[vector<16xi32>, vector<16xi32>], vector<16xi32>,
    %mul3A_667 = arith.constant 10 : i32
    %mul3A_668 = vector.broadcast %mul3A_667 : i32 to vector<16xi32>
    %mul3A_669 = arith.muli %add3A_665, %mul3A_668 : vector<16xi32>
    %add3A_670 = arith.constant 7 : i32
    %add3A_671 = vector.broadcast %add3A_670 : i32 to vector<16xi32>
    %add3A_672 = arith.addi %mul3A_669, %add3A_671 : vector<16xi32>
    tpu.vector_store_idx %arg7[%add3A_672], %gather3A_666 : memref<1408xi32, #tpu.memory_space<vmem>>[vector<16xi32>], vector<16xi32>,
    %broadcast_in_dim3A_673 = arith.constant 8 : i32
    %broadcast_in_dim3A_674 = vector.broadcast %broadcast_in_dim3A_673 : i32 to vector<16xi32>
    %add3A_675 = arith.constant 0 : i32
    %add3A_676 = vector.broadcast %add3A_675 : i32 to vector<16xi32>
    %add3A_677 = arith.addi %iota3A, %add3A_676 : vector<16xi32>
    %gather3A_678 = tpu.vector_load_idx %arg8[%add3A_677, %broadcast_in_dim3A_674] : memref<128x16xi32, #tpu.memory_space<vmem>>[vector<16xi32>, vector<16xi32>], vector<16xi32>,
    %mul3A_679 = arith.constant 10 : i32
    %mul3A_680 = vector.broadcast %mul3A_679 : i32 to vector<16xi32>
    %mul3A_681 = arith.muli %add3A_677, %mul3A_680 : vector<16xi32>
    %add3A_682 = arith.constant 8 : i32
    %add3A_683 = vector.broadcast %add3A_682 : i32 to vector<16xi32>
    %add3A_684 = arith.addi %mul3A_681, %add3A_683 : vector<16xi32>
    tpu.vector_store_idx %arg7[%add3A_684], %gather3A_678 : memref<1408xi32, #tpu.memory_space<vmem>>[vector<16xi32>], vector<16xi32>,
    %add3A_685 = arith.constant 16 : i32
    %add3A_686 = vector.broadcast %add3A_685 : i32 to vector<16xi32>
    %add3A_687 = arith.addi %iota3A, %add3A_686 : vector<16xi32>
    %gather3A_688 = tpu.vector_load_idx %arg8[%add3A_687, %broadcast_in_dim3A_674] : memref<128x16xi32, #tpu.memory_space<vmem>>[vector<16xi32>, vector<16xi32>], vector<16xi32>,
    %mul3A_689 = arith.constant 10 : i32
    %mul3A_690 = vector.broadcast %mul3A_689 : i32 to vector<16xi32>
    %mul3A_691 = arith.muli %add3A_687, %mul3A_690 : vector<16xi32>
    %add3A_692 = arith.constant 8 : i32
    %add3A_693 = vector.broadcast %add3A_692 : i32 to vector<16xi32>
    %add3A_694 = arith.addi %mul3A_691, %add3A_693 : vector<16xi32>
    tpu.vector_store_idx %arg7[%add3A_694], %gather3A_688 : memref<1408xi32, #tpu.memory_space<vmem>>[vector<16xi32>], vector<16xi32>,
    %add3A_695 = arith.constant 32 : i32
    %add3A_696 = vector.broadcast %add3A_695 : i32 to vector<16xi32>
    %add3A_697 = arith.addi %iota3A, %add3A_696 : vector<16xi32>
    %gather3A_698 = tpu.vector_load_idx %arg8[%add3A_697, %broadcast_in_dim3A_674] : memref<128x16xi32, #tpu.memory_space<vmem>>[vector<16xi32>, vector<16xi32>], vector<16xi32>,
    %mul3A_699 = arith.constant 10 : i32
    %mul3A_700 = vector.broadcast %mul3A_699 : i32 to vector<16xi32>
    %mul3A_701 = arith.muli %add3A_697, %mul3A_700 : vector<16xi32>
    %add3A_702 = arith.constant 8 : i32
    %add3A_703 = vector.broadcast %add3A_702 : i32 to vector<16xi32>
    %add3A_704 = arith.addi %mul3A_701, %add3A_703 : vector<16xi32>
    tpu.vector_store_idx %arg7[%add3A_704], %gather3A_698 : memref<1408xi32, #tpu.memory_space<vmem>>[vector<16xi32>], vector<16xi32>,
    %add3A_705 = arith.constant 48 : i32
    %add3A_706 = vector.broadcast %add3A_705 : i32 to vector<16xi32>
    %add3A_707 = arith.addi %iota3A, %add3A_706 : vector<16xi32>
    %gather3A_708 = tpu.vector_load_idx %arg8[%add3A_707, %broadcast_in_dim3A_674] : memref<128x16xi32, #tpu.memory_space<vmem>>[vector<16xi32>, vector<16xi32>], vector<16xi32>,
    %mul3A_709 = arith.constant 10 : i32
    %mul3A_710 = vector.broadcast %mul3A_709 : i32 to vector<16xi32>
    %mul3A_711 = arith.muli %add3A_707, %mul3A_710 : vector<16xi32>
    %add3A_712 = arith.constant 8 : i32
    %add3A_713 = vector.broadcast %add3A_712 : i32 to vector<16xi32>
    %add3A_714 = arith.addi %mul3A_711, %add3A_713 : vector<16xi32>
    tpu.vector_store_idx %arg7[%add3A_714], %gather3A_708 : memref<1408xi32, #tpu.memory_space<vmem>>[vector<16xi32>], vector<16xi32>,
    %add3A_715 = arith.constant 64 : i32
    %add3A_716 = vector.broadcast %add3A_715 : i32 to vector<16xi32>
    %add3A_717 = arith.addi %iota3A, %add3A_716 : vector<16xi32>
    %gather3A_718 = tpu.vector_load_idx %arg8[%add3A_717, %broadcast_in_dim3A_674] : memref<128x16xi32, #tpu.memory_space<vmem>>[vector<16xi32>, vector<16xi32>], vector<16xi32>,
    %mul3A_719 = arith.constant 10 : i32
    %mul3A_720 = vector.broadcast %mul3A_719 : i32 to vector<16xi32>
    %mul3A_721 = arith.muli %add3A_717, %mul3A_720 : vector<16xi32>
    %add3A_722 = arith.constant 8 : i32
    %add3A_723 = vector.broadcast %add3A_722 : i32 to vector<16xi32>
    %add3A_724 = arith.addi %mul3A_721, %add3A_723 : vector<16xi32>
    tpu.vector_store_idx %arg7[%add3A_724], %gather3A_718 : memref<1408xi32, #tpu.memory_space<vmem>>[vector<16xi32>], vector<16xi32>,
    %add3A_725 = arith.constant 80 : i32
    %add3A_726 = vector.broadcast %add3A_725 : i32 to vector<16xi32>
    %add3A_727 = arith.addi %iota3A, %add3A_726 : vector<16xi32>
    %gather3A_728 = tpu.vector_load_idx %arg8[%add3A_727, %broadcast_in_dim3A_674] : memref<128x16xi32, #tpu.memory_space<vmem>>[vector<16xi32>, vector<16xi32>], vector<16xi32>,
    %mul3A_729 = arith.constant 10 : i32
    %mul3A_730 = vector.broadcast %mul3A_729 : i32 to vector<16xi32>
    %mul3A_731 = arith.muli %add3A_727, %mul3A_730 : vector<16xi32>
    %add3A_732 = arith.constant 8 : i32
    %add3A_733 = vector.broadcast %add3A_732 : i32 to vector<16xi32>
    %add3A_734 = arith.addi %mul3A_731, %add3A_733 : vector<16xi32>
    tpu.vector_store_idx %arg7[%add3A_734], %gather3A_728 : memref<1408xi32, #tpu.memory_space<vmem>>[vector<16xi32>], vector<16xi32>,
    %add3A_735 = arith.constant 96 : i32
    %add3A_736 = vector.broadcast %add3A_735 : i32 to vector<16xi32>
    %add3A_737 = arith.addi %iota3A, %add3A_736 : vector<16xi32>
    %gather3A_738 = tpu.vector_load_idx %arg8[%add3A_737, %broadcast_in_dim3A_674] : memref<128x16xi32, #tpu.memory_space<vmem>>[vector<16xi32>, vector<16xi32>], vector<16xi32>,
    %mul3A_739 = arith.constant 10 : i32
    %mul3A_740 = vector.broadcast %mul3A_739 : i32 to vector<16xi32>
    %mul3A_741 = arith.muli %add3A_737, %mul3A_740 : vector<16xi32>
    %add3A_742 = arith.constant 8 : i32
    %add3A_743 = vector.broadcast %add3A_742 : i32 to vector<16xi32>
    %add3A_744 = arith.addi %mul3A_741, %add3A_743 : vector<16xi32>
    tpu.vector_store_idx %arg7[%add3A_744], %gather3A_738 : memref<1408xi32, #tpu.memory_space<vmem>>[vector<16xi32>], vector<16xi32>,
    %add3A_745 = arith.constant 112 : i32
    %add3A_746 = vector.broadcast %add3A_745 : i32 to vector<16xi32>
    %add3A_747 = arith.addi %iota3A, %add3A_746 : vector<16xi32>
    %gather3A_748 = tpu.vector_load_idx %arg8[%add3A_747, %broadcast_in_dim3A_674] : memref<128x16xi32, #tpu.memory_space<vmem>>[vector<16xi32>, vector<16xi32>], vector<16xi32>,
    %mul3A_749 = arith.constant 10 : i32
    %mul3A_750 = vector.broadcast %mul3A_749 : i32 to vector<16xi32>
    %mul3A_751 = arith.muli %add3A_747, %mul3A_750 : vector<16xi32>
    %add3A_752 = arith.constant 8 : i32
    %add3A_753 = vector.broadcast %add3A_752 : i32 to vector<16xi32>
    %add3A_754 = arith.addi %mul3A_751, %add3A_753 : vector<16xi32>
    tpu.vector_store_idx %arg7[%add3A_754], %gather3A_748 : memref<1408xi32, #tpu.memory_space<vmem>>[vector<16xi32>], vector<16xi32>,
    %broadcast_in_dim3A_755 = arith.constant 9 : i32
    %broadcast_in_dim3A_756 = vector.broadcast %broadcast_in_dim3A_755 : i32 to vector<16xi32>
    %add3A_757 = arith.constant 0 : i32
    %add3A_758 = vector.broadcast %add3A_757 : i32 to vector<16xi32>
    %add3A_759 = arith.addi %iota3A, %add3A_758 : vector<16xi32>
    %gather3A_760 = tpu.vector_load_idx %arg8[%add3A_759, %broadcast_in_dim3A_756] : memref<128x16xi32, #tpu.memory_space<vmem>>[vector<16xi32>, vector<16xi32>], vector<16xi32>,
    %mul3A_761 = arith.constant 10 : i32
    %mul3A_762 = vector.broadcast %mul3A_761 : i32 to vector<16xi32>
    %mul3A_763 = arith.muli %add3A_759, %mul3A_762 : vector<16xi32>
    %add3A_764 = arith.constant 9 : i32
    %add3A_765 = vector.broadcast %add3A_764 : i32 to vector<16xi32>
    %add3A_766 = arith.addi %mul3A_763, %add3A_765 : vector<16xi32>
    tpu.vector_store_idx %arg7[%add3A_766], %gather3A_760 : memref<1408xi32, #tpu.memory_space<vmem>>[vector<16xi32>], vector<16xi32>,
    %add3A_767 = arith.constant 16 : i32
    %add3A_768 = vector.broadcast %add3A_767 : i32 to vector<16xi32>
    %add3A_769 = arith.addi %iota3A, %add3A_768 : vector<16xi32>
    %gather3A_770 = tpu.vector_load_idx %arg8[%add3A_769, %broadcast_in_dim3A_756] : memref<128x16xi32, #tpu.memory_space<vmem>>[vector<16xi32>, vector<16xi32>], vector<16xi32>,
    %mul3A_771 = arith.constant 10 : i32
    %mul3A_772 = vector.broadcast %mul3A_771 : i32 to vector<16xi32>
    %mul3A_773 = arith.muli %add3A_769, %mul3A_772 : vector<16xi32>
    %add3A_774 = arith.constant 9 : i32
    %add3A_775 = vector.broadcast %add3A_774 : i32 to vector<16xi32>
    %add3A_776 = arith.addi %mul3A_773, %add3A_775 : vector<16xi32>
    tpu.vector_store_idx %arg7[%add3A_776], %gather3A_770 : memref<1408xi32, #tpu.memory_space<vmem>>[vector<16xi32>], vector<16xi32>,
    %add3A_777 = arith.constant 32 : i32
    %add3A_778 = vector.broadcast %add3A_777 : i32 to vector<16xi32>
    %add3A_779 = arith.addi %iota3A, %add3A_778 : vector<16xi32>
    %gather3A_780 = tpu.vector_load_idx %arg8[%add3A_779, %broadcast_in_dim3A_756] : memref<128x16xi32, #tpu.memory_space<vmem>>[vector<16xi32>, vector<16xi32>], vector<16xi32>,
    %mul3A_781 = arith.constant 10 : i32
    %mul3A_782 = vector.broadcast %mul3A_781 : i32 to vector<16xi32>
    %mul3A_783 = arith.muli %add3A_779, %mul3A_782 : vector<16xi32>
    %add3A_784 = arith.constant 9 : i32
    %add3A_785 = vector.broadcast %add3A_784 : i32 to vector<16xi32>
    %add3A_786 = arith.addi %mul3A_783, %add3A_785 : vector<16xi32>
    tpu.vector_store_idx %arg7[%add3A_786], %gather3A_780 : memref<1408xi32, #tpu.memory_space<vmem>>[vector<16xi32>], vector<16xi32>,
    %add3A_787 = arith.constant 48 : i32
    %add3A_788 = vector.broadcast %add3A_787 : i32 to vector<16xi32>
    %add3A_789 = arith.addi %iota3A, %add3A_788 : vector<16xi32>
    %gather3A_790 = tpu.vector_load_idx %arg8[%add3A_789, %broadcast_in_dim3A_756] : memref<128x16xi32, #tpu.memory_space<vmem>>[vector<16xi32>, vector<16xi32>], vector<16xi32>,
    %mul3A_791 = arith.constant 10 : i32
    %mul3A_792 = vector.broadcast %mul3A_791 : i32 to vector<16xi32>
    %mul3A_793 = arith.muli %add3A_789, %mul3A_792 : vector<16xi32>
    %add3A_794 = arith.constant 9 : i32
    %add3A_795 = vector.broadcast %add3A_794 : i32 to vector<16xi32>
    %add3A_796 = arith.addi %mul3A_793, %add3A_795 : vector<16xi32>
    tpu.vector_store_idx %arg7[%add3A_796], %gather3A_790 : memref<1408xi32, #tpu.memory_space<vmem>>[vector<16xi32>], vector<16xi32>,
    %add3A_797 = arith.constant 64 : i32
    %add3A_798 = vector.broadcast %add3A_797 : i32 to vector<16xi32>
    %add3A_799 = arith.addi %iota3A, %add3A_798 : vector<16xi32>
    %gather3A_800 = tpu.vector_load_idx %arg8[%add3A_799, %broadcast_in_dim3A_756] : memref<128x16xi32, #tpu.memory_space<vmem>>[vector<16xi32>, vector<16xi32>], vector<16xi32>,
    %mul3A_801 = arith.constant 10 : i32
    %mul3A_802 = vector.broadcast %mul3A_801 : i32 to vector<16xi32>
    %mul3A_803 = arith.muli %add3A_799, %mul3A_802 : vector<16xi32>
    %add3A_804 = arith.constant 9 : i32
    %add3A_805 = vector.broadcast %add3A_804 : i32 to vector<16xi32>
    %add3A_806 = arith.addi %mul3A_803, %add3A_805 : vector<16xi32>
    tpu.vector_store_idx %arg7[%add3A_806], %gather3A_800 : memref<1408xi32, #tpu.memory_space<vmem>>[vector<16xi32>], vector<16xi32>,
    %add3A_807 = arith.constant 80 : i32
    %add3A_808 = vector.broadcast %add3A_807 : i32 to vector<16xi32>
    %add3A_809 = arith.addi %iota3A, %add3A_808 : vector<16xi32>
    %gather3A_810 = tpu.vector_load_idx %arg8[%add3A_809, %broadcast_in_dim3A_756] : memref<128x16xi32, #tpu.memory_space<vmem>>[vector<16xi32>, vector<16xi32>], vector<16xi32>,
    %mul3A_811 = arith.constant 10 : i32
    %mul3A_812 = vector.broadcast %mul3A_811 : i32 to vector<16xi32>
    %mul3A_813 = arith.muli %add3A_809, %mul3A_812 : vector<16xi32>
    %add3A_814 = arith.constant 9 : i32
    %add3A_815 = vector.broadcast %add3A_814 : i32 to vector<16xi32>
    %add3A_816 = arith.addi %mul3A_813, %add3A_815 : vector<16xi32>
    tpu.vector_store_idx %arg7[%add3A_816], %gather3A_810 : memref<1408xi32, #tpu.memory_space<vmem>>[vector<16xi32>], vector<16xi32>,
    %add3A_817 = arith.constant 96 : i32
    %add3A_818 = vector.broadcast %add3A_817 : i32 to vector<16xi32>
    %add3A_819 = arith.addi %iota3A, %add3A_818 : vector<16xi32>
    %gather3A_820 = tpu.vector_load_idx %arg8[%add3A_819, %broadcast_in_dim3A_756] : memref<128x16xi32, #tpu.memory_space<vmem>>[vector<16xi32>, vector<16xi32>], vector<16xi32>,
    %mul3A_821 = arith.constant 10 : i32
    %mul3A_822 = vector.broadcast %mul3A_821 : i32 to vector<16xi32>
    %mul3A_823 = arith.muli %add3A_819, %mul3A_822 : vector<16xi32>
    %add3A_824 = arith.constant 9 : i32
    %add3A_825 = vector.broadcast %add3A_824 : i32 to vector<16xi32>
    %add3A_826 = arith.addi %mul3A_823, %add3A_825 : vector<16xi32>
    tpu.vector_store_idx %arg7[%add3A_826], %gather3A_820 : memref<1408xi32, #tpu.memory_space<vmem>>[vector<16xi32>], vector<16xi32>,
    %add3A_827 = arith.constant 112 : i32
    %add3A_828 = vector.broadcast %add3A_827 : i32 to vector<16xi32>
    %add3A_829 = arith.addi %iota3A, %add3A_828 : vector<16xi32>
    %gather3A_830 = tpu.vector_load_idx %arg8[%add3A_829, %broadcast_in_dim3A_756] : memref<128x16xi32, #tpu.memory_space<vmem>>[vector<16xi32>, vector<16xi32>], vector<16xi32>,
    %mul3A_831 = arith.constant 10 : i32
    %mul3A_832 = vector.broadcast %mul3A_831 : i32 to vector<16xi32>
    %mul3A_833 = arith.muli %add3A_829, %mul3A_832 : vector<16xi32>
    %add3A_834 = arith.constant 9 : i32
    %add3A_835 = vector.broadcast %add3A_834 : i32 to vector<16xi32>
    %add3A_836 = arith.addi %mul3A_833, %add3A_835 : vector<16xi32>
    tpu.vector_store_idx %arg7[%add3A_836], %gather3A_830 : memref<1408xi32, #tpu.memory_space<vmem>>[vector<16xi32>], vector<16xi32>,
    %dma_start3A_837 = arith.constant 0 : i32
    %dma_start3A_838 = tpu.memref_slice %arg7[%dma_start3A_837] : memref<1408xi32, #tpu.memory_space<vmem>> -> memref<32xi32, #tpu.memory_space<vmem>>
    %dma_start3A_839 = arith.constant 0 : i32
    %dma_start3A_840 = arith.constant 0 : i32
    %dma_start3A_841 = tpu.memref_slice %arg3[%dma_start3A_839, %dma_start3A_840] : memref<100000x16xi32, #tpu.memory_space<hbm>> -> memref<100000x16xi32, #tpu.memory_space<hbm>>
    tpu.enqueue_indirect_dma source(%dma_start3A_841 : memref<100000x16xi32, #tpu.memory_space<hbm>>) target(%arg9 : memref<32x16xi32, #tpu.memory_space<vmem>>) offsets(%dma_start3A_838 : memref<32xi32, #tpu.memory_space<vmem>>) semaphore(%arg37 : memref<!tpu.dma_semaphore, #tpu.memory_space<semaphore_mem>>)
    %dma_wait3A_842 = arith.constant 0 : i32
    %dma_wait3A_843 = tpu.memref_slice %arg7[%dma_wait3A_842] : memref<1408xi32, #tpu.memory_space<vmem>> -> memref<32xi32, #tpu.memory_space<vmem>>
    %dma_wait3A_844 = arith.constant 0 : i32
    %dma_wait3A_845 = arith.constant 0 : i32
    %dma_wait3A_846 = tpu.memref_slice %arg3[%dma_wait3A_844, %dma_wait3A_845] : memref<100000x16xi32, #tpu.memory_space<hbm>> -> memref<100000x16xi32, #tpu.memory_space<hbm>>
    tpu.wait_indirect_dma semaphore(%arg37 : memref<!tpu.dma_semaphore, #tpu.memory_space<semaphore_mem>>) src(%dma_wait3A_846 : memref<100000x16xi32, #tpu.memory_space<hbm>>) dst(%arg9 : memref<32x16xi32, #tpu.memory_space<vmem>>)
    %broadcast_in_dim3A_847 = arith.constant 0 : i32
    %broadcast_in_dim3A_848 = vector.broadcast %broadcast_in_dim3A_847 : i32 to vector<16xi32>
    %add3A_849 = arith.constant 0 : i32
    %add3A_850 = vector.broadcast %add3A_849 : i32 to vector<16xi32>
    %add3A_851 = arith.addi %iota3A, %add3A_850 : vector<16xi32>
    %gather3A_852 = tpu.vector_load_idx %arg9[%add3A_851, %broadcast_in_dim3A_848] : memref<32x16xi32, #tpu.memory_space<vmem>>[vector<16xi32>, vector<16xi32>], vector<16xi32>,
    %swap3A = arith.constant 0 : i32
    %swap3A_853 = arith.index_cast %swap3A : i32 to index
    %swap3A_854 = arith.constant 0 : index
    %swap3A_855 = tpu.vector_load %arg11[%swap3A_853, %swap3A_854] {strides = array<i32>} : memref<10x32xi32, #tpu.memory_space<vmem>>, vector<16xi32>,
    tpu.vector_store %arg11[%swap3A_853, %swap3A_854], %gather3A_852 {strides = array<i32>} : memref<10x32xi32, #tpu.memory_space<vmem>>, vector<16xi32>,
    %add3A_856 = arith.constant 16 : i32
    %add3A_857 = vector.broadcast %add3A_856 : i32 to vector<16xi32>
    %add3A_858 = arith.addi %iota3A, %add3A_857 : vector<16xi32>
    %gather3A_859 = tpu.vector_load_idx %arg9[%add3A_858, %broadcast_in_dim3A_848] : memref<32x16xi32, #tpu.memory_space<vmem>>[vector<16xi32>, vector<16xi32>], vector<16xi32>,
    %swap3A_860 = arith.constant 0 : i32
    %swap3A_861 = arith.index_cast %swap3A_860 : i32 to index
    %swap3A_862 = arith.constant 16 : index
    %swap3A_863 = tpu.vector_load %arg11[%swap3A_861, %swap3A_862] {strides = array<i32>} : memref<10x32xi32, #tpu.memory_space<vmem>>, vector<16xi32>,
    tpu.vector_store %arg11[%swap3A_861, %swap3A_862], %gather3A_859 {strides = array<i32>} : memref<10x32xi32, #tpu.memory_space<vmem>>, vector<16xi32>,
    %broadcast_in_dim3A_864 = arith.constant 1 : i32
    %broadcast_in_dim3A_865 = vector.broadcast %broadcast_in_dim3A_864 : i32 to vector<16xi32>
    %add3A_866 = arith.constant 0 : i32
    %add3A_867 = vector.broadcast %add3A_866 : i32 to vector<16xi32>
    %add3A_868 = arith.addi %iota3A, %add3A_867 : vector<16xi32>
    %gather3A_869 = tpu.vector_load_idx %arg9[%add3A_868, %broadcast_in_dim3A_865] : memref<32x16xi32, #tpu.memory_space<vmem>>[vector<16xi32>, vector<16xi32>], vector<16xi32>,
    %swap3A_870 = arith.constant 1 : i32
    %swap3A_871 = arith.index_cast %swap3A_870 : i32 to index
    %swap3A_872 = arith.constant 0 : index
    %swap3A_873 = tpu.vector_load %arg11[%swap3A_871, %swap3A_872] {strides = array<i32>} : memref<10x32xi32, #tpu.memory_space<vmem>>, vector<16xi32>,
    tpu.vector_store %arg11[%swap3A_871, %swap3A_872], %gather3A_869 {strides = array<i32>} : memref<10x32xi32, #tpu.memory_space<vmem>>, vector<16xi32>,
    %add3A_874 = arith.constant 16 : i32
    %add3A_875 = vector.broadcast %add3A_874 : i32 to vector<16xi32>
    %add3A_876 = arith.addi %iota3A, %add3A_875 : vector<16xi32>
    %gather3A_877 = tpu.vector_load_idx %arg9[%add3A_876, %broadcast_in_dim3A_865] : memref<32x16xi32, #tpu.memory_space<vmem>>[vector<16xi32>, vector<16xi32>], vector<16xi32>,
    %swap3A_878 = arith.constant 1 : i32
    %swap3A_879 = arith.index_cast %swap3A_878 : i32 to index
    %swap3A_880 = arith.constant 16 : index
    %swap3A_881 = tpu.vector_load %arg11[%swap3A_879, %swap3A_880] {strides = array<i32>} : memref<10x32xi32, #tpu.memory_space<vmem>>, vector<16xi32>,
    tpu.vector_store %arg11[%swap3A_879, %swap3A_880], %gather3A_877 {strides = array<i32>} : memref<10x32xi32, #tpu.memory_space<vmem>>, vector<16xi32>,
    %broadcast_in_dim3A_882 = arith.constant 2 : i32
    %broadcast_in_dim3A_883 = vector.broadcast %broadcast_in_dim3A_882 : i32 to vector<16xi32>
    %add3A_884 = arith.constant 0 : i32
    %add3A_885 = vector.broadcast %add3A_884 : i32 to vector<16xi32>
    %add3A_886 = arith.addi %iota3A, %add3A_885 : vector<16xi32>
    %gather3A_887 = tpu.vector_load_idx %arg9[%add3A_886, %broadcast_in_dim3A_883] : memref<32x16xi32, #tpu.memory_space<vmem>>[vector<16xi32>, vector<16xi32>], vector<16xi32>,
    %swap3A_888 = arith.constant 2 : i32
    %swap3A_889 = arith.index_cast %swap3A_888 : i32 to index
    %swap3A_890 = arith.constant 0 : index
    %swap3A_891 = tpu.vector_load %arg11[%swap3A_889, %swap3A_890] {strides = array<i32>} : memref<10x32xi32, #tpu.memory_space<vmem>>, vector<16xi32>,
    tpu.vector_store %arg11[%swap3A_889, %swap3A_890], %gather3A_887 {strides = array<i32>} : memref<10x32xi32, #tpu.memory_space<vmem>>, vector<16xi32>,
    %add3A_892 = arith.constant 16 : i32
    %add3A_893 = vector.broadcast %add3A_892 : i32 to vector<16xi32>
    %add3A_894 = arith.addi %iota3A, %add3A_893 : vector<16xi32>
    %gather3A_895 = tpu.vector_load_idx %arg9[%add3A_894, %broadcast_in_dim3A_883] : memref<32x16xi32, #tpu.memory_space<vmem>>[vector<16xi32>, vector<16xi32>], vector<16xi32>,
    %swap3A_896 = arith.constant 2 : i32
    %swap3A_897 = arith.index_cast %swap3A_896 : i32 to index
    %swap3A_898 = arith.constant 16 : index
    %swap3A_899 = tpu.vector_load %arg11[%swap3A_897, %swap3A_898] {strides = array<i32>} : memref<10x32xi32, #tpu.memory_space<vmem>>, vector<16xi32>,
    tpu.vector_store %arg11[%swap3A_897, %swap3A_898], %gather3A_895 {strides = array<i32>} : memref<10x32xi32, #tpu.memory_space<vmem>>, vector<16xi32>,
    %broadcast_in_dim3A_900 = arith.constant 3 : i32
    %broadcast_in_dim3A_901 = vector.broadcast %broadcast_in_dim3A_900 : i32 to vector<16xi32>
    %add3A_902 = arith.constant 0 : i32
    %add3A_903 = vector.broadcast %add3A_902 : i32 to vector<16xi32>
    %add3A_904 = arith.addi %iota3A, %add3A_903 : vector<16xi32>
    %gather3A_905 = tpu.vector_load_idx %arg9[%add3A_904, %broadcast_in_dim3A_901] : memref<32x16xi32, #tpu.memory_space<vmem>>[vector<16xi32>, vector<16xi32>], vector<16xi32>,
    %swap3A_906 = arith.constant 3 : i32
    %swap3A_907 = arith.index_cast %swap3A_906 : i32 to index
    %swap3A_908 = arith.constant 0 : index
    %swap3A_909 = tpu.vector_load %arg11[%swap3A_907, %swap3A_908] {strides = array<i32>} : memref<10x32xi32, #tpu.memory_space<vmem>>, vector<16xi32>,
    tpu.vector_store %arg11[%swap3A_907, %swap3A_908], %gather3A_905 {strides = array<i32>} : memref<10x32xi32, #tpu.memory_space<vmem>>, vector<16xi32>,
    %add3A_910 = arith.constant 16 : i32
    %add3A_911 = vector.broadcast %add3A_910 : i32 to vector<16xi32>
    %add3A_912 = arith.addi %iota3A, %add3A_911 : vector<16xi32>
    %gather3A_913 = tpu.vector_load_idx %arg9[%add3A_912, %broadcast_in_dim3A_901] : memref<32x16xi32, #tpu.memory_space<vmem>>[vector<16xi32>, vector<16xi32>], vector<16xi32>,
    %swap3A_914 = arith.constant 3 : i32
    %swap3A_915 = arith.index_cast %swap3A_914 : i32 to index
    %swap3A_916 = arith.constant 16 : index
    %swap3A_917 = tpu.vector_load %arg11[%swap3A_915, %swap3A_916] {strides = array<i32>} : memref<10x32xi32, #tpu.memory_space<vmem>>, vector<16xi32>,
    tpu.vector_store %arg11[%swap3A_915, %swap3A_916], %gather3A_913 {strides = array<i32>} : memref<10x32xi32, #tpu.memory_space<vmem>>, vector<16xi32>,
    %broadcast_in_dim3A_918 = arith.constant 4 : i32
    %broadcast_in_dim3A_919 = vector.broadcast %broadcast_in_dim3A_918 : i32 to vector<16xi32>
    %add3A_920 = arith.constant 0 : i32
    %add3A_921 = vector.broadcast %add3A_920 : i32 to vector<16xi32>
    %add3A_922 = arith.addi %iota3A, %add3A_921 : vector<16xi32>
    %gather3A_923 = tpu.vector_load_idx %arg9[%add3A_922, %broadcast_in_dim3A_919] : memref<32x16xi32, #tpu.memory_space<vmem>>[vector<16xi32>, vector<16xi32>], vector<16xi32>,
    %swap3A_924 = arith.constant 4 : i32
    %swap3A_925 = arith.index_cast %swap3A_924 : i32 to index
    %swap3A_926 = arith.constant 0 : index
    %swap3A_927 = tpu.vector_load %arg11[%swap3A_925, %swap3A_926] {strides = array<i32>} : memref<10x32xi32, #tpu.memory_space<vmem>>, vector<16xi32>,
    tpu.vector_store %arg11[%swap3A_925, %swap3A_926], %gather3A_923 {strides = array<i32>} : memref<10x32xi32, #tpu.memory_space<vmem>>, vector<16xi32>,
    %add3A_928 = arith.constant 16 : i32
    %add3A_929 = vector.broadcast %add3A_928 : i32 to vector<16xi32>
    %add3A_930 = arith.addi %iota3A, %add3A_929 : vector<16xi32>
    %gather3A_931 = tpu.vector_load_idx %arg9[%add3A_930, %broadcast_in_dim3A_919] : memref<32x16xi32, #tpu.memory_space<vmem>>[vector<16xi32>, vector<16xi32>], vector<16xi32>,
    %swap3A_932 = arith.constant 4 : i32
    %swap3A_933 = arith.index_cast %swap3A_932 : i32 to index
    %swap3A_934 = arith.constant 16 : index
    %swap3A_935 = tpu.vector_load %arg11[%swap3A_933, %swap3A_934] {strides = array<i32>} : memref<10x32xi32, #tpu.memory_space<vmem>>, vector<16xi32>,
    tpu.vector_store %arg11[%swap3A_933, %swap3A_934], %gather3A_931 {strides = array<i32>} : memref<10x32xi32, #tpu.memory_space<vmem>>, vector<16xi32>,
    %broadcast_in_dim3A_936 = arith.constant 5 : i32
    %broadcast_in_dim3A_937 = vector.broadcast %broadcast_in_dim3A_936 : i32 to vector<16xi32>
    %add3A_938 = arith.constant 0 : i32
    %add3A_939 = vector.broadcast %add3A_938 : i32 to vector<16xi32>
    %add3A_940 = arith.addi %iota3A, %add3A_939 : vector<16xi32>
    %gather3A_941 = tpu.vector_load_idx %arg9[%add3A_940, %broadcast_in_dim3A_937] : memref<32x16xi32, #tpu.memory_space<vmem>>[vector<16xi32>, vector<16xi32>], vector<16xi32>,
    %swap3A_942 = arith.constant 5 : i32
    %swap3A_943 = arith.index_cast %swap3A_942 : i32 to index
    %swap3A_944 = arith.constant 0 : index
    %swap3A_945 = tpu.vector_load %arg11[%swap3A_943, %swap3A_944] {strides = array<i32>} : memref<10x32xi32, #tpu.memory_space<vmem>>, vector<16xi32>,
    tpu.vector_store %arg11[%swap3A_943, %swap3A_944], %gather3A_941 {strides = array<i32>} : memref<10x32xi32, #tpu.memory_space<vmem>>, vector<16xi32>,
    %add3A_946 = arith.constant 16 : i32
    %add3A_947 = vector.broadcast %add3A_946 : i32 to vector<16xi32>
    %add3A_948 = arith.addi %iota3A, %add3A_947 : vector<16xi32>
    %gather3A_949 = tpu.vector_load_idx %arg9[%add3A_948, %broadcast_in_dim3A_937] : memref<32x16xi32, #tpu.memory_space<vmem>>[vector<16xi32>, vector<16xi32>], vector<16xi32>,
    %swap3A_950 = arith.constant 5 : i32
    %swap3A_951 = arith.index_cast %swap3A_950 : i32 to index
    %swap3A_952 = arith.constant 16 : index
    %swap3A_953 = tpu.vector_load %arg11[%swap3A_951, %swap3A_952] {strides = array<i32>} : memref<10x32xi32, #tpu.memory_space<vmem>>, vector<16xi32>,
    tpu.vector_store %arg11[%swap3A_951, %swap3A_952], %gather3A_949 {strides = array<i32>} : memref<10x32xi32, #tpu.memory_space<vmem>>, vector<16xi32>,
    %broadcast_in_dim3A_954 = arith.constant 6 : i32
    %broadcast_in_dim3A_955 = vector.broadcast %broadcast_in_dim3A_954 : i32 to vector<16xi32>
    %add3A_956 = arith.constant 0 : i32
    %add3A_957 = vector.broadcast %add3A_956 : i32 to vector<16xi32>
    %add3A_958 = arith.addi %iota3A, %add3A_957 : vector<16xi32>
    %gather3A_959 = tpu.vector_load_idx %arg9[%add3A_958, %broadcast_in_dim3A_955] : memref<32x16xi32, #tpu.memory_space<vmem>>[vector<16xi32>, vector<16xi32>], vector<16xi32>,
    %swap3A_960 = arith.constant 6 : i32
    %swap3A_961 = arith.index_cast %swap3A_960 : i32 to index
    %swap3A_962 = arith.constant 0 : index
    %swap3A_963 = tpu.vector_load %arg11[%swap3A_961, %swap3A_962] {strides = array<i32>} : memref<10x32xi32, #tpu.memory_space<vmem>>, vector<16xi32>,
    tpu.vector_store %arg11[%swap3A_961, %swap3A_962], %gather3A_959 {strides = array<i32>} : memref<10x32xi32, #tpu.memory_space<vmem>>, vector<16xi32>,
    %add3A_964 = arith.constant 16 : i32
    %add3A_965 = vector.broadcast %add3A_964 : i32 to vector<16xi32>
    %add3A_966 = arith.addi %iota3A, %add3A_965 : vector<16xi32>
    %gather3A_967 = tpu.vector_load_idx %arg9[%add3A_966, %broadcast_in_dim3A_955] : memref<32x16xi32, #tpu.memory_space<vmem>>[vector<16xi32>, vector<16xi32>], vector<16xi32>,
    %swap3A_968 = arith.constant 6 : i32
    %swap3A_969 = arith.index_cast %swap3A_968 : i32 to index
    %swap3A_970 = arith.constant 16 : index
    %swap3A_971 = tpu.vector_load %arg11[%swap3A_969, %swap3A_970] {strides = array<i32>} : memref<10x32xi32, #tpu.memory_space<vmem>>, vector<16xi32>,
    tpu.vector_store %arg11[%swap3A_969, %swap3A_970], %gather3A_967 {strides = array<i32>} : memref<10x32xi32, #tpu.memory_space<vmem>>, vector<16xi32>,
    %broadcast_in_dim3A_972 = arith.constant 7 : i32
    %broadcast_in_dim3A_973 = vector.broadcast %broadcast_in_dim3A_972 : i32 to vector<16xi32>
    %add3A_974 = arith.constant 0 : i32
    %add3A_975 = vector.broadcast %add3A_974 : i32 to vector<16xi32>
    %add3A_976 = arith.addi %iota3A, %add3A_975 : vector<16xi32>
    %gather3A_977 = tpu.vector_load_idx %arg9[%add3A_976, %broadcast_in_dim3A_973] : memref<32x16xi32, #tpu.memory_space<vmem>>[vector<16xi32>, vector<16xi32>], vector<16xi32>,
    %swap3A_978 = arith.constant 7 : i32
    %swap3A_979 = arith.index_cast %swap3A_978 : i32 to index
    %swap3A_980 = arith.constant 0 : index
    %swap3A_981 = tpu.vector_load %arg11[%swap3A_979, %swap3A_980] {strides = array<i32>} : memref<10x32xi32, #tpu.memory_space<vmem>>, vector<16xi32>,
    tpu.vector_store %arg11[%swap3A_979, %swap3A_980], %gather3A_977 {strides = array<i32>} : memref<10x32xi32, #tpu.memory_space<vmem>>, vector<16xi32>,
    %add3A_982 = arith.constant 16 : i32
    %add3A_983 = vector.broadcast %add3A_982 : i32 to vector<16xi32>
    %add3A_984 = arith.addi %iota3A, %add3A_983 : vector<16xi32>
    %gather3A_985 = tpu.vector_load_idx %arg9[%add3A_984, %broadcast_in_dim3A_973] : memref<32x16xi32, #tpu.memory_space<vmem>>[vector<16xi32>, vector<16xi32>], vector<16xi32>,
    %swap3A_986 = arith.constant 7 : i32
    %swap3A_987 = arith.index_cast %swap3A_986 : i32 to index
    %swap3A_988 = arith.constant 16 : index
    %swap3A_989 = tpu.vector_load %arg11[%swap3A_987, %swap3A_988] {strides = array<i32>} : memref<10x32xi32, #tpu.memory_space<vmem>>, vector<16xi32>,
    tpu.vector_store %arg11[%swap3A_987, %swap3A_988], %gather3A_985 {strides = array<i32>} : memref<10x32xi32, #tpu.memory_space<vmem>>, vector<16xi32>,
    %broadcast_in_dim3A_990 = arith.constant 8 : i32
    %broadcast_in_dim3A_991 = vector.broadcast %broadcast_in_dim3A_990 : i32 to vector<16xi32>
    %add3A_992 = arith.constant 0 : i32
    %add3A_993 = vector.broadcast %add3A_992 : i32 to vector<16xi32>
    %add3A_994 = arith.addi %iota3A, %add3A_993 : vector<16xi32>
    %gather3A_995 = tpu.vector_load_idx %arg9[%add3A_994, %broadcast_in_dim3A_991] : memref<32x16xi32, #tpu.memory_space<vmem>>[vector<16xi32>, vector<16xi32>], vector<16xi32>,
    %swap3A_996 = arith.constant 8 : i32
    %swap3A_997 = arith.index_cast %swap3A_996 : i32 to index
    %swap3A_998 = arith.constant 0 : index
    %swap3A_999 = tpu.vector_load %arg11[%swap3A_997, %swap3A_998] {strides = array<i32>} : memref<10x32xi32, #tpu.memory_space<vmem>>, vector<16xi32>,
    tpu.vector_store %arg11[%swap3A_997, %swap3A_998], %gather3A_995 {strides = array<i32>} : memref<10x32xi32, #tpu.memory_space<vmem>>, vector<16xi32>,
    %add3A_1000 = arith.constant 16 : i32
    %add3A_1001 = vector.broadcast %add3A_1000 : i32 to vector<16xi32>
    %add3A_1002 = arith.addi %iota3A, %add3A_1001 : vector<16xi32>
    %gather3A_1003 = tpu.vector_load_idx %arg9[%add3A_1002, %broadcast_in_dim3A_991] : memref<32x16xi32, #tpu.memory_space<vmem>>[vector<16xi32>, vector<16xi32>], vector<16xi32>,
    %swap3A_1004 = arith.constant 8 : i32
    %swap3A_1005 = arith.index_cast %swap3A_1004 : i32 to index
    %swap3A_1006 = arith.constant 16 : index
    %swap3A_1007 = tpu.vector_load %arg11[%swap3A_1005, %swap3A_1006] {strides = array<i32>} : memref<10x32xi32, #tpu.memory_space<vmem>>, vector<16xi32>,
    tpu.vector_store %arg11[%swap3A_1005, %swap3A_1006], %gather3A_1003 {strides = array<i32>} : memref<10x32xi32, #tpu.memory_space<vmem>>, vector<16xi32>,
    %broadcast_in_dim3A_1008 = arith.constant 9 : i32
    %broadcast_in_dim3A_1009 = vector.broadcast %broadcast_in_dim3A_1008 : i32 to vector<16xi32>
    %add3A_1010 = arith.constant 0 : i32
    %add3A_1011 = vector.broadcast %add3A_1010 : i32 to vector<16xi32>
    %add3A_1012 = arith.addi %iota3A, %add3A_1011 : vector<16xi32>
    %gather3A_1013 = tpu.vector_load_idx %arg9[%add3A_1012, %broadcast_in_dim3A_1009] : memref<32x16xi32, #tpu.memory_space<vmem>>[vector<16xi32>, vector<16xi32>], vector<16xi32>,
    %swap3A_1014 = arith.constant 9 : i32
    %swap3A_1015 = arith.index_cast %swap3A_1014 : i32 to index
    %swap3A_1016 = arith.constant 0 : index
    %swap3A_1017 = tpu.vector_load %arg11[%swap3A_1015, %swap3A_1016] {strides = array<i32>} : memref<10x32xi32, #tpu.memory_space<vmem>>, vector<16xi32>,
    tpu.vector_store %arg11[%swap3A_1015, %swap3A_1016], %gather3A_1013 {strides = array<i32>} : memref<10x32xi32, #tpu.memory_space<vmem>>, vector<16xi32>,
    %add3A_1018 = arith.constant 16 : i32
    %add3A_1019 = vector.broadcast %add3A_1018 : i32 to vector<16xi32>
    %add3A_1020 = arith.addi %iota3A, %add3A_1019 : vector<16xi32>
    %gather3A_1021 = tpu.vector_load_idx %arg9[%add3A_1020, %broadcast_in_dim3A_1009] : memref<32x16xi32, #tpu.memory_space<vmem>>[vector<16xi32>, vector<16xi32>], vector<16xi32>,
    %swap3A_1022 = arith.constant 9 : i32
    %swap3A_1023 = arith.index_cast %swap3A_1022 : i32 to index
    %swap3A_1024 = arith.constant 16 : index
    %swap3A_1025 = tpu.vector_load %arg11[%swap3A_1023, %swap3A_1024] {strides = array<i32>} : memref<10x32xi32, #tpu.memory_space<vmem>>, vector<16xi32>,
    tpu.vector_store %arg11[%swap3A_1023, %swap3A_1024], %gather3A_1021 {strides = array<i32>} : memref<10x32xi32, #tpu.memory_space<vmem>>, vector<16xi32>,
    %dma_start3A_1026 = arith.constant 0 : i32
    %dma_start3A_1027 = arith.constant 0 : i32
    %dma_start3A_1028 = tpu.memref_slice %arg11[%dma_start3A_1026, %dma_start3A_1027] : memref<10x32xi32, #tpu.memory_space<vmem>> -> memref<1x32xi32, #tpu.memory_space<vmem>>
    %dma_start3A_1029 = tpu.memref_squeeze %dma_start3A_1028 : memref<1x32xi32, #tpu.memory_space<vmem>> -> memref<32xi32, #tpu.memory_space<vmem>>
    %dma_start3A_1030 = arith.constant 0 : i32
    %dma_start3A_1031 = arith.constant 0 : i32
    %dma_start3A_1032 = tpu.memref_slice %arg2[%dma_start3A_1030, %dma_start3A_1031] : memref<100000x128xf32, #tpu.memory_space<hbm>> -> memref<100000x128xf32, #tpu.memory_space<hbm>>
    tpu.enqueue_indirect_dma source(%dma_start3A_1032 : memref<100000x128xf32, #tpu.memory_space<hbm>>) target(%arg17 : memref<32x128xf32, #tpu.memory_space<vmem>>) offsets(%dma_start3A_1029 : memref<32xi32, #tpu.memory_space<vmem>>) semaphore(%arg41 : memref<!tpu.dma_semaphore, #tpu.memory_space<semaphore_mem>>)
    %dma_start3A_1033 = arith.constant 1 : i32
    %dma_start3A_1034 = arith.constant 0 : i32
    %dma_start3A_1035 = tpu.memref_slice %arg11[%dma_start3A_1033, %dma_start3A_1034] : memref<10x32xi32, #tpu.memory_space<vmem>> -> memref<1x32xi32, #tpu.memory_space<vmem>>
    %dma_start3A_1036 = tpu.memref_squeeze %dma_start3A_1035 : memref<1x32xi32, #tpu.memory_space<vmem>> -> memref<32xi32, #tpu.memory_space<vmem>>
    %dma_start3A_1037 = arith.constant 0 : i32
    %dma_start3A_1038 = arith.constant 0 : i32
    %dma_start3A_1039 = tpu.memref_slice %arg2[%dma_start3A_1037, %dma_start3A_1038] : memref<100000x128xf32, #tpu.memory_space<hbm>> -> memref<100000x128xf32, #tpu.memory_space<hbm>>
    tpu.enqueue_indirect_dma source(%dma_start3A_1039 : memref<100000x128xf32, #tpu.memory_space<hbm>>) target(%arg18 : memref<32x128xf32, #tpu.memory_space<vmem>>) offsets(%dma_start3A_1036 : memref<32xi32, #tpu.memory_space<vmem>>) semaphore(%arg41 : memref<!tpu.dma_semaphore, #tpu.memory_space<semaphore_mem>>)
    %dma_start3A_1040 = arith.constant 2 : i32
    %dma_start3A_1041 = arith.constant 0 : i32
    %dma_start3A_1042 = tpu.memref_slice %arg11[%dma_start3A_1040, %dma_start3A_1041] : memref<10x32xi32, #tpu.memory_space<vmem>> -> memref<1x32xi32, #tpu.memory_space<vmem>>
    %dma_start3A_1043 = tpu.memref_squeeze %dma_start3A_1042 : memref<1x32xi32, #tpu.memory_space<vmem>> -> memref<32xi32, #tpu.memory_space<vmem>>
    %dma_start3A_1044 = arith.constant 0 : i32
    %dma_start3A_1045 = arith.constant 0 : i32
    %dma_start3A_1046 = tpu.memref_slice %arg2[%dma_start3A_1044, %dma_start3A_1045] : memref<100000x128xf32, #tpu.memory_space<hbm>> -> memref<100000x128xf32, #tpu.memory_space<hbm>>
    tpu.enqueue_indirect_dma source(%dma_start3A_1046 : memref<100000x128xf32, #tpu.memory_space<hbm>>) target(%arg19 : memref<32x128xf32, #tpu.memory_space<vmem>>) offsets(%dma_start3A_1043 : memref<32xi32, #tpu.memory_space<vmem>>) semaphore(%arg41 : memref<!tpu.dma_semaphore, #tpu.memory_space<semaphore_mem>>)
    %dma_start3A_1047 = arith.constant 3 : i32
    %dma_start3A_1048 = arith.constant 0 : i32
    %dma_start3A_1049 = tpu.memref_slice %arg11[%dma_start3A_1047, %dma_start3A_1048] : memref<10x32xi32, #tpu.memory_space<vmem>> -> memref<1x32xi32, #tpu.memory_space<vmem>>
    %dma_start3A_1050 = tpu.memref_squeeze %dma_start3A_1049 : memref<1x32xi32, #tpu.memory_space<vmem>> -> memref<32xi32, #tpu.memory_space<vmem>>
    %dma_start3A_1051 = arith.constant 0 : i32
    %dma_start3A_1052 = arith.constant 0 : i32
    %dma_start3A_1053 = tpu.memref_slice %arg2[%dma_start3A_1051, %dma_start3A_1052] : memref<100000x128xf32, #tpu.memory_space<hbm>> -> memref<100000x128xf32, #tpu.memory_space<hbm>>
    tpu.enqueue_indirect_dma source(%dma_start3A_1053 : memref<100000x128xf32, #tpu.memory_space<hbm>>) target(%arg20 : memref<32x128xf32, #tpu.memory_space<vmem>>) offsets(%dma_start3A_1050 : memref<32xi32, #tpu.memory_space<vmem>>) semaphore(%arg41 : memref<!tpu.dma_semaphore, #tpu.memory_space<semaphore_mem>>)
    %dma_start3A_1054 = arith.constant 4 : i32
    %dma_start3A_1055 = arith.constant 0 : i32
    %dma_start3A_1056 = tpu.memref_slice %arg11[%dma_start3A_1054, %dma_start3A_1055] : memref<10x32xi32, #tpu.memory_space<vmem>> -> memref<1x32xi32, #tpu.memory_space<vmem>>
    %dma_start3A_1057 = tpu.memref_squeeze %dma_start3A_1056 : memref<1x32xi32, #tpu.memory_space<vmem>> -> memref<32xi32, #tpu.memory_space<vmem>>
    %dma_start3A_1058 = arith.constant 0 : i32
    %dma_start3A_1059 = arith.constant 0 : i32
    %dma_start3A_1060 = tpu.memref_slice %arg2[%dma_start3A_1058, %dma_start3A_1059] : memref<100000x128xf32, #tpu.memory_space<hbm>> -> memref<100000x128xf32, #tpu.memory_space<hbm>>
    tpu.enqueue_indirect_dma source(%dma_start3A_1060 : memref<100000x128xf32, #tpu.memory_space<hbm>>) target(%arg21 : memref<32x128xf32, #tpu.memory_space<vmem>>) offsets(%dma_start3A_1057 : memref<32xi32, #tpu.memory_space<vmem>>) semaphore(%arg41 : memref<!tpu.dma_semaphore, #tpu.memory_space<semaphore_mem>>)
    %dma_start3A_1061 = arith.constant 5 : i32
    %dma_start3A_1062 = arith.constant 0 : i32
    %dma_start3A_1063 = tpu.memref_slice %arg11[%dma_start3A_1061, %dma_start3A_1062] : memref<10x32xi32, #tpu.memory_space<vmem>> -> memref<1x32xi32, #tpu.memory_space<vmem>>
    %dma_start3A_1064 = tpu.memref_squeeze %dma_start3A_1063 : memref<1x32xi32, #tpu.memory_space<vmem>> -> memref<32xi32, #tpu.memory_space<vmem>>
    %dma_start3A_1065 = arith.constant 0 : i32
    %dma_start3A_1066 = arith.constant 0 : i32
    %dma_start3A_1067 = tpu.memref_slice %arg2[%dma_start3A_1065, %dma_start3A_1066] : memref<100000x128xf32, #tpu.memory_space<hbm>> -> memref<100000x128xf32, #tpu.memory_space<hbm>>
    tpu.enqueue_indirect_dma source(%dma_start3A_1067 : memref<100000x128xf32, #tpu.memory_space<hbm>>) target(%arg22 : memref<32x128xf32, #tpu.memory_space<vmem>>) offsets(%dma_start3A_1064 : memref<32xi32, #tpu.memory_space<vmem>>) semaphore(%arg41 : memref<!tpu.dma_semaphore, #tpu.memory_space<semaphore_mem>>)
    %dma_start3A_1068 = arith.constant 6 : i32
    %dma_start3A_1069 = arith.constant 0 : i32
    %dma_start3A_1070 = tpu.memref_slice %arg11[%dma_start3A_1068, %dma_start3A_1069] : memref<10x32xi32, #tpu.memory_space<vmem>> -> memref<1x32xi32, #tpu.memory_space<vmem>>
    %dma_start3A_1071 = tpu.memref_squeeze %dma_start3A_1070 : memref<1x32xi32, #tpu.memory_space<vmem>> -> memref<32xi32, #tpu.memory_space<vmem>>
    %dma_start3A_1072 = arith.constant 0 : i32
    %dma_start3A_1073 = arith.constant 0 : i32
    %dma_start3A_1074 = tpu.memref_slice %arg2[%dma_start3A_1072, %dma_start3A_1073] : memref<100000x128xf32, #tpu.memory_space<hbm>> -> memref<100000x128xf32, #tpu.memory_space<hbm>>
    tpu.enqueue_indirect_dma source(%dma_start3A_1074 : memref<100000x128xf32, #tpu.memory_space<hbm>>) target(%arg23 : memref<32x128xf32, #tpu.memory_space<vmem>>) offsets(%dma_start3A_1071 : memref<32xi32, #tpu.memory_space<vmem>>) semaphore(%arg41 : memref<!tpu.dma_semaphore, #tpu.memory_space<semaphore_mem>>)
    %dma_start3A_1075 = arith.constant 7 : i32
    %dma_start3A_1076 = arith.constant 0 : i32
    %dma_start3A_1077 = tpu.memref_slice %arg11[%dma_start3A_1075, %dma_start3A_1076] : memref<10x32xi32, #tpu.memory_space<vmem>> -> memref<1x32xi32, #tpu.memory_space<vmem>>
    %dma_start3A_1078 = tpu.memref_squeeze %dma_start3A_1077 : memref<1x32xi32, #tpu.memory_space<vmem>> -> memref<32xi32, #tpu.memory_space<vmem>>
    %dma_start3A_1079 = arith.constant 0 : i32
    %dma_start3A_1080 = arith.constant 0 : i32
    %dma_start3A_1081 = tpu.memref_slice %arg2[%dma_start3A_1079, %dma_start3A_1080] : memref<100000x128xf32, #tpu.memory_space<hbm>> -> memref<100000x128xf32, #tpu.memory_space<hbm>>
    tpu.enqueue_indirect_dma source(%dma_start3A_1081 : memref<100000x128xf32, #tpu.memory_space<hbm>>) target(%arg24 : memref<32x128xf32, #tpu.memory_space<vmem>>) offsets(%dma_start3A_1078 : memref<32xi32, #tpu.memory_space<vmem>>) semaphore(%arg41 : memref<!tpu.dma_semaphore, #tpu.memory_space<semaphore_mem>>)
    %dma_start3A_1082 = arith.constant 8 : i32
    %dma_start3A_1083 = arith.constant 0 : i32
    %dma_start3A_1084 = tpu.memref_slice %arg11[%dma_start3A_1082, %dma_start3A_1083] : memref<10x32xi32, #tpu.memory_space<vmem>> -> memref<1x32xi32, #tpu.memory_space<vmem>>
    %dma_start3A_1085 = tpu.memref_squeeze %dma_start3A_1084 : memref<1x32xi32, #tpu.memory_space<vmem>> -> memref<32xi32, #tpu.memory_space<vmem>>
    %dma_start3A_1086 = arith.constant 0 : i32
    %dma_start3A_1087 = arith.constant 0 : i32
    %dma_start3A_1088 = tpu.memref_slice %arg2[%dma_start3A_1086, %dma_start3A_1087] : memref<100000x128xf32, #tpu.memory_space<hbm>> -> memref<100000x128xf32, #tpu.memory_space<hbm>>
    tpu.enqueue_indirect_dma source(%dma_start3A_1088 : memref<100000x128xf32, #tpu.memory_space<hbm>>) target(%arg25 : memref<32x128xf32, #tpu.memory_space<vmem>>) offsets(%dma_start3A_1085 : memref<32xi32, #tpu.memory_space<vmem>>) semaphore(%arg41 : memref<!tpu.dma_semaphore, #tpu.memory_space<semaphore_mem>>)
    %dma_start3A_1089 = arith.constant 9 : i32
    %dma_start3A_1090 = arith.constant 0 : i32
    %dma_start3A_1091 = tpu.memref_slice %arg11[%dma_start3A_1089, %dma_start3A_1090] : memref<10x32xi32, #tpu.memory_space<vmem>> -> memref<1x32xi32, #tpu.memory_space<vmem>>
    %dma_start3A_1092 = tpu.memref_squeeze %dma_start3A_1091 : memref<1x32xi32, #tpu.memory_space<vmem>> -> memref<32xi32, #tpu.memory_space<vmem>>
    %dma_start3A_1093 = arith.constant 0 : i32
    %dma_start3A_1094 = arith.constant 0 : i32
    %dma_start3A_1095 = tpu.memref_slice %arg2[%dma_start3A_1093, %dma_start3A_1094] : memref<100000x128xf32, #tpu.memory_space<hbm>> -> memref<100000x128xf32, #tpu.memory_space<hbm>>
    tpu.enqueue_indirect_dma source(%dma_start3A_1095 : memref<100000x128xf32, #tpu.memory_space<hbm>>) target(%arg26 : memref<32x128xf32, #tpu.memory_space<vmem>>) offsets(%dma_start3A_1092 : memref<32xi32, #tpu.memory_space<vmem>>) semaphore(%arg41 : memref<!tpu.dma_semaphore, #tpu.memory_space<semaphore_mem>>)
    %dma_start3A_1096 = arith.constant 0 : i32
    %dma_start3A_1097 = tpu.memref_slice %arg7[%dma_start3A_1096] : memref<1408xi32, #tpu.memory_space<vmem>> -> memref<32xi32, #tpu.memory_space<vmem>>
    %dma_start3A_1098 = arith.constant 0 : i32
    %dma_start3A_1099 = arith.constant 0 : i32
    %dma_start3A_1100 = tpu.memref_slice %arg2[%dma_start3A_1098, %dma_start3A_1099] : memref<100000x128xf32, #tpu.memory_space<hbm>> -> memref<100000x128xf32, #tpu.memory_space<hbm>>
    tpu.enqueue_indirect_dma source(%dma_start3A_1100 : memref<100000x128xf32, #tpu.memory_space<hbm>>) target(%arg13 : memref<32x128xf32, #tpu.memory_space<vmem>>) offsets(%dma_start3A_1097 : memref<32xi32, #tpu.memory_space<vmem>>) semaphore(%arg39 : memref<!tpu.dma_semaphore, #tpu.memory_space<semaphore_mem>>)
    %dma_start3A_1101 = arith.constant 32 : i32
    %dma_start3A_1102 = tpu.memref_slice %arg7[%dma_start3A_1101] : memref<1408xi32, #tpu.memory_space<vmem>> -> memref<32xi32, #tpu.memory_space<vmem>>
    %dma_start3A_1103 = arith.constant 0 : i32
    %dma_start3A_1104 = arith.constant 0 : i32
    %dma_start3A_1105 = tpu.memref_slice %arg3[%dma_start3A_1103, %dma_start3A_1104] : memref<100000x16xi32, #tpu.memory_space<hbm>> -> memref<100000x16xi32, #tpu.memory_space<hbm>>
    tpu.enqueue_indirect_dma source(%dma_start3A_1105 : memref<100000x16xi32, #tpu.memory_space<hbm>>) target(%arg10 : memref<32x16xi32, #tpu.memory_space<vmem>>) offsets(%dma_start3A_1102 : memref<32xi32, #tpu.memory_space<vmem>>) semaphore(%arg38 : memref<!tpu.dma_semaphore, #tpu.memory_space<semaphore_mem>>)
    %scan3A = arith.constant 0 : i32
    %scan3A_1106 = arith.constant 0 : i32
    %scan3A_1107 = arith.constant 22 : i32
    %scan3A_1108 = arith.addi %scan3A_1106, %scan3A_1107 : i32
    %scan3A_1109 = arith.constant 1 : i32
    scf.for %scan3A_1129 = %scan3A_1106 to %scan3A_1108 step %scan3A_1109  : i32 {
      %mul3A_1130 = arith.constant 2 : i32
      %mul3A_1131 = arith.muli %mul3A_1130, %scan3A_1129 : i32
      %add3A_1132 = arith.constant 0 : i32
      %add3A_1133 = arith.addi %mul3A_1131, %add3A_1132 : i32
      %add3A_1134 = arith.constant 1 : i32
      %add3A_1135 = arith.addi %add3A_1133, %add3A_1134 : i32
      %lt3A = arith.constant 44 : i32
      %lt3A_1136 = arith.cmpi slt, %add3A_1135, %lt3A : i32
      %convert_element_type3A = arith.extui %lt3A_1136 : i1 to i32
      %cond3A = arith.constant 0 : i32
      %cond3A_1137 = arith.cmpi ne, %convert_element_type3A, %cond3A : i32
      scf.if %cond3A_1137 {
        %dma_wait3A_1394 = arith.constant 0 : i32
        %dma_wait3A_1395 = tpu.memref_slice %arg7[%dma_wait3A_1394] : memref<1408xi32, #tpu.memory_space<vmem>> -> memref<32xi32, #tpu.memory_space<vmem>>
        %dma_wait3A_1396 = arith.constant 0 : i32
        %dma_wait3A_1397 = arith.constant 0 : i32
        %dma_wait3A_1398 = tpu.memref_slice %arg3[%dma_wait3A_1396, %dma_wait3A_1397] : memref<100000x16xi32, #tpu.memory_space<hbm>> -> memref<100000x16xi32, #tpu.memory_space<hbm>>
        tpu.wait_indirect_dma semaphore(%arg38 : memref<!tpu.dma_semaphore, #tpu.memory_space<semaphore_mem>>) src(%dma_wait3A_1398 : memref<100000x16xi32, #tpu.memory_space<hbm>>) dst(%arg10 : memref<32x16xi32, #tpu.memory_space<vmem>>)
        %broadcast_in_dim3A_1399 = arith.constant 0 : i32
        %broadcast_in_dim3A_1400 = vector.broadcast %broadcast_in_dim3A_1399 : i32 to vector<16xi32>
        %add3A_1401 = arith.constant 0 : i32
        %add3A_1402 = vector.broadcast %add3A_1401 : i32 to vector<16xi32>
        %add3A_1403 = arith.addi %iota3A, %add3A_1402 : vector<16xi32>
        %gather3A_1404 = tpu.vector_load_idx %arg10[%add3A_1403, %broadcast_in_dim3A_1400] : memref<32x16xi32, #tpu.memory_space<vmem>>[vector<16xi32>, vector<16xi32>], vector<16xi32>,
        %swap3A_1405 = arith.constant 0 : i32
        %swap3A_1406 = arith.index_cast %swap3A_1405 : i32 to index
        %swap3A_1407 = arith.constant 0 : index
        %swap3A_1408 = tpu.vector_load %arg12[%swap3A_1406, %swap3A_1407] {strides = array<i32>} : memref<10x32xi32, #tpu.memory_space<vmem>>, vector<16xi32>,
        tpu.vector_store %arg12[%swap3A_1406, %swap3A_1407], %gather3A_1404 {strides = array<i32>} : memref<10x32xi32, #tpu.memory_space<vmem>>, vector<16xi32>,
        %add3A_1409 = arith.constant 16 : i32
        %add3A_1410 = vector.broadcast %add3A_1409 : i32 to vector<16xi32>
        %add3A_1411 = arith.addi %iota3A, %add3A_1410 : vector<16xi32>
        %gather3A_1412 = tpu.vector_load_idx %arg10[%add3A_1411, %broadcast_in_dim3A_1400] : memref<32x16xi32, #tpu.memory_space<vmem>>[vector<16xi32>, vector<16xi32>], vector<16xi32>,
        %swap3A_1413 = arith.constant 0 : i32
        %swap3A_1414 = arith.index_cast %swap3A_1413 : i32 to index
        %swap3A_1415 = arith.constant 16 : index
        %swap3A_1416 = tpu.vector_load %arg12[%swap3A_1414, %swap3A_1415] {strides = array<i32>} : memref<10x32xi32, #tpu.memory_space<vmem>>, vector<16xi32>,
        tpu.vector_store %arg12[%swap3A_1414, %swap3A_1415], %gather3A_1412 {strides = array<i32>} : memref<10x32xi32, #tpu.memory_space<vmem>>, vector<16xi32>,
        %broadcast_in_dim3A_1417 = arith.constant 1 : i32
        %broadcast_in_dim3A_1418 = vector.broadcast %broadcast_in_dim3A_1417 : i32 to vector<16xi32>
        %add3A_1419 = arith.constant 0 : i32
        %add3A_1420 = vector.broadcast %add3A_1419 : i32 to vector<16xi32>
        %add3A_1421 = arith.addi %iota3A, %add3A_1420 : vector<16xi32>
        %gather3A_1422 = tpu.vector_load_idx %arg10[%add3A_1421, %broadcast_in_dim3A_1418] : memref<32x16xi32, #tpu.memory_space<vmem>>[vector<16xi32>, vector<16xi32>], vector<16xi32>,
        %swap3A_1423 = arith.constant 1 : i32
        %swap3A_1424 = arith.index_cast %swap3A_1423 : i32 to index
        %swap3A_1425 = arith.constant 0 : index
        %swap3A_1426 = tpu.vector_load %arg12[%swap3A_1424, %swap3A_1425] {strides = array<i32>} : memref<10x32xi32, #tpu.memory_space<vmem>>, vector<16xi32>,
        tpu.vector_store %arg12[%swap3A_1424, %swap3A_1425], %gather3A_1422 {strides = array<i32>} : memref<10x32xi32, #tpu.memory_space<vmem>>, vector<16xi32>,
        %add3A_1427 = arith.constant 16 : i32
        %add3A_1428 = vector.broadcast %add3A_1427 : i32 to vector<16xi32>
        %add3A_1429 = arith.addi %iota3A, %add3A_1428 : vector<16xi32>
        %gather3A_1430 = tpu.vector_load_idx %arg10[%add3A_1429, %broadcast_in_dim3A_1418] : memref<32x16xi32, #tpu.memory_space<vmem>>[vector<16xi32>, vector<16xi32>], vector<16xi32>,
        %swap3A_1431 = arith.constant 1 : i32
        %swap3A_1432 = arith.index_cast %swap3A_1431 : i32 to index
        %swap3A_1433 = arith.constant 16 : index
        %swap3A_1434 = tpu.vector_load %arg12[%swap3A_1432, %swap3A_1433] {strides = array<i32>} : memref<10x32xi32, #tpu.memory_space<vmem>>, vector<16xi32>,
        tpu.vector_store %arg12[%swap3A_1432, %swap3A_1433], %gather3A_1430 {strides = array<i32>} : memref<10x32xi32, #tpu.memory_space<vmem>>, vector<16xi32>,
        %broadcast_in_dim3A_1435 = arith.constant 2 : i32
        %broadcast_in_dim3A_1436 = vector.broadcast %broadcast_in_dim3A_1435 : i32 to vector<16xi32>
        %add3A_1437 = arith.constant 0 : i32
        %add3A_1438 = vector.broadcast %add3A_1437 : i32 to vector<16xi32>
        %add3A_1439 = arith.addi %iota3A, %add3A_1438 : vector<16xi32>
        %gather3A_1440 = tpu.vector_load_idx %arg10[%add3A_1439, %broadcast_in_dim3A_1436] : memref<32x16xi32, #tpu.memory_space<vmem>>[vector<16xi32>, vector<16xi32>], vector<16xi32>,
        %swap3A_1441 = arith.constant 2 : i32
        %swap3A_1442 = arith.index_cast %swap3A_1441 : i32 to index
        %swap3A_1443 = arith.constant 0 : index
        %swap3A_1444 = tpu.vector_load %arg12[%swap3A_1442, %swap3A_1443] {strides = array<i32>} : memref<10x32xi32, #tpu.memory_space<vmem>>, vector<16xi32>,
        tpu.vector_store %arg12[%swap3A_1442, %swap3A_1443], %gather3A_1440 {strides = array<i32>} : memref<10x32xi32, #tpu.memory_space<vmem>>, vector<16xi32>,
        %add3A_1445 = arith.constant 16 : i32
        %add3A_1446 = vector.broadcast %add3A_1445 : i32 to vector<16xi32>
        %add3A_1447 = arith.addi %iota3A, %add3A_1446 : vector<16xi32>
        %gather3A_1448 = tpu.vector_load_idx %arg10[%add3A_1447, %broadcast_in_dim3A_1436] : memref<32x16xi32, #tpu.memory_space<vmem>>[vector<16xi32>, vector<16xi32>], vector<16xi32>,
        %swap3A_1449 = arith.constant 2 : i32
        %swap3A_1450 = arith.index_cast %swap3A_1449 : i32 to index
        %swap3A_1451 = arith.constant 16 : index
        %swap3A_1452 = tpu.vector_load %arg12[%swap3A_1450, %swap3A_1451] {strides = array<i32>} : memref<10x32xi32, #tpu.memory_space<vmem>>, vector<16xi32>,
        tpu.vector_store %arg12[%swap3A_1450, %swap3A_1451], %gather3A_1448 {strides = array<i32>} : memref<10x32xi32, #tpu.memory_space<vmem>>, vector<16xi32>,
        %broadcast_in_dim3A_1453 = arith.constant 3 : i32
        %broadcast_in_dim3A_1454 = vector.broadcast %broadcast_in_dim3A_1453 : i32 to vector<16xi32>
        %add3A_1455 = arith.constant 0 : i32
        %add3A_1456 = vector.broadcast %add3A_1455 : i32 to vector<16xi32>
        %add3A_1457 = arith.addi %iota3A, %add3A_1456 : vector<16xi32>
        %gather3A_1458 = tpu.vector_load_idx %arg10[%add3A_1457, %broadcast_in_dim3A_1454] : memref<32x16xi32, #tpu.memory_space<vmem>>[vector<16xi32>, vector<16xi32>], vector<16xi32>,
        %swap3A_1459 = arith.constant 3 : i32
        %swap3A_1460 = arith.index_cast %swap3A_1459 : i32 to index
        %swap3A_1461 = arith.constant 0 : index
        %swap3A_1462 = tpu.vector_load %arg12[%swap3A_1460, %swap3A_1461] {strides = array<i32>} : memref<10x32xi32, #tpu.memory_space<vmem>>, vector<16xi32>,
        tpu.vector_store %arg12[%swap3A_1460, %swap3A_1461], %gather3A_1458 {strides = array<i32>} : memref<10x32xi32, #tpu.memory_space<vmem>>, vector<16xi32>,
        %add3A_1463 = arith.constant 16 : i32
        %add3A_1464 = vector.broadcast %add3A_1463 : i32 to vector<16xi32>
        %add3A_1465 = arith.addi %iota3A, %add3A_1464 : vector<16xi32>
        %gather3A_1466 = tpu.vector_load_idx %arg10[%add3A_1465, %broadcast_in_dim3A_1454] : memref<32x16xi32, #tpu.memory_space<vmem>>[vector<16xi32>, vector<16xi32>], vector<16xi32>,
        %swap3A_1467 = arith.constant 3 : i32
        %swap3A_1468 = arith.index_cast %swap3A_1467 : i32 to index
        %swap3A_1469 = arith.constant 16 : index
        %swap3A_1470 = tpu.vector_load %arg12[%swap3A_1468, %swap3A_1469] {strides = array<i32>} : memref<10x32xi32, #tpu.memory_space<vmem>>, vector<16xi32>,
        tpu.vector_store %arg12[%swap3A_1468, %swap3A_1469], %gather3A_1466 {strides = array<i32>} : memref<10x32xi32, #tpu.memory_space<vmem>>, vector<16xi32>,
        %broadcast_in_dim3A_1471 = arith.constant 4 : i32
        %broadcast_in_dim3A_1472 = vector.broadcast %broadcast_in_dim3A_1471 : i32 to vector<16xi32>
        %add3A_1473 = arith.constant 0 : i32
        %add3A_1474 = vector.broadcast %add3A_1473 : i32 to vector<16xi32>
        %add3A_1475 = arith.addi %iota3A, %add3A_1474 : vector<16xi32>
        %gather3A_1476 = tpu.vector_load_idx %arg10[%add3A_1475, %broadcast_in_dim3A_1472] : memref<32x16xi32, #tpu.memory_space<vmem>>[vector<16xi32>, vector<16xi32>], vector<16xi32>,
        %swap3A_1477 = arith.constant 4 : i32
        %swap3A_1478 = arith.index_cast %swap3A_1477 : i32 to index
        %swap3A_1479 = arith.constant 0 : index
        %swap3A_1480 = tpu.vector_load %arg12[%swap3A_1478, %swap3A_1479] {strides = array<i32>} : memref<10x32xi32, #tpu.memory_space<vmem>>, vector<16xi32>,
        tpu.vector_store %arg12[%swap3A_1478, %swap3A_1479], %gather3A_1476 {strides = array<i32>} : memref<10x32xi32, #tpu.memory_space<vmem>>, vector<16xi32>,
        %add3A_1481 = arith.constant 16 : i32
        %add3A_1482 = vector.broadcast %add3A_1481 : i32 to vector<16xi32>
        %add3A_1483 = arith.addi %iota3A, %add3A_1482 : vector<16xi32>
        %gather3A_1484 = tpu.vector_load_idx %arg10[%add3A_1483, %broadcast_in_dim3A_1472] : memref<32x16xi32, #tpu.memory_space<vmem>>[vector<16xi32>, vector<16xi32>], vector<16xi32>,
        %swap3A_1485 = arith.constant 4 : i32
        %swap3A_1486 = arith.index_cast %swap3A_1485 : i32 to index
        %swap3A_1487 = arith.constant 16 : index
        %swap3A_1488 = tpu.vector_load %arg12[%swap3A_1486, %swap3A_1487] {strides = array<i32>} : memref<10x32xi32, #tpu.memory_space<vmem>>, vector<16xi32>,
        tpu.vector_store %arg12[%swap3A_1486, %swap3A_1487], %gather3A_1484 {strides = array<i32>} : memref<10x32xi32, #tpu.memory_space<vmem>>, vector<16xi32>,
        %broadcast_in_dim3A_1489 = arith.constant 5 : i32
        %broadcast_in_dim3A_1490 = vector.broadcast %broadcast_in_dim3A_1489 : i32 to vector<16xi32>
        %add3A_1491 = arith.constant 0 : i32
        %add3A_1492 = vector.broadcast %add3A_1491 : i32 to vector<16xi32>
        %add3A_1493 = arith.addi %iota3A, %add3A_1492 : vector<16xi32>
        %gather3A_1494 = tpu.vector_load_idx %arg10[%add3A_1493, %broadcast_in_dim3A_1490] : memref<32x16xi32, #tpu.memory_space<vmem>>[vector<16xi32>, vector<16xi32>], vector<16xi32>,
        %swap3A_1495 = arith.constant 5 : i32
        %swap3A_1496 = arith.index_cast %swap3A_1495 : i32 to index
        %swap3A_1497 = arith.constant 0 : index
        %swap3A_1498 = tpu.vector_load %arg12[%swap3A_1496, %swap3A_1497] {strides = array<i32>} : memref<10x32xi32, #tpu.memory_space<vmem>>, vector<16xi32>,
        tpu.vector_store %arg12[%swap3A_1496, %swap3A_1497], %gather3A_1494 {strides = array<i32>} : memref<10x32xi32, #tpu.memory_space<vmem>>, vector<16xi32>,
        %add3A_1499 = arith.constant 16 : i32
        %add3A_1500 = vector.broadcast %add3A_1499 : i32 to vector<16xi32>
        %add3A_1501 = arith.addi %iota3A, %add3A_1500 : vector<16xi32>
        %gather3A_1502 = tpu.vector_load_idx %arg10[%add3A_1501, %broadcast_in_dim3A_1490] : memref<32x16xi32, #tpu.memory_space<vmem>>[vector<16xi32>, vector<16xi32>], vector<16xi32>,
        %swap3A_1503 = arith.constant 5 : i32
        %swap3A_1504 = arith.index_cast %swap3A_1503 : i32 to index
        %swap3A_1505 = arith.constant 16 : index
        %swap3A_1506 = tpu.vector_load %arg12[%swap3A_1504, %swap3A_1505] {strides = array<i32>} : memref<10x32xi32, #tpu.memory_space<vmem>>, vector<16xi32>,
        tpu.vector_store %arg12[%swap3A_1504, %swap3A_1505], %gather3A_1502 {strides = array<i32>} : memref<10x32xi32, #tpu.memory_space<vmem>>, vector<16xi32>,
        %broadcast_in_dim3A_1507 = arith.constant 6 : i32
        %broadcast_in_dim3A_1508 = vector.broadcast %broadcast_in_dim3A_1507 : i32 to vector<16xi32>
        %add3A_1509 = arith.constant 0 : i32
        %add3A_1510 = vector.broadcast %add3A_1509 : i32 to vector<16xi32>
        %add3A_1511 = arith.addi %iota3A, %add3A_1510 : vector<16xi32>
        %gather3A_1512 = tpu.vector_load_idx %arg10[%add3A_1511, %broadcast_in_dim3A_1508] : memref<32x16xi32, #tpu.memory_space<vmem>>[vector<16xi32>, vector<16xi32>], vector<16xi32>,
        %swap3A_1513 = arith.constant 6 : i32
        %swap3A_1514 = arith.index_cast %swap3A_1513 : i32 to index
        %swap3A_1515 = arith.constant 0 : index
        %swap3A_1516 = tpu.vector_load %arg12[%swap3A_1514, %swap3A_1515] {strides = array<i32>} : memref<10x32xi32, #tpu.memory_space<vmem>>, vector<16xi32>,
        tpu.vector_store %arg12[%swap3A_1514, %swap3A_1515], %gather3A_1512 {strides = array<i32>} : memref<10x32xi32, #tpu.memory_space<vmem>>, vector<16xi32>,
        %add3A_1517 = arith.constant 16 : i32
        %add3A_1518 = vector.broadcast %add3A_1517 : i32 to vector<16xi32>
        %add3A_1519 = arith.addi %iota3A, %add3A_1518 : vector<16xi32>
        %gather3A_1520 = tpu.vector_load_idx %arg10[%add3A_1519, %broadcast_in_dim3A_1508] : memref<32x16xi32, #tpu.memory_space<vmem>>[vector<16xi32>, vector<16xi32>], vector<16xi32>,
        %swap3A_1521 = arith.constant 6 : i32
        %swap3A_1522 = arith.index_cast %swap3A_1521 : i32 to index
        %swap3A_1523 = arith.constant 16 : index
        %swap3A_1524 = tpu.vector_load %arg12[%swap3A_1522, %swap3A_1523] {strides = array<i32>} : memref<10x32xi32, #tpu.memory_space<vmem>>, vector<16xi32>,
        tpu.vector_store %arg12[%swap3A_1522, %swap3A_1523], %gather3A_1520 {strides = array<i32>} : memref<10x32xi32, #tpu.memory_space<vmem>>, vector<16xi32>,
        %broadcast_in_dim3A_1525 = arith.constant 7 : i32
        %broadcast_in_dim3A_1526 = vector.broadcast %broadcast_in_dim3A_1525 : i32 to vector<16xi32>
        %add3A_1527 = arith.constant 0 : i32
        %add3A_1528 = vector.broadcast %add3A_1527 : i32 to vector<16xi32>
        %add3A_1529 = arith.addi %iota3A, %add3A_1528 : vector<16xi32>
        %gather3A_1530 = tpu.vector_load_idx %arg10[%add3A_1529, %broadcast_in_dim3A_1526] : memref<32x16xi32, #tpu.memory_space<vmem>>[vector<16xi32>, vector<16xi32>], vector<16xi32>,
        %swap3A_1531 = arith.constant 7 : i32
        %swap3A_1532 = arith.index_cast %swap3A_1531 : i32 to index
        %swap3A_1533 = arith.constant 0 : index
        %swap3A_1534 = tpu.vector_load %arg12[%swap3A_1532, %swap3A_1533] {strides = array<i32>} : memref<10x32xi32, #tpu.memory_space<vmem>>, vector<16xi32>,
        tpu.vector_store %arg12[%swap3A_1532, %swap3A_1533], %gather3A_1530 {strides = array<i32>} : memref<10x32xi32, #tpu.memory_space<vmem>>, vector<16xi32>,
        %add3A_1535 = arith.constant 16 : i32
        %add3A_1536 = vector.broadcast %add3A_1535 : i32 to vector<16xi32>
        %add3A_1537 = arith.addi %iota3A, %add3A_1536 : vector<16xi32>
        %gather3A_1538 = tpu.vector_load_idx %arg10[%add3A_1537, %broadcast_in_dim3A_1526] : memref<32x16xi32, #tpu.memory_space<vmem>>[vector<16xi32>, vector<16xi32>], vector<16xi32>,
        %swap3A_1539 = arith.constant 7 : i32
        %swap3A_1540 = arith.index_cast %swap3A_1539 : i32 to index
        %swap3A_1541 = arith.constant 16 : index
        %swap3A_1542 = tpu.vector_load %arg12[%swap3A_1540, %swap3A_1541] {strides = array<i32>} : memref<10x32xi32, #tpu.memory_space<vmem>>, vector<16xi32>,
        tpu.vector_store %arg12[%swap3A_1540, %swap3A_1541], %gather3A_1538 {strides = array<i32>} : memref<10x32xi32, #tpu.memory_space<vmem>>, vector<16xi32>,
        %broadcast_in_dim3A_1543 = arith.constant 8 : i32
        %broadcast_in_dim3A_1544 = vector.broadcast %broadcast_in_dim3A_1543 : i32 to vector<16xi32>
        %add3A_1545 = arith.constant 0 : i32
        %add3A_1546 = vector.broadcast %add3A_1545 : i32 to vector<16xi32>
        %add3A_1547 = arith.addi %iota3A, %add3A_1546 : vector<16xi32>
        %gather3A_1548 = tpu.vector_load_idx %arg10[%add3A_1547, %broadcast_in_dim3A_1544] : memref<32x16xi32, #tpu.memory_space<vmem>>[vector<16xi32>, vector<16xi32>], vector<16xi32>,
        %swap3A_1549 = arith.constant 8 : i32
        %swap3A_1550 = arith.index_cast %swap3A_1549 : i32 to index
        %swap3A_1551 = arith.constant 0 : index
        %swap3A_1552 = tpu.vector_load %arg12[%swap3A_1550, %swap3A_1551] {strides = array<i32>} : memref<10x32xi32, #tpu.memory_space<vmem>>, vector<16xi32>,
        tpu.vector_store %arg12[%swap3A_1550, %swap3A_1551], %gather3A_1548 {strides = array<i32>} : memref<10x32xi32, #tpu.memory_space<vmem>>, vector<16xi32>,
        %add3A_1553 = arith.constant 16 : i32
        %add3A_1554 = vector.broadcast %add3A_1553 : i32 to vector<16xi32>
        %add3A_1555 = arith.addi %iota3A, %add3A_1554 : vector<16xi32>
        %gather3A_1556 = tpu.vector_load_idx %arg10[%add3A_1555, %broadcast_in_dim3A_1544] : memref<32x16xi32, #tpu.memory_space<vmem>>[vector<16xi32>, vector<16xi32>], vector<16xi32>,
        %swap3A_1557 = arith.constant 8 : i32
        %swap3A_1558 = arith.index_cast %swap3A_1557 : i32 to index
        %swap3A_1559 = arith.constant 16 : index
        %swap3A_1560 = tpu.vector_load %arg12[%swap3A_1558, %swap3A_1559] {strides = array<i32>} : memref<10x32xi32, #tpu.memory_space<vmem>>, vector<16xi32>,
        tpu.vector_store %arg12[%swap3A_1558, %swap3A_1559], %gather3A_1556 {strides = array<i32>} : memref<10x32xi32, #tpu.memory_space<vmem>>, vector<16xi32>,
        %broadcast_in_dim3A_1561 = arith.constant 9 : i32
        %broadcast_in_dim3A_1562 = vector.broadcast %broadcast_in_dim3A_1561 : i32 to vector<16xi32>
        %add3A_1563 = arith.constant 0 : i32
        %add3A_1564 = vector.broadcast %add3A_1563 : i32 to vector<16xi32>
        %add3A_1565 = arith.addi %iota3A, %add3A_1564 : vector<16xi32>
        %gather3A_1566 = tpu.vector_load_idx %arg10[%add3A_1565, %broadcast_in_dim3A_1562] : memref<32x16xi32, #tpu.memory_space<vmem>>[vector<16xi32>, vector<16xi32>], vector<16xi32>,
        %swap3A_1567 = arith.constant 9 : i32
        %swap3A_1568 = arith.index_cast %swap3A_1567 : i32 to index
        %swap3A_1569 = arith.constant 0 : index
        %swap3A_1570 = tpu.vector_load %arg12[%swap3A_1568, %swap3A_1569] {strides = array<i32>} : memref<10x32xi32, #tpu.memory_space<vmem>>, vector<16xi32>,
        tpu.vector_store %arg12[%swap3A_1568, %swap3A_1569], %gather3A_1566 {strides = array<i32>} : memref<10x32xi32, #tpu.memory_space<vmem>>, vector<16xi32>,
        %add3A_1571 = arith.constant 16 : i32
        %add3A_1572 = vector.broadcast %add3A_1571 : i32 to vector<16xi32>
        %add3A_1573 = arith.addi %iota3A, %add3A_1572 : vector<16xi32>
        %gather3A_1574 = tpu.vector_load_idx %arg10[%add3A_1573, %broadcast_in_dim3A_1562] : memref<32x16xi32, #tpu.memory_space<vmem>>[vector<16xi32>, vector<16xi32>], vector<16xi32>,
        %swap3A_1575 = arith.constant 9 : i32
        %swap3A_1576 = arith.index_cast %swap3A_1575 : i32 to index
        %swap3A_1577 = arith.constant 16 : index
        %swap3A_1578 = tpu.vector_load %arg12[%swap3A_1576, %swap3A_1577] {strides = array<i32>} : memref<10x32xi32, #tpu.memory_space<vmem>>, vector<16xi32>,
        tpu.vector_store %arg12[%swap3A_1576, %swap3A_1577], %gather3A_1574 {strides = array<i32>} : memref<10x32xi32, #tpu.memory_space<vmem>>, vector<16xi32>,
      } else {
      }
      %add3A_1138 = arith.constant 2 : i32
      %add3A_1139 = arith.addi %add3A_1133, %add3A_1138 : i32
      %lt3A_1140 = arith.constant 44 : i32
      %lt3A_1141 = arith.cmpi slt, %add3A_1139, %lt3A_1140 : i32
      %convert_element_type3A_1142 = arith.extui %lt3A_1141 : i1 to i32
      %cond3A_1143 = arith.constant 0 : i32
      %cond3A_1144 = arith.cmpi ne, %convert_element_type3A_1142, %cond3A_1143 : i32
      scf.if %cond3A_1144 {
        %add3A_1394 = arith.constant 2 : i32
        %add3A_1395 = arith.addi %add3A_1133, %add3A_1394 : i32
        %mul3A_1396 = arith.constant 32 : i32
        %mul3A_1397 = arith.muli %add3A_1395, %mul3A_1396 : i32
        %dma_start3A_1398 = tpu.memref_slice %arg7[%mul3A_1397] : memref<1408xi32, #tpu.memory_space<vmem>> -> memref<32xi32, #tpu.memory_space<vmem>>
        %dma_start3A_1399 = arith.constant 0 : i32
        %dma_start3A_1400 = arith.constant 0 : i32
        %dma_start3A_1401 = tpu.memref_slice %arg3[%dma_start3A_1399, %dma_start3A_1400] : memref<100000x16xi32, #tpu.memory_space<hbm>> -> memref<100000x16xi32, #tpu.memory_space<hbm>>
        tpu.enqueue_indirect_dma source(%dma_start3A_1401 : memref<100000x16xi32, #tpu.memory_space<hbm>>) target(%arg9 : memref<32x16xi32, #tpu.memory_space<vmem>>) offsets(%dma_start3A_1398 : memref<32xi32, #tpu.memory_space<vmem>>) semaphore(%arg37 : memref<!tpu.dma_semaphore, #tpu.memory_space<semaphore_mem>>)
      } else {
      }
      %ge3A = arith.constant 1 : i32
      %ge3A_1145 = arith.cmpi sge, %add3A_1133, %ge3A : i32
      %convert_element_type3A_1146 = arith.extui %ge3A_1145 : i1 to i32
      %cond3A_1147 = arith.constant 0 : i32
      %cond3A_1148 = arith.cmpi ne, %convert_element_type3A_1146, %cond3A_1147 : i32
      scf.if %cond3A_1148 {
        %dma_wait3A_1394 = arith.constant 0 : i32
        %dma_wait3A_1395 = arith.constant 0 : i32
        %dma_wait3A_1396 = tpu.memref_slice %arg2[%dma_wait3A_1394, %dma_wait3A_1395] : memref<100000x128xf32, #tpu.memory_space<hbm>> -> memref<32x128xf32, #tpu.memory_space<hbm>>
        %dma_wait3A_1397 = arith.constant 0 : i32
        %dma_wait3A_1398 = arith.constant 0 : i32
        %dma_wait3A_1399 = tpu.memref_slice %arg2[%dma_wait3A_1397, %dma_wait3A_1398] : memref<100000x128xf32, #tpu.memory_space<hbm>> -> memref<32x128xf32, #tpu.memory_space<hbm>>
        tpu.wait_dma2 semaphore(%arg44 : memref<!tpu.dma_semaphore, #tpu.memory_space<semaphore_mem>>) src(%dma_wait3A_1399 : memref<32x128xf32, #tpu.memory_space<hbm>>) dst(%arg14 : memref<32x128xf32, #tpu.memory_space<vmem>>)
      } else {
      }
      %ge3A_1149 = arith.constant 1 : i32
      %ge3A_1150 = arith.cmpi sge, %scan3A_1129, %ge3A_1149 : i32
      %convert_element_type3A_1151 = arith.extui %ge3A_1150 : i1 to i32
      %cond3A_1152 = arith.constant 0 : i32
      %cond3A_1153 = arith.cmpi ne, %convert_element_type3A_1151, %cond3A_1152 : i32
      scf.if %cond3A_1153 {
        %dma_wait3A_1394 = arith.constant 0 : i32
        %dma_wait3A_1395 = arith.constant 0 : i32
        %dma_wait3A_1396 = tpu.memref_slice %arg2[%dma_wait3A_1394, %dma_wait3A_1395] : memref<100000x128xf32, #tpu.memory_space<hbm>> -> memref<32x128xf32, #tpu.memory_space<hbm>>
        %dma_wait3A_1397 = arith.constant 0 : i32
        %dma_wait3A_1398 = arith.constant 0 : i32
        %dma_wait3A_1399 = tpu.memref_slice %arg2[%dma_wait3A_1397, %dma_wait3A_1398] : memref<100000x128xf32, #tpu.memory_space<hbm>> -> memref<32x128xf32, #tpu.memory_space<hbm>>
        tpu.wait_dma2 semaphore(%arg45 : memref<!tpu.dma_semaphore, #tpu.memory_space<semaphore_mem>>) src(%dma_wait3A_1399 : memref<32x128xf32, #tpu.memory_space<hbm>>) dst(%arg15 : memref<32x128xf32, #tpu.memory_space<vmem>>)
      } else {
      }
      %add3A_1154 = arith.constant 1 : i32
      %add3A_1155 = arith.addi %add3A_1133, %add3A_1154 : i32
      %lt3A_1156 = arith.constant 44 : i32
      %lt3A_1157 = arith.cmpi slt, %add3A_1155, %lt3A_1156 : i32
      %convert_element_type3A_1158 = arith.extui %lt3A_1157 : i1 to i32
      %cond3A_1159 = arith.constant 0 : i32
      %cond3A_1160 = arith.cmpi ne, %convert_element_type3A_1158, %cond3A_1159 : i32
      scf.if %cond3A_1160 {
        %add3A_1394 = arith.constant 1 : i32
        %add3A_1395 = arith.addi %add3A_1133, %add3A_1394 : i32
        %dma_start3A_1396 = arith.constant 0 : i32
        %dma_start3A_1397 = arith.constant 0 : i32
        %dma_start3A_1398 = tpu.memref_slice %arg12[%dma_start3A_1396, %dma_start3A_1397] : memref<10x32xi32, #tpu.memory_space<vmem>> -> memref<1x32xi32, #tpu.memory_space<vmem>>
        %dma_start3A_1399 = tpu.memref_squeeze %dma_start3A_1398 : memref<1x32xi32, #tpu.memory_space<vmem>> -> memref<32xi32, #tpu.memory_space<vmem>>
        %dma_start3A_1400 = arith.constant 0 : i32
        %dma_start3A_1401 = arith.constant 0 : i32
        %dma_start3A_1402 = tpu.memref_slice %arg2[%dma_start3A_1400, %dma_start3A_1401] : memref<100000x128xf32, #tpu.memory_space<hbm>> -> memref<100000x128xf32, #tpu.memory_space<hbm>>
        tpu.enqueue_indirect_dma source(%dma_start3A_1402 : memref<100000x128xf32, #tpu.memory_space<hbm>>) target(%arg27 : memref<32x128xf32, #tpu.memory_space<vmem>>) offsets(%dma_start3A_1399 : memref<32xi32, #tpu.memory_space<vmem>>) semaphore(%arg42 : memref<!tpu.dma_semaphore, #tpu.memory_space<semaphore_mem>>)
        %dma_start3A_1403 = arith.constant 1 : i32
        %dma_start3A_1404 = arith.constant 0 : i32
        %dma_start3A_1405 = tpu.memref_slice %arg12[%dma_start3A_1403, %dma_start3A_1404] : memref<10x32xi32, #tpu.memory_space<vmem>> -> memref<1x32xi32, #tpu.memory_space<vmem>>
        %dma_start3A_1406 = tpu.memref_squeeze %dma_start3A_1405 : memref<1x32xi32, #tpu.memory_space<vmem>> -> memref<32xi32, #tpu.memory_space<vmem>>
        %dma_start3A_1407 = arith.constant 0 : i32
        %dma_start3A_1408 = arith.constant 0 : i32
        %dma_start3A_1409 = tpu.memref_slice %arg2[%dma_start3A_1407, %dma_start3A_1408] : memref<100000x128xf32, #tpu.memory_space<hbm>> -> memref<100000x128xf32, #tpu.memory_space<hbm>>
        tpu.enqueue_indirect_dma source(%dma_start3A_1409 : memref<100000x128xf32, #tpu.memory_space<hbm>>) target(%arg28 : memref<32x128xf32, #tpu.memory_space<vmem>>) offsets(%dma_start3A_1406 : memref<32xi32, #tpu.memory_space<vmem>>) semaphore(%arg42 : memref<!tpu.dma_semaphore, #tpu.memory_space<semaphore_mem>>)
        %dma_start3A_1410 = arith.constant 2 : i32
        %dma_start3A_1411 = arith.constant 0 : i32
        %dma_start3A_1412 = tpu.memref_slice %arg12[%dma_start3A_1410, %dma_start3A_1411] : memref<10x32xi32, #tpu.memory_space<vmem>> -> memref<1x32xi32, #tpu.memory_space<vmem>>
        %dma_start3A_1413 = tpu.memref_squeeze %dma_start3A_1412 : memref<1x32xi32, #tpu.memory_space<vmem>> -> memref<32xi32, #tpu.memory_space<vmem>>
        %dma_start3A_1414 = arith.constant 0 : i32
        %dma_start3A_1415 = arith.constant 0 : i32
        %dma_start3A_1416 = tpu.memref_slice %arg2[%dma_start3A_1414, %dma_start3A_1415] : memref<100000x128xf32, #tpu.memory_space<hbm>> -> memref<100000x128xf32, #tpu.memory_space<hbm>>
        tpu.enqueue_indirect_dma source(%dma_start3A_1416 : memref<100000x128xf32, #tpu.memory_space<hbm>>) target(%arg29 : memref<32x128xf32, #tpu.memory_space<vmem>>) offsets(%dma_start3A_1413 : memref<32xi32, #tpu.memory_space<vmem>>) semaphore(%arg42 : memref<!tpu.dma_semaphore, #tpu.memory_space<semaphore_mem>>)
        %dma_start3A_1417 = arith.constant 3 : i32
        %dma_start3A_1418 = arith.constant 0 : i32
        %dma_start3A_1419 = tpu.memref_slice %arg12[%dma_start3A_1417, %dma_start3A_1418] : memref<10x32xi32, #tpu.memory_space<vmem>> -> memref<1x32xi32, #tpu.memory_space<vmem>>
        %dma_start3A_1420 = tpu.memref_squeeze %dma_start3A_1419 : memref<1x32xi32, #tpu.memory_space<vmem>> -> memref<32xi32, #tpu.memory_space<vmem>>
        %dma_start3A_1421 = arith.constant 0 : i32
        %dma_start3A_1422 = arith.constant 0 : i32
        %dma_start3A_1423 = tpu.memref_slice %arg2[%dma_start3A_1421, %dma_start3A_1422] : memref<100000x128xf32, #tpu.memory_space<hbm>> -> memref<100000x128xf32, #tpu.memory_space<hbm>>
        tpu.enqueue_indirect_dma source(%dma_start3A_1423 : memref<100000x128xf32, #tpu.memory_space<hbm>>) target(%arg30 : memref<32x128xf32, #tpu.memory_space<vmem>>) offsets(%dma_start3A_1420 : memref<32xi32, #tpu.memory_space<vmem>>) semaphore(%arg42 : memref<!tpu.dma_semaphore, #tpu.memory_space<semaphore_mem>>)
        %dma_start3A_1424 = arith.constant 4 : i32
        %dma_start3A_1425 = arith.constant 0 : i32
        %dma_start3A_1426 = tpu.memref_slice %arg12[%dma_start3A_1424, %dma_start3A_1425] : memref<10x32xi32, #tpu.memory_space<vmem>> -> memref<1x32xi32, #tpu.memory_space<vmem>>
        %dma_start3A_1427 = tpu.memref_squeeze %dma_start3A_1426 : memref<1x32xi32, #tpu.memory_space<vmem>> -> memref<32xi32, #tpu.memory_space<vmem>>
        %dma_start3A_1428 = arith.constant 0 : i32
        %dma_start3A_1429 = arith.constant 0 : i32
        %dma_start3A_1430 = tpu.memref_slice %arg2[%dma_start3A_1428, %dma_start3A_1429] : memref<100000x128xf32, #tpu.memory_space<hbm>> -> memref<100000x128xf32, #tpu.memory_space<hbm>>
        tpu.enqueue_indirect_dma source(%dma_start3A_1430 : memref<100000x128xf32, #tpu.memory_space<hbm>>) target(%arg31 : memref<32x128xf32, #tpu.memory_space<vmem>>) offsets(%dma_start3A_1427 : memref<32xi32, #tpu.memory_space<vmem>>) semaphore(%arg42 : memref<!tpu.dma_semaphore, #tpu.memory_space<semaphore_mem>>)
        %dma_start3A_1431 = arith.constant 5 : i32
        %dma_start3A_1432 = arith.constant 0 : i32
        %dma_start3A_1433 = tpu.memref_slice %arg12[%dma_start3A_1431, %dma_start3A_1432] : memref<10x32xi32, #tpu.memory_space<vmem>> -> memref<1x32xi32, #tpu.memory_space<vmem>>
        %dma_start3A_1434 = tpu.memref_squeeze %dma_start3A_1433 : memref<1x32xi32, #tpu.memory_space<vmem>> -> memref<32xi32, #tpu.memory_space<vmem>>
        %dma_start3A_1435 = arith.constant 0 : i32
        %dma_start3A_1436 = arith.constant 0 : i32
        %dma_start3A_1437 = tpu.memref_slice %arg2[%dma_start3A_1435, %dma_start3A_1436] : memref<100000x128xf32, #tpu.memory_space<hbm>> -> memref<100000x128xf32, #tpu.memory_space<hbm>>
        tpu.enqueue_indirect_dma source(%dma_start3A_1437 : memref<100000x128xf32, #tpu.memory_space<hbm>>) target(%arg32 : memref<32x128xf32, #tpu.memory_space<vmem>>) offsets(%dma_start3A_1434 : memref<32xi32, #tpu.memory_space<vmem>>) semaphore(%arg42 : memref<!tpu.dma_semaphore, #tpu.memory_space<semaphore_mem>>)
        %dma_start3A_1438 = arith.constant 6 : i32
        %dma_start3A_1439 = arith.constant 0 : i32
        %dma_start3A_1440 = tpu.memref_slice %arg12[%dma_start3A_1438, %dma_start3A_1439] : memref<10x32xi32, #tpu.memory_space<vmem>> -> memref<1x32xi32, #tpu.memory_space<vmem>>
        %dma_start3A_1441 = tpu.memref_squeeze %dma_start3A_1440 : memref<1x32xi32, #tpu.memory_space<vmem>> -> memref<32xi32, #tpu.memory_space<vmem>>
        %dma_start3A_1442 = arith.constant 0 : i32
        %dma_start3A_1443 = arith.constant 0 : i32
        %dma_start3A_1444 = tpu.memref_slice %arg2[%dma_start3A_1442, %dma_start3A_1443] : memref<100000x128xf32, #tpu.memory_space<hbm>> -> memref<100000x128xf32, #tpu.memory_space<hbm>>
        tpu.enqueue_indirect_dma source(%dma_start3A_1444 : memref<100000x128xf32, #tpu.memory_space<hbm>>) target(%arg33 : memref<32x128xf32, #tpu.memory_space<vmem>>) offsets(%dma_start3A_1441 : memref<32xi32, #tpu.memory_space<vmem>>) semaphore(%arg42 : memref<!tpu.dma_semaphore, #tpu.memory_space<semaphore_mem>>)
        %dma_start3A_1445 = arith.constant 7 : i32
        %dma_start3A_1446 = arith.constant 0 : i32
        %dma_start3A_1447 = tpu.memref_slice %arg12[%dma_start3A_1445, %dma_start3A_1446] : memref<10x32xi32, #tpu.memory_space<vmem>> -> memref<1x32xi32, #tpu.memory_space<vmem>>
        %dma_start3A_1448 = tpu.memref_squeeze %dma_start3A_1447 : memref<1x32xi32, #tpu.memory_space<vmem>> -> memref<32xi32, #tpu.memory_space<vmem>>
        %dma_start3A_1449 = arith.constant 0 : i32
        %dma_start3A_1450 = arith.constant 0 : i32
        %dma_start3A_1451 = tpu.memref_slice %arg2[%dma_start3A_1449, %dma_start3A_1450] : memref<100000x128xf32, #tpu.memory_space<hbm>> -> memref<100000x128xf32, #tpu.memory_space<hbm>>
        tpu.enqueue_indirect_dma source(%dma_start3A_1451 : memref<100000x128xf32, #tpu.memory_space<hbm>>) target(%arg34 : memref<32x128xf32, #tpu.memory_space<vmem>>) offsets(%dma_start3A_1448 : memref<32xi32, #tpu.memory_space<vmem>>) semaphore(%arg42 : memref<!tpu.dma_semaphore, #tpu.memory_space<semaphore_mem>>)
        %dma_start3A_1452 = arith.constant 8 : i32
        %dma_start3A_1453 = arith.constant 0 : i32
        %dma_start3A_1454 = tpu.memref_slice %arg12[%dma_start3A_1452, %dma_start3A_1453] : memref<10x32xi32, #tpu.memory_space<vmem>> -> memref<1x32xi32, #tpu.memory_space<vmem>>
        %dma_start3A_1455 = tpu.memref_squeeze %dma_start3A_1454 : memref<1x32xi32, #tpu.memory_space<vmem>> -> memref<32xi32, #tpu.memory_space<vmem>>
        %dma_start3A_1456 = arith.constant 0 : i32
        %dma_start3A_1457 = arith.constant 0 : i32
        %dma_start3A_1458 = tpu.memref_slice %arg2[%dma_start3A_1456, %dma_start3A_1457] : memref<100000x128xf32, #tpu.memory_space<hbm>> -> memref<100000x128xf32, #tpu.memory_space<hbm>>
        tpu.enqueue_indirect_dma source(%dma_start3A_1458 : memref<100000x128xf32, #tpu.memory_space<hbm>>) target(%arg35 : memref<32x128xf32, #tpu.memory_space<vmem>>) offsets(%dma_start3A_1455 : memref<32xi32, #tpu.memory_space<vmem>>) semaphore(%arg42 : memref<!tpu.dma_semaphore, #tpu.memory_space<semaphore_mem>>)
        %dma_start3A_1459 = arith.constant 9 : i32
        %dma_start3A_1460 = arith.constant 0 : i32
        %dma_start3A_1461 = tpu.memref_slice %arg12[%dma_start3A_1459, %dma_start3A_1460] : memref<10x32xi32, #tpu.memory_space<vmem>> -> memref<1x32xi32, #tpu.memory_space<vmem>>
        %dma_start3A_1462 = tpu.memref_squeeze %dma_start3A_1461 : memref<1x32xi32, #tpu.memory_space<vmem>> -> memref<32xi32, #tpu.memory_space<vmem>>
        %dma_start3A_1463 = arith.constant 0 : i32
        %dma_start3A_1464 = arith.constant 0 : i32
        %dma_start3A_1465 = tpu.memref_slice %arg2[%dma_start3A_1463, %dma_start3A_1464] : memref<100000x128xf32, #tpu.memory_space<hbm>> -> memref<100000x128xf32, #tpu.memory_space<hbm>>
        tpu.enqueue_indirect_dma source(%dma_start3A_1465 : memref<100000x128xf32, #tpu.memory_space<hbm>>) target(%arg36 : memref<32x128xf32, #tpu.memory_space<vmem>>) offsets(%dma_start3A_1462 : memref<32xi32, #tpu.memory_space<vmem>>) semaphore(%arg42 : memref<!tpu.dma_semaphore, #tpu.memory_space<semaphore_mem>>)
        %mul3A_1466 = arith.constant 32 : i32
        %mul3A_1467 = arith.muli %add3A_1395, %mul3A_1466 : i32
        %dma_start3A_1468 = tpu.memref_slice %arg7[%mul3A_1467] : memref<1408xi32, #tpu.memory_space<vmem>> -> memref<32xi32, #tpu.memory_space<vmem>>
        %dma_start3A_1469 = arith.constant 0 : i32
        %dma_start3A_1470 = arith.constant 0 : i32
        %dma_start3A_1471 = tpu.memref_slice %arg2[%dma_start3A_1469, %dma_start3A_1470] : memref<100000x128xf32, #tpu.memory_space<hbm>> -> memref<100000x128xf32, #tpu.memory_space<hbm>>
        tpu.enqueue_indirect_dma source(%dma_start3A_1471 : memref<100000x128xf32, #tpu.memory_space<hbm>>) target(%arg14 : memref<32x128xf32, #tpu.memory_space<vmem>>) offsets(%dma_start3A_1468 : memref<32xi32, #tpu.memory_space<vmem>>) semaphore(%arg40 : memref<!tpu.dma_semaphore, #tpu.memory_space<semaphore_mem>>)
      } else {
      }
      %dma_wait3A_1161 = arith.constant 0 : i32
      %dma_wait3A_1162 = arith.constant 0 : i32
      %dma_wait3A_1163 = tpu.memref_slice %arg11[%dma_wait3A_1161, %dma_wait3A_1162] : memref<10x32xi32, #tpu.memory_space<vmem>> -> memref<1x32xi32, #tpu.memory_space<vmem>>
      %dma_wait3A_1164 = tpu.memref_squeeze %dma_wait3A_1163 : memref<1x32xi32, #tpu.memory_space<vmem>> -> memref<32xi32, #tpu.memory_space<vmem>>
      %dma_wait3A_1165 = arith.constant 0 : i32
      %dma_wait3A_1166 = arith.constant 0 : i32
      %dma_wait3A_1167 = tpu.memref_slice %arg2[%dma_wait3A_1165, %dma_wait3A_1166] : memref<100000x128xf32, #tpu.memory_space<hbm>> -> memref<100000x128xf32, #tpu.memory_space<hbm>>
      tpu.wait_indirect_dma semaphore(%arg41 : memref<!tpu.dma_semaphore, #tpu.memory_space<semaphore_mem>>) src(%dma_wait3A_1167 : memref<100000x128xf32, #tpu.memory_space<hbm>>) dst(%arg17 : memref<32x128xf32, #tpu.memory_space<vmem>>)
      %dma_wait3A_1168 = arith.constant 1 : i32
      %dma_wait3A_1169 = arith.constant 0 : i32
      %dma_wait3A_1170 = tpu.memref_slice %arg11[%dma_wait3A_1168, %dma_wait3A_1169] : memref<10x32xi32, #tpu.memory_space<vmem>> -> memref<1x32xi32, #tpu.memory_space<vmem>>
      %dma_wait3A_1171 = tpu.memref_squeeze %dma_wait3A_1170 : memref<1x32xi32, #tpu.memory_space<vmem>> -> memref<32xi32, #tpu.memory_space<vmem>>
      %dma_wait3A_1172 = arith.constant 0 : i32
      %dma_wait3A_1173 = arith.constant 0 : i32
      %dma_wait3A_1174 = tpu.memref_slice %arg2[%dma_wait3A_1172, %dma_wait3A_1173] : memref<100000x128xf32, #tpu.memory_space<hbm>> -> memref<100000x128xf32, #tpu.memory_space<hbm>>
      tpu.wait_indirect_dma semaphore(%arg41 : memref<!tpu.dma_semaphore, #tpu.memory_space<semaphore_mem>>) src(%dma_wait3A_1174 : memref<100000x128xf32, #tpu.memory_space<hbm>>) dst(%arg18 : memref<32x128xf32, #tpu.memory_space<vmem>>)
      %dma_wait3A_1175 = arith.constant 2 : i32
      %dma_wait3A_1176 = arith.constant 0 : i32
      %dma_wait3A_1177 = tpu.memref_slice %arg11[%dma_wait3A_1175, %dma_wait3A_1176] : memref<10x32xi32, #tpu.memory_space<vmem>> -> memref<1x32xi32, #tpu.memory_space<vmem>>
      %dma_wait3A_1178 = tpu.memref_squeeze %dma_wait3A_1177 : memref<1x32xi32, #tpu.memory_space<vmem>> -> memref<32xi32, #tpu.memory_space<vmem>>
      %dma_wait3A_1179 = arith.constant 0 : i32
      %dma_wait3A_1180 = arith.constant 0 : i32
      %dma_wait3A_1181 = tpu.memref_slice %arg2[%dma_wait3A_1179, %dma_wait3A_1180] : memref<100000x128xf32, #tpu.memory_space<hbm>> -> memref<100000x128xf32, #tpu.memory_space<hbm>>
      tpu.wait_indirect_dma semaphore(%arg41 : memref<!tpu.dma_semaphore, #tpu.memory_space<semaphore_mem>>) src(%dma_wait3A_1181 : memref<100000x128xf32, #tpu.memory_space<hbm>>) dst(%arg19 : memref<32x128xf32, #tpu.memory_space<vmem>>)
      %dma_wait3A_1182 = arith.constant 3 : i32
      %dma_wait3A_1183 = arith.constant 0 : i32
      %dma_wait3A_1184 = tpu.memref_slice %arg11[%dma_wait3A_1182, %dma_wait3A_1183] : memref<10x32xi32, #tpu.memory_space<vmem>> -> memref<1x32xi32, #tpu.memory_space<vmem>>
      %dma_wait3A_1185 = tpu.memref_squeeze %dma_wait3A_1184 : memref<1x32xi32, #tpu.memory_space<vmem>> -> memref<32xi32, #tpu.memory_space<vmem>>
      %dma_wait3A_1186 = arith.constant 0 : i32
      %dma_wait3A_1187 = arith.constant 0 : i32
      %dma_wait3A_1188 = tpu.memref_slice %arg2[%dma_wait3A_1186, %dma_wait3A_1187] : memref<100000x128xf32, #tpu.memory_space<hbm>> -> memref<100000x128xf32, #tpu.memory_space<hbm>>
      tpu.wait_indirect_dma semaphore(%arg41 : memref<!tpu.dma_semaphore, #tpu.memory_space<semaphore_mem>>) src(%dma_wait3A_1188 : memref<100000x128xf32, #tpu.memory_space<hbm>>) dst(%arg20 : memref<32x128xf32, #tpu.memory_space<vmem>>)
      %dma_wait3A_1189 = arith.constant 4 : i32
      %dma_wait3A_1190 = arith.constant 0 : i32
      %dma_wait3A_1191 = tpu.memref_slice %arg11[%dma_wait3A_1189, %dma_wait3A_1190] : memref<10x32xi32, #tpu.memory_space<vmem>> -> memref<1x32xi32, #tpu.memory_space<vmem>>
      %dma_wait3A_1192 = tpu.memref_squeeze %dma_wait3A_1191 : memref<1x32xi32, #tpu.memory_space<vmem>> -> memref<32xi32, #tpu.memory_space<vmem>>
      %dma_wait3A_1193 = arith.constant 0 : i32
      %dma_wait3A_1194 = arith.constant 0 : i32
      %dma_wait3A_1195 = tpu.memref_slice %arg2[%dma_wait3A_1193, %dma_wait3A_1194] : memref<100000x128xf32, #tpu.memory_space<hbm>> -> memref<100000x128xf32, #tpu.memory_space<hbm>>
      tpu.wait_indirect_dma semaphore(%arg41 : memref<!tpu.dma_semaphore, #tpu.memory_space<semaphore_mem>>) src(%dma_wait3A_1195 : memref<100000x128xf32, #tpu.memory_space<hbm>>) dst(%arg21 : memref<32x128xf32, #tpu.memory_space<vmem>>)
      %dma_wait3A_1196 = arith.constant 5 : i32
      %dma_wait3A_1197 = arith.constant 0 : i32
      %dma_wait3A_1198 = tpu.memref_slice %arg11[%dma_wait3A_1196, %dma_wait3A_1197] : memref<10x32xi32, #tpu.memory_space<vmem>> -> memref<1x32xi32, #tpu.memory_space<vmem>>
      %dma_wait3A_1199 = tpu.memref_squeeze %dma_wait3A_1198 : memref<1x32xi32, #tpu.memory_space<vmem>> -> memref<32xi32, #tpu.memory_space<vmem>>
      %dma_wait3A_1200 = arith.constant 0 : i32
      %dma_wait3A_1201 = arith.constant 0 : i32
      %dma_wait3A_1202 = tpu.memref_slice %arg2[%dma_wait3A_1200, %dma_wait3A_1201] : memref<100000x128xf32, #tpu.memory_space<hbm>> -> memref<100000x128xf32, #tpu.memory_space<hbm>>
      tpu.wait_indirect_dma semaphore(%arg41 : memref<!tpu.dma_semaphore, #tpu.memory_space<semaphore_mem>>) src(%dma_wait3A_1202 : memref<100000x128xf32, #tpu.memory_space<hbm>>) dst(%arg22 : memref<32x128xf32, #tpu.memory_space<vmem>>)
      %dma_wait3A_1203 = arith.constant 6 : i32
      %dma_wait3A_1204 = arith.constant 0 : i32
      %dma_wait3A_1205 = tpu.memref_slice %arg11[%dma_wait3A_1203, %dma_wait3A_1204] : memref<10x32xi32, #tpu.memory_space<vmem>> -> memref<1x32xi32, #tpu.memory_space<vmem>>
      %dma_wait3A_1206 = tpu.memref_squeeze %dma_wait3A_1205 : memref<1x32xi32, #tpu.memory_space<vmem>> -> memref<32xi32, #tpu.memory_space<vmem>>
      %dma_wait3A_1207 = arith.constant 0 : i32
      %dma_wait3A_1208 = arith.constant 0 : i32
      %dma_wait3A_1209 = tpu.memref_slice %arg2[%dma_wait3A_1207, %dma_wait3A_1208] : memref<100000x128xf32, #tpu.memory_space<hbm>> -> memref<100000x128xf32, #tpu.memory_space<hbm>>
      tpu.wait_indirect_dma semaphore(%arg41 : memref<!tpu.dma_semaphore, #tpu.memory_space<semaphore_mem>>) src(%dma_wait3A_1209 : memref<100000x128xf32, #tpu.memory_space<hbm>>) dst(%arg23 : memref<32x128xf32, #tpu.memory_space<vmem>>)
      %dma_wait3A_1210 = arith.constant 7 : i32
      %dma_wait3A_1211 = arith.constant 0 : i32
      %dma_wait3A_1212 = tpu.memref_slice %arg11[%dma_wait3A_1210, %dma_wait3A_1211] : memref<10x32xi32, #tpu.memory_space<vmem>> -> memref<1x32xi32, #tpu.memory_space<vmem>>
      %dma_wait3A_1213 = tpu.memref_squeeze %dma_wait3A_1212 : memref<1x32xi32, #tpu.memory_space<vmem>> -> memref<32xi32, #tpu.memory_space<vmem>>
      %dma_wait3A_1214 = arith.constant 0 : i32
      %dma_wait3A_1215 = arith.constant 0 : i32
      %dma_wait3A_1216 = tpu.memref_slice %arg2[%dma_wait3A_1214, %dma_wait3A_1215] : memref<100000x128xf32, #tpu.memory_space<hbm>> -> memref<100000x128xf32, #tpu.memory_space<hbm>>
      tpu.wait_indirect_dma semaphore(%arg41 : memref<!tpu.dma_semaphore, #tpu.memory_space<semaphore_mem>>) src(%dma_wait3A_1216 : memref<100000x128xf32, #tpu.memory_space<hbm>>) dst(%arg24 : memref<32x128xf32, #tpu.memory_space<vmem>>)
      %dma_wait3A_1217 = arith.constant 8 : i32
      %dma_wait3A_1218 = arith.constant 0 : i32
      %dma_wait3A_1219 = tpu.memref_slice %arg11[%dma_wait3A_1217, %dma_wait3A_1218] : memref<10x32xi32, #tpu.memory_space<vmem>> -> memref<1x32xi32, #tpu.memory_space<vmem>>
      %dma_wait3A_1220 = tpu.memref_squeeze %dma_wait3A_1219 : memref<1x32xi32, #tpu.memory_space<vmem>> -> memref<32xi32, #tpu.memory_space<vmem>>
      %dma_wait3A_1221 = arith.constant 0 : i32
      %dma_wait3A_1222 = arith.constant 0 : i32
      %dma_wait3A_1223 = tpu.memref_slice %arg2[%dma_wait3A_1221, %dma_wait3A_1222] : memref<100000x128xf32, #tpu.memory_space<hbm>> -> memref<100000x128xf32, #tpu.memory_space<hbm>>
      tpu.wait_indirect_dma semaphore(%arg41 : memref<!tpu.dma_semaphore, #tpu.memory_space<semaphore_mem>>) src(%dma_wait3A_1223 : memref<100000x128xf32, #tpu.memory_space<hbm>>) dst(%arg25 : memref<32x128xf32, #tpu.memory_space<vmem>>)
      %dma_wait3A_1224 = arith.constant 9 : i32
      %dma_wait3A_1225 = arith.constant 0 : i32
      %dma_wait3A_1226 = tpu.memref_slice %arg11[%dma_wait3A_1224, %dma_wait3A_1225] : memref<10x32xi32, #tpu.memory_space<vmem>> -> memref<1x32xi32, #tpu.memory_space<vmem>>
      %dma_wait3A_1227 = tpu.memref_squeeze %dma_wait3A_1226 : memref<1x32xi32, #tpu.memory_space<vmem>> -> memref<32xi32, #tpu.memory_space<vmem>>
      %dma_wait3A_1228 = arith.constant 0 : i32
      %dma_wait3A_1229 = arith.constant 0 : i32
      %dma_wait3A_1230 = tpu.memref_slice %arg2[%dma_wait3A_1228, %dma_wait3A_1229] : memref<100000x128xf32, #tpu.memory_space<hbm>> -> memref<100000x128xf32, #tpu.memory_space<hbm>>
      tpu.wait_indirect_dma semaphore(%arg41 : memref<!tpu.dma_semaphore, #tpu.memory_space<semaphore_mem>>) src(%dma_wait3A_1230 : memref<100000x128xf32, #tpu.memory_space<hbm>>) dst(%arg26 : memref<32x128xf32, #tpu.memory_space<vmem>>)
      %scan3A_1231 = arith.constant 0 : i32
      %scan3A_1232 = arith.constant 0 : i32
      %scan3A_1233 = arith.constant 32 : i32
      %scan3A_1234 = arith.addi %scan3A_1232, %scan3A_1233 : i32
      %scan3A_1235 = arith.constant 1 : i32
      scf.for %scan3A_1394 = %scan3A_1232 to %scan3A_1234 step %scan3A_1235  : i32 {
        %get3A = arith.index_cast %scan3A_1394 : i32 to index
        %get3A_1395 = arith.constant 0 : index
        %get3A_1396 = tpu.vector_load %arg17[%get3A, %get3A_1395] {strides = array<i32>} : memref<32x128xf32, #tpu.memory_space<vmem>>, vector<16xf32>,
        %get3A_1397 = arith.index_cast %scan3A_1394 : i32 to index
        %get3A_1398 = arith.constant 0 : index
        %get3A_1399 = tpu.vector_load %arg18[%get3A_1397, %get3A_1398] {strides = array<i32>} : memref<32x128xf32, #tpu.memory_space<vmem>>, vector<16xf32>,
        %add3A_1400 = arith.addf %get3A_1396, %get3A_1399 : vector<16xf32>
        %get3A_1401 = arith.index_cast %scan3A_1394 : i32 to index
        %get3A_1402 = arith.constant 0 : index
        %get3A_1403 = tpu.vector_load %arg19[%get3A_1401, %get3A_1402] {strides = array<i32>} : memref<32x128xf32, #tpu.memory_space<vmem>>, vector<16xf32>,
        %add3A_1404 = arith.addf %add3A_1400, %get3A_1403 : vector<16xf32>
        %get3A_1405 = arith.index_cast %scan3A_1394 : i32 to index
        %get3A_1406 = arith.constant 0 : index
        %get3A_1407 = tpu.vector_load %arg20[%get3A_1405, %get3A_1406] {strides = array<i32>} : memref<32x128xf32, #tpu.memory_space<vmem>>, vector<16xf32>,
        %add3A_1408 = arith.addf %add3A_1404, %get3A_1407 : vector<16xf32>
        %get3A_1409 = arith.index_cast %scan3A_1394 : i32 to index
        %get3A_1410 = arith.constant 0 : index
        %get3A_1411 = tpu.vector_load %arg21[%get3A_1409, %get3A_1410] {strides = array<i32>} : memref<32x128xf32, #tpu.memory_space<vmem>>, vector<16xf32>,
        %add3A_1412 = arith.addf %add3A_1408, %get3A_1411 : vector<16xf32>
        %get3A_1413 = arith.index_cast %scan3A_1394 : i32 to index
        %get3A_1414 = arith.constant 0 : index
        %get3A_1415 = tpu.vector_load %arg22[%get3A_1413, %get3A_1414] {strides = array<i32>} : memref<32x128xf32, #tpu.memory_space<vmem>>, vector<16xf32>,
        %add3A_1416 = arith.addf %add3A_1412, %get3A_1415 : vector<16xf32>
        %get3A_1417 = arith.index_cast %scan3A_1394 : i32 to index
        %get3A_1418 = arith.constant 0 : index
        %get3A_1419 = tpu.vector_load %arg23[%get3A_1417, %get3A_1418] {strides = array<i32>} : memref<32x128xf32, #tpu.memory_space<vmem>>, vector<16xf32>,
        %add3A_1420 = arith.addf %add3A_1416, %get3A_1419 : vector<16xf32>
        %get3A_1421 = arith.index_cast %scan3A_1394 : i32 to index
        %get3A_1422 = arith.constant 0 : index
        %get3A_1423 = tpu.vector_load %arg24[%get3A_1421, %get3A_1422] {strides = array<i32>} : memref<32x128xf32, #tpu.memory_space<vmem>>, vector<16xf32>,
        %add3A_1424 = arith.addf %add3A_1420, %get3A_1423 : vector<16xf32>
        %get3A_1425 = arith.index_cast %scan3A_1394 : i32 to index
        %get3A_1426 = arith.constant 0 : index
        %get3A_1427 = tpu.vector_load %arg25[%get3A_1425, %get3A_1426] {strides = array<i32>} : memref<32x128xf32, #tpu.memory_space<vmem>>, vector<16xf32>,
        %add3A_1428 = arith.addf %add3A_1424, %get3A_1427 : vector<16xf32>
        %get3A_1429 = arith.index_cast %scan3A_1394 : i32 to index
        %get3A_1430 = arith.constant 0 : index
        %get3A_1431 = tpu.vector_load %arg26[%get3A_1429, %get3A_1430] {strides = array<i32>} : memref<32x128xf32, #tpu.memory_space<vmem>>, vector<16xf32>,
        %add3A_1432 = arith.addf %add3A_1428, %get3A_1431 : vector<16xf32>
        %swap3A_1433 = arith.index_cast %scan3A_1394 : i32 to index
        %swap3A_1434 = arith.constant 0 : index
        %swap3A_1435 = tpu.vector_load %arg15[%swap3A_1433, %swap3A_1434] {strides = array<i32>} : memref<32x128xf32, #tpu.memory_space<vmem>>, vector<16xf32>,
        tpu.vector_store %arg15[%swap3A_1433, %swap3A_1434], %add3A_1432 {strides = array<i32>} : memref<32x128xf32, #tpu.memory_space<vmem>>, vector<16xf32>,
        %get3A_1436 = arith.index_cast %scan3A_1394 : i32 to index
        %get3A_1437 = arith.constant 16 : index
        %get3A_1438 = tpu.vector_load %arg17[%get3A_1436, %get3A_1437] {strides = array<i32>} : memref<32x128xf32, #tpu.memory_space<vmem>>, vector<16xf32>,
        %get3A_1439 = arith.index_cast %scan3A_1394 : i32 to index
        %get3A_1440 = arith.constant 16 : index
        %get3A_1441 = tpu.vector_load %arg18[%get3A_1439, %get3A_1440] {strides = array<i32>} : memref<32x128xf32, #tpu.memory_space<vmem>>, vector<16xf32>,
        %add3A_1442 = arith.addf %get3A_1438, %get3A_1441 : vector<16xf32>
        %get3A_1443 = arith.index_cast %scan3A_1394 : i32 to index
        %get3A_1444 = arith.constant 16 : index
        %get3A_1445 = tpu.vector_load %arg19[%get3A_1443, %get3A_1444] {strides = array<i32>} : memref<32x128xf32, #tpu.memory_space<vmem>>, vector<16xf32>,
        %add3A_1446 = arith.addf %add3A_1442, %get3A_1445 : vector<16xf32>
        %get3A_1447 = arith.index_cast %scan3A_1394 : i32 to index
        %get3A_1448 = arith.constant 16 : index
        %get3A_1449 = tpu.vector_load %arg20[%get3A_1447, %get3A_1448] {strides = array<i32>} : memref<32x128xf32, #tpu.memory_space<vmem>>, vector<16xf32>,
        %add3A_1450 = arith.addf %add3A_1446, %get3A_1449 : vector<16xf32>
        %get3A_1451 = arith.index_cast %scan3A_1394 : i32 to index
        %get3A_1452 = arith.constant 16 : index
        %get3A_1453 = tpu.vector_load %arg21[%get3A_1451, %get3A_1452] {strides = array<i32>} : memref<32x128xf32, #tpu.memory_space<vmem>>, vector<16xf32>,
        %add3A_1454 = arith.addf %add3A_1450, %get3A_1453 : vector<16xf32>
        %get3A_1455 = arith.index_cast %scan3A_1394 : i32 to index
        %get3A_1456 = arith.constant 16 : index
        %get3A_1457 = tpu.vector_load %arg22[%get3A_1455, %get3A_1456] {strides = array<i32>} : memref<32x128xf32, #tpu.memory_space<vmem>>, vector<16xf32>,
        %add3A_1458 = arith.addf %add3A_1454, %get3A_1457 : vector<16xf32>
        %get3A_1459 = arith.index_cast %scan3A_1394 : i32 to index
        %get3A_1460 = arith.constant 16 : index
        %get3A_1461 = tpu.vector_load %arg23[%get3A_1459, %get3A_1460] {strides = array<i32>} : memref<32x128xf32, #tpu.memory_space<vmem>>, vector<16xf32>,
        %add3A_1462 = arith.addf %add3A_1458, %get3A_1461 : vector<16xf32>
        %get3A_1463 = arith.index_cast %scan3A_1394 : i32 to index
        %get3A_1464 = arith.constant 16 : index
        %get3A_1465 = tpu.vector_load %arg24[%get3A_1463, %get3A_1464] {strides = array<i32>} : memref<32x128xf32, #tpu.memory_space<vmem>>, vector<16xf32>,
        %add3A_1466 = arith.addf %add3A_1462, %get3A_1465 : vector<16xf32>
        %get3A_1467 = arith.index_cast %scan3A_1394 : i32 to index
        %get3A_1468 = arith.constant 16 : index
        %get3A_1469 = tpu.vector_load %arg25[%get3A_1467, %get3A_1468] {strides = array<i32>} : memref<32x128xf32, #tpu.memory_space<vmem>>, vector<16xf32>,
        %add3A_1470 = arith.addf %add3A_1466, %get3A_1469 : vector<16xf32>
        %get3A_1471 = arith.index_cast %scan3A_1394 : i32 to index
        %get3A_1472 = arith.constant 16 : index
        %get3A_1473 = tpu.vector_load %arg26[%get3A_1471, %get3A_1472] {strides = array<i32>} : memref<32x128xf32, #tpu.memory_space<vmem>>, vector<16xf32>,
        %add3A_1474 = arith.addf %add3A_1470, %get3A_1473 : vector<16xf32>
        %swap3A_1475 = arith.index_cast %scan3A_1394 : i32 to index
        %swap3A_1476 = arith.constant 16 : index
        %swap3A_1477 = tpu.vector_load %arg15[%swap3A_1475, %swap3A_1476] {strides = array<i32>} : memref<32x128xf32, #tpu.memory_space<vmem>>, vector<16xf32>,
        tpu.vector_store %arg15[%swap3A_1475, %swap3A_1476], %add3A_1474 {strides = array<i32>} : memref<32x128xf32, #tpu.memory_space<vmem>>, vector<16xf32>,
        %get3A_1478 = arith.index_cast %scan3A_1394 : i32 to index
        %get3A_1479 = arith.constant 32 : index
        %get3A_1480 = tpu.vector_load %arg17[%get3A_1478, %get3A_1479] {strides = array<i32>} : memref<32x128xf32, #tpu.memory_space<vmem>>, vector<16xf32>,
        %get3A_1481 = arith.index_cast %scan3A_1394 : i32 to index
        %get3A_1482 = arith.constant 32 : index
        %get3A_1483 = tpu.vector_load %arg18[%get3A_1481, %get3A_1482] {strides = array<i32>} : memref<32x128xf32, #tpu.memory_space<vmem>>, vector<16xf32>,
        %add3A_1484 = arith.addf %get3A_1480, %get3A_1483 : vector<16xf32>
        %get3A_1485 = arith.index_cast %scan3A_1394 : i32 to index
        %get3A_1486 = arith.constant 32 : index
        %get3A_1487 = tpu.vector_load %arg19[%get3A_1485, %get3A_1486] {strides = array<i32>} : memref<32x128xf32, #tpu.memory_space<vmem>>, vector<16xf32>,
        %add3A_1488 = arith.addf %add3A_1484, %get3A_1487 : vector<16xf32>
        %get3A_1489 = arith.index_cast %scan3A_1394 : i32 to index
        %get3A_1490 = arith.constant 32 : index
        %get3A_1491 = tpu.vector_load %arg20[%get3A_1489, %get3A_1490] {strides = array<i32>} : memref<32x128xf32, #tpu.memory_space<vmem>>, vector<16xf32>,
        %add3A_1492 = arith.addf %add3A_1488, %get3A_1491 : vector<16xf32>
        %get3A_1493 = arith.index_cast %scan3A_1394 : i32 to index
        %get3A_1494 = arith.constant 32 : index
        %get3A_1495 = tpu.vector_load %arg21[%get3A_1493, %get3A_1494] {strides = array<i32>} : memref<32x128xf32, #tpu.memory_space<vmem>>, vector<16xf32>,
        %add3A_1496 = arith.addf %add3A_1492, %get3A_1495 : vector<16xf32>
        %get3A_1497 = arith.index_cast %scan3A_1394 : i32 to index
        %get3A_1498 = arith.constant 32 : index
        %get3A_1499 = tpu.vector_load %arg22[%get3A_1497, %get3A_1498] {strides = array<i32>} : memref<32x128xf32, #tpu.memory_space<vmem>>, vector<16xf32>,
        %add3A_1500 = arith.addf %add3A_1496, %get3A_1499 : vector<16xf32>
        %get3A_1501 = arith.index_cast %scan3A_1394 : i32 to index
        %get3A_1502 = arith.constant 32 : index
        %get3A_1503 = tpu.vector_load %arg23[%get3A_1501, %get3A_1502] {strides = array<i32>} : memref<32x128xf32, #tpu.memory_space<vmem>>, vector<16xf32>,
        %add3A_1504 = arith.addf %add3A_1500, %get3A_1503 : vector<16xf32>
        %get3A_1505 = arith.index_cast %scan3A_1394 : i32 to index
        %get3A_1506 = arith.constant 32 : index
        %get3A_1507 = tpu.vector_load %arg24[%get3A_1505, %get3A_1506] {strides = array<i32>} : memref<32x128xf32, #tpu.memory_space<vmem>>, vector<16xf32>,
        %add3A_1508 = arith.addf %add3A_1504, %get3A_1507 : vector<16xf32>
        %get3A_1509 = arith.index_cast %scan3A_1394 : i32 to index
        %get3A_1510 = arith.constant 32 : index
        %get3A_1511 = tpu.vector_load %arg25[%get3A_1509, %get3A_1510] {strides = array<i32>} : memref<32x128xf32, #tpu.memory_space<vmem>>, vector<16xf32>,
        %add3A_1512 = arith.addf %add3A_1508, %get3A_1511 : vector<16xf32>
        %get3A_1513 = arith.index_cast %scan3A_1394 : i32 to index
        %get3A_1514 = arith.constant 32 : index
        %get3A_1515 = tpu.vector_load %arg26[%get3A_1513, %get3A_1514] {strides = array<i32>} : memref<32x128xf32, #tpu.memory_space<vmem>>, vector<16xf32>,
        %add3A_1516 = arith.addf %add3A_1512, %get3A_1515 : vector<16xf32>
        %swap3A_1517 = arith.index_cast %scan3A_1394 : i32 to index
        %swap3A_1518 = arith.constant 32 : index
        %swap3A_1519 = tpu.vector_load %arg15[%swap3A_1517, %swap3A_1518] {strides = array<i32>} : memref<32x128xf32, #tpu.memory_space<vmem>>, vector<16xf32>,
        tpu.vector_store %arg15[%swap3A_1517, %swap3A_1518], %add3A_1516 {strides = array<i32>} : memref<32x128xf32, #tpu.memory_space<vmem>>, vector<16xf32>,
        %get3A_1520 = arith.index_cast %scan3A_1394 : i32 to index
        %get3A_1521 = arith.constant 48 : index
        %get3A_1522 = tpu.vector_load %arg17[%get3A_1520, %get3A_1521] {strides = array<i32>} : memref<32x128xf32, #tpu.memory_space<vmem>>, vector<16xf32>,
        %get3A_1523 = arith.index_cast %scan3A_1394 : i32 to index
        %get3A_1524 = arith.constant 48 : index
        %get3A_1525 = tpu.vector_load %arg18[%get3A_1523, %get3A_1524] {strides = array<i32>} : memref<32x128xf32, #tpu.memory_space<vmem>>, vector<16xf32>,
        %add3A_1526 = arith.addf %get3A_1522, %get3A_1525 : vector<16xf32>
        %get3A_1527 = arith.index_cast %scan3A_1394 : i32 to index
        %get3A_1528 = arith.constant 48 : index
        %get3A_1529 = tpu.vector_load %arg19[%get3A_1527, %get3A_1528] {strides = array<i32>} : memref<32x128xf32, #tpu.memory_space<vmem>>, vector<16xf32>,
        %add3A_1530 = arith.addf %add3A_1526, %get3A_1529 : vector<16xf32>
        %get3A_1531 = arith.index_cast %scan3A_1394 : i32 to index
        %get3A_1532 = arith.constant 48 : index
        %get3A_1533 = tpu.vector_load %arg20[%get3A_1531, %get3A_1532] {strides = array<i32>} : memref<32x128xf32, #tpu.memory_space<vmem>>, vector<16xf32>,
        %add3A_1534 = arith.addf %add3A_1530, %get3A_1533 : vector<16xf32>
        %get3A_1535 = arith.index_cast %scan3A_1394 : i32 to index
        %get3A_1536 = arith.constant 48 : index
        %get3A_1537 = tpu.vector_load %arg21[%get3A_1535, %get3A_1536] {strides = array<i32>} : memref<32x128xf32, #tpu.memory_space<vmem>>, vector<16xf32>,
        %add3A_1538 = arith.addf %add3A_1534, %get3A_1537 : vector<16xf32>
        %get3A_1539 = arith.index_cast %scan3A_1394 : i32 to index
        %get3A_1540 = arith.constant 48 : index
        %get3A_1541 = tpu.vector_load %arg22[%get3A_1539, %get3A_1540] {strides = array<i32>} : memref<32x128xf32, #tpu.memory_space<vmem>>, vector<16xf32>,
        %add3A_1542 = arith.addf %add3A_1538, %get3A_1541 : vector<16xf32>
        %get3A_1543 = arith.index_cast %scan3A_1394 : i32 to index
        %get3A_1544 = arith.constant 48 : index
        %get3A_1545 = tpu.vector_load %arg23[%get3A_1543, %get3A_1544] {strides = array<i32>} : memref<32x128xf32, #tpu.memory_space<vmem>>, vector<16xf32>,
        %add3A_1546 = arith.addf %add3A_1542, %get3A_1545 : vector<16xf32>
        %get3A_1547 = arith.index_cast %scan3A_1394 : i32 to index
        %get3A_1548 = arith.constant 48 : index
        %get3A_1549 = tpu.vector_load %arg24[%get3A_1547, %get3A_1548] {strides = array<i32>} : memref<32x128xf32, #tpu.memory_space<vmem>>, vector<16xf32>,
        %add3A_1550 = arith.addf %add3A_1546, %get3A_1549 : vector<16xf32>
        %get3A_1551 = arith.index_cast %scan3A_1394 : i32 to index
        %get3A_1552 = arith.constant 48 : index
        %get3A_1553 = tpu.vector_load %arg25[%get3A_1551, %get3A_1552] {strides = array<i32>} : memref<32x128xf32, #tpu.memory_space<vmem>>, vector<16xf32>,
        %add3A_1554 = arith.addf %add3A_1550, %get3A_1553 : vector<16xf32>
        %get3A_1555 = arith.index_cast %scan3A_1394 : i32 to index
        %get3A_1556 = arith.constant 48 : index
        %get3A_1557 = tpu.vector_load %arg26[%get3A_1555, %get3A_1556] {strides = array<i32>} : memref<32x128xf32, #tpu.memory_space<vmem>>, vector<16xf32>,
        %add3A_1558 = arith.addf %add3A_1554, %get3A_1557 : vector<16xf32>
        %swap3A_1559 = arith.index_cast %scan3A_1394 : i32 to index
        %swap3A_1560 = arith.constant 48 : index
        %swap3A_1561 = tpu.vector_load %arg15[%swap3A_1559, %swap3A_1560] {strides = array<i32>} : memref<32x128xf32, #tpu.memory_space<vmem>>, vector<16xf32>,
        tpu.vector_store %arg15[%swap3A_1559, %swap3A_1560], %add3A_1558 {strides = array<i32>} : memref<32x128xf32, #tpu.memory_space<vmem>>, vector<16xf32>,
        %get3A_1562 = arith.index_cast %scan3A_1394 : i32 to index
        %get3A_1563 = arith.constant 64 : index
        %get3A_1564 = tpu.vector_load %arg17[%get3A_1562, %get3A_1563] {strides = array<i32>} : memref<32x128xf32, #tpu.memory_space<vmem>>, vector<16xf32>,
        %get3A_1565 = arith.index_cast %scan3A_1394 : i32 to index
        %get3A_1566 = arith.constant 64 : index
        %get3A_1567 = tpu.vector_load %arg18[%get3A_1565, %get3A_1566] {strides = array<i32>} : memref<32x128xf32, #tpu.memory_space<vmem>>, vector<16xf32>,
        %add3A_1568 = arith.addf %get3A_1564, %get3A_1567 : vector<16xf32>
        %get3A_1569 = arith.index_cast %scan3A_1394 : i32 to index
        %get3A_1570 = arith.constant 64 : index
        %get3A_1571 = tpu.vector_load %arg19[%get3A_1569, %get3A_1570] {strides = array<i32>} : memref<32x128xf32, #tpu.memory_space<vmem>>, vector<16xf32>,
        %add3A_1572 = arith.addf %add3A_1568, %get3A_1571 : vector<16xf32>
        %get3A_1573 = arith.index_cast %scan3A_1394 : i32 to index
        %get3A_1574 = arith.constant 64 : index
        %get3A_1575 = tpu.vector_load %arg20[%get3A_1573, %get3A_1574] {strides = array<i32>} : memref<32x128xf32, #tpu.memory_space<vmem>>, vector<16xf32>,
        %add3A_1576 = arith.addf %add3A_1572, %get3A_1575 : vector<16xf32>
        %get3A_1577 = arith.index_cast %scan3A_1394 : i32 to index
        %get3A_1578 = arith.constant 64 : index
        %get3A_1579 = tpu.vector_load %arg21[%get3A_1577, %get3A_1578] {strides = array<i32>} : memref<32x128xf32, #tpu.memory_space<vmem>>, vector<16xf32>,
        %add3A_1580 = arith.addf %add3A_1576, %get3A_1579 : vector<16xf32>
        %get3A_1581 = arith.index_cast %scan3A_1394 : i32 to index
        %get3A_1582 = arith.constant 64 : index
        %get3A_1583 = tpu.vector_load %arg22[%get3A_1581, %get3A_1582] {strides = array<i32>} : memref<32x128xf32, #tpu.memory_space<vmem>>, vector<16xf32>,
        %add3A_1584 = arith.addf %add3A_1580, %get3A_1583 : vector<16xf32>
        %get3A_1585 = arith.index_cast %scan3A_1394 : i32 to index
        %get3A_1586 = arith.constant 64 : index
        %get3A_1587 = tpu.vector_load %arg23[%get3A_1585, %get3A_1586] {strides = array<i32>} : memref<32x128xf32, #tpu.memory_space<vmem>>, vector<16xf32>,
        %add3A_1588 = arith.addf %add3A_1584, %get3A_1587 : vector<16xf32>
        %get3A_1589 = arith.index_cast %scan3A_1394 : i32 to index
        %get3A_1590 = arith.constant 64 : index
        %get3A_1591 = tpu.vector_load %arg24[%get3A_1589, %get3A_1590] {strides = array<i32>} : memref<32x128xf32, #tpu.memory_space<vmem>>, vector<16xf32>,
        %add3A_1592 = arith.addf %add3A_1588, %get3A_1591 : vector<16xf32>
        %get3A_1593 = arith.index_cast %scan3A_1394 : i32 to index
        %get3A_1594 = arith.constant 64 : index
        %get3A_1595 = tpu.vector_load %arg25[%get3A_1593, %get3A_1594] {strides = array<i32>} : memref<32x128xf32, #tpu.memory_space<vmem>>, vector<16xf32>,
        %add3A_1596 = arith.addf %add3A_1592, %get3A_1595 : vector<16xf32>
        %get3A_1597 = arith.index_cast %scan3A_1394 : i32 to index
        %get3A_1598 = arith.constant 64 : index
        %get3A_1599 = tpu.vector_load %arg26[%get3A_1597, %get3A_1598] {strides = array<i32>} : memref<32x128xf32, #tpu.memory_space<vmem>>, vector<16xf32>,
        %add3A_1600 = arith.addf %add3A_1596, %get3A_1599 : vector<16xf32>
        %swap3A_1601 = arith.index_cast %scan3A_1394 : i32 to index
        %swap3A_1602 = arith.constant 64 : index
        %swap3A_1603 = tpu.vector_load %arg15[%swap3A_1601, %swap3A_1602] {strides = array<i32>} : memref<32x128xf32, #tpu.memory_space<vmem>>, vector<16xf32>,
        tpu.vector_store %arg15[%swap3A_1601, %swap3A_1602], %add3A_1600 {strides = array<i32>} : memref<32x128xf32, #tpu.memory_space<vmem>>, vector<16xf32>,
        %get3A_1604 = arith.index_cast %scan3A_1394 : i32 to index
        %get3A_1605 = arith.constant 80 : index
        %get3A_1606 = tpu.vector_load %arg17[%get3A_1604, %get3A_1605] {strides = array<i32>} : memref<32x128xf32, #tpu.memory_space<vmem>>, vector<16xf32>,
        %get3A_1607 = arith.index_cast %scan3A_1394 : i32 to index
        %get3A_1608 = arith.constant 80 : index
        %get3A_1609 = tpu.vector_load %arg18[%get3A_1607, %get3A_1608] {strides = array<i32>} : memref<32x128xf32, #tpu.memory_space<vmem>>, vector<16xf32>,
        %add3A_1610 = arith.addf %get3A_1606, %get3A_1609 : vector<16xf32>
        %get3A_1611 = arith.index_cast %scan3A_1394 : i32 to index
        %get3A_1612 = arith.constant 80 : index
        %get3A_1613 = tpu.vector_load %arg19[%get3A_1611, %get3A_1612] {strides = array<i32>} : memref<32x128xf32, #tpu.memory_space<vmem>>, vector<16xf32>,
        %add3A_1614 = arith.addf %add3A_1610, %get3A_1613 : vector<16xf32>
        %get3A_1615 = arith.index_cast %scan3A_1394 : i32 to index
        %get3A_1616 = arith.constant 80 : index
        %get3A_1617 = tpu.vector_load %arg20[%get3A_1615, %get3A_1616] {strides = array<i32>} : memref<32x128xf32, #tpu.memory_space<vmem>>, vector<16xf32>,
        %add3A_1618 = arith.addf %add3A_1614, %get3A_1617 : vector<16xf32>
        %get3A_1619 = arith.index_cast %scan3A_1394 : i32 to index
        %get3A_1620 = arith.constant 80 : index
        %get3A_1621 = tpu.vector_load %arg21[%get3A_1619, %get3A_1620] {strides = array<i32>} : memref<32x128xf32, #tpu.memory_space<vmem>>, vector<16xf32>,
        %add3A_1622 = arith.addf %add3A_1618, %get3A_1621 : vector<16xf32>
        %get3A_1623 = arith.index_cast %scan3A_1394 : i32 to index
        %get3A_1624 = arith.constant 80 : index
        %get3A_1625 = tpu.vector_load %arg22[%get3A_1623, %get3A_1624] {strides = array<i32>} : memref<32x128xf32, #tpu.memory_space<vmem>>, vector<16xf32>,
        %add3A_1626 = arith.addf %add3A_1622, %get3A_1625 : vector<16xf32>
        %get3A_1627 = arith.index_cast %scan3A_1394 : i32 to index
        %get3A_1628 = arith.constant 80 : index
        %get3A_1629 = tpu.vector_load %arg23[%get3A_1627, %get3A_1628] {strides = array<i32>} : memref<32x128xf32, #tpu.memory_space<vmem>>, vector<16xf32>,
        %add3A_1630 = arith.addf %add3A_1626, %get3A_1629 : vector<16xf32>
        %get3A_1631 = arith.index_cast %scan3A_1394 : i32 to index
        %get3A_1632 = arith.constant 80 : index
        %get3A_1633 = tpu.vector_load %arg24[%get3A_1631, %get3A_1632] {strides = array<i32>} : memref<32x128xf32, #tpu.memory_space<vmem>>, vector<16xf32>,
        %add3A_1634 = arith.addf %add3A_1630, %get3A_1633 : vector<16xf32>
        %get3A_1635 = arith.index_cast %scan3A_1394 : i32 to index
        %get3A_1636 = arith.constant 80 : index
        %get3A_1637 = tpu.vector_load %arg25[%get3A_1635, %get3A_1636] {strides = array<i32>} : memref<32x128xf32, #tpu.memory_space<vmem>>, vector<16xf32>,
        %add3A_1638 = arith.addf %add3A_1634, %get3A_1637 : vector<16xf32>
        %get3A_1639 = arith.index_cast %scan3A_1394 : i32 to index
        %get3A_1640 = arith.constant 80 : index
        %get3A_1641 = tpu.vector_load %arg26[%get3A_1639, %get3A_1640] {strides = array<i32>} : memref<32x128xf32, #tpu.memory_space<vmem>>, vector<16xf32>,
        %add3A_1642 = arith.addf %add3A_1638, %get3A_1641 : vector<16xf32>
        %swap3A_1643 = arith.index_cast %scan3A_1394 : i32 to index
        %swap3A_1644 = arith.constant 80 : index
        %swap3A_1645 = tpu.vector_load %arg15[%swap3A_1643, %swap3A_1644] {strides = array<i32>} : memref<32x128xf32, #tpu.memory_space<vmem>>, vector<16xf32>,
        tpu.vector_store %arg15[%swap3A_1643, %swap3A_1644], %add3A_1642 {strides = array<i32>} : memref<32x128xf32, #tpu.memory_space<vmem>>, vector<16xf32>,
        %get3A_1646 = arith.index_cast %scan3A_1394 : i32 to index
        %get3A_1647 = arith.constant 96 : index
        %get3A_1648 = tpu.vector_load %arg17[%get3A_1646, %get3A_1647] {strides = array<i32>} : memref<32x128xf32, #tpu.memory_space<vmem>>, vector<16xf32>,
        %get3A_1649 = arith.index_cast %scan3A_1394 : i32 to index
        %get3A_1650 = arith.constant 96 : index
        %get3A_1651 = tpu.vector_load %arg18[%get3A_1649, %get3A_1650] {strides = array<i32>} : memref<32x128xf32, #tpu.memory_space<vmem>>, vector<16xf32>,
        %add3A_1652 = arith.addf %get3A_1648, %get3A_1651 : vector<16xf32>
        %get3A_1653 = arith.index_cast %scan3A_1394 : i32 to index
        %get3A_1654 = arith.constant 96 : index
        %get3A_1655 = tpu.vector_load %arg19[%get3A_1653, %get3A_1654] {strides = array<i32>} : memref<32x128xf32, #tpu.memory_space<vmem>>, vector<16xf32>,
        %add3A_1656 = arith.addf %add3A_1652, %get3A_1655 : vector<16xf32>
        %get3A_1657 = arith.index_cast %scan3A_1394 : i32 to index
        %get3A_1658 = arith.constant 96 : index
        %get3A_1659 = tpu.vector_load %arg20[%get3A_1657, %get3A_1658] {strides = array<i32>} : memref<32x128xf32, #tpu.memory_space<vmem>>, vector<16xf32>,
        %add3A_1660 = arith.addf %add3A_1656, %get3A_1659 : vector<16xf32>
        %get3A_1661 = arith.index_cast %scan3A_1394 : i32 to index
        %get3A_1662 = arith.constant 96 : index
        %get3A_1663 = tpu.vector_load %arg21[%get3A_1661, %get3A_1662] {strides = array<i32>} : memref<32x128xf32, #tpu.memory_space<vmem>>, vector<16xf32>,
        %add3A_1664 = arith.addf %add3A_1660, %get3A_1663 : vector<16xf32>
        %get3A_1665 = arith.index_cast %scan3A_1394 : i32 to index
        %get3A_1666 = arith.constant 96 : index
        %get3A_1667 = tpu.vector_load %arg22[%get3A_1665, %get3A_1666] {strides = array<i32>} : memref<32x128xf32, #tpu.memory_space<vmem>>, vector<16xf32>,
        %add3A_1668 = arith.addf %add3A_1664, %get3A_1667 : vector<16xf32>
        %get3A_1669 = arith.index_cast %scan3A_1394 : i32 to index
        %get3A_1670 = arith.constant 96 : index
        %get3A_1671 = tpu.vector_load %arg23[%get3A_1669, %get3A_1670] {strides = array<i32>} : memref<32x128xf32, #tpu.memory_space<vmem>>, vector<16xf32>,
        %add3A_1672 = arith.addf %add3A_1668, %get3A_1671 : vector<16xf32>
        %get3A_1673 = arith.index_cast %scan3A_1394 : i32 to index
        %get3A_1674 = arith.constant 96 : index
        %get3A_1675 = tpu.vector_load %arg24[%get3A_1673, %get3A_1674] {strides = array<i32>} : memref<32x128xf32, #tpu.memory_space<vmem>>, vector<16xf32>,
        %add3A_1676 = arith.addf %add3A_1672, %get3A_1675 : vector<16xf32>
        %get3A_1677 = arith.index_cast %scan3A_1394 : i32 to index
        %get3A_1678 = arith.constant 96 : index
        %get3A_1679 = tpu.vector_load %arg25[%get3A_1677, %get3A_1678] {strides = array<i32>} : memref<32x128xf32, #tpu.memory_space<vmem>>, vector<16xf32>,
        %add3A_1680 = arith.addf %add3A_1676, %get3A_1679 : vector<16xf32>
        %get3A_1681 = arith.index_cast %scan3A_1394 : i32 to index
        %get3A_1682 = arith.constant 96 : index
        %get3A_1683 = tpu.vector_load %arg26[%get3A_1681, %get3A_1682] {strides = array<i32>} : memref<32x128xf32, #tpu.memory_space<vmem>>, vector<16xf32>,
        %add3A_1684 = arith.addf %add3A_1680, %get3A_1683 : vector<16xf32>
        %swap3A_1685 = arith.index_cast %scan3A_1394 : i32 to index
        %swap3A_1686 = arith.constant 96 : index
        %swap3A_1687 = tpu.vector_load %arg15[%swap3A_1685, %swap3A_1686] {strides = array<i32>} : memref<32x128xf32, #tpu.memory_space<vmem>>, vector<16xf32>,
        tpu.vector_store %arg15[%swap3A_1685, %swap3A_1686], %add3A_1684 {strides = array<i32>} : memref<32x128xf32, #tpu.memory_space<vmem>>, vector<16xf32>,
        %get3A_1688 = arith.index_cast %scan3A_1394 : i32 to index
        %get3A_1689 = arith.constant 112 : index
        %get3A_1690 = tpu.vector_load %arg17[%get3A_1688, %get3A_1689] {strides = array<i32>} : memref<32x128xf32, #tpu.memory_space<vmem>>, vector<16xf32>,
        %get3A_1691 = arith.index_cast %scan3A_1394 : i32 to index
        %get3A_1692 = arith.constant 112 : index
        %get3A_1693 = tpu.vector_load %arg18[%get3A_1691, %get3A_1692] {strides = array<i32>} : memref<32x128xf32, #tpu.memory_space<vmem>>, vector<16xf32>,
        %add3A_1694 = arith.addf %get3A_1690, %get3A_1693 : vector<16xf32>
        %get3A_1695 = arith.index_cast %scan3A_1394 : i32 to index
        %get3A_1696 = arith.constant 112 : index
        %get3A_1697 = tpu.vector_load %arg19[%get3A_1695, %get3A_1696] {strides = array<i32>} : memref<32x128xf32, #tpu.memory_space<vmem>>, vector<16xf32>,
        %add3A_1698 = arith.addf %add3A_1694, %get3A_1697 : vector<16xf32>
        %get3A_1699 = arith.index_cast %scan3A_1394 : i32 to index
        %get3A_1700 = arith.constant 112 : index
        %get3A_1701 = tpu.vector_load %arg20[%get3A_1699, %get3A_1700] {strides = array<i32>} : memref<32x128xf32, #tpu.memory_space<vmem>>, vector<16xf32>,
        %add3A_1702 = arith.addf %add3A_1698, %get3A_1701 : vector<16xf32>
        %get3A_1703 = arith.index_cast %scan3A_1394 : i32 to index
        %get3A_1704 = arith.constant 112 : index
        %get3A_1705 = tpu.vector_load %arg21[%get3A_1703, %get3A_1704] {strides = array<i32>} : memref<32x128xf32, #tpu.memory_space<vmem>>, vector<16xf32>,
        %add3A_1706 = arith.addf %add3A_1702, %get3A_1705 : vector<16xf32>
        %get3A_1707 = arith.index_cast %scan3A_1394 : i32 to index
        %get3A_1708 = arith.constant 112 : index
        %get3A_1709 = tpu.vector_load %arg22[%get3A_1707, %get3A_1708] {strides = array<i32>} : memref<32x128xf32, #tpu.memory_space<vmem>>, vector<16xf32>,
        %add3A_1710 = arith.addf %add3A_1706, %get3A_1709 : vector<16xf32>
        %get3A_1711 = arith.index_cast %scan3A_1394 : i32 to index
        %get3A_1712 = arith.constant 112 : index
        %get3A_1713 = tpu.vector_load %arg23[%get3A_1711, %get3A_1712] {strides = array<i32>} : memref<32x128xf32, #tpu.memory_space<vmem>>, vector<16xf32>,
        %add3A_1714 = arith.addf %add3A_1710, %get3A_1713 : vector<16xf32>
        %get3A_1715 = arith.index_cast %scan3A_1394 : i32 to index
        %get3A_1716 = arith.constant 112 : index
        %get3A_1717 = tpu.vector_load %arg24[%get3A_1715, %get3A_1716] {strides = array<i32>} : memref<32x128xf32, #tpu.memory_space<vmem>>, vector<16xf32>,
        %add3A_1718 = arith.addf %add3A_1714, %get3A_1717 : vector<16xf32>
        %get3A_1719 = arith.index_cast %scan3A_1394 : i32 to index
        %get3A_1720 = arith.constant 112 : index
        %get3A_1721 = tpu.vector_load %arg25[%get3A_1719, %get3A_1720] {strides = array<i32>} : memref<32x128xf32, #tpu.memory_space<vmem>>, vector<16xf32>,
        %add3A_1722 = arith.addf %add3A_1718, %get3A_1721 : vector<16xf32>
        %get3A_1723 = arith.index_cast %scan3A_1394 : i32 to index
        %get3A_1724 = arith.constant 112 : index
        %get3A_1725 = tpu.vector_load %arg26[%get3A_1723, %get3A_1724] {strides = array<i32>} : memref<32x128xf32, #tpu.memory_space<vmem>>, vector<16xf32>,
        %add3A_1726 = arith.addf %add3A_1722, %get3A_1725 : vector<16xf32>
        %swap3A_1727 = arith.index_cast %scan3A_1394 : i32 to index
        %swap3A_1728 = arith.constant 112 : index
        %swap3A_1729 = tpu.vector_load %arg15[%swap3A_1727, %swap3A_1728] {strides = array<i32>} : memref<32x128xf32, #tpu.memory_space<vmem>>, vector<16xf32>,
        tpu.vector_store %arg15[%swap3A_1727, %swap3A_1728], %add3A_1726 {strides = array<i32>} : memref<32x128xf32, #tpu.memory_space<vmem>>, vector<16xf32>,
      }
      %scan3A_1236 = arith.constant 32 : i32
      %dma_wait3A_1237 = arith.constant 0 : i32
      %dma_wait3A_1238 = tpu.memref_slice %arg7[%dma_wait3A_1237] : memref<1408xi32, #tpu.memory_space<vmem>> -> memref<32xi32, #tpu.memory_space<vmem>>
      %dma_wait3A_1239 = arith.constant 0 : i32
      %dma_wait3A_1240 = arith.constant 0 : i32
      %dma_wait3A_1241 = tpu.memref_slice %arg2[%dma_wait3A_1239, %dma_wait3A_1240] : memref<100000x128xf32, #tpu.memory_space<hbm>> -> memref<100000x128xf32, #tpu.memory_space<hbm>>
      tpu.wait_indirect_dma semaphore(%arg39 : memref<!tpu.dma_semaphore, #tpu.memory_space<semaphore_mem>>) src(%dma_wait3A_1241 : memref<100000x128xf32, #tpu.memory_space<hbm>>) dst(%arg13 : memref<32x128xf32, #tpu.memory_space<vmem>>)
      %lt3A_1242 = arith.constant 40 : i32
      %lt3A_1243 = arith.cmpi slt, %add3A_1133, %lt3A_1242 : i32
      %mul3A_1244 = arith.constant 32 : i32
      %mul3A_1245 = arith.muli %add3A_1133, %mul3A_1244 : i32
      %add3A_1246 = arith.addi %mul3A_4, %mul3A_1245 : i32
      %sub3A = arith.constant 40 : i32
      %sub3A_1247 = arith.subi %add3A_1133, %sub3A : i32
      %mul3A_1248 = arith.constant 32 : i32
      %mul3A_1249 = arith.muli %sub3A_1247, %mul3A_1248 : i32
      %add3A_1250 = arith.addi %add3A_8, %mul3A_1249 : i32
      %select_n3A = arith.select %lt3A_1243, %add3A_1246, %add3A_1250 : i32
      %dma_start3A_1251 = arith.constant 0 : i32
      %dma_start3A_1252 = tpu.memref_slice %arg5[%select_n3A, %dma_start3A_1251] : memref<45056x128xf32, #tpu.memory_space<hbm>> -> memref<32x128xf32, #tpu.memory_space<hbm>>
      %dma_start3A_1253 = arith.constant 0 : i32
      %dma_start3A_1254 = tpu.memref_slice %arg5[%select_n3A, %dma_start3A_1253] : memref<45056x128xf32, #tpu.memory_space<hbm>> -> memref<32x128xf32, #tpu.memory_space<hbm>>
      tpu.enqueue_dma source(%arg13 : memref<32x128xf32, #tpu.memory_space<vmem>>) target(%dma_start3A_1254 : memref<32x128xf32, #tpu.memory_space<hbm>>) target_semaphore(%arg43 : memref<!tpu.dma_semaphore, #tpu.memory_space<semaphore_mem>>)
      %dma_start3A_1255 = arith.constant 0 : i32
      %dma_start3A_1256 = tpu.memref_slice %arg6[%select_n3A, %dma_start3A_1255] : memref<45056x128xf32, #tpu.memory_space<hbm>> -> memref<32x128xf32, #tpu.memory_space<hbm>>
      %dma_start3A_1257 = arith.constant 0 : i32
      %dma_start3A_1258 = tpu.memref_slice %arg6[%select_n3A, %dma_start3A_1257] : memref<45056x128xf32, #tpu.memory_space<hbm>> -> memref<32x128xf32, #tpu.memory_space<hbm>>
      tpu.enqueue_dma source(%arg15 : memref<32x128xf32, #tpu.memory_space<vmem>>) target(%dma_start3A_1258 : memref<32x128xf32, #tpu.memory_space<hbm>>) target_semaphore(%arg45 : memref<!tpu.dma_semaphore, #tpu.memory_space<semaphore_mem>>)
      %mul3A_1259 = arith.constant 2 : i32
      %mul3A_1260 = arith.muli %mul3A_1259, %scan3A_1129 : i32
      %add3A_1261 = arith.constant 1 : i32
      %add3A_1262 = arith.addi %mul3A_1260, %add3A_1261 : i32
      %add3A_1263 = arith.constant 1 : i32
      %add3A_1264 = arith.addi %add3A_1262, %add3A_1263 : i32
      %lt3A_1265 = arith.constant 44 : i32
      %lt3A_1266 = arith.cmpi slt, %add3A_1264, %lt3A_1265 : i32
      %convert_element_type3A_1267 = arith.extui %lt3A_1266 : i1 to i32
      %cond3A_1268 = arith.constant 0 : i32
      %cond3A_1269 = arith.cmpi ne, %convert_element_type3A_1267, %cond3A_1268 : i32
      scf.if %cond3A_1269 {
        %dma_wait3A_1394 = arith.constant 0 : i32
        %dma_wait3A_1395 = tpu.memref_slice %arg7[%dma_wait3A_1394] : memref<1408xi32, #tpu.memory_space<vmem>> -> memref<32xi32, #tpu.memory_space<vmem>>
        %dma_wait3A_1396 = arith.constant 0 : i32
        %dma_wait3A_1397 = arith.constant 0 : i32
        %dma_wait3A_1398 = tpu.memref_slice %arg3[%dma_wait3A_1396, %dma_wait3A_1397] : memref<100000x16xi32, #tpu.memory_space<hbm>> -> memref<100000x16xi32, #tpu.memory_space<hbm>>
        tpu.wait_indirect_dma semaphore(%arg37 : memref<!tpu.dma_semaphore, #tpu.memory_space<semaphore_mem>>) src(%dma_wait3A_1398 : memref<100000x16xi32, #tpu.memory_space<hbm>>) dst(%arg9 : memref<32x16xi32, #tpu.memory_space<vmem>>)
        %broadcast_in_dim3A_1399 = arith.constant 0 : i32
        %broadcast_in_dim3A_1400 = vector.broadcast %broadcast_in_dim3A_1399 : i32 to vector<16xi32>
        %add3A_1401 = arith.constant 0 : i32
        %add3A_1402 = vector.broadcast %add3A_1401 : i32 to vector<16xi32>
        %add3A_1403 = arith.addi %iota3A, %add3A_1402 : vector<16xi32>
        %gather3A_1404 = tpu.vector_load_idx %arg9[%add3A_1403, %broadcast_in_dim3A_1400] : memref<32x16xi32, #tpu.memory_space<vmem>>[vector<16xi32>, vector<16xi32>], vector<16xi32>,
        %swap3A_1405 = arith.constant 0 : i32
        %swap3A_1406 = arith.index_cast %swap3A_1405 : i32 to index
        %swap3A_1407 = arith.constant 0 : index
        %swap3A_1408 = tpu.vector_load %arg11[%swap3A_1406, %swap3A_1407] {strides = array<i32>} : memref<10x32xi32, #tpu.memory_space<vmem>>, vector<16xi32>,
        tpu.vector_store %arg11[%swap3A_1406, %swap3A_1407], %gather3A_1404 {strides = array<i32>} : memref<10x32xi32, #tpu.memory_space<vmem>>, vector<16xi32>,
        %add3A_1409 = arith.constant 16 : i32
        %add3A_1410 = vector.broadcast %add3A_1409 : i32 to vector<16xi32>
        %add3A_1411 = arith.addi %iota3A, %add3A_1410 : vector<16xi32>
        %gather3A_1412 = tpu.vector_load_idx %arg9[%add3A_1411, %broadcast_in_dim3A_1400] : memref<32x16xi32, #tpu.memory_space<vmem>>[vector<16xi32>, vector<16xi32>], vector<16xi32>,
        %swap3A_1413 = arith.constant 0 : i32
        %swap3A_1414 = arith.index_cast %swap3A_1413 : i32 to index
        %swap3A_1415 = arith.constant 16 : index
        %swap3A_1416 = tpu.vector_load %arg11[%swap3A_1414, %swap3A_1415] {strides = array<i32>} : memref<10x32xi32, #tpu.memory_space<vmem>>, vector<16xi32>,
        tpu.vector_store %arg11[%swap3A_1414, %swap3A_1415], %gather3A_1412 {strides = array<i32>} : memref<10x32xi32, #tpu.memory_space<vmem>>, vector<16xi32>,
        %broadcast_in_dim3A_1417 = arith.constant 1 : i32
        %broadcast_in_dim3A_1418 = vector.broadcast %broadcast_in_dim3A_1417 : i32 to vector<16xi32>
        %add3A_1419 = arith.constant 0 : i32
        %add3A_1420 = vector.broadcast %add3A_1419 : i32 to vector<16xi32>
        %add3A_1421 = arith.addi %iota3A, %add3A_1420 : vector<16xi32>
        %gather3A_1422 = tpu.vector_load_idx %arg9[%add3A_1421, %broadcast_in_dim3A_1418] : memref<32x16xi32, #tpu.memory_space<vmem>>[vector<16xi32>, vector<16xi32>], vector<16xi32>,
        %swap3A_1423 = arith.constant 1 : i32
        %swap3A_1424 = arith.index_cast %swap3A_1423 : i32 to index
        %swap3A_1425 = arith.constant 0 : index
        %swap3A_1426 = tpu.vector_load %arg11[%swap3A_1424, %swap3A_1425] {strides = array<i32>} : memref<10x32xi32, #tpu.memory_space<vmem>>, vector<16xi32>,
        tpu.vector_store %arg11[%swap3A_1424, %swap3A_1425], %gather3A_1422 {strides = array<i32>} : memref<10x32xi32, #tpu.memory_space<vmem>>, vector<16xi32>,
        %add3A_1427 = arith.constant 16 : i32
        %add3A_1428 = vector.broadcast %add3A_1427 : i32 to vector<16xi32>
        %add3A_1429 = arith.addi %iota3A, %add3A_1428 : vector<16xi32>
        %gather3A_1430 = tpu.vector_load_idx %arg9[%add3A_1429, %broadcast_in_dim3A_1418] : memref<32x16xi32, #tpu.memory_space<vmem>>[vector<16xi32>, vector<16xi32>], vector<16xi32>,
        %swap3A_1431 = arith.constant 1 : i32
        %swap3A_1432 = arith.index_cast %swap3A_1431 : i32 to index
        %swap3A_1433 = arith.constant 16 : index
        %swap3A_1434 = tpu.vector_load %arg11[%swap3A_1432, %swap3A_1433] {strides = array<i32>} : memref<10x32xi32, #tpu.memory_space<vmem>>, vector<16xi32>,
        tpu.vector_store %arg11[%swap3A_1432, %swap3A_1433], %gather3A_1430 {strides = array<i32>} : memref<10x32xi32, #tpu.memory_space<vmem>>, vector<16xi32>,
        %broadcast_in_dim3A_1435 = arith.constant 2 : i32
        %broadcast_in_dim3A_1436 = vector.broadcast %broadcast_in_dim3A_1435 : i32 to vector<16xi32>
        %add3A_1437 = arith.constant 0 : i32
        %add3A_1438 = vector.broadcast %add3A_1437 : i32 to vector<16xi32>
        %add3A_1439 = arith.addi %iota3A, %add3A_1438 : vector<16xi32>
        %gather3A_1440 = tpu.vector_load_idx %arg9[%add3A_1439, %broadcast_in_dim3A_1436] : memref<32x16xi32, #tpu.memory_space<vmem>>[vector<16xi32>, vector<16xi32>], vector<16xi32>,
        %swap3A_1441 = arith.constant 2 : i32
        %swap3A_1442 = arith.index_cast %swap3A_1441 : i32 to index
        %swap3A_1443 = arith.constant 0 : index
        %swap3A_1444 = tpu.vector_load %arg11[%swap3A_1442, %swap3A_1443] {strides = array<i32>} : memref<10x32xi32, #tpu.memory_space<vmem>>, vector<16xi32>,
        tpu.vector_store %arg11[%swap3A_1442, %swap3A_1443], %gather3A_1440 {strides = array<i32>} : memref<10x32xi32, #tpu.memory_space<vmem>>, vector<16xi32>,
        %add3A_1445 = arith.constant 16 : i32
        %add3A_1446 = vector.broadcast %add3A_1445 : i32 to vector<16xi32>
        %add3A_1447 = arith.addi %iota3A, %add3A_1446 : vector<16xi32>
        %gather3A_1448 = tpu.vector_load_idx %arg9[%add3A_1447, %broadcast_in_dim3A_1436] : memref<32x16xi32, #tpu.memory_space<vmem>>[vector<16xi32>, vector<16xi32>], vector<16xi32>,
        %swap3A_1449 = arith.constant 2 : i32
        %swap3A_1450 = arith.index_cast %swap3A_1449 : i32 to index
        %swap3A_1451 = arith.constant 16 : index
        %swap3A_1452 = tpu.vector_load %arg11[%swap3A_1450, %swap3A_1451] {strides = array<i32>} : memref<10x32xi32, #tpu.memory_space<vmem>>, vector<16xi32>,
        tpu.vector_store %arg11[%swap3A_1450, %swap3A_1451], %gather3A_1448 {strides = array<i32>} : memref<10x32xi32, #tpu.memory_space<vmem>>, vector<16xi32>,
        %broadcast_in_dim3A_1453 = arith.constant 3 : i32
        %broadcast_in_dim3A_1454 = vector.broadcast %broadcast_in_dim3A_1453 : i32 to vector<16xi32>
        %add3A_1455 = arith.constant 0 : i32
        %add3A_1456 = vector.broadcast %add3A_1455 : i32 to vector<16xi32>
        %add3A_1457 = arith.addi %iota3A, %add3A_1456 : vector<16xi32>
        %gather3A_1458 = tpu.vector_load_idx %arg9[%add3A_1457, %broadcast_in_dim3A_1454] : memref<32x16xi32, #tpu.memory_space<vmem>>[vector<16xi32>, vector<16xi32>], vector<16xi32>,
        %swap3A_1459 = arith.constant 3 : i32
        %swap3A_1460 = arith.index_cast %swap3A_1459 : i32 to index
        %swap3A_1461 = arith.constant 0 : index
        %swap3A_1462 = tpu.vector_load %arg11[%swap3A_1460, %swap3A_1461] {strides = array<i32>} : memref<10x32xi32, #tpu.memory_space<vmem>>, vector<16xi32>,
        tpu.vector_store %arg11[%swap3A_1460, %swap3A_1461], %gather3A_1458 {strides = array<i32>} : memref<10x32xi32, #tpu.memory_space<vmem>>, vector<16xi32>,
        %add3A_1463 = arith.constant 16 : i32
        %add3A_1464 = vector.broadcast %add3A_1463 : i32 to vector<16xi32>
        %add3A_1465 = arith.addi %iota3A, %add3A_1464 : vector<16xi32>
        %gather3A_1466 = tpu.vector_load_idx %arg9[%add3A_1465, %broadcast_in_dim3A_1454] : memref<32x16xi32, #tpu.memory_space<vmem>>[vector<16xi32>, vector<16xi32>], vector<16xi32>,
        %swap3A_1467 = arith.constant 3 : i32
        %swap3A_1468 = arith.index_cast %swap3A_1467 : i32 to index
        %swap3A_1469 = arith.constant 16 : index
        %swap3A_1470 = tpu.vector_load %arg11[%swap3A_1468, %swap3A_1469] {strides = array<i32>} : memref<10x32xi32, #tpu.memory_space<vmem>>, vector<16xi32>,
        tpu.vector_store %arg11[%swap3A_1468, %swap3A_1469], %gather3A_1466 {strides = array<i32>} : memref<10x32xi32, #tpu.memory_space<vmem>>, vector<16xi32>,
        %broadcast_in_dim3A_1471 = arith.constant 4 : i32
        %broadcast_in_dim3A_1472 = vector.broadcast %broadcast_in_dim3A_1471 : i32 to vector<16xi32>
        %add3A_1473 = arith.constant 0 : i32
        %add3A_1474 = vector.broadcast %add3A_1473 : i32 to vector<16xi32>
        %add3A_1475 = arith.addi %iota3A, %add3A_1474 : vector<16xi32>
        %gather3A_1476 = tpu.vector_load_idx %arg9[%add3A_1475, %broadcast_in_dim3A_1472] : memref<32x16xi32, #tpu.memory_space<vmem>>[vector<16xi32>, vector<16xi32>], vector<16xi32>,
        %swap3A_1477 = arith.constant 4 : i32
        %swap3A_1478 = arith.index_cast %swap3A_1477 : i32 to index
        %swap3A_1479 = arith.constant 0 : index
        %swap3A_1480 = tpu.vector_load %arg11[%swap3A_1478, %swap3A_1479] {strides = array<i32>} : memref<10x32xi32, #tpu.memory_space<vmem>>, vector<16xi32>,
        tpu.vector_store %arg11[%swap3A_1478, %swap3A_1479], %gather3A_1476 {strides = array<i32>} : memref<10x32xi32, #tpu.memory_space<vmem>>, vector<16xi32>,
        %add3A_1481 = arith.constant 16 : i32
        %add3A_1482 = vector.broadcast %add3A_1481 : i32 to vector<16xi32>
        %add3A_1483 = arith.addi %iota3A, %add3A_1482 : vector<16xi32>
        %gather3A_1484 = tpu.vector_load_idx %arg9[%add3A_1483, %broadcast_in_dim3A_1472] : memref<32x16xi32, #tpu.memory_space<vmem>>[vector<16xi32>, vector<16xi32>], vector<16xi32>,
        %swap3A_1485 = arith.constant 4 : i32
        %swap3A_1486 = arith.index_cast %swap3A_1485 : i32 to index
        %swap3A_1487 = arith.constant 16 : index
        %swap3A_1488 = tpu.vector_load %arg11[%swap3A_1486, %swap3A_1487] {strides = array<i32>} : memref<10x32xi32, #tpu.memory_space<vmem>>, vector<16xi32>,
        tpu.vector_store %arg11[%swap3A_1486, %swap3A_1487], %gather3A_1484 {strides = array<i32>} : memref<10x32xi32, #tpu.memory_space<vmem>>, vector<16xi32>,
        %broadcast_in_dim3A_1489 = arith.constant 5 : i32
        %broadcast_in_dim3A_1490 = vector.broadcast %broadcast_in_dim3A_1489 : i32 to vector<16xi32>
        %add3A_1491 = arith.constant 0 : i32
        %add3A_1492 = vector.broadcast %add3A_1491 : i32 to vector<16xi32>
        %add3A_1493 = arith.addi %iota3A, %add3A_1492 : vector<16xi32>
        %gather3A_1494 = tpu.vector_load_idx %arg9[%add3A_1493, %broadcast_in_dim3A_1490] : memref<32x16xi32, #tpu.memory_space<vmem>>[vector<16xi32>, vector<16xi32>], vector<16xi32>,
        %swap3A_1495 = arith.constant 5 : i32
        %swap3A_1496 = arith.index_cast %swap3A_1495 : i32 to index
        %swap3A_1497 = arith.constant 0 : index
        %swap3A_1498 = tpu.vector_load %arg11[%swap3A_1496, %swap3A_1497] {strides = array<i32>} : memref<10x32xi32, #tpu.memory_space<vmem>>, vector<16xi32>,
        tpu.vector_store %arg11[%swap3A_1496, %swap3A_1497], %gather3A_1494 {strides = array<i32>} : memref<10x32xi32, #tpu.memory_space<vmem>>, vector<16xi32>,
        %add3A_1499 = arith.constant 16 : i32
        %add3A_1500 = vector.broadcast %add3A_1499 : i32 to vector<16xi32>
        %add3A_1501 = arith.addi %iota3A, %add3A_1500 : vector<16xi32>
        %gather3A_1502 = tpu.vector_load_idx %arg9[%add3A_1501, %broadcast_in_dim3A_1490] : memref<32x16xi32, #tpu.memory_space<vmem>>[vector<16xi32>, vector<16xi32>], vector<16xi32>,
        %swap3A_1503 = arith.constant 5 : i32
        %swap3A_1504 = arith.index_cast %swap3A_1503 : i32 to index
        %swap3A_1505 = arith.constant 16 : index
        %swap3A_1506 = tpu.vector_load %arg11[%swap3A_1504, %swap3A_1505] {strides = array<i32>} : memref<10x32xi32, #tpu.memory_space<vmem>>, vector<16xi32>,
        tpu.vector_store %arg11[%swap3A_1504, %swap3A_1505], %gather3A_1502 {strides = array<i32>} : memref<10x32xi32, #tpu.memory_space<vmem>>, vector<16xi32>,
        %broadcast_in_dim3A_1507 = arith.constant 6 : i32
        %broadcast_in_dim3A_1508 = vector.broadcast %broadcast_in_dim3A_1507 : i32 to vector<16xi32>
        %add3A_1509 = arith.constant 0 : i32
        %add3A_1510 = vector.broadcast %add3A_1509 : i32 to vector<16xi32>
        %add3A_1511 = arith.addi %iota3A, %add3A_1510 : vector<16xi32>
        %gather3A_1512 = tpu.vector_load_idx %arg9[%add3A_1511, %broadcast_in_dim3A_1508] : memref<32x16xi32, #tpu.memory_space<vmem>>[vector<16xi32>, vector<16xi32>], vector<16xi32>,
        %swap3A_1513 = arith.constant 6 : i32
        %swap3A_1514 = arith.index_cast %swap3A_1513 : i32 to index
        %swap3A_1515 = arith.constant 0 : index
        %swap3A_1516 = tpu.vector_load %arg11[%swap3A_1514, %swap3A_1515] {strides = array<i32>} : memref<10x32xi32, #tpu.memory_space<vmem>>, vector<16xi32>,
        tpu.vector_store %arg11[%swap3A_1514, %swap3A_1515], %gather3A_1512 {strides = array<i32>} : memref<10x32xi32, #tpu.memory_space<vmem>>, vector<16xi32>,
        %add3A_1517 = arith.constant 16 : i32
        %add3A_1518 = vector.broadcast %add3A_1517 : i32 to vector<16xi32>
        %add3A_1519 = arith.addi %iota3A, %add3A_1518 : vector<16xi32>
        %gather3A_1520 = tpu.vector_load_idx %arg9[%add3A_1519, %broadcast_in_dim3A_1508] : memref<32x16xi32, #tpu.memory_space<vmem>>[vector<16xi32>, vector<16xi32>], vector<16xi32>,
        %swap3A_1521 = arith.constant 6 : i32
        %swap3A_1522 = arith.index_cast %swap3A_1521 : i32 to index
        %swap3A_1523 = arith.constant 16 : index
        %swap3A_1524 = tpu.vector_load %arg11[%swap3A_1522, %swap3A_1523] {strides = array<i32>} : memref<10x32xi32, #tpu.memory_space<vmem>>, vector<16xi32>,
        tpu.vector_store %arg11[%swap3A_1522, %swap3A_1523], %gather3A_1520 {strides = array<i32>} : memref<10x32xi32, #tpu.memory_space<vmem>>, vector<16xi32>,
        %broadcast_in_dim3A_1525 = arith.constant 7 : i32
        %broadcast_in_dim3A_1526 = vector.broadcast %broadcast_in_dim3A_1525 : i32 to vector<16xi32>
        %add3A_1527 = arith.constant 0 : i32
        %add3A_1528 = vector.broadcast %add3A_1527 : i32 to vector<16xi32>
        %add3A_1529 = arith.addi %iota3A, %add3A_1528 : vector<16xi32>
        %gather3A_1530 = tpu.vector_load_idx %arg9[%add3A_1529, %broadcast_in_dim3A_1526] : memref<32x16xi32, #tpu.memory_space<vmem>>[vector<16xi32>, vector<16xi32>], vector<16xi32>,
        %swap3A_1531 = arith.constant 7 : i32
        %swap3A_1532 = arith.index_cast %swap3A_1531 : i32 to index
        %swap3A_1533 = arith.constant 0 : index
        %swap3A_1534 = tpu.vector_load %arg11[%swap3A_1532, %swap3A_1533] {strides = array<i32>} : memref<10x32xi32, #tpu.memory_space<vmem>>, vector<16xi32>,
        tpu.vector_store %arg11[%swap3A_1532, %swap3A_1533], %gather3A_1530 {strides = array<i32>} : memref<10x32xi32, #tpu.memory_space<vmem>>, vector<16xi32>,
        %add3A_1535 = arith.constant 16 : i32
        %add3A_1536 = vector.broadcast %add3A_1535 : i32 to vector<16xi32>
        %add3A_1537 = arith.addi %iota3A, %add3A_1536 : vector<16xi32>
        %gather3A_1538 = tpu.vector_load_idx %arg9[%add3A_1537, %broadcast_in_dim3A_1526] : memref<32x16xi32, #tpu.memory_space<vmem>>[vector<16xi32>, vector<16xi32>], vector<16xi32>,
        %swap3A_1539 = arith.constant 7 : i32
        %swap3A_1540 = arith.index_cast %swap3A_1539 : i32 to index
        %swap3A_1541 = arith.constant 16 : index
        %swap3A_1542 = tpu.vector_load %arg11[%swap3A_1540, %swap3A_1541] {strides = array<i32>} : memref<10x32xi32, #tpu.memory_space<vmem>>, vector<16xi32>,
        tpu.vector_store %arg11[%swap3A_1540, %swap3A_1541], %gather3A_1538 {strides = array<i32>} : memref<10x32xi32, #tpu.memory_space<vmem>>, vector<16xi32>,
        %broadcast_in_dim3A_1543 = arith.constant 8 : i32
        %broadcast_in_dim3A_1544 = vector.broadcast %broadcast_in_dim3A_1543 : i32 to vector<16xi32>
        %add3A_1545 = arith.constant 0 : i32
        %add3A_1546 = vector.broadcast %add3A_1545 : i32 to vector<16xi32>
        %add3A_1547 = arith.addi %iota3A, %add3A_1546 : vector<16xi32>
        %gather3A_1548 = tpu.vector_load_idx %arg9[%add3A_1547, %broadcast_in_dim3A_1544] : memref<32x16xi32, #tpu.memory_space<vmem>>[vector<16xi32>, vector<16xi32>], vector<16xi32>,
        %swap3A_1549 = arith.constant 8 : i32
        %swap3A_1550 = arith.index_cast %swap3A_1549 : i32 to index
        %swap3A_1551 = arith.constant 0 : index
        %swap3A_1552 = tpu.vector_load %arg11[%swap3A_1550, %swap3A_1551] {strides = array<i32>} : memref<10x32xi32, #tpu.memory_space<vmem>>, vector<16xi32>,
        tpu.vector_store %arg11[%swap3A_1550, %swap3A_1551], %gather3A_1548 {strides = array<i32>} : memref<10x32xi32, #tpu.memory_space<vmem>>, vector<16xi32>,
        %add3A_1553 = arith.constant 16 : i32
        %add3A_1554 = vector.broadcast %add3A_1553 : i32 to vector<16xi32>
        %add3A_1555 = arith.addi %iota3A, %add3A_1554 : vector<16xi32>
        %gather3A_1556 = tpu.vector_load_idx %arg9[%add3A_1555, %broadcast_in_dim3A_1544] : memref<32x16xi32, #tpu.memory_space<vmem>>[vector<16xi32>, vector<16xi32>], vector<16xi32>,
        %swap3A_1557 = arith.constant 8 : i32
        %swap3A_1558 = arith.index_cast %swap3A_1557 : i32 to index
        %swap3A_1559 = arith.constant 16 : index
        %swap3A_1560 = tpu.vector_load %arg11[%swap3A_1558, %swap3A_1559] {strides = array<i32>} : memref<10x32xi32, #tpu.memory_space<vmem>>, vector<16xi32>,
        tpu.vector_store %arg11[%swap3A_1558, %swap3A_1559], %gather3A_1556 {strides = array<i32>} : memref<10x32xi32, #tpu.memory_space<vmem>>, vector<16xi32>,
        %broadcast_in_dim3A_1561 = arith.constant 9 : i32
        %broadcast_in_dim3A_1562 = vector.broadcast %broadcast_in_dim3A_1561 : i32 to vector<16xi32>
        %add3A_1563 = arith.constant 0 : i32
        %add3A_1564 = vector.broadcast %add3A_1563 : i32 to vector<16xi32>
        %add3A_1565 = arith.addi %iota3A, %add3A_1564 : vector<16xi32>
        %gather3A_1566 = tpu.vector_load_idx %arg9[%add3A_1565, %broadcast_in_dim3A_1562] : memref<32x16xi32, #tpu.memory_space<vmem>>[vector<16xi32>, vector<16xi32>], vector<16xi32>,
        %swap3A_1567 = arith.constant 9 : i32
        %swap3A_1568 = arith.index_cast %swap3A_1567 : i32 to index
        %swap3A_1569 = arith.constant 0 : index
        %swap3A_1570 = tpu.vector_load %arg11[%swap3A_1568, %swap3A_1569] {strides = array<i32>} : memref<10x32xi32, #tpu.memory_space<vmem>>, vector<16xi32>,
        tpu.vector_store %arg11[%swap3A_1568, %swap3A_1569], %gather3A_1566 {strides = array<i32>} : memref<10x32xi32, #tpu.memory_space<vmem>>, vector<16xi32>,
        %add3A_1571 = arith.constant 16 : i32
        %add3A_1572 = vector.broadcast %add3A_1571 : i32 to vector<16xi32>
        %add3A_1573 = arith.addi %iota3A, %add3A_1572 : vector<16xi32>
        %gather3A_1574 = tpu.vector_load_idx %arg9[%add3A_1573, %broadcast_in_dim3A_1562] : memref<32x16xi32, #tpu.memory_space<vmem>>[vector<16xi32>, vector<16xi32>], vector<16xi32>,
        %swap3A_1575 = arith.constant 9 : i32
        %swap3A_1576 = arith.index_cast %swap3A_1575 : i32 to index
        %swap3A_1577 = arith.constant 16 : index
        %swap3A_1578 = tpu.vector_load %arg11[%swap3A_1576, %swap3A_1577] {strides = array<i32>} : memref<10x32xi32, #tpu.memory_space<vmem>>, vector<16xi32>,
        tpu.vector_store %arg11[%swap3A_1576, %swap3A_1577], %gather3A_1574 {strides = array<i32>} : memref<10x32xi32, #tpu.memory_space<vmem>>, vector<16xi32>,
      } else {
      }
      %add3A_1270 = arith.constant 2 : i32
      %add3A_1271 = arith.addi %add3A_1262, %add3A_1270 : i32
      %lt3A_1272 = arith.constant 44 : i32
      %lt3A_1273 = arith.cmpi slt, %add3A_1271, %lt3A_1272 : i32
      %convert_element_type3A_1274 = arith.extui %lt3A_1273 : i1 to i32
      %cond3A_1275 = arith.constant 0 : i32
      %cond3A_1276 = arith.cmpi ne, %convert_element_type3A_1274, %cond3A_1275 : i32
      scf.if %cond3A_1276 {
        %add3A_1394 = arith.constant 2 : i32
        %add3A_1395 = arith.addi %add3A_1262, %add3A_1394 : i32
        %mul3A_1396 = arith.constant 32 : i32
        %mul3A_1397 = arith.muli %add3A_1395, %mul3A_1396 : i32
        %dma_start3A_1398 = tpu.memref_slice %arg7[%mul3A_1397] : memref<1408xi32, #tpu.memory_space<vmem>> -> memref<32xi32, #tpu.memory_space<vmem>>
        %dma_start3A_1399 = arith.constant 0 : i32
        %dma_start3A_1400 = arith.constant 0 : i32
        %dma_start3A_1401 = tpu.memref_slice %arg3[%dma_start3A_1399, %dma_start3A_1400] : memref<100000x16xi32, #tpu.memory_space<hbm>> -> memref<100000x16xi32, #tpu.memory_space<hbm>>
        tpu.enqueue_indirect_dma source(%dma_start3A_1401 : memref<100000x16xi32, #tpu.memory_space<hbm>>) target(%arg10 : memref<32x16xi32, #tpu.memory_space<vmem>>) offsets(%dma_start3A_1398 : memref<32xi32, #tpu.memory_space<vmem>>) semaphore(%arg38 : memref<!tpu.dma_semaphore, #tpu.memory_space<semaphore_mem>>)
      } else {
      }
      %ge3A_1277 = arith.constant 1 : i32
      %ge3A_1278 = arith.cmpi sge, %add3A_1262, %ge3A_1277 : i32
      %convert_element_type3A_1279 = arith.extui %ge3A_1278 : i1 to i32
      %cond3A_1280 = arith.constant 0 : i32
      %cond3A_1281 = arith.cmpi ne, %convert_element_type3A_1279, %cond3A_1280 : i32
      scf.if %cond3A_1281 {
        %dma_wait3A_1394 = arith.constant 0 : i32
        %dma_wait3A_1395 = arith.constant 0 : i32
        %dma_wait3A_1396 = tpu.memref_slice %arg2[%dma_wait3A_1394, %dma_wait3A_1395] : memref<100000x128xf32, #tpu.memory_space<hbm>> -> memref<32x128xf32, #tpu.memory_space<hbm>>
        %dma_wait3A_1397 = arith.constant 0 : i32
        %dma_wait3A_1398 = arith.constant 0 : i32
        %dma_wait3A_1399 = tpu.memref_slice %arg2[%dma_wait3A_1397, %dma_wait3A_1398] : memref<100000x128xf32, #tpu.memory_space<hbm>> -> memref<32x128xf32, #tpu.memory_space<hbm>>
        tpu.wait_dma2 semaphore(%arg43 : memref<!tpu.dma_semaphore, #tpu.memory_space<semaphore_mem>>) src(%dma_wait3A_1399 : memref<32x128xf32, #tpu.memory_space<hbm>>) dst(%arg13 : memref<32x128xf32, #tpu.memory_space<vmem>>)
      } else {
      }
      %ge3A_1282 = arith.constant 1 : i32
      %ge3A_1283 = arith.cmpi sge, %scan3A_1129, %ge3A_1282 : i32
      %convert_element_type3A_1284 = arith.extui %ge3A_1283 : i1 to i32
      %cond3A_1285 = arith.constant 0 : i32
      %cond3A_1286 = arith.cmpi ne, %convert_element_type3A_1284, %cond3A_1285 : i32
      scf.if %cond3A_1286 {
        %dma_wait3A_1394 = arith.constant 0 : i32
        %dma_wait3A_1395 = arith.constant 0 : i32
        %dma_wait3A_1396 = tpu.memref_slice %arg2[%dma_wait3A_1394, %dma_wait3A_1395] : memref<100000x128xf32, #tpu.memory_space<hbm>> -> memref<32x128xf32, #tpu.memory_space<hbm>>
        %dma_wait3A_1397 = arith.constant 0 : i32
        %dma_wait3A_1398 = arith.constant 0 : i32
        %dma_wait3A_1399 = tpu.memref_slice %arg2[%dma_wait3A_1397, %dma_wait3A_1398] : memref<100000x128xf32, #tpu.memory_space<hbm>> -> memref<32x128xf32, #tpu.memory_space<hbm>>
        tpu.wait_dma2 semaphore(%arg46 : memref<!tpu.dma_semaphore, #tpu.memory_space<semaphore_mem>>) src(%dma_wait3A_1399 : memref<32x128xf32, #tpu.memory_space<hbm>>) dst(%arg16 : memref<32x128xf32, #tpu.memory_space<vmem>>)
      } else {
      }
      %add3A_1287 = arith.constant 1 : i32
      %add3A_1288 = arith.addi %add3A_1262, %add3A_1287 : i32
      %lt3A_1289 = arith.constant 44 : i32
      %lt3A_1290 = arith.cmpi slt, %add3A_1288, %lt3A_1289 : i32
      %convert_element_type3A_1291 = arith.extui %lt3A_1290 : i1 to i32
      %cond3A_1292 = arith.constant 0 : i32
      %cond3A_1293 = arith.cmpi ne, %convert_element_type3A_1291, %cond3A_1292 : i32
      scf.if %cond3A_1293 {
        %add3A_1394 = arith.constant 1 : i32
        %add3A_1395 = arith.addi %add3A_1262, %add3A_1394 : i32
        %dma_start3A_1396 = arith.constant 0 : i32
        %dma_start3A_1397 = arith.constant 0 : i32
        %dma_start3A_1398 = tpu.memref_slice %arg11[%dma_start3A_1396, %dma_start3A_1397] : memref<10x32xi32, #tpu.memory_space<vmem>> -> memref<1x32xi32, #tpu.memory_space<vmem>>
        %dma_start3A_1399 = tpu.memref_squeeze %dma_start3A_1398 : memref<1x32xi32, #tpu.memory_space<vmem>> -> memref<32xi32, #tpu.memory_space<vmem>>
        %dma_start3A_1400 = arith.constant 0 : i32
        %dma_start3A_1401 = arith.constant 0 : i32
        %dma_start3A_1402 = tpu.memref_slice %arg2[%dma_start3A_1400, %dma_start3A_1401] : memref<100000x128xf32, #tpu.memory_space<hbm>> -> memref<100000x128xf32, #tpu.memory_space<hbm>>
        tpu.enqueue_indirect_dma source(%dma_start3A_1402 : memref<100000x128xf32, #tpu.memory_space<hbm>>) target(%arg17 : memref<32x128xf32, #tpu.memory_space<vmem>>) offsets(%dma_start3A_1399 : memref<32xi32, #tpu.memory_space<vmem>>) semaphore(%arg41 : memref<!tpu.dma_semaphore, #tpu.memory_space<semaphore_mem>>)
        %dma_start3A_1403 = arith.constant 1 : i32
        %dma_start3A_1404 = arith.constant 0 : i32
        %dma_start3A_1405 = tpu.memref_slice %arg11[%dma_start3A_1403, %dma_start3A_1404] : memref<10x32xi32, #tpu.memory_space<vmem>> -> memref<1x32xi32, #tpu.memory_space<vmem>>
        %dma_start3A_1406 = tpu.memref_squeeze %dma_start3A_1405 : memref<1x32xi32, #tpu.memory_space<vmem>> -> memref<32xi32, #tpu.memory_space<vmem>>
        %dma_start3A_1407 = arith.constant 0 : i32
        %dma_start3A_1408 = arith.constant 0 : i32
        %dma_start3A_1409 = tpu.memref_slice %arg2[%dma_start3A_1407, %dma_start3A_1408] : memref<100000x128xf32, #tpu.memory_space<hbm>> -> memref<100000x128xf32, #tpu.memory_space<hbm>>
        tpu.enqueue_indirect_dma source(%dma_start3A_1409 : memref<100000x128xf32, #tpu.memory_space<hbm>>) target(%arg18 : memref<32x128xf32, #tpu.memory_space<vmem>>) offsets(%dma_start3A_1406 : memref<32xi32, #tpu.memory_space<vmem>>) semaphore(%arg41 : memref<!tpu.dma_semaphore, #tpu.memory_space<semaphore_mem>>)
        %dma_start3A_1410 = arith.constant 2 : i32
        %dma_start3A_1411 = arith.constant 0 : i32
        %dma_start3A_1412 = tpu.memref_slice %arg11[%dma_start3A_1410, %dma_start3A_1411] : memref<10x32xi32, #tpu.memory_space<vmem>> -> memref<1x32xi32, #tpu.memory_space<vmem>>
        %dma_start3A_1413 = tpu.memref_squeeze %dma_start3A_1412 : memref<1x32xi32, #tpu.memory_space<vmem>> -> memref<32xi32, #tpu.memory_space<vmem>>
        %dma_start3A_1414 = arith.constant 0 : i32
        %dma_start3A_1415 = arith.constant 0 : i32
        %dma_start3A_1416 = tpu.memref_slice %arg2[%dma_start3A_1414, %dma_start3A_1415] : memref<100000x128xf32, #tpu.memory_space<hbm>> -> memref<100000x128xf32, #tpu.memory_space<hbm>>
        tpu.enqueue_indirect_dma source(%dma_start3A_1416 : memref<100000x128xf32, #tpu.memory_space<hbm>>) target(%arg19 : memref<32x128xf32, #tpu.memory_space<vmem>>) offsets(%dma_start3A_1413 : memref<32xi32, #tpu.memory_space<vmem>>) semaphore(%arg41 : memref<!tpu.dma_semaphore, #tpu.memory_space<semaphore_mem>>)
        %dma_start3A_1417 = arith.constant 3 : i32
        %dma_start3A_1418 = arith.constant 0 : i32
        %dma_start3A_1419 = tpu.memref_slice %arg11[%dma_start3A_1417, %dma_start3A_1418] : memref<10x32xi32, #tpu.memory_space<vmem>> -> memref<1x32xi32, #tpu.memory_space<vmem>>
        %dma_start3A_1420 = tpu.memref_squeeze %dma_start3A_1419 : memref<1x32xi32, #tpu.memory_space<vmem>> -> memref<32xi32, #tpu.memory_space<vmem>>
        %dma_start3A_1421 = arith.constant 0 : i32
        %dma_start3A_1422 = arith.constant 0 : i32
        %dma_start3A_1423 = tpu.memref_slice %arg2[%dma_start3A_1421, %dma_start3A_1422] : memref<100000x128xf32, #tpu.memory_space<hbm>> -> memref<100000x128xf32, #tpu.memory_space<hbm>>
        tpu.enqueue_indirect_dma source(%dma_start3A_1423 : memref<100000x128xf32, #tpu.memory_space<hbm>>) target(%arg20 : memref<32x128xf32, #tpu.memory_space<vmem>>) offsets(%dma_start3A_1420 : memref<32xi32, #tpu.memory_space<vmem>>) semaphore(%arg41 : memref<!tpu.dma_semaphore, #tpu.memory_space<semaphore_mem>>)
        %dma_start3A_1424 = arith.constant 4 : i32
        %dma_start3A_1425 = arith.constant 0 : i32
        %dma_start3A_1426 = tpu.memref_slice %arg11[%dma_start3A_1424, %dma_start3A_1425] : memref<10x32xi32, #tpu.memory_space<vmem>> -> memref<1x32xi32, #tpu.memory_space<vmem>>
        %dma_start3A_1427 = tpu.memref_squeeze %dma_start3A_1426 : memref<1x32xi32, #tpu.memory_space<vmem>> -> memref<32xi32, #tpu.memory_space<vmem>>
        %dma_start3A_1428 = arith.constant 0 : i32
        %dma_start3A_1429 = arith.constant 0 : i32
        %dma_start3A_1430 = tpu.memref_slice %arg2[%dma_start3A_1428, %dma_start3A_1429] : memref<100000x128xf32, #tpu.memory_space<hbm>> -> memref<100000x128xf32, #tpu.memory_space<hbm>>
        tpu.enqueue_indirect_dma source(%dma_start3A_1430 : memref<100000x128xf32, #tpu.memory_space<hbm>>) target(%arg21 : memref<32x128xf32, #tpu.memory_space<vmem>>) offsets(%dma_start3A_1427 : memref<32xi32, #tpu.memory_space<vmem>>) semaphore(%arg41 : memref<!tpu.dma_semaphore, #tpu.memory_space<semaphore_mem>>)
        %dma_start3A_1431 = arith.constant 5 : i32
        %dma_start3A_1432 = arith.constant 0 : i32
        %dma_start3A_1433 = tpu.memref_slice %arg11[%dma_start3A_1431, %dma_start3A_1432] : memref<10x32xi32, #tpu.memory_space<vmem>> -> memref<1x32xi32, #tpu.memory_space<vmem>>
        %dma_start3A_1434 = tpu.memref_squeeze %dma_start3A_1433 : memref<1x32xi32, #tpu.memory_space<vmem>> -> memref<32xi32, #tpu.memory_space<vmem>>
        %dma_start3A_1435 = arith.constant 0 : i32
        %dma_start3A_1436 = arith.constant 0 : i32
        %dma_start3A_1437 = tpu.memref_slice %arg2[%dma_start3A_1435, %dma_start3A_1436] : memref<100000x128xf32, #tpu.memory_space<hbm>> -> memref<100000x128xf32, #tpu.memory_space<hbm>>
        tpu.enqueue_indirect_dma source(%dma_start3A_1437 : memref<100000x128xf32, #tpu.memory_space<hbm>>) target(%arg22 : memref<32x128xf32, #tpu.memory_space<vmem>>) offsets(%dma_start3A_1434 : memref<32xi32, #tpu.memory_space<vmem>>) semaphore(%arg41 : memref<!tpu.dma_semaphore, #tpu.memory_space<semaphore_mem>>)
        %dma_start3A_1438 = arith.constant 6 : i32
        %dma_start3A_1439 = arith.constant 0 : i32
        %dma_start3A_1440 = tpu.memref_slice %arg11[%dma_start3A_1438, %dma_start3A_1439] : memref<10x32xi32, #tpu.memory_space<vmem>> -> memref<1x32xi32, #tpu.memory_space<vmem>>
        %dma_start3A_1441 = tpu.memref_squeeze %dma_start3A_1440 : memref<1x32xi32, #tpu.memory_space<vmem>> -> memref<32xi32, #tpu.memory_space<vmem>>
        %dma_start3A_1442 = arith.constant 0 : i32
        %dma_start3A_1443 = arith.constant 0 : i32
        %dma_start3A_1444 = tpu.memref_slice %arg2[%dma_start3A_1442, %dma_start3A_1443] : memref<100000x128xf32, #tpu.memory_space<hbm>> -> memref<100000x128xf32, #tpu.memory_space<hbm>>
        tpu.enqueue_indirect_dma source(%dma_start3A_1444 : memref<100000x128xf32, #tpu.memory_space<hbm>>) target(%arg23 : memref<32x128xf32, #tpu.memory_space<vmem>>) offsets(%dma_start3A_1441 : memref<32xi32, #tpu.memory_space<vmem>>) semaphore(%arg41 : memref<!tpu.dma_semaphore, #tpu.memory_space<semaphore_mem>>)
        %dma_start3A_1445 = arith.constant 7 : i32
        %dma_start3A_1446 = arith.constant 0 : i32
        %dma_start3A_1447 = tpu.memref_slice %arg11[%dma_start3A_1445, %dma_start3A_1446] : memref<10x32xi32, #tpu.memory_space<vmem>> -> memref<1x32xi32, #tpu.memory_space<vmem>>
        %dma_start3A_1448 = tpu.memref_squeeze %dma_start3A_1447 : memref<1x32xi32, #tpu.memory_space<vmem>> -> memref<32xi32, #tpu.memory_space<vmem>>
        %dma_start3A_1449 = arith.constant 0 : i32
        %dma_start3A_1450 = arith.constant 0 : i32
        %dma_start3A_1451 = tpu.memref_slice %arg2[%dma_start3A_1449, %dma_start3A_1450] : memref<100000x128xf32, #tpu.memory_space<hbm>> -> memref<100000x128xf32, #tpu.memory_space<hbm>>
        tpu.enqueue_indirect_dma source(%dma_start3A_1451 : memref<100000x128xf32, #tpu.memory_space<hbm>>) target(%arg24 : memref<32x128xf32, #tpu.memory_space<vmem>>) offsets(%dma_start3A_1448 : memref<32xi32, #tpu.memory_space<vmem>>) semaphore(%arg41 : memref<!tpu.dma_semaphore, #tpu.memory_space<semaphore_mem>>)
        %dma_start3A_1452 = arith.constant 8 : i32
        %dma_start3A_1453 = arith.constant 0 : i32
        %dma_start3A_1454 = tpu.memref_slice %arg11[%dma_start3A_1452, %dma_start3A_1453] : memref<10x32xi32, #tpu.memory_space<vmem>> -> memref<1x32xi32, #tpu.memory_space<vmem>>
        %dma_start3A_1455 = tpu.memref_squeeze %dma_start3A_1454 : memref<1x32xi32, #tpu.memory_space<vmem>> -> memref<32xi32, #tpu.memory_space<vmem>>
        %dma_start3A_1456 = arith.constant 0 : i32
        %dma_start3A_1457 = arith.constant 0 : i32
        %dma_start3A_1458 = tpu.memref_slice %arg2[%dma_start3A_1456, %dma_start3A_1457] : memref<100000x128xf32, #tpu.memory_space<hbm>> -> memref<100000x128xf32, #tpu.memory_space<hbm>>
        tpu.enqueue_indirect_dma source(%dma_start3A_1458 : memref<100000x128xf32, #tpu.memory_space<hbm>>) target(%arg25 : memref<32x128xf32, #tpu.memory_space<vmem>>) offsets(%dma_start3A_1455 : memref<32xi32, #tpu.memory_space<vmem>>) semaphore(%arg41 : memref<!tpu.dma_semaphore, #tpu.memory_space<semaphore_mem>>)
        %dma_start3A_1459 = arith.constant 9 : i32
        %dma_start3A_1460 = arith.constant 0 : i32
        %dma_start3A_1461 = tpu.memref_slice %arg11[%dma_start3A_1459, %dma_start3A_1460] : memref<10x32xi32, #tpu.memory_space<vmem>> -> memref<1x32xi32, #tpu.memory_space<vmem>>
        %dma_start3A_1462 = tpu.memref_squeeze %dma_start3A_1461 : memref<1x32xi32, #tpu.memory_space<vmem>> -> memref<32xi32, #tpu.memory_space<vmem>>
        %dma_start3A_1463 = arith.constant 0 : i32
        %dma_start3A_1464 = arith.constant 0 : i32
        %dma_start3A_1465 = tpu.memref_slice %arg2[%dma_start3A_1463, %dma_start3A_1464] : memref<100000x128xf32, #tpu.memory_space<hbm>> -> memref<100000x128xf32, #tpu.memory_space<hbm>>
        tpu.enqueue_indirect_dma source(%dma_start3A_1465 : memref<100000x128xf32, #tpu.memory_space<hbm>>) target(%arg26 : memref<32x128xf32, #tpu.memory_space<vmem>>) offsets(%dma_start3A_1462 : memref<32xi32, #tpu.memory_space<vmem>>) semaphore(%arg41 : memref<!tpu.dma_semaphore, #tpu.memory_space<semaphore_mem>>)
        %mul3A_1466 = arith.constant 32 : i32
        %mul3A_1467 = arith.muli %add3A_1395, %mul3A_1466 : i32
        %dma_start3A_1468 = tpu.memref_slice %arg7[%mul3A_1467] : memref<1408xi32, #tpu.memory_space<vmem>> -> memref<32xi32, #tpu.memory_space<vmem>>
        %dma_start3A_1469 = arith.constant 0 : i32
        %dma_start3A_1470 = arith.constant 0 : i32
        %dma_start3A_1471 = tpu.memref_slice %arg2[%dma_start3A_1469, %dma_start3A_1470] : memref<100000x128xf32, #tpu.memory_space<hbm>> -> memref<100000x128xf32, #tpu.memory_space<hbm>>
        tpu.enqueue_indirect_dma source(%dma_start3A_1471 : memref<100000x128xf32, #tpu.memory_space<hbm>>) target(%arg13 : memref<32x128xf32, #tpu.memory_space<vmem>>) offsets(%dma_start3A_1468 : memref<32xi32, #tpu.memory_space<vmem>>) semaphore(%arg39 : memref<!tpu.dma_semaphore, #tpu.memory_space<semaphore_mem>>)
      } else {
      }
      %dma_wait3A_1294 = arith.constant 0 : i32
      %dma_wait3A_1295 = arith.constant 0 : i32
      %dma_wait3A_1296 = tpu.memref_slice %arg12[%dma_wait3A_1294, %dma_wait3A_1295] : memref<10x32xi32, #tpu.memory_space<vmem>> -> memref<1x32xi32, #tpu.memory_space<vmem>>
      %dma_wait3A_1297 = tpu.memref_squeeze %dma_wait3A_1296 : memref<1x32xi32, #tpu.memory_space<vmem>> -> memref<32xi32, #tpu.memory_space<vmem>>
      %dma_wait3A_1298 = arith.constant 0 : i32
      %dma_wait3A_1299 = arith.constant 0 : i32
      %dma_wait3A_1300 = tpu.memref_slice %arg2[%dma_wait3A_1298, %dma_wait3A_1299] : memref<100000x128xf32, #tpu.memory_space<hbm>> -> memref<100000x128xf32, #tpu.memory_space<hbm>>
      tpu.wait_indirect_dma semaphore(%arg42 : memref<!tpu.dma_semaphore, #tpu.memory_space<semaphore_mem>>) src(%dma_wait3A_1300 : memref<100000x128xf32, #tpu.memory_space<hbm>>) dst(%arg27 : memref<32x128xf32, #tpu.memory_space<vmem>>)
      %dma_wait3A_1301 = arith.constant 1 : i32
      %dma_wait3A_1302 = arith.constant 0 : i32
      %dma_wait3A_1303 = tpu.memref_slice %arg12[%dma_wait3A_1301, %dma_wait3A_1302] : memref<10x32xi32, #tpu.memory_space<vmem>> -> memref<1x32xi32, #tpu.memory_space<vmem>>
      %dma_wait3A_1304 = tpu.memref_squeeze %dma_wait3A_1303 : memref<1x32xi32, #tpu.memory_space<vmem>> -> memref<32xi32, #tpu.memory_space<vmem>>
      %dma_wait3A_1305 = arith.constant 0 : i32
      %dma_wait3A_1306 = arith.constant 0 : i32
      %dma_wait3A_1307 = tpu.memref_slice %arg2[%dma_wait3A_1305, %dma_wait3A_1306] : memref<100000x128xf32, #tpu.memory_space<hbm>> -> memref<100000x128xf32, #tpu.memory_space<hbm>>
      tpu.wait_indirect_dma semaphore(%arg42 : memref<!tpu.dma_semaphore, #tpu.memory_space<semaphore_mem>>) src(%dma_wait3A_1307 : memref<100000x128xf32, #tpu.memory_space<hbm>>) dst(%arg28 : memref<32x128xf32, #tpu.memory_space<vmem>>)
      %dma_wait3A_1308 = arith.constant 2 : i32
      %dma_wait3A_1309 = arith.constant 0 : i32
      %dma_wait3A_1310 = tpu.memref_slice %arg12[%dma_wait3A_1308, %dma_wait3A_1309] : memref<10x32xi32, #tpu.memory_space<vmem>> -> memref<1x32xi32, #tpu.memory_space<vmem>>
      %dma_wait3A_1311 = tpu.memref_squeeze %dma_wait3A_1310 : memref<1x32xi32, #tpu.memory_space<vmem>> -> memref<32xi32, #tpu.memory_space<vmem>>
      %dma_wait3A_1312 = arith.constant 0 : i32
      %dma_wait3A_1313 = arith.constant 0 : i32
      %dma_wait3A_1314 = tpu.memref_slice %arg2[%dma_wait3A_1312, %dma_wait3A_1313] : memref<100000x128xf32, #tpu.memory_space<hbm>> -> memref<100000x128xf32, #tpu.memory_space<hbm>>
      tpu.wait_indirect_dma semaphore(%arg42 : memref<!tpu.dma_semaphore, #tpu.memory_space<semaphore_mem>>) src(%dma_wait3A_1314 : memref<100000x128xf32, #tpu.memory_space<hbm>>) dst(%arg29 : memref<32x128xf32, #tpu.memory_space<vmem>>)
      %dma_wait3A_1315 = arith.constant 3 : i32
      %dma_wait3A_1316 = arith.constant 0 : i32
      %dma_wait3A_1317 = tpu.memref_slice %arg12[%dma_wait3A_1315, %dma_wait3A_1316] : memref<10x32xi32, #tpu.memory_space<vmem>> -> memref<1x32xi32, #tpu.memory_space<vmem>>
      %dma_wait3A_1318 = tpu.memref_squeeze %dma_wait3A_1317 : memref<1x32xi32, #tpu.memory_space<vmem>> -> memref<32xi32, #tpu.memory_space<vmem>>
      %dma_wait3A_1319 = arith.constant 0 : i32
      %dma_wait3A_1320 = arith.constant 0 : i32
      %dma_wait3A_1321 = tpu.memref_slice %arg2[%dma_wait3A_1319, %dma_wait3A_1320] : memref<100000x128xf32, #tpu.memory_space<hbm>> -> memref<100000x128xf32, #tpu.memory_space<hbm>>
      tpu.wait_indirect_dma semaphore(%arg42 : memref<!tpu.dma_semaphore, #tpu.memory_space<semaphore_mem>>) src(%dma_wait3A_1321 : memref<100000x128xf32, #tpu.memory_space<hbm>>) dst(%arg30 : memref<32x128xf32, #tpu.memory_space<vmem>>)
      %dma_wait3A_1322 = arith.constant 4 : i32
      %dma_wait3A_1323 = arith.constant 0 : i32
      %dma_wait3A_1324 = tpu.memref_slice %arg12[%dma_wait3A_1322, %dma_wait3A_1323] : memref<10x32xi32, #tpu.memory_space<vmem>> -> memref<1x32xi32, #tpu.memory_space<vmem>>
      %dma_wait3A_1325 = tpu.memref_squeeze %dma_wait3A_1324 : memref<1x32xi32, #tpu.memory_space<vmem>> -> memref<32xi32, #tpu.memory_space<vmem>>
      %dma_wait3A_1326 = arith.constant 0 : i32
      %dma_wait3A_1327 = arith.constant 0 : i32
      %dma_wait3A_1328 = tpu.memref_slice %arg2[%dma_wait3A_1326, %dma_wait3A_1327] : memref<100000x128xf32, #tpu.memory_space<hbm>> -> memref<100000x128xf32, #tpu.memory_space<hbm>>
      tpu.wait_indirect_dma semaphore(%arg42 : memref<!tpu.dma_semaphore, #tpu.memory_space<semaphore_mem>>) src(%dma_wait3A_1328 : memref<100000x128xf32, #tpu.memory_space<hbm>>) dst(%arg31 : memref<32x128xf32, #tpu.memory_space<vmem>>)
      %dma_wait3A_1329 = arith.constant 5 : i32
      %dma_wait3A_1330 = arith.constant 0 : i32
      %dma_wait3A_1331 = tpu.memref_slice %arg12[%dma_wait3A_1329, %dma_wait3A_1330] : memref<10x32xi32, #tpu.memory_space<vmem>> -> memref<1x32xi32, #tpu.memory_space<vmem>>
      %dma_wait3A_1332 = tpu.memref_squeeze %dma_wait3A_1331 : memref<1x32xi32, #tpu.memory_space<vmem>> -> memref<32xi32, #tpu.memory_space<vmem>>
      %dma_wait3A_1333 = arith.constant 0 : i32
      %dma_wait3A_1334 = arith.constant 0 : i32
      %dma_wait3A_1335 = tpu.memref_slice %arg2[%dma_wait3A_1333, %dma_wait3A_1334] : memref<100000x128xf32, #tpu.memory_space<hbm>> -> memref<100000x128xf32, #tpu.memory_space<hbm>>
      tpu.wait_indirect_dma semaphore(%arg42 : memref<!tpu.dma_semaphore, #tpu.memory_space<semaphore_mem>>) src(%dma_wait3A_1335 : memref<100000x128xf32, #tpu.memory_space<hbm>>) dst(%arg32 : memref<32x128xf32, #tpu.memory_space<vmem>>)
      %dma_wait3A_1336 = arith.constant 6 : i32
      %dma_wait3A_1337 = arith.constant 0 : i32
      %dma_wait3A_1338 = tpu.memref_slice %arg12[%dma_wait3A_1336, %dma_wait3A_1337] : memref<10x32xi32, #tpu.memory_space<vmem>> -> memref<1x32xi32, #tpu.memory_space<vmem>>
      %dma_wait3A_1339 = tpu.memref_squeeze %dma_wait3A_1338 : memref<1x32xi32, #tpu.memory_space<vmem>> -> memref<32xi32, #tpu.memory_space<vmem>>
      %dma_wait3A_1340 = arith.constant 0 : i32
      %dma_wait3A_1341 = arith.constant 0 : i32
      %dma_wait3A_1342 = tpu.memref_slice %arg2[%dma_wait3A_1340, %dma_wait3A_1341] : memref<100000x128xf32, #tpu.memory_space<hbm>> -> memref<100000x128xf32, #tpu.memory_space<hbm>>
      tpu.wait_indirect_dma semaphore(%arg42 : memref<!tpu.dma_semaphore, #tpu.memory_space<semaphore_mem>>) src(%dma_wait3A_1342 : memref<100000x128xf32, #tpu.memory_space<hbm>>) dst(%arg33 : memref<32x128xf32, #tpu.memory_space<vmem>>)
      %dma_wait3A_1343 = arith.constant 7 : i32
      %dma_wait3A_1344 = arith.constant 0 : i32
      %dma_wait3A_1345 = tpu.memref_slice %arg12[%dma_wait3A_1343, %dma_wait3A_1344] : memref<10x32xi32, #tpu.memory_space<vmem>> -> memref<1x32xi32, #tpu.memory_space<vmem>>
      %dma_wait3A_1346 = tpu.memref_squeeze %dma_wait3A_1345 : memref<1x32xi32, #tpu.memory_space<vmem>> -> memref<32xi32, #tpu.memory_space<vmem>>
      %dma_wait3A_1347 = arith.constant 0 : i32
      %dma_wait3A_1348 = arith.constant 0 : i32
      %dma_wait3A_1349 = tpu.memref_slice %arg2[%dma_wait3A_1347, %dma_wait3A_1348] : memref<100000x128xf32, #tpu.memory_space<hbm>> -> memref<100000x128xf32, #tpu.memory_space<hbm>>
      tpu.wait_indirect_dma semaphore(%arg42 : memref<!tpu.dma_semaphore, #tpu.memory_space<semaphore_mem>>) src(%dma_wait3A_1349 : memref<100000x128xf32, #tpu.memory_space<hbm>>) dst(%arg34 : memref<32x128xf32, #tpu.memory_space<vmem>>)
      %dma_wait3A_1350 = arith.constant 8 : i32
      %dma_wait3A_1351 = arith.constant 0 : i32
      %dma_wait3A_1352 = tpu.memref_slice %arg12[%dma_wait3A_1350, %dma_wait3A_1351] : memref<10x32xi32, #tpu.memory_space<vmem>> -> memref<1x32xi32, #tpu.memory_space<vmem>>
      %dma_wait3A_1353 = tpu.memref_squeeze %dma_wait3A_1352 : memref<1x32xi32, #tpu.memory_space<vmem>> -> memref<32xi32, #tpu.memory_space<vmem>>
      %dma_wait3A_1354 = arith.constant 0 : i32
      %dma_wait3A_1355 = arith.constant 0 : i32
      %dma_wait3A_1356 = tpu.memref_slice %arg2[%dma_wait3A_1354, %dma_wait3A_1355] : memref<100000x128xf32, #tpu.memory_space<hbm>> -> memref<100000x128xf32, #tpu.memory_space<hbm>>
      tpu.wait_indirect_dma semaphore(%arg42 : memref<!tpu.dma_semaphore, #tpu.memory_space<semaphore_mem>>) src(%dma_wait3A_1356 : memref<100000x128xf32, #tpu.memory_space<hbm>>) dst(%arg35 : memref<32x128xf32, #tpu.memory_space<vmem>>)
      %dma_wait3A_1357 = arith.constant 9 : i32
      %dma_wait3A_1358 = arith.constant 0 : i32
      %dma_wait3A_1359 = tpu.memref_slice %arg12[%dma_wait3A_1357, %dma_wait3A_1358] : memref<10x32xi32, #tpu.memory_space<vmem>> -> memref<1x32xi32, #tpu.memory_space<vmem>>
      %dma_wait3A_1360 = tpu.memref_squeeze %dma_wait3A_1359 : memref<1x32xi32, #tpu.memory_space<vmem>> -> memref<32xi32, #tpu.memory_space<vmem>>
      %dma_wait3A_1361 = arith.constant 0 : i32
      %dma_wait3A_1362 = arith.constant 0 : i32
      %dma_wait3A_1363 = tpu.memref_slice %arg2[%dma_wait3A_1361, %dma_wait3A_1362] : memref<100000x128xf32, #tpu.memory_space<hbm>> -> memref<100000x128xf32, #tpu.memory_space<hbm>>
      tpu.wait_indirect_dma semaphore(%arg42 : memref<!tpu.dma_semaphore, #tpu.memory_space<semaphore_mem>>) src(%dma_wait3A_1363 : memref<100000x128xf32, #tpu.memory_space<hbm>>) dst(%arg36 : memref<32x128xf32, #tpu.memory_space<vmem>>)
      %scan3A_1364 = arith.constant 0 : i32
      %scan3A_1365 = arith.constant 0 : i32
      %scan3A_1366 = arith.constant 32 : i32
      %scan3A_1367 = arith.addi %scan3A_1365, %scan3A_1366 : i32
      %scan3A_1368 = arith.constant 1 : i32
      scf.for %scan3A_1394 = %scan3A_1365 to %scan3A_1367 step %scan3A_1368  : i32 {
        %get3A = arith.index_cast %scan3A_1394 : i32 to index
        %get3A_1395 = arith.constant 0 : index
        %get3A_1396 = tpu.vector_load %arg27[%get3A, %get3A_1395] {strides = array<i32>} : memref<32x128xf32, #tpu.memory_space<vmem>>, vector<16xf32>,
        %get3A_1397 = arith.index_cast %scan3A_1394 : i32 to index
        %get3A_1398 = arith.constant 0 : index
        %get3A_1399 = tpu.vector_load %arg28[%get3A_1397, %get3A_1398] {strides = array<i32>} : memref<32x128xf32, #tpu.memory_space<vmem>>, vector<16xf32>,
        %add3A_1400 = arith.addf %get3A_1396, %get3A_1399 : vector<16xf32>
        %get3A_1401 = arith.index_cast %scan3A_1394 : i32 to index
        %get3A_1402 = arith.constant 0 : index
        %get3A_1403 = tpu.vector_load %arg29[%get3A_1401, %get3A_1402] {strides = array<i32>} : memref<32x128xf32, #tpu.memory_space<vmem>>, vector<16xf32>,
        %add3A_1404 = arith.addf %add3A_1400, %get3A_1403 : vector<16xf32>
        %get3A_1405 = arith.index_cast %scan3A_1394 : i32 to index
        %get3A_1406 = arith.constant 0 : index
        %get3A_1407 = tpu.vector_load %arg30[%get3A_1405, %get3A_1406] {strides = array<i32>} : memref<32x128xf32, #tpu.memory_space<vmem>>, vector<16xf32>,
        %add3A_1408 = arith.addf %add3A_1404, %get3A_1407 : vector<16xf32>
        %get3A_1409 = arith.index_cast %scan3A_1394 : i32 to index
        %get3A_1410 = arith.constant 0 : index
        %get3A_1411 = tpu.vector_load %arg31[%get3A_1409, %get3A_1410] {strides = array<i32>} : memref<32x128xf32, #tpu.memory_space<vmem>>, vector<16xf32>,
        %add3A_1412 = arith.addf %add3A_1408, %get3A_1411 : vector<16xf32>
        %get3A_1413 = arith.index_cast %scan3A_1394 : i32 to index
        %get3A_1414 = arith.constant 0 : index
        %get3A_1415 = tpu.vector_load %arg32[%get3A_1413, %get3A_1414] {strides = array<i32>} : memref<32x128xf32, #tpu.memory_space<vmem>>, vector<16xf32>,
        %add3A_1416 = arith.addf %add3A_1412, %get3A_1415 : vector<16xf32>
        %get3A_1417 = arith.index_cast %scan3A_1394 : i32 to index
        %get3A_1418 = arith.constant 0 : index
        %get3A_1419 = tpu.vector_load %arg33[%get3A_1417, %get3A_1418] {strides = array<i32>} : memref<32x128xf32, #tpu.memory_space<vmem>>, vector<16xf32>,
        %add3A_1420 = arith.addf %add3A_1416, %get3A_1419 : vector<16xf32>
        %get3A_1421 = arith.index_cast %scan3A_1394 : i32 to index
        %get3A_1422 = arith.constant 0 : index
        %get3A_1423 = tpu.vector_load %arg34[%get3A_1421, %get3A_1422] {strides = array<i32>} : memref<32x128xf32, #tpu.memory_space<vmem>>, vector<16xf32>,
        %add3A_1424 = arith.addf %add3A_1420, %get3A_1423 : vector<16xf32>
        %get3A_1425 = arith.index_cast %scan3A_1394 : i32 to index
        %get3A_1426 = arith.constant 0 : index
        %get3A_1427 = tpu.vector_load %arg35[%get3A_1425, %get3A_1426] {strides = array<i32>} : memref<32x128xf32, #tpu.memory_space<vmem>>, vector<16xf32>,
        %add3A_1428 = arith.addf %add3A_1424, %get3A_1427 : vector<16xf32>
        %get3A_1429 = arith.index_cast %scan3A_1394 : i32 to index
        %get3A_1430 = arith.constant 0 : index
        %get3A_1431 = tpu.vector_load %arg36[%get3A_1429, %get3A_1430] {strides = array<i32>} : memref<32x128xf32, #tpu.memory_space<vmem>>, vector<16xf32>,
        %add3A_1432 = arith.addf %add3A_1428, %get3A_1431 : vector<16xf32>
        %swap3A_1433 = arith.index_cast %scan3A_1394 : i32 to index
        %swap3A_1434 = arith.constant 0 : index
        %swap3A_1435 = tpu.vector_load %arg16[%swap3A_1433, %swap3A_1434] {strides = array<i32>} : memref<32x128xf32, #tpu.memory_space<vmem>>, vector<16xf32>,
        tpu.vector_store %arg16[%swap3A_1433, %swap3A_1434], %add3A_1432 {strides = array<i32>} : memref<32x128xf32, #tpu.memory_space<vmem>>, vector<16xf32>,
        %get3A_1436 = arith.index_cast %scan3A_1394 : i32 to index
        %get3A_1437 = arith.constant 16 : index
        %get3A_1438 = tpu.vector_load %arg27[%get3A_1436, %get3A_1437] {strides = array<i32>} : memref<32x128xf32, #tpu.memory_space<vmem>>, vector<16xf32>,
        %get3A_1439 = arith.index_cast %scan3A_1394 : i32 to index
        %get3A_1440 = arith.constant 16 : index
        %get3A_1441 = tpu.vector_load %arg28[%get3A_1439, %get3A_1440] {strides = array<i32>} : memref<32x128xf32, #tpu.memory_space<vmem>>, vector<16xf32>,
        %add3A_1442 = arith.addf %get3A_1438, %get3A_1441 : vector<16xf32>
        %get3A_1443 = arith.index_cast %scan3A_1394 : i32 to index
        %get3A_1444 = arith.constant 16 : index
        %get3A_1445 = tpu.vector_load %arg29[%get3A_1443, %get3A_1444] {strides = array<i32>} : memref<32x128xf32, #tpu.memory_space<vmem>>, vector<16xf32>,
        %add3A_1446 = arith.addf %add3A_1442, %get3A_1445 : vector<16xf32>
        %get3A_1447 = arith.index_cast %scan3A_1394 : i32 to index
        %get3A_1448 = arith.constant 16 : index
        %get3A_1449 = tpu.vector_load %arg30[%get3A_1447, %get3A_1448] {strides = array<i32>} : memref<32x128xf32, #tpu.memory_space<vmem>>, vector<16xf32>,
        %add3A_1450 = arith.addf %add3A_1446, %get3A_1449 : vector<16xf32>
        %get3A_1451 = arith.index_cast %scan3A_1394 : i32 to index
        %get3A_1452 = arith.constant 16 : index
        %get3A_1453 = tpu.vector_load %arg31[%get3A_1451, %get3A_1452] {strides = array<i32>} : memref<32x128xf32, #tpu.memory_space<vmem>>, vector<16xf32>,
        %add3A_1454 = arith.addf %add3A_1450, %get3A_1453 : vector<16xf32>
        %get3A_1455 = arith.index_cast %scan3A_1394 : i32 to index
        %get3A_1456 = arith.constant 16 : index
        %get3A_1457 = tpu.vector_load %arg32[%get3A_1455, %get3A_1456] {strides = array<i32>} : memref<32x128xf32, #tpu.memory_space<vmem>>, vector<16xf32>,
        %add3A_1458 = arith.addf %add3A_1454, %get3A_1457 : vector<16xf32>
        %get3A_1459 = arith.index_cast %scan3A_1394 : i32 to index
        %get3A_1460 = arith.constant 16 : index
        %get3A_1461 = tpu.vector_load %arg33[%get3A_1459, %get3A_1460] {strides = array<i32>} : memref<32x128xf32, #tpu.memory_space<vmem>>, vector<16xf32>,
        %add3A_1462 = arith.addf %add3A_1458, %get3A_1461 : vector<16xf32>
        %get3A_1463 = arith.index_cast %scan3A_1394 : i32 to index
        %get3A_1464 = arith.constant 16 : index
        %get3A_1465 = tpu.vector_load %arg34[%get3A_1463, %get3A_1464] {strides = array<i32>} : memref<32x128xf32, #tpu.memory_space<vmem>>, vector<16xf32>,
        %add3A_1466 = arith.addf %add3A_1462, %get3A_1465 : vector<16xf32>
        %get3A_1467 = arith.index_cast %scan3A_1394 : i32 to index
        %get3A_1468 = arith.constant 16 : index
        %get3A_1469 = tpu.vector_load %arg35[%get3A_1467, %get3A_1468] {strides = array<i32>} : memref<32x128xf32, #tpu.memory_space<vmem>>, vector<16xf32>,
        %add3A_1470 = arith.addf %add3A_1466, %get3A_1469 : vector<16xf32>
        %get3A_1471 = arith.index_cast %scan3A_1394 : i32 to index
        %get3A_1472 = arith.constant 16 : index
        %get3A_1473 = tpu.vector_load %arg36[%get3A_1471, %get3A_1472] {strides = array<i32>} : memref<32x128xf32, #tpu.memory_space<vmem>>, vector<16xf32>,
        %add3A_1474 = arith.addf %add3A_1470, %get3A_1473 : vector<16xf32>
        %swap3A_1475 = arith.index_cast %scan3A_1394 : i32 to index
        %swap3A_1476 = arith.constant 16 : index
        %swap3A_1477 = tpu.vector_load %arg16[%swap3A_1475, %swap3A_1476] {strides = array<i32>} : memref<32x128xf32, #tpu.memory_space<vmem>>, vector<16xf32>,
        tpu.vector_store %arg16[%swap3A_1475, %swap3A_1476], %add3A_1474 {strides = array<i32>} : memref<32x128xf32, #tpu.memory_space<vmem>>, vector<16xf32>,
        %get3A_1478 = arith.index_cast %scan3A_1394 : i32 to index
        %get3A_1479 = arith.constant 32 : index
        %get3A_1480 = tpu.vector_load %arg27[%get3A_1478, %get3A_1479] {strides = array<i32>} : memref<32x128xf32, #tpu.memory_space<vmem>>, vector<16xf32>,
        %get3A_1481 = arith.index_cast %scan3A_1394 : i32 to index
        %get3A_1482 = arith.constant 32 : index
        %get3A_1483 = tpu.vector_load %arg28[%get3A_1481, %get3A_1482] {strides = array<i32>} : memref<32x128xf32, #tpu.memory_space<vmem>>, vector<16xf32>,
        %add3A_1484 = arith.addf %get3A_1480, %get3A_1483 : vector<16xf32>
        %get3A_1485 = arith.index_cast %scan3A_1394 : i32 to index
        %get3A_1486 = arith.constant 32 : index
        %get3A_1487 = tpu.vector_load %arg29[%get3A_1485, %get3A_1486] {strides = array<i32>} : memref<32x128xf32, #tpu.memory_space<vmem>>, vector<16xf32>,
        %add3A_1488 = arith.addf %add3A_1484, %get3A_1487 : vector<16xf32>
        %get3A_1489 = arith.index_cast %scan3A_1394 : i32 to index
        %get3A_1490 = arith.constant 32 : index
        %get3A_1491 = tpu.vector_load %arg30[%get3A_1489, %get3A_1490] {strides = array<i32>} : memref<32x128xf32, #tpu.memory_space<vmem>>, vector<16xf32>,
        %add3A_1492 = arith.addf %add3A_1488, %get3A_1491 : vector<16xf32>
        %get3A_1493 = arith.index_cast %scan3A_1394 : i32 to index
        %get3A_1494 = arith.constant 32 : index
        %get3A_1495 = tpu.vector_load %arg31[%get3A_1493, %get3A_1494] {strides = array<i32>} : memref<32x128xf32, #tpu.memory_space<vmem>>, vector<16xf32>,
        %add3A_1496 = arith.addf %add3A_1492, %get3A_1495 : vector<16xf32>
        %get3A_1497 = arith.index_cast %scan3A_1394 : i32 to index
        %get3A_1498 = arith.constant 32 : index
        %get3A_1499 = tpu.vector_load %arg32[%get3A_1497, %get3A_1498] {strides = array<i32>} : memref<32x128xf32, #tpu.memory_space<vmem>>, vector<16xf32>,
        %add3A_1500 = arith.addf %add3A_1496, %get3A_1499 : vector<16xf32>
        %get3A_1501 = arith.index_cast %scan3A_1394 : i32 to index
        %get3A_1502 = arith.constant 32 : index
        %get3A_1503 = tpu.vector_load %arg33[%get3A_1501, %get3A_1502] {strides = array<i32>} : memref<32x128xf32, #tpu.memory_space<vmem>>, vector<16xf32>,
        %add3A_1504 = arith.addf %add3A_1500, %get3A_1503 : vector<16xf32>
        %get3A_1505 = arith.index_cast %scan3A_1394 : i32 to index
        %get3A_1506 = arith.constant 32 : index
        %get3A_1507 = tpu.vector_load %arg34[%get3A_1505, %get3A_1506] {strides = array<i32>} : memref<32x128xf32, #tpu.memory_space<vmem>>, vector<16xf32>,
        %add3A_1508 = arith.addf %add3A_1504, %get3A_1507 : vector<16xf32>
        %get3A_1509 = arith.index_cast %scan3A_1394 : i32 to index
        %get3A_1510 = arith.constant 32 : index
        %get3A_1511 = tpu.vector_load %arg35[%get3A_1509, %get3A_1510] {strides = array<i32>} : memref<32x128xf32, #tpu.memory_space<vmem>>, vector<16xf32>,
        %add3A_1512 = arith.addf %add3A_1508, %get3A_1511 : vector<16xf32>
        %get3A_1513 = arith.index_cast %scan3A_1394 : i32 to index
        %get3A_1514 = arith.constant 32 : index
        %get3A_1515 = tpu.vector_load %arg36[%get3A_1513, %get3A_1514] {strides = array<i32>} : memref<32x128xf32, #tpu.memory_space<vmem>>, vector<16xf32>,
        %add3A_1516 = arith.addf %add3A_1512, %get3A_1515 : vector<16xf32>
        %swap3A_1517 = arith.index_cast %scan3A_1394 : i32 to index
        %swap3A_1518 = arith.constant 32 : index
        %swap3A_1519 = tpu.vector_load %arg16[%swap3A_1517, %swap3A_1518] {strides = array<i32>} : memref<32x128xf32, #tpu.memory_space<vmem>>, vector<16xf32>,
        tpu.vector_store %arg16[%swap3A_1517, %swap3A_1518], %add3A_1516 {strides = array<i32>} : memref<32x128xf32, #tpu.memory_space<vmem>>, vector<16xf32>,
        %get3A_1520 = arith.index_cast %scan3A_1394 : i32 to index
        %get3A_1521 = arith.constant 48 : index
        %get3A_1522 = tpu.vector_load %arg27[%get3A_1520, %get3A_1521] {strides = array<i32>} : memref<32x128xf32, #tpu.memory_space<vmem>>, vector<16xf32>,
        %get3A_1523 = arith.index_cast %scan3A_1394 : i32 to index
        %get3A_1524 = arith.constant 48 : index
        %get3A_1525 = tpu.vector_load %arg28[%get3A_1523, %get3A_1524] {strides = array<i32>} : memref<32x128xf32, #tpu.memory_space<vmem>>, vector<16xf32>,
        %add3A_1526 = arith.addf %get3A_1522, %get3A_1525 : vector<16xf32>
        %get3A_1527 = arith.index_cast %scan3A_1394 : i32 to index
        %get3A_1528 = arith.constant 48 : index
        %get3A_1529 = tpu.vector_load %arg29[%get3A_1527, %get3A_1528] {strides = array<i32>} : memref<32x128xf32, #tpu.memory_space<vmem>>, vector<16xf32>,
        %add3A_1530 = arith.addf %add3A_1526, %get3A_1529 : vector<16xf32>
        %get3A_1531 = arith.index_cast %scan3A_1394 : i32 to index
        %get3A_1532 = arith.constant 48 : index
        %get3A_1533 = tpu.vector_load %arg30[%get3A_1531, %get3A_1532] {strides = array<i32>} : memref<32x128xf32, #tpu.memory_space<vmem>>, vector<16xf32>,
        %add3A_1534 = arith.addf %add3A_1530, %get3A_1533 : vector<16xf32>
        %get3A_1535 = arith.index_cast %scan3A_1394 : i32 to index
        %get3A_1536 = arith.constant 48 : index
        %get3A_1537 = tpu.vector_load %arg31[%get3A_1535, %get3A_1536] {strides = array<i32>} : memref<32x128xf32, #tpu.memory_space<vmem>>, vector<16xf32>,
        %add3A_1538 = arith.addf %add3A_1534, %get3A_1537 : vector<16xf32>
        %get3A_1539 = arith.index_cast %scan3A_1394 : i32 to index
        %get3A_1540 = arith.constant 48 : index
        %get3A_1541 = tpu.vector_load %arg32[%get3A_1539, %get3A_1540] {strides = array<i32>} : memref<32x128xf32, #tpu.memory_space<vmem>>, vector<16xf32>,
        %add3A_1542 = arith.addf %add3A_1538, %get3A_1541 : vector<16xf32>
        %get3A_1543 = arith.index_cast %scan3A_1394 : i32 to index
        %get3A_1544 = arith.constant 48 : index
        %get3A_1545 = tpu.vector_load %arg33[%get3A_1543, %get3A_1544] {strides = array<i32>} : memref<32x128xf32, #tpu.memory_space<vmem>>, vector<16xf32>,
        %add3A_1546 = arith.addf %add3A_1542, %get3A_1545 : vector<16xf32>
        %get3A_1547 = arith.index_cast %scan3A_1394 : i32 to index
        %get3A_1548 = arith.constant 48 : index
        %get3A_1549 = tpu.vector_load %arg34[%get3A_1547, %get3A_1548] {strides = array<i32>} : memref<32x128xf32, #tpu.memory_space<vmem>>, vector<16xf32>,
        %add3A_1550 = arith.addf %add3A_1546, %get3A_1549 : vector<16xf32>
        %get3A_1551 = arith.index_cast %scan3A_1394 : i32 to index
        %get3A_1552 = arith.constant 48 : index
        %get3A_1553 = tpu.vector_load %arg35[%get3A_1551, %get3A_1552] {strides = array<i32>} : memref<32x128xf32, #tpu.memory_space<vmem>>, vector<16xf32>,
        %add3A_1554 = arith.addf %add3A_1550, %get3A_1553 : vector<16xf32>
        %get3A_1555 = arith.index_cast %scan3A_1394 : i32 to index
        %get3A_1556 = arith.constant 48 : index
        %get3A_1557 = tpu.vector_load %arg36[%get3A_1555, %get3A_1556] {strides = array<i32>} : memref<32x128xf32, #tpu.memory_space<vmem>>, vector<16xf32>,
        %add3A_1558 = arith.addf %add3A_1554, %get3A_1557 : vector<16xf32>
        %swap3A_1559 = arith.index_cast %scan3A_1394 : i32 to index
        %swap3A_1560 = arith.constant 48 : index
        %swap3A_1561 = tpu.vector_load %arg16[%swap3A_1559, %swap3A_1560] {strides = array<i32>} : memref<32x128xf32, #tpu.memory_space<vmem>>, vector<16xf32>,
        tpu.vector_store %arg16[%swap3A_1559, %swap3A_1560], %add3A_1558 {strides = array<i32>} : memref<32x128xf32, #tpu.memory_space<vmem>>, vector<16xf32>,
        %get3A_1562 = arith.index_cast %scan3A_1394 : i32 to index
        %get3A_1563 = arith.constant 64 : index
        %get3A_1564 = tpu.vector_load %arg27[%get3A_1562, %get3A_1563] {strides = array<i32>} : memref<32x128xf32, #tpu.memory_space<vmem>>, vector<16xf32>,
        %get3A_1565 = arith.index_cast %scan3A_1394 : i32 to index
        %get3A_1566 = arith.constant 64 : index
        %get3A_1567 = tpu.vector_load %arg28[%get3A_1565, %get3A_1566] {strides = array<i32>} : memref<32x128xf32, #tpu.memory_space<vmem>>, vector<16xf32>,
        %add3A_1568 = arith.addf %get3A_1564, %get3A_1567 : vector<16xf32>
        %get3A_1569 = arith.index_cast %scan3A_1394 : i32 to index
        %get3A_1570 = arith.constant 64 : index
        %get3A_1571 = tpu.vector_load %arg29[%get3A_1569, %get3A_1570] {strides = array<i32>} : memref<32x128xf32, #tpu.memory_space<vmem>>, vector<16xf32>,
        %add3A_1572 = arith.addf %add3A_1568, %get3A_1571 : vector<16xf32>
        %get3A_1573 = arith.index_cast %scan3A_1394 : i32 to index
        %get3A_1574 = arith.constant 64 : index
        %get3A_1575 = tpu.vector_load %arg30[%get3A_1573, %get3A_1574] {strides = array<i32>} : memref<32x128xf32, #tpu.memory_space<vmem>>, vector<16xf32>,
        %add3A_1576 = arith.addf %add3A_1572, %get3A_1575 : vector<16xf32>
        %get3A_1577 = arith.index_cast %scan3A_1394 : i32 to index
        %get3A_1578 = arith.constant 64 : index
        %get3A_1579 = tpu.vector_load %arg31[%get3A_1577, %get3A_1578] {strides = array<i32>} : memref<32x128xf32, #tpu.memory_space<vmem>>, vector<16xf32>,
        %add3A_1580 = arith.addf %add3A_1576, %get3A_1579 : vector<16xf32>
        %get3A_1581 = arith.index_cast %scan3A_1394 : i32 to index
        %get3A_1582 = arith.constant 64 : index
        %get3A_1583 = tpu.vector_load %arg32[%get3A_1581, %get3A_1582] {strides = array<i32>} : memref<32x128xf32, #tpu.memory_space<vmem>>, vector<16xf32>,
        %add3A_1584 = arith.addf %add3A_1580, %get3A_1583 : vector<16xf32>
        %get3A_1585 = arith.index_cast %scan3A_1394 : i32 to index
        %get3A_1586 = arith.constant 64 : index
        %get3A_1587 = tpu.vector_load %arg33[%get3A_1585, %get3A_1586] {strides = array<i32>} : memref<32x128xf32, #tpu.memory_space<vmem>>, vector<16xf32>,
        %add3A_1588 = arith.addf %add3A_1584, %get3A_1587 : vector<16xf32>
        %get3A_1589 = arith.index_cast %scan3A_1394 : i32 to index
        %get3A_1590 = arith.constant 64 : index
        %get3A_1591 = tpu.vector_load %arg34[%get3A_1589, %get3A_1590] {strides = array<i32>} : memref<32x128xf32, #tpu.memory_space<vmem>>, vector<16xf32>,
        %add3A_1592 = arith.addf %add3A_1588, %get3A_1591 : vector<16xf32>
        %get3A_1593 = arith.index_cast %scan3A_1394 : i32 to index
        %get3A_1594 = arith.constant 64 : index
        %get3A_1595 = tpu.vector_load %arg35[%get3A_1593, %get3A_1594] {strides = array<i32>} : memref<32x128xf32, #tpu.memory_space<vmem>>, vector<16xf32>,
        %add3A_1596 = arith.addf %add3A_1592, %get3A_1595 : vector<16xf32>
        %get3A_1597 = arith.index_cast %scan3A_1394 : i32 to index
        %get3A_1598 = arith.constant 64 : index
        %get3A_1599 = tpu.vector_load %arg36[%get3A_1597, %get3A_1598] {strides = array<i32>} : memref<32x128xf32, #tpu.memory_space<vmem>>, vector<16xf32>,
        %add3A_1600 = arith.addf %add3A_1596, %get3A_1599 : vector<16xf32>
        %swap3A_1601 = arith.index_cast %scan3A_1394 : i32 to index
        %swap3A_1602 = arith.constant 64 : index
        %swap3A_1603 = tpu.vector_load %arg16[%swap3A_1601, %swap3A_1602] {strides = array<i32>} : memref<32x128xf32, #tpu.memory_space<vmem>>, vector<16xf32>,
        tpu.vector_store %arg16[%swap3A_1601, %swap3A_1602], %add3A_1600 {strides = array<i32>} : memref<32x128xf32, #tpu.memory_space<vmem>>, vector<16xf32>,
        %get3A_1604 = arith.index_cast %scan3A_1394 : i32 to index
        %get3A_1605 = arith.constant 80 : index
        %get3A_1606 = tpu.vector_load %arg27[%get3A_1604, %get3A_1605] {strides = array<i32>} : memref<32x128xf32, #tpu.memory_space<vmem>>, vector<16xf32>,
        %get3A_1607 = arith.index_cast %scan3A_1394 : i32 to index
        %get3A_1608 = arith.constant 80 : index
        %get3A_1609 = tpu.vector_load %arg28[%get3A_1607, %get3A_1608] {strides = array<i32>} : memref<32x128xf32, #tpu.memory_space<vmem>>, vector<16xf32>,
        %add3A_1610 = arith.addf %get3A_1606, %get3A_1609 : vector<16xf32>
        %get3A_1611 = arith.index_cast %scan3A_1394 : i32 to index
        %get3A_1612 = arith.constant 80 : index
        %get3A_1613 = tpu.vector_load %arg29[%get3A_1611, %get3A_1612] {strides = array<i32>} : memref<32x128xf32, #tpu.memory_space<vmem>>, vector<16xf32>,
        %add3A_1614 = arith.addf %add3A_1610, %get3A_1613 : vector<16xf32>
        %get3A_1615 = arith.index_cast %scan3A_1394 : i32 to index
        %get3A_1616 = arith.constant 80 : index
        %get3A_1617 = tpu.vector_load %arg30[%get3A_1615, %get3A_1616] {strides = array<i32>} : memref<32x128xf32, #tpu.memory_space<vmem>>, vector<16xf32>,
        %add3A_1618 = arith.addf %add3A_1614, %get3A_1617 : vector<16xf32>
        %get3A_1619 = arith.index_cast %scan3A_1394 : i32 to index
        %get3A_1620 = arith.constant 80 : index
        %get3A_1621 = tpu.vector_load %arg31[%get3A_1619, %get3A_1620] {strides = array<i32>} : memref<32x128xf32, #tpu.memory_space<vmem>>, vector<16xf32>,
        %add3A_1622 = arith.addf %add3A_1618, %get3A_1621 : vector<16xf32>
        %get3A_1623 = arith.index_cast %scan3A_1394 : i32 to index
        %get3A_1624 = arith.constant 80 : index
        %get3A_1625 = tpu.vector_load %arg32[%get3A_1623, %get3A_1624] {strides = array<i32>} : memref<32x128xf32, #tpu.memory_space<vmem>>, vector<16xf32>,
        %add3A_1626 = arith.addf %add3A_1622, %get3A_1625 : vector<16xf32>
        %get3A_1627 = arith.index_cast %scan3A_1394 : i32 to index
        %get3A_1628 = arith.constant 80 : index
        %get3A_1629 = tpu.vector_load %arg33[%get3A_1627, %get3A_1628] {strides = array<i32>} : memref<32x128xf32, #tpu.memory_space<vmem>>, vector<16xf32>,
        %add3A_1630 = arith.addf %add3A_1626, %get3A_1629 : vector<16xf32>
        %get3A_1631 = arith.index_cast %scan3A_1394 : i32 to index
        %get3A_1632 = arith.constant 80 : index
        %get3A_1633 = tpu.vector_load %arg34[%get3A_1631, %get3A_1632] {strides = array<i32>} : memref<32x128xf32, #tpu.memory_space<vmem>>, vector<16xf32>,
        %add3A_1634 = arith.addf %add3A_1630, %get3A_1633 : vector<16xf32>
        %get3A_1635 = arith.index_cast %scan3A_1394 : i32 to index
        %get3A_1636 = arith.constant 80 : index
        %get3A_1637 = tpu.vector_load %arg35[%get3A_1635, %get3A_1636] {strides = array<i32>} : memref<32x128xf32, #tpu.memory_space<vmem>>, vector<16xf32>,
        %add3A_1638 = arith.addf %add3A_1634, %get3A_1637 : vector<16xf32>
        %get3A_1639 = arith.index_cast %scan3A_1394 : i32 to index
        %get3A_1640 = arith.constant 80 : index
        %get3A_1641 = tpu.vector_load %arg36[%get3A_1639, %get3A_1640] {strides = array<i32>} : memref<32x128xf32, #tpu.memory_space<vmem>>, vector<16xf32>,
        %add3A_1642 = arith.addf %add3A_1638, %get3A_1641 : vector<16xf32>
        %swap3A_1643 = arith.index_cast %scan3A_1394 : i32 to index
        %swap3A_1644 = arith.constant 80 : index
        %swap3A_1645 = tpu.vector_load %arg16[%swap3A_1643, %swap3A_1644] {strides = array<i32>} : memref<32x128xf32, #tpu.memory_space<vmem>>, vector<16xf32>,
        tpu.vector_store %arg16[%swap3A_1643, %swap3A_1644], %add3A_1642 {strides = array<i32>} : memref<32x128xf32, #tpu.memory_space<vmem>>, vector<16xf32>,
        %get3A_1646 = arith.index_cast %scan3A_1394 : i32 to index
        %get3A_1647 = arith.constant 96 : index
        %get3A_1648 = tpu.vector_load %arg27[%get3A_1646, %get3A_1647] {strides = array<i32>} : memref<32x128xf32, #tpu.memory_space<vmem>>, vector<16xf32>,
        %get3A_1649 = arith.index_cast %scan3A_1394 : i32 to index
        %get3A_1650 = arith.constant 96 : index
        %get3A_1651 = tpu.vector_load %arg28[%get3A_1649, %get3A_1650] {strides = array<i32>} : memref<32x128xf32, #tpu.memory_space<vmem>>, vector<16xf32>,
        %add3A_1652 = arith.addf %get3A_1648, %get3A_1651 : vector<16xf32>
        %get3A_1653 = arith.index_cast %scan3A_1394 : i32 to index
        %get3A_1654 = arith.constant 96 : index
        %get3A_1655 = tpu.vector_load %arg29[%get3A_1653, %get3A_1654] {strides = array<i32>} : memref<32x128xf32, #tpu.memory_space<vmem>>, vector<16xf32>,
        %add3A_1656 = arith.addf %add3A_1652, %get3A_1655 : vector<16xf32>
        %get3A_1657 = arith.index_cast %scan3A_1394 : i32 to index
        %get3A_1658 = arith.constant 96 : index
        %get3A_1659 = tpu.vector_load %arg30[%get3A_1657, %get3A_1658] {strides = array<i32>} : memref<32x128xf32, #tpu.memory_space<vmem>>, vector<16xf32>,
        %add3A_1660 = arith.addf %add3A_1656, %get3A_1659 : vector<16xf32>
        %get3A_1661 = arith.index_cast %scan3A_1394 : i32 to index
        %get3A_1662 = arith.constant 96 : index
        %get3A_1663 = tpu.vector_load %arg31[%get3A_1661, %get3A_1662] {strides = array<i32>} : memref<32x128xf32, #tpu.memory_space<vmem>>, vector<16xf32>,
        %add3A_1664 = arith.addf %add3A_1660, %get3A_1663 : vector<16xf32>
        %get3A_1665 = arith.index_cast %scan3A_1394 : i32 to index
        %get3A_1666 = arith.constant 96 : index
        %get3A_1667 = tpu.vector_load %arg32[%get3A_1665, %get3A_1666] {strides = array<i32>} : memref<32x128xf32, #tpu.memory_space<vmem>>, vector<16xf32>,
        %add3A_1668 = arith.addf %add3A_1664, %get3A_1667 : vector<16xf32>
        %get3A_1669 = arith.index_cast %scan3A_1394 : i32 to index
        %get3A_1670 = arith.constant 96 : index
        %get3A_1671 = tpu.vector_load %arg33[%get3A_1669, %get3A_1670] {strides = array<i32>} : memref<32x128xf32, #tpu.memory_space<vmem>>, vector<16xf32>,
        %add3A_1672 = arith.addf %add3A_1668, %get3A_1671 : vector<16xf32>
        %get3A_1673 = arith.index_cast %scan3A_1394 : i32 to index
        %get3A_1674 = arith.constant 96 : index
        %get3A_1675 = tpu.vector_load %arg34[%get3A_1673, %get3A_1674] {strides = array<i32>} : memref<32x128xf32, #tpu.memory_space<vmem>>, vector<16xf32>,
        %add3A_1676 = arith.addf %add3A_1672, %get3A_1675 : vector<16xf32>
        %get3A_1677 = arith.index_cast %scan3A_1394 : i32 to index
        %get3A_1678 = arith.constant 96 : index
        %get3A_1679 = tpu.vector_load %arg35[%get3A_1677, %get3A_1678] {strides = array<i32>} : memref<32x128xf32, #tpu.memory_space<vmem>>, vector<16xf32>,
        %add3A_1680 = arith.addf %add3A_1676, %get3A_1679 : vector<16xf32>
        %get3A_1681 = arith.index_cast %scan3A_1394 : i32 to index
        %get3A_1682 = arith.constant 96 : index
        %get3A_1683 = tpu.vector_load %arg36[%get3A_1681, %get3A_1682] {strides = array<i32>} : memref<32x128xf32, #tpu.memory_space<vmem>>, vector<16xf32>,
        %add3A_1684 = arith.addf %add3A_1680, %get3A_1683 : vector<16xf32>
        %swap3A_1685 = arith.index_cast %scan3A_1394 : i32 to index
        %swap3A_1686 = arith.constant 96 : index
        %swap3A_1687 = tpu.vector_load %arg16[%swap3A_1685, %swap3A_1686] {strides = array<i32>} : memref<32x128xf32, #tpu.memory_space<vmem>>, vector<16xf32>,
        tpu.vector_store %arg16[%swap3A_1685, %swap3A_1686], %add3A_1684 {strides = array<i32>} : memref<32x128xf32, #tpu.memory_space<vmem>>, vector<16xf32>,
        %get3A_1688 = arith.index_cast %scan3A_1394 : i32 to index
        %get3A_1689 = arith.constant 112 : index
        %get3A_1690 = tpu.vector_load %arg27[%get3A_1688, %get3A_1689] {strides = array<i32>} : memref<32x128xf32, #tpu.memory_space<vmem>>, vector<16xf32>,
        %get3A_1691 = arith.index_cast %scan3A_1394 : i32 to index
        %get3A_1692 = arith.constant 112 : index
        %get3A_1693 = tpu.vector_load %arg28[%get3A_1691, %get3A_1692] {strides = array<i32>} : memref<32x128xf32, #tpu.memory_space<vmem>>, vector<16xf32>,
        %add3A_1694 = arith.addf %get3A_1690, %get3A_1693 : vector<16xf32>
        %get3A_1695 = arith.index_cast %scan3A_1394 : i32 to index
        %get3A_1696 = arith.constant 112 : index
        %get3A_1697 = tpu.vector_load %arg29[%get3A_1695, %get3A_1696] {strides = array<i32>} : memref<32x128xf32, #tpu.memory_space<vmem>>, vector<16xf32>,
        %add3A_1698 = arith.addf %add3A_1694, %get3A_1697 : vector<16xf32>
        %get3A_1699 = arith.index_cast %scan3A_1394 : i32 to index
        %get3A_1700 = arith.constant 112 : index
        %get3A_1701 = tpu.vector_load %arg30[%get3A_1699, %get3A_1700] {strides = array<i32>} : memref<32x128xf32, #tpu.memory_space<vmem>>, vector<16xf32>,
        %add3A_1702 = arith.addf %add3A_1698, %get3A_1701 : vector<16xf32>
        %get3A_1703 = arith.index_cast %scan3A_1394 : i32 to index
        %get3A_1704 = arith.constant 112 : index
        %get3A_1705 = tpu.vector_load %arg31[%get3A_1703, %get3A_1704] {strides = array<i32>} : memref<32x128xf32, #tpu.memory_space<vmem>>, vector<16xf32>,
        %add3A_1706 = arith.addf %add3A_1702, %get3A_1705 : vector<16xf32>
        %get3A_1707 = arith.index_cast %scan3A_1394 : i32 to index
        %get3A_1708 = arith.constant 112 : index
        %get3A_1709 = tpu.vector_load %arg32[%get3A_1707, %get3A_1708] {strides = array<i32>} : memref<32x128xf32, #tpu.memory_space<vmem>>, vector<16xf32>,
        %add3A_1710 = arith.addf %add3A_1706, %get3A_1709 : vector<16xf32>
        %get3A_1711 = arith.index_cast %scan3A_1394 : i32 to index
        %get3A_1712 = arith.constant 112 : index
        %get3A_1713 = tpu.vector_load %arg33[%get3A_1711, %get3A_1712] {strides = array<i32>} : memref<32x128xf32, #tpu.memory_space<vmem>>, vector<16xf32>,
        %add3A_1714 = arith.addf %add3A_1710, %get3A_1713 : vector<16xf32>
        %get3A_1715 = arith.index_cast %scan3A_1394 : i32 to index
        %get3A_1716 = arith.constant 112 : index
        %get3A_1717 = tpu.vector_load %arg34[%get3A_1715, %get3A_1716] {strides = array<i32>} : memref<32x128xf32, #tpu.memory_space<vmem>>, vector<16xf32>,
        %add3A_1718 = arith.addf %add3A_1714, %get3A_1717 : vector<16xf32>
        %get3A_1719 = arith.index_cast %scan3A_1394 : i32 to index
        %get3A_1720 = arith.constant 112 : index
        %get3A_1721 = tpu.vector_load %arg35[%get3A_1719, %get3A_1720] {strides = array<i32>} : memref<32x128xf32, #tpu.memory_space<vmem>>, vector<16xf32>,
        %add3A_1722 = arith.addf %add3A_1718, %get3A_1721 : vector<16xf32>
        %get3A_1723 = arith.index_cast %scan3A_1394 : i32 to index
        %get3A_1724 = arith.constant 112 : index
        %get3A_1725 = tpu.vector_load %arg36[%get3A_1723, %get3A_1724] {strides = array<i32>} : memref<32x128xf32, #tpu.memory_space<vmem>>, vector<16xf32>,
        %add3A_1726 = arith.addf %add3A_1722, %get3A_1725 : vector<16xf32>
        %swap3A_1727 = arith.index_cast %scan3A_1394 : i32 to index
        %swap3A_1728 = arith.constant 112 : index
        %swap3A_1729 = tpu.vector_load %arg16[%swap3A_1727, %swap3A_1728] {strides = array<i32>} : memref<32x128xf32, #tpu.memory_space<vmem>>, vector<16xf32>,
        tpu.vector_store %arg16[%swap3A_1727, %swap3A_1728], %add3A_1726 {strides = array<i32>} : memref<32x128xf32, #tpu.memory_space<vmem>>, vector<16xf32>,
      }
      %scan3A_1369 = arith.constant 32 : i32
      %dma_wait3A_1370 = arith.constant 0 : i32
      %dma_wait3A_1371 = tpu.memref_slice %arg7[%dma_wait3A_1370] : memref<1408xi32, #tpu.memory_space<vmem>> -> memref<32xi32, #tpu.memory_space<vmem>>
      %dma_wait3A_1372 = arith.constant 0 : i32
      %dma_wait3A_1373 = arith.constant 0 : i32
      %dma_wait3A_1374 = tpu.memref_slice %arg2[%dma_wait3A_1372, %dma_wait3A_1373] : memref<100000x128xf32, #tpu.memory_space<hbm>> -> memref<100000x128xf32, #tpu.memory_space<hbm>>
      tpu.wait_indirect_dma semaphore(%arg40 : memref<!tpu.dma_semaphore, #tpu.memory_space<semaphore_mem>>) src(%dma_wait3A_1374 : memref<100000x128xf32, #tpu.memory_space<hbm>>) dst(%arg14 : memref<32x128xf32, #tpu.memory_space<vmem>>)
      %lt3A_1375 = arith.constant 40 : i32
      %lt3A_1376 = arith.cmpi slt, %add3A_1262, %lt3A_1375 : i32
      %mul3A_1377 = arith.constant 32 : i32
      %mul3A_1378 = arith.muli %add3A_1262, %mul3A_1377 : i32
      %add3A_1379 = arith.addi %mul3A_4, %mul3A_1378 : i32
      %sub3A_1380 = arith.constant 40 : i32
      %sub3A_1381 = arith.subi %add3A_1262, %sub3A_1380 : i32
      %mul3A_1382 = arith.constant 32 : i32
      %mul3A_1383 = arith.muli %sub3A_1381, %mul3A_1382 : i32
      %add3A_1384 = arith.addi %add3A_8, %mul3A_1383 : i32
      %select_n3A_1385 = arith.select %lt3A_1376, %add3A_1379, %add3A_1384 : i32
      %dma_start3A_1386 = arith.constant 0 : i32
      %dma_start3A_1387 = tpu.memref_slice %arg5[%select_n3A_1385, %dma_start3A_1386] : memref<45056x128xf32, #tpu.memory_space<hbm>> -> memref<32x128xf32, #tpu.memory_space<hbm>>
      %dma_start3A_1388 = arith.constant 0 : i32
      %dma_start3A_1389 = tpu.memref_slice %arg5[%select_n3A_1385, %dma_start3A_1388] : memref<45056x128xf32, #tpu.memory_space<hbm>> -> memref<32x128xf32, #tpu.memory_space<hbm>>
      tpu.enqueue_dma source(%arg14 : memref<32x128xf32, #tpu.memory_space<vmem>>) target(%dma_start3A_1389 : memref<32x128xf32, #tpu.memory_space<hbm>>) target_semaphore(%arg44 : memref<!tpu.dma_semaphore, #tpu.memory_space<semaphore_mem>>)
      %dma_start3A_1390 = arith.constant 0 : i32
      %dma_start3A_1391 = tpu.memref_slice %arg6[%select_n3A_1385, %dma_start3A_1390] : memref<45056x128xf32, #tpu.memory_space<hbm>> -> memref<32x128xf32, #tpu.memory_space<hbm>>
      %dma_start3A_1392 = arith.constant 0 : i32
      %dma_start3A_1393 = tpu.memref_slice %arg6[%select_n3A_1385, %dma_start3A_1392] : memref<45056x128xf32, #tpu.memory_space<hbm>> -> memref<32x128xf32, #tpu.memory_space<hbm>>
      tpu.enqueue_dma source(%arg16 : memref<32x128xf32, #tpu.memory_space<vmem>>) target(%dma_start3A_1393 : memref<32x128xf32, #tpu.memory_space<hbm>>) target_semaphore(%arg46 : memref<!tpu.dma_semaphore, #tpu.memory_space<semaphore_mem>>)
    }
    %scan3A_1110 = arith.constant 22 : i32
    %dma_wait3A_1111 = arith.constant 0 : i32
    %dma_wait3A_1112 = arith.constant 0 : i32
    %dma_wait3A_1113 = tpu.memref_slice %arg2[%dma_wait3A_1111, %dma_wait3A_1112] : memref<100000x128xf32, #tpu.memory_space<hbm>> -> memref<32x128xf32, #tpu.memory_space<hbm>>
    %dma_wait3A_1114 = arith.constant 0 : i32
    %dma_wait3A_1115 = arith.constant 0 : i32
    %dma_wait3A_1116 = tpu.memref_slice %arg2[%dma_wait3A_1114, %dma_wait3A_1115] : memref<100000x128xf32, #tpu.memory_space<hbm>> -> memref<32x128xf32, #tpu.memory_space<hbm>>
    tpu.wait_dma2 semaphore(%arg44 : memref<!tpu.dma_semaphore, #tpu.memory_space<semaphore_mem>>) src(%dma_wait3A_1116 : memref<32x128xf32, #tpu.memory_space<hbm>>) dst(%arg14 : memref<32x128xf32, #tpu.memory_space<vmem>>)
    %dma_wait3A_1117 = arith.constant 0 : i32
    %dma_wait3A_1118 = arith.constant 0 : i32
    %dma_wait3A_1119 = tpu.memref_slice %arg2[%dma_wait3A_1117, %dma_wait3A_1118] : memref<100000x128xf32, #tpu.memory_space<hbm>> -> memref<32x128xf32, #tpu.memory_space<hbm>>
    %dma_wait3A_1120 = arith.constant 0 : i32
    %dma_wait3A_1121 = arith.constant 0 : i32
    %dma_wait3A_1122 = tpu.memref_slice %arg2[%dma_wait3A_1120, %dma_wait3A_1121] : memref<100000x128xf32, #tpu.memory_space<hbm>> -> memref<32x128xf32, #tpu.memory_space<hbm>>
    tpu.wait_dma2 semaphore(%arg45 : memref<!tpu.dma_semaphore, #tpu.memory_space<semaphore_mem>>) src(%dma_wait3A_1122 : memref<32x128xf32, #tpu.memory_space<hbm>>) dst(%arg15 : memref<32x128xf32, #tpu.memory_space<vmem>>)
    %dma_wait3A_1123 = arith.constant 0 : i32
    %dma_wait3A_1124 = arith.constant 0 : i32
    %dma_wait3A_1125 = tpu.memref_slice %arg2[%dma_wait3A_1123, %dma_wait3A_1124] : memref<100000x128xf32, #tpu.memory_space<hbm>> -> memref<32x128xf32, #tpu.memory_space<hbm>>
    %dma_wait3A_1126 = arith.constant 0 : i32
    %dma_wait3A_1127 = arith.constant 0 : i32
    %dma_wait3A_1128 = tpu.memref_slice %arg2[%dma_wait3A_1126, %dma_wait3A_1127] : memref<100000x128xf32, #tpu.memory_space<hbm>> -> memref<32x128xf32, #tpu.memory_space<hbm>>
    tpu.wait_dma2 semaphore(%arg46 : memref<!tpu.dma_semaphore, #tpu.memory_space<semaphore_mem>>) src(%dma_wait3A_1128 : memref<32x128xf32, #tpu.memory_space<hbm>>) dst(%arg16 : memref<32x128xf32, #tpu.memory_space<vmem>>)
    return
  }
}

module attributes {stable_mosaic.version = 14 : i64} {
  func.func @body(%arg0: i32, %arg1: memref<5120x128xf32, #tpu.memory_space<vmem>>, %arg2: memref<5120x128xf32, #tpu.memory_space<vmem>>, %arg3: memref<512x128xf32, #tpu.memory_space<vmem>>, %arg4: memref<512x128xf32, #tpu.memory_space<vmem>>, %arg5: memref<128x128xf32, #tpu.memory_space<vmem>>, %arg6: memref<128x128xf32, #tpu.memory_space<vmem>>, %arg7: memref<128x128xf32, #tpu.memory_space<vmem>>, %arg8: memref<128x128xf32, #tpu.memory_space<vmem>>, %arg9: memref<128x64xf32, #tpu.memory_space<vmem>>, %arg10: memref<512x64xf32, #tpu.memory_space<vmem>>) attributes {dimension_semantics = [#tpu.dimension_semantics<arbitrary>], iteration_bounds = array<i64: 8>, scalar_prefetch = 0 : i64, scratch_operands = 0 : i64, tpu.core_type = #tpu.core_type<tc>, window_params = [{transform_indices = @transform_0, window_bounds = array<i64: 5120, 128>}, {transform_indices = @transform_1, window_bounds = array<i64: 5120, 128>}, {transform_indices = @transform_2, window_bounds = array<i64: 512, 128>}, {transform_indices = @transform_3, window_bounds = array<i64: 512, 128>}, {pipeline_mode = #tpu.pipeline_mode<synchronous>, transform_indices = @transform_4, window_bounds = array<i64: 128, 128>}, {pipeline_mode = #tpu.pipeline_mode<synchronous>, transform_indices = @transform_5, window_bounds = array<i64: 128, 128>}, {pipeline_mode = #tpu.pipeline_mode<synchronous>, transform_indices = @transform_6, window_bounds = array<i64: 128, 128>}, {pipeline_mode = #tpu.pipeline_mode<synchronous>, transform_indices = @transform_7, window_bounds = array<i64: 128, 128>}, {pipeline_mode = #tpu.pipeline_mode<synchronous>, transform_indices = @transform_8, window_bounds = array<i64: 128, 64>}, {transform_indices = @transform_9, window_bounds = array<i64: 512, 64>}]} {
    %get3A = arith.constant 0 : index
    %get3A_0 = arith.constant 0 : index
    %get3A_1 = vector.load %arg1[%get3A, %get3A_0] : memref<5120x128xf32, #tpu.memory_space<vmem>>, vector<5120x128xf32>
    %get3A_2 = arith.constant 0 : index
    %get3A_3 = arith.constant 0 : index
    %get3A_4 = vector.load %arg5[%get3A_2, %get3A_3] : memref<128x128xf32, #tpu.memory_space<vmem>>, vector<128x128xf32>
    %dot_general3A = arith.constant dense<0.000000e+00> : vector<5120x128xf32>
    %dot_general3A_5 = tpu.matmul %get3A_1, %get3A_4, %dot_general3A {dimension_numbers = #tpu.dot_dimension_numbers<[1], [0], [0], [1], [0, 0, 1, 1], [], []>, transpose_lhs_hint = false} : vector<5120x128xf32>, vector<128x128xf32>, vector<5120x128xf32> -> vector<5120x128xf32>
    %get3A_6 = arith.constant 0 : index
    %get3A_7 = arith.constant 0 : index
    %get3A_8 = vector.load %arg2[%get3A_6, %get3A_7] : memref<5120x128xf32, #tpu.memory_space<vmem>>, vector<5120x128xf32>
    %get3A_9 = arith.constant 0 : index
    %get3A_10 = arith.constant 0 : index
    %get3A_11 = vector.load %arg6[%get3A_9, %get3A_10] : memref<128x128xf32, #tpu.memory_space<vmem>>, vector<128x128xf32>
    %dot_general3A_12 = arith.constant dense<0.000000e+00> : vector<5120x128xf32>
    %dot_general3A_13 = tpu.matmul %get3A_8, %get3A_11, %dot_general3A_12 {dimension_numbers = #tpu.dot_dimension_numbers<[1], [0], [0], [1], [0, 0, 1, 1], [], []>, transpose_lhs_hint = false} : vector<5120x128xf32>, vector<128x128xf32>, vector<5120x128xf32> -> vector<5120x128xf32>
    %add3A = arith.addf %dot_general3A_5, %dot_general3A_13 : vector<5120x128xf32>
    %max3A = arith.constant 0.000000e+00 : f32
    %max3A_14 = vector.broadcast %max3A : f32 to vector<5120x128xf32>
    %max3A_15 = arith.maximumf %add3A, %max3A_14 : vector<5120x128xf32>
    %reshape3A = vector.shape_cast %max3A_15 : vector<5120x128xf32> to vector<512x10x128xf32>
    %reduce_sum3A = arith.constant dense<0.000000e+00> : vector<512x128xf32>
    %reduce_sum3A_16 = vector.multi_reduction <add>, %reshape3A, %reduce_sum3A [1] : vector<512x10x128xf32> to vector<512x128xf32>
    %get3A_17 = arith.constant 0 : index
    %get3A_18 = arith.constant 0 : index
    %get3A_19 = vector.load %arg3[%get3A_17, %get3A_18] : memref<512x128xf32, #tpu.memory_space<vmem>>, vector<512x128xf32>
    %get3A_20 = arith.constant 0 : index
    %get3A_21 = arith.constant 0 : index
    %get3A_22 = vector.load %arg5[%get3A_20, %get3A_21] : memref<128x128xf32, #tpu.memory_space<vmem>>, vector<128x128xf32>
    %dot_general3A_23 = arith.constant dense<0.000000e+00> : vector<512x128xf32>
    %dot_general3A_24 = tpu.matmul %get3A_19, %get3A_22, %dot_general3A_23 {dimension_numbers = #tpu.dot_dimension_numbers<[1], [0], [0], [1], [0, 0, 1, 1], [], []>, transpose_lhs_hint = false} : vector<512x128xf32>, vector<128x128xf32>, vector<512x128xf32> -> vector<512x128xf32>
    %get3A_25 = arith.constant 0 : index
    %get3A_26 = arith.constant 0 : index
    %get3A_27 = vector.load %arg4[%get3A_25, %get3A_26] : memref<512x128xf32, #tpu.memory_space<vmem>>, vector<512x128xf32>
    %get3A_28 = arith.constant 0 : index
    %get3A_29 = arith.constant 0 : index
    %get3A_30 = vector.load %arg6[%get3A_28, %get3A_29] : memref<128x128xf32, #tpu.memory_space<vmem>>, vector<128x128xf32>
    %dot_general3A_31 = arith.constant dense<0.000000e+00> : vector<512x128xf32>
    %dot_general3A_32 = tpu.matmul %get3A_27, %get3A_30, %dot_general3A_31 {dimension_numbers = #tpu.dot_dimension_numbers<[1], [0], [0], [1], [0, 0, 1, 1], [], []>, transpose_lhs_hint = false} : vector<512x128xf32>, vector<128x128xf32>, vector<512x128xf32> -> vector<512x128xf32>
    %add3A_33 = arith.addf %dot_general3A_24, %dot_general3A_32 : vector<512x128xf32>
    %max3A_34 = arith.constant 0.000000e+00 : f32
    %max3A_35 = vector.broadcast %max3A_34 : f32 to vector<512x128xf32>
    %max3A_36 = arith.maximumf %add3A_33, %max3A_35 : vector<512x128xf32>
    %get3A_37 = arith.constant 0 : index
    %get3A_38 = arith.constant 0 : index
    %get3A_39 = vector.load %arg7[%get3A_37, %get3A_38] : memref<128x128xf32, #tpu.memory_space<vmem>>, vector<128x128xf32>
    %dot_general3A_40 = arith.constant dense<0.000000e+00> : vector<512x128xf32>
    %dot_general3A_41 = tpu.matmul %max3A_36, %get3A_39, %dot_general3A_40 {dimension_numbers = #tpu.dot_dimension_numbers<[1], [0], [0], [1], [0, 0, 1, 1], [], []>, transpose_lhs_hint = false} : vector<512x128xf32>, vector<128x128xf32>, vector<512x128xf32> -> vector<512x128xf32>
    %get3A_42 = arith.constant 0 : index
    %get3A_43 = arith.constant 0 : index
    %get3A_44 = vector.load %arg8[%get3A_42, %get3A_43] : memref<128x128xf32, #tpu.memory_space<vmem>>, vector<128x128xf32>
    %dot_general3A_45 = arith.constant dense<0.000000e+00> : vector<512x128xf32>
    %dot_general3A_46 = tpu.matmul %reduce_sum3A_16, %get3A_44, %dot_general3A_45 {dimension_numbers = #tpu.dot_dimension_numbers<[1], [0], [0], [1], [0, 0, 1, 1], [], []>, transpose_lhs_hint = false} : vector<512x128xf32>, vector<128x128xf32>, vector<512x128xf32> -> vector<512x128xf32>
    %add3A_47 = arith.addf %dot_general3A_41, %dot_general3A_46 : vector<512x128xf32>
    %max3A_48 = arith.constant 0.000000e+00 : f32
    %max3A_49 = vector.broadcast %max3A_48 : f32 to vector<512x128xf32>
    %max3A_50 = arith.maximumf %add3A_47, %max3A_49 : vector<512x128xf32>
    %get3A_51 = arith.constant 0 : index
    %get3A_52 = arith.constant 0 : index
    %get3A_53 = vector.load %arg9[%get3A_51, %get3A_52] : memref<128x64xf32, #tpu.memory_space<vmem>>, vector<128x64xf32>
    %dot_general3A_54 = arith.constant dense<0.000000e+00> : vector<512x64xf32>
    %dot_general3A_55 = tpu.matmul %max3A_50, %get3A_53, %dot_general3A_54 {dimension_numbers = #tpu.dot_dimension_numbers<[1], [0], [0], [1], [0, 0, 1, 1], [], []>, transpose_lhs_hint = false} : vector<512x128xf32>, vector<128x64xf32>, vector<512x64xf32> -> vector<512x64xf32>
    %logistic3A = arith.negf %dot_general3A_55 : vector<512x64xf32>
    %logistic3A_56 = math.exp %logistic3A : vector<512x64xf32>
    %logistic3A_57 = arith.constant 1.000000e+00 : f32
    %logistic3A_58 = vector.broadcast %logistic3A_57 : f32 to vector<512x64xf32>
    %logistic3A_59 = arith.addf %logistic3A_58, %logistic3A_56 : vector<512x64xf32>
    %logistic3A_60 = arith.divf %logistic3A_58, %logistic3A_59 : vector<512x64xf32>
    %swap3A = arith.constant 0 : index
    %swap3A_61 = arith.constant 0 : index
    %swap3A_62 = vector.load %arg10[%swap3A, %swap3A_61] : memref<512x64xf32, #tpu.memory_space<vmem>>, vector<512x64xf32>
    tpu.vector_store %arg10[%swap3A, %swap3A_61], %logistic3A_60 {strides = array<i32>} : memref<512x64xf32, #tpu.memory_space<vmem>>, vector<512x64xf32>,
    return
  }
  func.func @transform_0(%arg0: i32) -> (i32, i32) {
    %c0_i32 = arith.constant 0 : i32
    %c0_i32_0 = arith.constant 0 : i32
    return %arg0, %c0_i32 : i32, i32
  }
  func.func @transform_1(%arg0: i32) -> (i32, i32) {
    %c0_i32 = arith.constant 0 : i32
    %c0_i32_0 = arith.constant 0 : i32
    return %arg0, %c0_i32 : i32, i32
  }
  func.func @transform_2(%arg0: i32) -> (i32, i32) {
    %add3A = arith.constant 80 : i32
    %add3A_0 = arith.addi %arg0, %add3A : i32
    %c0_i32 = arith.constant 0 : i32
    %c0_i32_1 = arith.constant 0 : i32
    return %add3A_0, %c0_i32 : i32, i32
  }
  func.func @transform_3(%arg0: i32) -> (i32, i32) {
    %add3A = arith.constant 80 : i32
    %add3A_0 = arith.addi %arg0, %add3A : i32
    %c0_i32 = arith.constant 0 : i32
    %c0_i32_1 = arith.constant 0 : i32
    return %add3A_0, %c0_i32 : i32, i32
  }
  func.func @transform_4(%arg0: i32) -> (i32, i32) {
    %c0_i32 = arith.constant 0 : i32
    %c0_i32_0 = arith.constant 0 : i32
    %c0_i32_1 = arith.constant 0 : i32
    return %c0_i32, %c0_i32_0 : i32, i32
  }
  func.func @transform_5(%arg0: i32) -> (i32, i32) {
    %c0_i32 = arith.constant 0 : i32
    %c0_i32_0 = arith.constant 0 : i32
    %c0_i32_1 = arith.constant 0 : i32
    return %c0_i32, %c0_i32_0 : i32, i32
  }
  func.func @transform_6(%arg0: i32) -> (i32, i32) {
    %c0_i32 = arith.constant 0 : i32
    %c0_i32_0 = arith.constant 0 : i32
    %c0_i32_1 = arith.constant 0 : i32
    return %c0_i32, %c0_i32_0 : i32, i32
  }
  func.func @transform_7(%arg0: i32) -> (i32, i32) {
    %c0_i32 = arith.constant 0 : i32
    %c0_i32_0 = arith.constant 0 : i32
    %c0_i32_1 = arith.constant 0 : i32
    return %c0_i32, %c0_i32_0 : i32, i32
  }
  func.func @transform_8(%arg0: i32) -> (i32, i32) {
    %c0_i32 = arith.constant 0 : i32
    %c0_i32_0 = arith.constant 0 : i32
    %c0_i32_1 = arith.constant 0 : i32
    return %c0_i32, %c0_i32_0 : i32, i32
  }
  func.func @transform_9(%arg0: i32) -> (i32, i32) {
    %c0_i32 = arith.constant 0 : i32
    %c0_i32_0 = arith.constant 0 : i32
    return %arg0, %c0_i32 : i32, i32
  }
}

</mosaic_0001>

<sc_bundles>
// kernel: kernel.4.cloned.1.call-start
scs
__scs_entry_jumppad:
0x0: {  	(pc) =	sbr.rel $0x88, $3  }
0x1: {  	(tag) =	ssettag $0x0;
	lr =	simm.s32 $0x1  }
0x2: {  	[smem:$0x3F9B] =	sst lr;
	_ =	strace $0xD0000000  }
0x3: {  	_ = 	snop  }
0x4: {  	_ = 	snop  }
0x5: {  	_ = 	snop  }
0x6: {  	_ = 	snop  }
0x7: {  	_ = 	snop  }
__scs_overlays_trampoline_lowered:
0x8: {  	[smem:$0x3FAA] =	sst s0  }
0x9: {  	[smem:$0x3FAB] =	sst s1  }
0xa: {  	[smem:$0x3FAC] =	sst s2  }
0xb: {  	[smem:$0x3FAD] =	sst s3  }
0xc: {  	[smem:$0x3FAE] =	sst s4  }
0xd: {  	[smem:$0x3FAF] =	sst s5  }
0xe: {  	[smem:$0x3FB0] =	sst s6  }
0xf: {  	[smem:$0x3FB1] =	sst s7  }
0x10: {  	[smem:$0x3FB2] =	sst s8  }
0x11: {  	[smem:$0x3FB3] =	sst s9;
	s0 =	simm.s32 @!p0 $0x0  }
0x12: {  	s1 =	sld [smem:$0x3F99];
	s0 =	simm.s32 @p0 $0x1  }
0x13: {  	[smem:$0x3FB4] =	sst s0;
	s0 =	simm.s32 @!p1 $0x0  }
0x14: {  	s2 =	sld [smem:$0x3F98];
	s0 =	simm.s32 @p1 $0x1  }
0x15: {  	[smem:$0x3FB5] =	sst s0;
	s0 =	simm.s32 @!p2 $0x0  }
0x16: {  	s3 =	sld [smem:$0x3FDB];
	s0 =	simm.s32 @p2 $0x1  }
0x17: {  	s4 =	simm.s32 $0x1BF5;
	[smem:$0x3FB7] =	sst s0  }
0x18: {  	s0 =	sld [smem:$0x3F9A];
	_ =	swait.ge [sflag:s4], $0x0  }
0x19: {  	s7 =	sld [smem:$0x3F9B]  }
0x1a: {  	s8 =	sadd.s32 $0xFFFFE003, lr  }
0x1b: {  	s9 =	sadd.s32 $0xFFFFFEF7, lr;
	s5 =	simm.s32 $0xFFFFFFFF;
	p2 =	slt.u32 s8, $0xFFFFF086  }
0x1c: {  	p1 =	slt.u32 s9, $0xF7A;
	s5 =	simm.s32 @!p2 $0x0  }
0x1d: {  	s5 =	simm.s32 @p1 $0x1;
	p0 =	seq.s32 s7, s2  }
0x1e: {  	s7 =	smul.u32 @!p0 $0xF7A, s2;
	p2 =	seq.s32 @!p0 s5, $0x0  }
0x1f: {  	s9 =	smul.u32 $0xF7A, s1;
	s8 =	simm.s32 @!p0 $0x1BF5;
	p2 =	por !p2, p0  }
0x20: {  	[sflag:s8] =	ssyncset.s32 @!p0 $0xFFFFF086;
	s6 =	sadd.s32 @!p0 s3, s7;
	s7 =	simm.s32 @!p0 $0x108  }
0x21: {  	s3 =	sadd.s32 s3, s9;
	s6 =	sadd.s32 @!p0 $0x88, s6;
	s7 =	simm.s32 @p2 $0x1082  }
0x22: {  	[simem:s7], [sflag:s8] =	dma.local @!p0 [hbm:s6], $0xF7A  }
0x23: {  	s9 =	sor.u32 $0xD0000000, s2;
	s6 =	simm.s32 $0x108;
	_ =	swait.ge @!p0 [sflag:s8], $0x0  }
0x24: {  	s3 =	sadd.s32 $0x88, s3;
	s6 =	simm.s32 @!p1 $0x1082;
	[sflag:s4] =	ssyncset.s32 $0xFFFFF086  }
0x25: {  	[simem:s6], [sflag:s4] =	dma.local [hbm:s3], $0xF7A  }
0x26: {  	[smem:$0x3F9B] =	sst s1;
	(tag) =	ssettag s2;
	_ =	strace s9  }
0x27: {  	s1 =	sld [smem:$0x3FAB]  }
0x28: {  	s2 =	sld [smem:$0x3FAC]  }
0x29: {  	s4 =	sld [smem:$0x3FAE]  }
0x2a: {  	p0 =	seq.s32 s5, $0x0;
	s5 =	sld [smem:$0x3FAF]  }
0x2b: {  	s6 =	sld [smem:$0x3FB0]  }
0x2c: {  	s7 =	sld [smem:$0x3FB1]  }
0x2d: {  	s3 =	simm.s32 $0x108;
	s8 =	sld [smem:$0x3FB2]  }
0x2e: {  	s3 =	simm.s32 @!p0 $0x1082;
	s9 =	sld [smem:$0x3FB3]  }
0x2f: {  	lr =	sadd.s32 s0, s3;
	s0 =	sld [smem:$0x3FAA]  }
0x30: {  	s3 =	sld [smem:$0x3FAD]  }
0x31: {  	[smem:$0x3FB6] =	sst s10  }
0x32: {  	s10 =	sld [smem:$0x3FB4];
	_ =	sdelay $0x3  }
0x33: {  	p0 =	seq.s32 s10, $0x1;
	s10 =	sld [smem:$0x3FB6];
	_ =	sdelay $0x3  }
0x34: {  	[smem:$0x3FB6] =	sst s10  }
0x35: {  	s10 =	sld [smem:$0x3FB5];
	_ =	sdelay $0x3  }
0x36: {  	p1 =	seq.s32 s10, $0x1;
	s10 =	sld [smem:$0x3FB6];
	_ =	sdelay $0x3  }
0x37: {  	[smem:$0x3FB6] =	sst s10  }
0x38: {  	s10 =	sld [smem:$0x3FB7]  }
0x39: {  	_ = 	snop;
	(pc) =	sbr.ind lr, $3  }
0x3a: {  	_ = 	snop  }
0x3b: {  	_ = 	snop  }
0x3c: {  	p2 =	seq.s32 s10, $0x1;
	s10 =	sld [smem:$0x3FB6]  }
0x3d: {  	_ =	shalt  }
0x3e: {  	_ =	shalt  }
0x3f: {  	_ =	shalt  }
0x40: {  	_ =	shalt  }
0x41: {  	_ =	shalt  }
0x42: {  	_ =	shalt  }
0x43: {  	_ =	shalt  }
0x44: {  	_ =	shalt  }
0x45: {  	_ =	shalt  }
0x46: {  	_ =	shalt  }
0x47: {  	_ =	shalt  }
0x48: {  	_ =	shalt  }
0x49: {  	_ =	shalt  }
0x4a: {  	_ =	shalt  }
0x4b: {  	_ =	shalt  }
0x4c: {  	_ =	shalt  }
0x4d: {  	_ =	shalt  }
0x4e: {  	_ =	shalt  }
0x4f: {  	_ =	shalt  }
0x50: {  	_ =	shalt  }
0x51: {  	_ =	shalt  }
0x52: {  	_ =	shalt  }
0x53: {  	_ =	shalt  }
0x54: {  	_ =	shalt  }
0x55: {  	_ =	shalt  }
0x56: {  	_ =	shalt  }
0x57: {  	_ =	shalt  }
0x58: {  	_ =	shalt  }
0x59: {  	_ =	shalt  }
0x5a: {  	_ =	shalt  }
0x5b: {  	_ =	shalt  }
0x5c: {  	_ =	shalt  }
0x5d: {  	_ =	shalt  }
0x5e: {  	_ =	shalt  }
0x5f: {  	_ =	shalt  }
0x60: {  	_ =	shalt  }
0x61: {  	_ =	shalt  }
0x62: {  	_ =	shalt  }
0x63: {  	_ =	shalt  }
0x64: {  	_ =	shalt  }
0x65: {  	_ =	shalt  }
0x66: {  	_ =	shalt  }
0x67: {  	_ =	shalt  }
0x68: {  	_ =	shalt  }
0x69: {  	_ =	shalt  }
0x6a: {  	_ =	shalt  }
0x6b: {  	_ =	shalt  }
0x6c: {  	_ =	shalt  }
0x6d: {  	_ =	shalt  }
0x6e: {  	_ =	shalt  }
0x6f: {  	_ =	shalt  }
0x70: {  	_ =	shalt  }
0x71: {  	_ =	shalt  }
0x72: {  	_ =	shalt  }
0x73: {  	_ =	shalt  }
0x74: {  	_ =	shalt  }
0x75: {  	_ =	shalt  }
0x76: {  	_ =	shalt  }
0x77: {  	_ =	shalt  }
0x78: {  	_ =	shalt  }
0x79: {  	_ =	shalt  }
0x7a: {  	_ =	shalt  }
0x7b: {  	_ =	shalt  }
0x7c: {  	_ =	shalt  }
0x7d: {  	_ =	shalt  }
0x7e: {  	_ =	shalt  }
0x7f: {  	_ =	shalt  }
0x80: {  	_ =	shalt  }
0x81: {  	_ =	shalt  }
0x82: {  	_ =	shalt  }
0x83: {  	_ =	shalt  }
0x84: {  	_ =	shalt  }
0x85: {  	_ =	shalt  }
0x86: {  	_ =	shalt  }
0x87: {  	_ =	shalt  }
.Lfunc_end0:
.L_simem_size_0:
called_computation_lowered:
.L_overlay_start_0:
0x88: {  	s2 =	sld [smem:$0x3FD9]  }
0x89: {  	s3 =	sld [smem:$0x3FFE];
	_ =	sdelay $0x1  }
0x8a: {  	s1 =	srdreg.scid  }
0x8b: {  	s0 =	sand.u32 $0x1, s1  }
0x8c: {  	s17 =	sshll.u32 s0, $0xA;
	s2 =	sadd.s32 s3, s2  }
0x8d: {  	s2 =	sadd.s32 s2, s17  }
0x8e: {  	[smem:$0x3FC2] =	sst s2  }
0x8f: {  	_ = 	snop  }
0x90: {  	s2 =	sld [smem:$0x3FC9]  }
0x91: {  	s18 =	sld [smem:$0x3FC7];
	(tm) =	ssettm $0x1  }
0x92: {  	s4 =	sld [smem:$0x3FFB];
	_ =	sdelay $0x3  }
0x93: {  	_ =	strace s4  }
0x94: {  	s4 =	sld [smem:$0x3FFC];
	_ =	sdelay $0x3  }
0x95: {  	_ =	strace s4  }
0x96: {  	s4 =	sld [smem:$0x3FFD];
	_ =	sdelay $0x3  }
0x97: {  	_ =	strace s4  }
0x98: {  	_ =	strace $0x8FFFFFFF  }
0x99: {  	s19 =	sld [smem:$0x3FDB];
	_ =	sdelay $0x1  }
0x9a: {  	s5 =	simm.s32 $_scs_section_size  }
0x9b: {  	s6 =	simm.s32 $_size__tile_overlayer_lowered;
	s7 =	simm.s32 $_tile_overlayer_lowered  }
0x9c: {  	s22 =	simm.s32 $0x1BFF;
	s21 =	sshll.u32 s7, $0x1;
	s4 =	sadd.s32 s5, s19  }
0x9d: {  	s8 =	simm.s32 $0x0;
	s20 =	sshll.u32 s6, $0x1;
	s6 =	sadd.s32 s21, s4  }
0x9e: {  	[timem:s8], [sflag:s22] =	dma.local [hbm:s6], s20  }
0x9f: {  	_ =	swait.ge [sflag:s22], s20  }
0xa0: {  	s5 =	ssub.s32 $0x0, s20;
	[sflag:s22] =	ssyncset.done $0x0  }
0xa1: {  	[sflag:s22] =	ssyncadd.s32 s5;
	_ =	sdelay $0x1  }
0xa2: {  	s23 =	simm.s32 $0x1B8B  }
0xa3: {  	_ =	swait.ge [sflag:s23], $0x1  }
0xa4: {  	[sflag:s23] =	ssyncset.done $0x0  }
0xa5: {  	s25 =	simm.s32 $0x1B8E;
	s24 =	sld [smem:$0x3FFE];
	[sflag:s23] =	ssyncadd.s32 $0xFFFFFFFF  }
0xa6: {  	s26 =	simm.s32 $execute0_lowered;
	[smem:$0x3FD2] =	sst s25  }
0xa7: {  	s6 =	sshll.u32 s26, $0x1;
	_ =	strace $0x80000046;
	[dreg:$0x1] =	wrdreg $0xFFFFFFFF  }
0xa8: {  	s28 =	simm.s32 $_size_execute0_lowered;
	s4 =	sadd.s32 s4, s6;
	[dreg:$0x0] =	wrdreg $0x0  }
0xa9: {  	s6 =	sshll.u32 s28, $0x1;
	[dreg:$0x2] =	wrdreg s4  }
0xaa: {  	[dreg:$0x3] =	wrdreg s6  }
0xab: {  	[dreg:$0x4] =	wrdreg $0xC0  }
0xac: {  	_ =	task [dreg:s8], $0x5FFFF  }
0xad: {  	[dreg:$0x1] =	wrdreg $0xFFFFFFFF  }
0xae: {  	[dreg:$0x0] =	wrdreg $0x60  }
0xaf: {  	[dreg:$0x2] =	wrdreg s18  }
0xb0: {  	[dreg:$0x3] =	wrdreg s24  }
0xb1: {  	[dreg:$0x4] =	wrdreg s2  }
0xb2: {  	[dreg:$0x5] =	wrdreg $0x9  }
0xb3: {  	_ =	task.clear_ibuf [dreg:s8], $0x6FFFF;
	_ =	strace $0x90000046  }
0xb4: {  	s29 =	simm.s32 $0x9;
	_ =	strace $0x80000048  }
0xb5: {  	_ =	swait.ge [sflag:s29], $0x1  }
0xb6: {  	[sflag:s29] =	ssyncadd.s32 $0xFFFFFFFF  }
0xb7: {  	_ =	strace $0x90000048  }
0xb8: {  	_ =	sfence  }
0xb9: {  	s30 =	sld [smem:$0x0];
	_ =	sdelay $0x2  }
0xba: {  	s31 =	sshll.u32 s1, $0xD;
	s1 =	sshrl.u32 s1, $0x2  }
0xbb: {  	s3 =	sand.u32 $0x4000, s31;
	s1 =	sadd.s32 s1, s30  }
0xbc: {  	s0 =	sor.u32 s3, s0;
	s1 =	sshll.u32 s1, $0x11  }
0xbd: {  	s0 =	sor.u32 s1, s0  }
0xbe: {  	s0 =	sadd.s32 $0x8F2B, s0  }
0xbf: {  	[sflag:s0] =	ssyncadd.remote.s32 $0x1  }
0xc0: {  	_ =	sfence.sel $0xFFFF  }
0xc1: {  	[dreg:$0x0] =	wrdreg $0xFFFFFFFF;
	(pc) =	sbr.abs _section_cstart, $3  }
0xc2: {  	[dreg:$0x1] =	wrdreg $0xFFFFFFFF  }
0xc3: {  	_ =	task.clear_ibuf [dreg:s8], $0x2FFFF;
	_ =	strace $0x9FFFFFFF  }
0xc4: {  	(tm) =	ssettm $0x7FFFFFFF  }
0xc5: {  	_ =	shalt  }
tec
execute0_lowered:
.L_overlay_start_1:
0x0: {  	(tag) =	ssettag $0x1  }
0x1: {  	v1 =	vlaneseq.u32  }
0x2: {  	s1 =	rddreg [dreg:$0x0];
	v0 =	vmul.u32 $0x10, v1;
	v1 =	vmul.u32 $0xA, v1  }
0x3: {  	s0 =	rddreg [dreg:$0x1];
	s2 =	simm.s32 $0x0  }
0x4: {  	[smem:$0x7FF] =	sst s2;
	v3 =	vadd.s32 $0xA0, v1  }
0x5: {  	s3 =	rddreg [dreg:$0x2];
	_ =	strace $0x80000047;
	[tilespmem:$0x1FCB0] =	vst v3;
	v3 =	vor.u32 $0x200, v0  }
0x6: {  	[tilespmem:$0x1FCC0] =	vst v3;
	v3 =	vadd.s32 $0x140, v1  }
0x7: {  	[tilespmem:$0x1FCD0] =	vst v3;
	v3 =	vor.u32 $0x300, v0  }
0x8: {  	[tilespmem:$0x1FCE0] =	vst v3;
	v3 =	vadd.s32 $0x1E0, v1  }
0x9: {  	[tilespmem:$0x1FCF0] =	vst v3;
	v3 =	vor.u32 $0x400, v0  }
0xa: {  	[tilespmem:$0x1FD00] =	vst v3;
	v3 =	vadd.s32 $0x280, v1  }
0xb: {  	[tilespmem:$0x1FD10] =	vst v3;
	v3 =	vor.u32 $0x500, v0  }
0xc: {  	[tilespmem:$0x1FD20] =	vst v3;
	v3 =	vadd.s32 $0x320, v1  }
0xd: {  	[tilespmem:$0x1FD30] =	vst v3;
	v3 =	vor.u32 $0x600, v0  }
0xe: {  	[tilespmem:$0x1FD40] =	vst v3;
	v3 =	vadd.s32 $0x3C0, v1  }
0xf: {  	[tilespmem:$0x1FD50] =	vst v3;
	v3 =	vor.u32 $0x700, v0  }
0x10: {  	[tilespmem:$0x1FD60] =	vst v3;
	v3 =	vadd.s32 $0x460, v1  }
0x11: {  	[tilespmem:$0x1FD70] =	vst v3;
	v3 =	vor.u32 $0x1, v1  }
0x12: {  	[tilespmem:$0x1FD80] =	vst v3;
	v3 =	vadd.s32 $0xA1, v1  }
0x13: {  	[tilespmem:$0x1FD90] =	vst v3;
	v3 =	vor.u32 $0x201, v0  }
0x14: {  	[tilespmem:$0x1FDA0] =	vst v3;
	v3 =	vadd.s32 $0x141, v1  }
0x15: {  	[tilespmem:$0x1FDB0] =	vst v3;
	v3 =	vor.u32 $0x301, v0  }
0x16: {  	[tilespmem:$0x1FDC0] =	vst v3;
	v3 =	vadd.s32 $0x1E1, v1  }
0x17: {  	[tilespmem:$0x1FDD0] =	vst v3;
	v3 =	vor.u32 $0x401, v0  }
0x18: {  	[tilespmem:$0x1FDE0] =	vst v3;
	v3 =	vadd.s32 $0x281, v1  }
0x19: {  	[tilespmem:$0x1FDF0] =	vst v3;
	v3 =	vor.u32 $0x501, v0  }
0x1a: {  	[tilespmem:$0x1FE00] =	vst v3;
	v3 =	vadd.s32 $0x321, v1  }
0x1b: {  	[tilespmem:$0x1FE10] =	vst v3;
	v3 =	vor.u32 $0x601, v0  }
0x1c: {  	[tilespmem:$0x1FE20] =	vst v3;
	v3 =	vadd.s32 $0x3C1, v1  }
0x1d: {  	[tilespmem:$0x1FE30] =	vst v3;
	v3 =	vor.u32 $0x701, v0  }
0x1e: {  	[tilespmem:$0x1FE40] =	vst v3;
	v3 =	vadd.s32 $0x461, v1  }
0x1f: {  	[tilespmem:$0x1FE50] =	vst v3;
	v3 =	vadd.s32 $0x2, v1  }
0x20: {  	[tilespmem:$0x1FE60] =	vst v3;
	v3 =	vadd.s32 $0xA2, v1  }
0x21: {  	[tilespmem:$0x1FE70] =	vst v3;
	v3 =	vor.u32 $0x202, v0  }
0x22: {  	[tilespmem:$0x1FE80] =	vst v3;
	v3 =	vadd.s32 $0x142, v1  }
0x23: {  	[tilespmem:$0x1FE90] =	vst v3;
	v3 =	vor.u32 $0x302, v0  }
0x24: {  	[tilespmem:$0x1FEA0] =	vst v3;
	v3 =	vadd.s32 $0x1E2, v1  }
0x25: {  	[tilespmem:$0x1FEB0] =	vst v3;
	v3 =	vor.u32 $0x402, v0  }
0x26: {  	[tilespmem:$0x1FEC0] =	vst v3;
	v3 =	vadd.s32 $0x282, v1  }
0x27: {  	[tilespmem:$0x1FED0] =	vst v3;
	v3 =	vor.u32 $0x502, v0  }
0x28: {  	[tilespmem:$0x1FEE0] =	vst v3;
	v3 =	vadd.s32 $0x322, v1  }
0x29: {  	[tilespmem:$0x1FEF0] =	vst v3;
	v3 =	vor.u32 $0x602, v0  }
0x2a: {  	[tilespmem:$0x1FF00] =	vst v3;
	v3 =	vadd.s32 $0x3C2, v1  }
0x2b: {  	[tilespmem:$0x1FF10] =	vst v3;
	v3 =	vor.u32 $0x702, v0  }
0x2c: {  	[tilespmem:$0x1FF20] =	vst v3;
	v3 =	vadd.s32 $0x462, v1  }
0x2d: {  	s4 =	srdreg.scid;
	[tilespmem:$0x1FF30] =	vst v3;
	v3 =	vadd.s32 $0x3, v1  }
0x2e: {  	s6 =	stileid.u32;
	s15 =	simm.s32 $0x580;
	s16 =	simm.s32 $0x1;
	[tilespmem:$0x1FF40] =	vst v3;
	v3 =	vadd.s32 $0xA3, v1  }
0x2f: {  	s17 =	simm.s32 $0x20;
	s18 =	simm.s32 $0xD80;
	s24 =	simm.s32 $0x1400;
	[tilespmem:$0x1FF50] =	vst v3;
	v3 =	vor.u32 $0x203, v0  }
0x30: {  	s25 =	simm.s32 $0xF80;
	s26 =	simm.s32 $0x2;
	s14 =	simm.s32 $0x3;
	[tilespmem:$0x1FF60] =	vst v3;
	v3 =	vadd.s32 $0x143, v1  }
0x31: {  	s20 =	simm.s32 $0x7;
	s21 =	simm.s32 $0x6;
	s22 =	simm.s32 $0x4;
	[tilespmem:$0x1FF70] =	vst v3;
	v3 =	vor.u32 $0x303, v0  }
0x32: {  	s23 =	simm.s32 $0x4400;
	s12 =	simm.s32 $0x8;
	s19 =	simm.s32 $0x0;
	[tilespmem:$0x1FF80] =	vst v3;
	v3 =	vadd.s32 $0x1E3, v1  }
0x33: {  	s7 =	sand.u32 $0x1, s4;
	s4 =	sadd.s32 $0x187E00, s0;
	s10 =	sshll.u32 s6, $0x1;
	[tilespmem:$0x1FF90] =	vst v3;
	v3 =	vor.u32 $0x403, v0  }
0x34: {  	s5 =	sadd.s32 $0x1400, s0;
	s8 =	ssub.s32 $0x2, s7;
	s31 =	sor.u32 s7, s10;
	[tilespmem:$0x1FFA0] =	vst v3;
	v3 =	vadd.s32 $0x283, v1  }
0x35: {  	s6 =	sadd.s32 $0xB1400, s0;
	s9 =	sshrl.u32 s8, $0x1;
	s7 =	smul.u32 $0x500, s31;
	[tilespmem:$0x1FFB0] =	vst v3;
	v3 =	vor.u32 $0x503, v0  }
0x36: {  	s10 =	sshll.u32 s31, $0x7;
	v2 =	vor.u32 $0x100, v0;
	s30 =	ssub.s32 s8, s9;
	s8 =	sshll.u32 s31, $0x4;
	[tilespmem:$0x1FFC0] =	vst v3;
	v3 =	vadd.s32 $0x323, v1  }
0x37: {  	v16 =	vor.u32 $0x1, v0;
	v18 =	vor.u32 $0x101, v0;
	s9 =	sadd.s32 $0x9B00, s10;
	s10 =	sadd.s32 $0x9B20, s10;
	s3 =	sadd.s32 s3, s8;
	[tilespmem:$0x1FFD0] =	vst v3;
	v3 =	vor.u32 $0x603, v0  }
0x38: {  	v32 =	vor.u32 $0x2, v0;
	v34 =	vor.u32 $0x102, v0;
	s0 =	smax.u32 s30, $0x1;
	s8 =	simm.s32 $0x9;
	[dreg:$0x4] =	wrdreg s3;
	[tilespmem:$0x1FFE0] =	vst v3;
	v3 =	vadd.s32 $0x3C3, v1  }
0x39: {  	v48 =	vor.u32 $0x3, v0;
	v50 =	vor.u32 $0x103, v0;
	v62 =	vor.u32 $0x703, v0;
	[dreg:$0x5] =	wrdreg s0;
	s0 =	simm.s32 $0x2400;
	s3 =	simm.s32 $0x5;
	[tilespmem:$0x1FFF0] =	vst v3  }
.LBB2_1:
0x3a: {  	[dreg:$0x6] =	wrdreg s19  }
0x3b: {  	s11 =	rddreg [dreg:$0x4];
	s13 =	simm.s32 $0x500;
	s28 =	simm.s32 $0xB  }
0x3c: {  	[tilespmem:s13], [sflag:$0xB] =	stream.linear.gather [hbm4b:s11+s2], $0x80, $0x38;
	[tilespmem:$0x19400] =	vst v63  }
0x3d: {  	_ =	swait.ge [sflag:s28], $0x80  }
0x3e: {  	[sflag:s28] =	ssyncset.done $0x0  }
0x3f: {  	s29 =	simm.s32 $0x80;
	[sflag:s28] =	ssyncadd.s32 $0xFFFFFF80  }
0x40: {  	[tilespmem:s15], [sflag:$0x1] =	stream.indirect.gather [hbm4b:s4+s29], $0x10, s13, s29, $0xb8;
	[tilespmem:$0x19400] =	vst v63  }
0x41: {  	_ =	swait.ge [sflag:s16], $0x800  }
0x42: {  	[sflag:s16] =	ssyncset.done $0x0  }
0x43: {  	[sflag:s16] =	ssyncadd.s32 $0xFFFFF800  }
0x44: {  	v3 =	vld.idx.msk [tilespmem:v0+s15+$0x0], $0xffff;
	_ =	sdelay $0x2  }
0x45: {  	v4 =	vld [tilespmem:$0x1FCB0];
	_ =	sdelay $0x1  }
0x46: {  	[tilespmem:v1+s2+$0x0] =	vst.idx.msk $0xffff, v3  }
0x47: {  	v3 =	vld.idx.msk [tilespmem:v2+s15+$0x0], $0xffff;
	_ =	sdelay $0x4  }
0x48: {  	[tilespmem:v4+s2+$0x0] =	vst.idx.msk $0xffff, v3;
	v3 =	vld [tilespmem:$0x1FCC0];
	_ =	sdelay $0x4  }
0x49: {  	v4 =	vld [tilespmem:$0x1FCD0];
	_ =	sdelay $0x2  }
0x4a: {  	v3 =	vld.idx.msk [tilespmem:v3+s15+$0x0], $0xffff;
	_ =	sdelay $0x4  }
0x4b: {  	[tilespmem:v4+s2+$0x0] =	vst.idx.msk $0xffff, v3;
	v3 =	vld [tilespmem:$0x1FCE0];
	_ =	sdelay $0x4  }
0x4c: {  	v4 =	vld [tilespmem:$0x1FCF0];
	_ =	sdelay $0x2  }
0x4d: {  	v3 =	vld.idx.msk [tilespmem:v3+s15+$0x0], $0xffff;
	_ =	sdelay $0x4  }
0x4e: {  	[tilespmem:v4+s2+$0x0] =	vst.idx.msk $0xffff, v3;
	v3 =	vld [tilespmem:$0x1FD00];
	_ =	sdelay $0x4  }
0x4f: {  	v4 =	vld [tilespmem:$0x1FD10];
	_ =	sdelay $0x2  }
0x50: {  	v3 =	vld.idx.msk [tilespmem:v3+s15+$0x0], $0xffff;
	_ =	sdelay $0x4  }
0x51: {  	[tilespmem:v4+s2+$0x0] =	vst.idx.msk $0xffff, v3;
	v3 =	vld [tilespmem:$0x1FD20];
	_ =	sdelay $0x4  }
0x52: {  	v4 =	vld [tilespmem:$0x1FD30];
	_ =	sdelay $0x2  }
0x53: {  	v3 =	vld.idx.msk [tilespmem:v3+s15+$0x0], $0xffff;
	_ =	sdelay $0x4  }
0x54: {  	[tilespmem:v4+s2+$0x0] =	vst.idx.msk $0xffff, v3;
	v3 =	vld [tilespmem:$0x1FD40];
	_ =	sdelay $0x4  }
0x55: {  	v4 =	vld [tilespmem:$0x1FD50];
	_ =	sdelay $0x2  }
0x56: {  	v3 =	vld.idx.msk [tilespmem:v3+s15+$0x0], $0xffff;
	_ =	sdelay $0x4  }
0x57: {  	[tilespmem:v4+s2+$0x0] =	vst.idx.msk $0xffff, v3;
	v3 =	vld [tilespmem:$0x1FD60];
	_ =	sdelay $0x4  }
0x58: {  	v4 =	vld [tilespmem:$0x1FD70];
	_ =	sdelay $0x2  }
0x59: {  	v3 =	vld.idx.msk [tilespmem:v3+s15+$0x0], $0xffff;
	_ =	sdelay $0x4  }
0x5a: {  	[tilespmem:v4+s2+$0x0] =	vst.idx.msk $0xffff, v3;
	v4 =	vld [tilespmem:$0x1FD80];
	_ =	sdelay $0x2  }
0x5b: {  	v3 =	vld.idx.msk [tilespmem:v16+s15+$0x0], $0xffff;
	_ =	sdelay $0x4  }
0x5c: {  	[tilespmem:v4+s2+$0x0] =	vst.idx.msk $0xffff, v3;
	v4 =	vld [tilespmem:$0x1FD90];
	_ =	sdelay $0x2  }
0x5d: {  	v3 =	vld.idx.msk [tilespmem:v18+s15+$0x0], $0xffff;
	_ =	sdelay $0x4  }
0x5e: {  	[tilespmem:v4+s2+$0x0] =	vst.idx.msk $0xffff, v3;
	v3 =	vld [tilespmem:$0x1FDA0];
	_ =	sdelay $0x4  }
0x5f: {  	v4 =	vld [tilespmem:$0x1FDB0];
	_ =	sdelay $0x2  }
0x60: {  	v3 =	vld.idx.msk [tilespmem:v3+s15+$0x0], $0xffff;
	_ =	sdelay $0x4  }
0x61: {  	[tilespmem:v4+s2+$0x0] =	vst.idx.msk $0xffff, v3;
	v3 =	vld [tilespmem:$0x1FDC0];
	_ =	sdelay $0x4  }
0x62: {  	v4 =	vld [tilespmem:$0x1FDD0];
	_ =	sdelay $0x2  }
0x63: {  	v3 =	vld.idx.msk [tilespmem:v3+s15+$0x0], $0xffff;
	_ =	sdelay $0x4  }
0x64: {  	[tilespmem:v4+s2+$0x0] =	vst.idx.msk $0xffff, v3;
	v3 =	vld [tilespmem:$0x1FDE0];
	_ =	sdelay $0x4  }
0x65: {  	v4 =	vld [tilespmem:$0x1FDF0];
	_ =	sdelay $0x2  }
0x66: {  	v3 =	vld.idx.msk [tilespmem:v3+s15+$0x0], $0xffff;
	_ =	sdelay $0x4  }
0x67: {  	[tilespmem:v4+s2+$0x0] =	vst.idx.msk $0xffff, v3;
	v3 =	vld [tilespmem:$0x1FE00];
	_ =	sdelay $0x4  }
0x68: {  	v4 =	vld [tilespmem:$0x1FE10];
	_ =	sdelay $0x2  }
0x69: {  	v3 =	vld.idx.msk [tilespmem:v3+s15+$0x0], $0xffff;
	_ =	sdelay $0x4  }
0x6a: {  	[tilespmem:v4+s2+$0x0] =	vst.idx.msk $0xffff, v3;
	v3 =	vld [tilespmem:$0x1FE20];
	_ =	sdelay $0x4  }
0x6b: {  	v4 =	vld [tilespmem:$0x1FE30];
	_ =	sdelay $0x2  }
0x6c: {  	v3 =	vld.idx.msk [tilespmem:v3+s15+$0x0], $0xffff;
	_ =	sdelay $0x4  }
0x6d: {  	[tilespmem:v4+s2+$0x0] =	vst.idx.msk $0xffff, v3;
	v3 =	vld [tilespmem:$0x1FE40];
	_ =	sdelay $0x4  }
0x6e: {  	v4 =	vld [tilespmem:$0x1FE50];
	_ =	sdelay $0x2  }
0x6f: {  	v3 =	vld.idx.msk [tilespmem:v3+s15+$0x0], $0xffff;
	_ =	sdelay $0x4  }
0x70: {  	[tilespmem:v4+s2+$0x0] =	vst.idx.msk $0xffff, v3;
	v4 =	vld [tilespmem:$0x1FE60];
	_ =	sdelay $0x2  }
0x71: {  	v3 =	vld.idx.msk [tilespmem:v32+s15+$0x0], $0xffff;
	_ =	sdelay $0x4  }
0x72: {  	[tilespmem:v4+s2+$0x0] =	vst.idx.msk $0xffff, v3;
	v4 =	vld [tilespmem:$0x1FE70];
	_ =	sdelay $0x2  }
0x73: {  	v3 =	vld.idx.msk [tilespmem:v34+s15+$0x0], $0xffff;
	_ =	sdelay $0x4  }
0x74: {  	[tilespmem:v4+s2+$0x0] =	vst.idx.msk $0xffff, v3;
	v3 =	vld [tilespmem:$0x1FE80];
	_ =	sdelay $0x4  }
0x75: {  	v4 =	vld [tilespmem:$0x1FE90];
	_ =	sdelay $0x2  }
0x76: {  	v3 =	vld.idx.msk [tilespmem:v3+s15+$0x0], $0xffff;
	_ =	sdelay $0x4  }
0x77: {  	[tilespmem:v4+s2+$0x0] =	vst.idx.msk $0xffff, v3;
	v3 =	vld [tilespmem:$0x1FEA0];
	_ =	sdelay $0x4  }
0x78: {  	v4 =	vld [tilespmem:$0x1FEB0];
	_ =	sdelay $0x2  }
0x79: {  	v3 =	vld.idx.msk [tilespmem:v3+s15+$0x0], $0xffff;
	_ =	sdelay $0x4  }
0x7a: {  	[tilespmem:v4+s2+$0x0] =	vst.idx.msk $0xffff, v3;
	v3 =	vld [tilespmem:$0x1FEC0];
	_ =	sdelay $0x4  }
0x7b: {  	v4 =	vld [tilespmem:$0x1FED0];
	_ =	sdelay $0x2  }
0x7c: {  	v3 =	vld.idx.msk [tilespmem:v3+s15+$0x0], $0xffff;
	_ =	sdelay $0x4  }
0x7d: {  	[tilespmem:v4+s2+$0x0] =	vst.idx.msk $0xffff, v3;
	v3 =	vld [tilespmem:$0x1FEE0];
	_ =	sdelay $0x4  }
0x7e: {  	v4 =	vld [tilespmem:$0x1FEF0];
	_ =	sdelay $0x2  }
0x7f: {  	v3 =	vld.idx.msk [tilespmem:v3+s15+$0x0], $0xffff;
	_ =	sdelay $0x4  }
0x80: {  	[tilespmem:v4+s2+$0x0] =	vst.idx.msk $0xffff, v3;
	v3 =	vld [tilespmem:$0x1FF00];
	_ =	sdelay $0x4  }
0x81: {  	v4 =	vld [tilespmem:$0x1FF10];
	_ =	sdelay $0x2  }
0x82: {  	v3 =	vld.idx.msk [tilespmem:v3+s15+$0x0], $0xffff;
	_ =	sdelay $0x4  }
0x83: {  	[tilespmem:v4+s2+$0x0] =	vst.idx.msk $0xffff, v3;
	v3 =	vld [tilespmem:$0x1FF20];
	_ =	sdelay $0x4  }
0x84: {  	v4 =	vld [tilespmem:$0x1FF30];
	_ =	sdelay $0x2  }
0x85: {  	v3 =	vld.idx.msk [tilespmem:v3+s15+$0x0], $0xffff;
	_ =	sdelay $0x4  }
0x86: {  	[tilespmem:v4+s2+$0x0] =	vst.idx.msk $0xffff, v3;
	v4 =	vld [tilespmem:$0x1FF40];
	_ =	sdelay $0x2  }
0x87: {  	v3 =	vld.idx.msk [tilespmem:v48+s15+$0x0], $0xffff;
	_ =	sdelay $0x4  }
0x88: {  	[tilespmem:v4+s2+$0x0] =	vst.idx.msk $0xffff, v3;
	v4 =	vld [tilespmem:$0x1FF50];
	_ =	sdelay $0x2  }
0x89: {  	v3 =	vld.idx.msk [tilespmem:v50+s15+$0x0], $0xffff;
	_ =	sdelay $0x4  }
0x8a: {  	[tilespmem:v4+s2+$0x0] =	vst.idx.msk $0xffff, v3;
	v3 =	vld [tilespmem:$0x1FF60];
	_ =	sdelay $0x4  }
0x8b: {  	v4 =	vld [tilespmem:$0x1FF70];
	_ =	sdelay $0x2  }
0x8c: {  	v3 =	vld.idx.msk [tilespmem:v3+s15+$0x0], $0xffff;
	_ =	sdelay $0x4  }
0x8d: {  	[tilespmem:v4+s2+$0x0] =	vst.idx.msk $0xffff, v3;
	v3 =	vld [tilespmem:$0x1FF80];
	_ =	sdelay $0x4  }
0x8e: {  	v4 =	vld [tilespmem:$0x1FF90];
	_ =	sdelay $0x2  }
0x8f: {  	v3 =	vld.idx.msk [tilespmem:v3+s15+$0x0], $0xffff;
	_ =	sdelay $0x4  }
0x90: {  	[tilespmem:v4+s2+$0x0] =	vst.idx.msk $0xffff, v3;
	v3 =	vld [tilespmem:$0x1FFA0];
	_ =	sdelay $0x4  }
0x91: {  	v4 =	vld [tilespmem:$0x1FFB0];
	_ =	sdelay $0x2  }
0x92: {  	v3 =	vld.idx.msk [tilespmem:v3+s15+$0x0], $0xffff;
	_ =	sdelay $0x4  }
0x93: {  	[tilespmem:v4+s2+$0x0] =	vst.idx.msk $0xffff, v3;
	v3 =	vld [tilespmem:$0x1FFC0];
	_ =	sdelay $0x4  }
0x94: {  	v4 =	vld [tilespmem:$0x1FFD0];
	_ =	sdelay $0x2  }
0x95: {  	v3 =	vld.idx.msk [tilespmem:v3+s15+$0x0], $0xffff;
	_ =	sdelay $0x4  }
0x96: {  	[tilespmem:v4+s2+$0x0] =	vst.idx.msk $0xffff, v3;
	v3 =	vld [tilespmem:$0x1FFE0];
	_ =	sdelay $0x4  }
0x97: {  	v4 =	vld [tilespmem:$0x1FFF0];
	_ =	sdelay $0x2  }
0x98: {  	v3 =	vld.idx.msk [tilespmem:v3+s15+$0x0], $0xffff;
	_ =	sdelay $0x4  }
0x99: {  	[tilespmem:v4+s2+$0x0] =	vst.idx.msk $0xffff, v3  }
0x9a: {  	v4 =	vadd.s32 $0x463, v1;
	v3 =	vld.idx.msk [tilespmem:v62+s15+$0x0], $0xffff  }
0x9b: {  	v63 =	vor.u32 $0x4, v0;
	_ =	sdelay $0x3  }
0x9c: {  	[tilespmem:v4+s2+$0x0] =	vst.idx.msk $0xffff, v3  }
0x9d: {  	v5 =	vadd.s32 $0x4, v1;
	v4 =	vld.idx.msk [tilespmem:v63+s15+$0x0], $0xffff  }
0x9e: {  	v3 =	vor.u32 $0x104, v0;
	_ =	sdelay $0x3  }
0x9f: {  	[tilespmem:v5+s2+$0x0] =	vst.idx.msk $0xffff, v4  }
0xa0: {  	v5 =	vadd.s32 $0xA4, v1;
	v4 =	vld.idx.msk [tilespmem:v3+s15+$0x0], $0xffff  }
0xa1: {  	v6 =	vor.u32 $0x204, v0;
	_ =	sdelay $0x3  }
0xa2: {  	[tilespmem:v5+s2+$0x0] =	vst.idx.msk $0xffff, v4  }
0xa3: {  	v5 =	vadd.s32 $0x144, v1;
	v4 =	vld.idx.msk [tilespmem:v6+s15+$0x0], $0xffff  }
0xa4: {  	v6 =	vor.u32 $0x304, v0;
	_ =	sdelay $0x3  }
0xa5: {  	[tilespmem:v5+s2+$0x0] =	vst.idx.msk $0xffff, v4  }
0xa6: {  	v5 =	vadd.s32 $0x1E4, v1;
	v4 =	vld.idx.msk [tilespmem:v6+s15+$0x0], $0xffff  }
0xa7: {  	v6 =	vor.u32 $0x404, v0;
	_ =	sdelay $0x3  }
0xa8: {  	[tilespmem:v5+s2+$0x0] =	vst.idx.msk $0xffff, v4  }
0xa9: {  	v5 =	vadd.s32 $0x284, v1;
	v4 =	vld.idx.msk [tilespmem:v6+s15+$0x0], $0xffff  }
0xaa: {  	v6 =	vor.u32 $0x504, v0;
	_ =	sdelay $0x3  }
0xab: {  	[tilespmem:v5+s2+$0x0] =	vst.idx.msk $0xffff, v4  }
0xac: {  	v5 =	vadd.s32 $0x324, v1;
	v4 =	vld.idx.msk [tilespmem:v6+s15+$0x0], $0xffff  }
0xad: {  	v6 =	vor.u32 $0x604, v0;
	_ =	sdelay $0x3  }
0xae: {  	[tilespmem:v5+s2+$0x0] =	vst.idx.msk $0xffff, v4  }
0xaf: {  	v5 =	vadd.s32 $0x3C4, v1;
	v4 =	vld.idx.msk [tilespmem:v6+s15+$0x0], $0xffff  }
0xb0: {  	v6 =	vor.u32 $0x704, v0;
	_ =	sdelay $0x3  }
0xb1: {  	[tilespmem:v5+s2+$0x0] =	vst.idx.msk $0xffff, v4  }
0xb2: {  	v5 =	vld.idx.msk [tilespmem:v6+s15+$0x0], $0xffff;
	v6 =	vadd.s32 $0x464, v1  }
0xb3: {  	v4 =	vor.u32 $0x5, v0;
	_ =	sdelay $0x3  }
0xb4: {  	[tilespmem:v6+s2+$0x0] =	vst.idx.msk $0xffff, v5  }
0xb5: {  	v7 =	vadd.s32 $0x5, v1;
	v6 =	vld.idx.msk [tilespmem:v4+s15+$0x0], $0xffff  }
0xb6: {  	v5 =	vor.u32 $0x105, v0;
	_ =	sdelay $0x3  }
0xb7: {  	[tilespmem:v7+s2+$0x0] =	vst.idx.msk $0xffff, v6  }
0xb8: {  	v7 =	vadd.s32 $0xA5, v1;
	v6 =	vld.idx.msk [tilespmem:v5+s15+$0x0], $0xffff  }
0xb9: {  	v8 =	vor.u32 $0x205, v0;
	_ =	sdelay $0x3  }
0xba: {  	[tilespmem:v7+s2+$0x0] =	vst.idx.msk $0xffff, v6  }
0xbb: {  	v7 =	vadd.s32 $0x145, v1;
	v6 =	vld.idx.msk [tilespmem:v8+s15+$0x0], $0xffff  }
0xbc: {  	v8 =	vor.u32 $0x305, v0;
	_ =	sdelay $0x3  }
0xbd: {  	[tilespmem:v7+s2+$0x0] =	vst.idx.msk $0xffff, v6  }
0xbe: {  	v7 =	vadd.s32 $0x1E5, v1;
	v6 =	vld.idx.msk [tilespmem:v8+s15+$0x0], $0xffff  }
0xbf: {  	v8 =	vor.u32 $0x405, v0;
	_ =	sdelay $0x3  }
0xc0: {  	[tilespmem:v7+s2+$0x0] =	vst.idx.msk $0xffff, v6  }
0xc1: {  	v7 =	vadd.s32 $0x285, v1;
	v6 =	vld.idx.msk [tilespmem:v8+s15+$0x0], $0xffff  }
0xc2: {  	v8 =	vor.u32 $0x505, v0;
	_ =	sdelay $0x3  }
0xc3: {  	[tilespmem:v7+s2+$0x0] =	vst.idx.msk $0xffff, v6  }
0xc4: {  	v7 =	vadd.s32 $0x325, v1;
	v6 =	vld.idx.msk [tilespmem:v8+s15+$0x0], $0xffff  }
0xc5: {  	v8 =	vor.u32 $0x605, v0;
	_ =	sdelay $0x3  }
0xc6: {  	[tilespmem:v7+s2+$0x0] =	vst.idx.msk $0xffff, v6  }
0xc7: {  	v7 =	vadd.s32 $0x3C5, v1;
	v6 =	vld.idx.msk [tilespmem:v8+s15+$0x0], $0xffff  }
0xc8: {  	v8 =	vor.u32 $0x705, v0;
	_ =	sdelay $0x3  }
0xc9: {  	[tilespmem:v7+s2+$0x0] =	vst.idx.msk $0xffff, v6  }
0xca: {  	v7 =	vld.idx.msk [tilespmem:v8+s15+$0x0], $0xffff;
	v8 =	vadd.s32 $0x465, v1  }
0xcb: {  	v6 =	vor.u32 $0x6, v0;
	_ =	sdelay $0x3  }
0xcc: {  	[tilespmem:v8+s2+$0x0] =	vst.idx.msk $0xffff, v7  }
0xcd: {  	v9 =	vadd.s32 $0x6, v1;
	v8 =	vld.idx.msk [tilespmem:v6+s15+$0x0], $0xffff  }
0xce: {  	v7 =	vor.u32 $0x106, v0;
	_ =	sdelay $0x3  }
0xcf: {  	[tilespmem:v9+s2+$0x0] =	vst.idx.msk $0xffff, v8  }
0xd0: {  	v9 =	vadd.s32 $0xA6, v1;
	v8 =	vld.idx.msk [tilespmem:v7+s15+$0x0], $0xffff  }
0xd1: {  	v10 =	vor.u32 $0x206, v0;
	_ =	sdelay $0x3  }
0xd2: {  	[tilespmem:v9+s2+$0x0] =	vst.idx.msk $0xffff, v8  }
0xd3: {  	v9 =	vadd.s32 $0x146, v1;
	v8 =	vld.idx.msk [tilespmem:v10+s15+$0x0], $0xffff  }
0xd4: {  	v10 =	vor.u32 $0x306, v0;
	_ =	sdelay $0x3  }
0xd5: {  	[tilespmem:v9+s2+$0x0] =	vst.idx.msk $0xffff, v8  }
0xd6: {  	v9 =	vadd.s32 $0x1E6, v1;
	v8 =	vld.idx.msk [tilespmem:v10+s15+$0x0], $0xffff  }
0xd7: {  	v10 =	vor.u32 $0x406, v0;
	_ =	sdelay $0x3  }
0xd8: {  	[tilespmem:v9+s2+$0x0] =	vst.idx.msk $0xffff, v8  }
0xd9: {  	v9 =	vadd.s32 $0x286, v1;
	v8 =	vld.idx.msk [tilespmem:v10+s15+$0x0], $0xffff  }
0xda: {  	v10 =	vor.u32 $0x506, v0;
	_ =	sdelay $0x3  }
0xdb: {  	[tilespmem:v9+s2+$0x0] =	vst.idx.msk $0xffff, v8  }
0xdc: {  	v9 =	vadd.s32 $0x326, v1;
	v8 =	vld.idx.msk [tilespmem:v10+s15+$0x0], $0xffff  }
0xdd: {  	v10 =	vor.u32 $0x606, v0;
	_ =	sdelay $0x3  }
0xde: {  	[tilespmem:v9+s2+$0x0] =	vst.idx.msk $0xffff, v8  }
0xdf: {  	v9 =	vadd.s32 $0x3C6, v1;
	v8 =	vld.idx.msk [tilespmem:v10+s15+$0x0], $0xffff  }
0xe0: {  	v10 =	vor.u32 $0x706, v0;
	_ =	sdelay $0x3  }
0xe1: {  	[tilespmem:v9+s2+$0x0] =	vst.idx.msk $0xffff, v8  }
0xe2: {  	v9 =	vld.idx.msk [tilespmem:v10+s15+$0x0], $0xffff;
	v10 =	vadd.s32 $0x466, v1  }
0xe3: {  	v8 =	vor.u32 $0x7, v0;
	_ =	sdelay $0x3  }
0xe4: {  	[tilespmem:v10+s2+$0x0] =	vst.idx.msk $0xffff, v9  }
0xe5: {  	v11 =	vadd.s32 $0x7, v1;
	v10 =	vld.idx.msk [tilespmem:v8+s15+$0x0], $0xffff  }
0xe6: {  	v9 =	vor.u32 $0x107, v0;
	_ =	sdelay $0x3  }
0xe7: {  	[tilespmem:v11+s2+$0x0] =	vst.idx.msk $0xffff, v10  }
0xe8: {  	v11 =	vadd.s32 $0xA7, v1;
	v10 =	vld.idx.msk [tilespmem:v9+s15+$0x0], $0xffff  }
0xe9: {  	v12 =	vor.u32 $0x207, v0;
	_ =	sdelay $0x3  }
0xea: {  	[tilespmem:v11+s2+$0x0] =	vst.idx.msk $0xffff, v10  }
0xeb: {  	v11 =	vadd.s32 $0x147, v1;
	v10 =	vld.idx.msk [tilespmem:v12+s15+$0x0], $0xffff  }
0xec: {  	v12 =	vor.u32 $0x307, v0;
	_ =	sdelay $0x3  }
0xed: {  	[tilespmem:v11+s2+$0x0] =	vst.idx.msk $0xffff, v10  }
0xee: {  	v11 =	vadd.s32 $0x1E7, v1;
	v10 =	vld.idx.msk [tilespmem:v12+s15+$0x0], $0xffff  }
0xef: {  	v12 =	vor.u32 $0x407, v0;
	_ =	sdelay $0x3  }
0xf0: {  	[tilespmem:v11+s2+$0x0] =	vst.idx.msk $0xffff, v10  }
0xf1: {  	v11 =	vadd.s32 $0x287, v1;
	v10 =	vld.idx.msk [tilespmem:v12+s15+$0x0], $0xffff  }
0xf2: {  	v12 =	vor.u32 $0x507, v0;
	_ =	sdelay $0x3  }
0xf3: {  	[tilespmem:v11+s2+$0x0] =	vst.idx.msk $0xffff, v10  }
0xf4: {  	v11 =	vadd.s32 $0x327, v1;
	v10 =	vld.idx.msk [tilespmem:v12+s15+$0x0], $0xffff  }
0xf5: {  	v12 =	vor.u32 $0x607, v0;
	_ =	sdelay $0x3  }
0xf6: {  	[tilespmem:v11+s2+$0x0] =	vst.idx.msk $0xffff, v10  }
0xf7: {  	v11 =	vadd.s32 $0x3C7, v1;
	v10 =	vld.idx.msk [tilespmem:v12+s15+$0x0], $0xffff  }
0xf8: {  	v12 =	vor.u32 $0x707, v0;
	_ =	sdelay $0x3  }
0xf9: {  	[tilespmem:v11+s2+$0x0] =	vst.idx.msk $0xffff, v10  }
0xfa: {  	v11 =	vld.idx.msk [tilespmem:v12+s15+$0x0], $0xffff;
	v12 =	vadd.s32 $0x467, v1  }
0xfb: {  	v10 =	vor.u32 $0x8, v0;
	_ =	sdelay $0x3  }
0xfc: {  	[tilespmem:v12+s2+$0x0] =	vst.idx.msk $0xffff, v11  }
0xfd: {  	v13 =	vadd.s32 $0x8, v1;
	v12 =	vld.idx.msk [tilespmem:v10+s15+$0x0], $0xffff  }
0xfe: {  	v11 =	vor.u32 $0x108, v0;
	_ =	sdelay $0x3  }
0xff: {  	[tilespmem:v13+s2+$0x0] =	vst.idx.msk $0xffff, v12  }
0x100: {  	v13 =	vadd.s32 $0xA8, v1;
	v12 =	vld.idx.msk [tilespmem:v11+s15+$0x0], $0xffff  }
0x101: {  	v14 =	vor.u32 $0x208, v0;
	_ =	sdelay $0x3  }
0x102: {  	[tilespmem:v13+s2+$0x0] =	vst.idx.msk $0xffff, v12  }
0x103: {  	v13 =	vadd.s32 $0x148, v1;
	v12 =	vld.idx.msk [tilespmem:v14+s15+$0x0], $0xffff  }
0x104: {  	v14 =	vor.u32 $0x308, v0;
	_ =	sdelay $0x3  }
0x105: {  	[tilespmem:v13+s2+$0x0] =	vst.idx.msk $0xffff, v12  }
0x106: {  	v13 =	vadd.s32 $0x1E8, v1;
	v12 =	vld.idx.msk [tilespmem:v14+s15+$0x0], $0xffff  }
0x107: {  	v14 =	vor.u32 $0x408, v0;
	_ =	sdelay $0x3  }
0x108: {  	[tilespmem:v13+s2+$0x0] =	vst.idx.msk $0xffff, v12  }
0x109: {  	v13 =	vadd.s32 $0x288, v1;
	v12 =	vld.idx.msk [tilespmem:v14+s15+$0x0], $0xffff  }
0x10a: {  	v14 =	vor.u32 $0x508, v0;
	_ =	sdelay $0x3  }
0x10b: {  	[tilespmem:v13+s2+$0x0] =	vst.idx.msk $0xffff, v12  }
0x10c: {  	v13 =	vadd.s32 $0x328, v1;
	v12 =	vld.idx.msk [tilespmem:v14+s15+$0x0], $0xffff  }
0x10d: {  	v14 =	vor.u32 $0x608, v0;
	_ =	sdelay $0x3  }
0x10e: {  	[tilespmem:v13+s2+$0x0] =	vst.idx.msk $0xffff, v12  }
0x10f: {  	v13 =	vadd.s32 $0x3C8, v1;
	v12 =	vld.idx.msk [tilespmem:v14+s15+$0x0], $0xffff  }
0x110: {  	v14 =	vor.u32 $0x708, v0;
	_ =	sdelay $0x3  }
0x111: {  	[tilespmem:v13+s2+$0x0] =	vst.idx.msk $0xffff, v12  }
0x112: {  	v13 =	vld.idx.msk [tilespmem:v14+s15+$0x0], $0xffff;
	v14 =	vadd.s32 $0x468, v1  }
0x113: {  	v12 =	vor.u32 $0x9, v0;
	_ =	sdelay $0x3  }
0x114: {  	[tilespmem:v14+s2+$0x0] =	vst.idx.msk $0xffff, v13  }
0x115: {  	v15 =	vadd.s32 $0x9, v1;
	v14 =	vld.idx.msk [tilespmem:v12+s15+$0x0], $0xffff  }
0x116: {  	v13 =	vor.u32 $0x109, v0;
	_ =	sdelay $0x3  }
0x117: {  	[tilespmem:v15+s2+$0x0] =	vst.idx.msk $0xffff, v14  }
0x118: {  	v15 =	vadd.s32 $0xA9, v1;
	v14 =	vld.idx.msk [tilespmem:v13+s15+$0x0], $0xffff  }
0x119: {  	v17 =	vor.u32 $0x209, v0;
	_ =	sdelay $0x3  }
0x11a: {  	[tilespmem:v15+s2+$0x0] =	vst.idx.msk $0xffff, v14  }
0x11b: {  	v15 =	vadd.s32 $0x149, v1;
	v14 =	vld.idx.msk [tilespmem:v17+s15+$0x0], $0xffff  }
0x11c: {  	v17 =	vor.u32 $0x309, v0;
	_ =	sdelay $0x3  }
0x11d: {  	[tilespmem:v15+s2+$0x0] =	vst.idx.msk $0xffff, v14  }
0x11e: {  	v15 =	vadd.s32 $0x1E9, v1;
	v14 =	vld.idx.msk [tilespmem:v17+s15+$0x0], $0xffff  }
0x11f: {  	v17 =	vor.u32 $0x409, v0;
	_ =	sdelay $0x3  }
0x120: {  	[tilespmem:v15+s2+$0x0] =	vst.idx.msk $0xffff, v14  }
0x121: {  	v15 =	vadd.s32 $0x289, v1;
	v14 =	vld.idx.msk [tilespmem:v17+s15+$0x0], $0xffff  }
0x122: {  	v17 =	vor.u32 $0x509, v0;
	_ =	sdelay $0x3  }
0x123: {  	[tilespmem:v15+s2+$0x0] =	vst.idx.msk $0xffff, v14  }
0x124: {  	v15 =	vadd.s32 $0x329, v1;
	v14 =	vld.idx.msk [tilespmem:v17+s15+$0x0], $0xffff  }
0x125: {  	v17 =	vor.u32 $0x609, v0;
	_ =	sdelay $0x3  }
0x126: {  	[tilespmem:v15+s2+$0x0] =	vst.idx.msk $0xffff, v14  }
0x127: {  	v15 =	vadd.s32 $0x3C9, v1;
	v14 =	vld.idx.msk [tilespmem:v17+s15+$0x0], $0xffff  }
0x128: {  	v17 =	vor.u32 $0x709, v0;
	_ =	sdelay $0x3  }
0x129: {  	[tilespmem:v15+s2+$0x0] =	vst.idx.msk $0xffff, v14  }
0x12a: {  	v15 =	vadd.s32 $0x469, v1;
	v14 =	vld.idx.msk [tilespmem:v17+s15+$0x0], $0xffff;
	_ =	sdelay $0x4  }
0x12b: {  	[tilespmem:v15+s2+$0x0] =	vst.idx.msk $0xffff, v14  }
0x12c: {  	[tilespmem:s18], [sflag:$0x1] =	stream.indirect.gather [hbm4b:s4+s17], $0x10, s2, s17, $0xb8;
	[tilespmem:$0x19400] =	vst v63  }
0x12d: {  	_ =	swait.ge [sflag:s16], $0x200  }
0x12e: {  	[sflag:s16] =	ssyncset.done $0x0  }
0x12f: {  	[sflag:s16] =	ssyncadd.s32 $0xFFFFFE00  }
0x130: {  	v14 =	vld.idx.msk [tilespmem:v0+s18+$0x0], $0xffff;
	_ =	sdelay $0x4  }
0x131: {  	[tilespmem:$0x1180] =	vst v14  }
0x132: {  	v14 =	vld.idx.msk [tilespmem:v2+s18+$0x0], $0xffff;
	_ =	sdelay $0x4  }
0x133: {  	[tilespmem:$0x1190] =	vst v14  }
0x134: {  	v14 =	vld.idx.msk [tilespmem:v16+s18+$0x0], $0xffff;
	_ =	sdelay $0x4  }
0x135: {  	[tilespmem:$0x11A0] =	vst v14  }
0x136: {  	v14 =	vld.idx.msk [tilespmem:v18+s18+$0x0], $0xffff;
	_ =	sdelay $0x4  }
0x137: {  	[tilespmem:$0x11B0] =	vst v14  }
0x138: {  	v14 =	vld.idx.msk [tilespmem:v32+s18+$0x0], $0xffff;
	_ =	sdelay $0x4  }
0x139: {  	[tilespmem:$0x11C0] =	vst v14  }
0x13a: {  	v14 =	vld.idx.msk [tilespmem:v34+s18+$0x0], $0xffff;
	_ =	sdelay $0x4  }
0x13b: {  	[tilespmem:$0x11D0] =	vst v14  }
0x13c: {  	v14 =	vld.idx.msk [tilespmem:v48+s18+$0x0], $0xffff;
	_ =	sdelay $0x4  }
0x13d: {  	[tilespmem:$0x11E0] =	vst v14  }
0x13e: {  	v14 =	vld.idx.msk [tilespmem:v50+s18+$0x0], $0xffff;
	_ =	sdelay $0x4  }
0x13f: {  	[tilespmem:$0x11F0] =	vst v14  }
0x140: {  	v14 =	vld.idx.msk [tilespmem:v63+s18+$0x0], $0xffff;
	_ =	sdelay $0x4  }
0x141: {  	[tilespmem:$0x1200] =	vst v14  }
0x142: {  	v14 =	vld.idx.msk [tilespmem:v3+s18+$0x0], $0xffff;
	_ =	sdelay $0x4  }
0x143: {  	[tilespmem:$0x1210] =	vst v14  }
0x144: {  	v14 =	vld.idx.msk [tilespmem:v4+s18+$0x0], $0xffff;
	_ =	sdelay $0x4  }
0x145: {  	[tilespmem:$0x1220] =	vst v14  }
0x146: {  	v14 =	vld.idx.msk [tilespmem:v5+s18+$0x0], $0xffff;
	_ =	sdelay $0x4  }
0x147: {  	[tilespmem:$0x1230] =	vst v14  }
0x148: {  	v14 =	vld.idx.msk [tilespmem:v6+s18+$0x0], $0xffff;
	_ =	sdelay $0x4  }
0x149: {  	[tilespmem:$0x1240] =	vst v14  }
0x14a: {  	v14 =	vld.idx.msk [tilespmem:v7+s18+$0x0], $0xffff;
	_ =	sdelay $0x4  }
0x14b: {  	[tilespmem:$0x1250] =	vst v14  }
0x14c: {  	v14 =	vld.idx.msk [tilespmem:v8+s18+$0x0], $0xffff;
	_ =	sdelay $0x4  }
0x14d: {  	[tilespmem:$0x1260] =	vst v14  }
0x14e: {  	v14 =	vld.idx.msk [tilespmem:v9+s18+$0x0], $0xffff;
	_ =	sdelay $0x4  }
0x14f: {  	[tilespmem:$0x1270] =	vst v14  }
0x150: {  	v14 =	vld.idx.msk [tilespmem:v10+s18+$0x0], $0xffff;
	_ =	sdelay $0x4  }
0x151: {  	[tilespmem:$0x1280] =	vst v14  }
0x152: {  	v14 =	vld.idx.msk [tilespmem:v11+s18+$0x0], $0xffff;
	_ =	sdelay $0x4  }
0x153: {  	[tilespmem:$0x1290] =	vst v14  }
0x154: {  	v14 =	vld.idx.msk [tilespmem:v12+s18+$0x0], $0xffff;
	_ =	sdelay $0x4  }
0x155: {  	[tilespmem:$0x12A0] =	vst v14  }
0x156: {  	v14 =	vld.idx.msk [tilespmem:v13+s18+$0x0], $0xffff;
	_ =	sdelay $0x4  }
0x157: {  	s30 =	simm.s32 $0x1180;
	s31 =	simm.s32 $0x5400;
	[tilespmem:$0x12B0] =	vst v14  }
0x158: {  	[tilespmem:s31], [sflag:$0x5] =	stream.indirect.gather [hbm4b:s1+s17], $0x80, s30, s17, $0xb8;
	[tilespmem:$0x19400] =	vst v63  }
0x159: {  	s19 =	simm.s32 $0x6400;
	s13 =	simm.s32 $0x11A0  }
0x15a: {  	[tilespmem:s19], [sflag:$0x5] =	stream.indirect.gather [hbm4b:s1+s17], $0x80, s13, s17, $0xb8;
	[tilespmem:$0x19400] =	vst v63  }
0x15b: {  	s28 =	simm.s32 $0x11C0;
	s29 =	simm.s32 $0x7400  }
0x15c: {  	[tilespmem:s29], [sflag:$0x5] =	stream.indirect.gather [hbm4b:s1+s17], $0x80, s28, s17, $0xb8;
	[tilespmem:$0x19400] =	vst v63  }
0x15d: {  	s30 =	simm.s32 $0x11E0;
	s31 =	simm.s32 $0x8400  }
0x15e: {  	[tilespmem:s31], [sflag:$0x5] =	stream.indirect.gather [hbm4b:s1+s17], $0x80, s30, s17, $0xb8;
	[tilespmem:$0x19400] =	vst v63  }
0x15f: {  	s13 =	simm.s32 $0x1200;
	s19 =	simm.s32 $0x9400  }
0x160: {  	[tilespmem:s19], [sflag:$0x5] =	stream.indirect.gather [hbm4b:s1+s17], $0x80, s13, s17, $0xb8;
	[tilespmem:$0x19400] =	vst v63  }
0x161: {  	s28 =	simm.s32 $0x1220;
	s29 =	simm.s32 $0xA400  }
0x162: {  	[tilespmem:s29], [sflag:$0x5] =	stream.indirect.gather [hbm4b:s1+s17], $0x80, s28, s17, $0xb8;
	[tilespmem:$0x19400] =	vst v63  }
0x163: {  	s30 =	simm.s32 $0x1240;
	s31 =	simm.s32 $0xB400  }
0x164: {  	[tilespmem:s31], [sflag:$0x5] =	stream.indirect.gather [hbm4b:s1+s17], $0x80, s30, s17, $0xb8;
	[tilespmem:$0x19400] =	vst v63  }
0x165: {  	s13 =	simm.s32 $0x1260;
	s19 =	simm.s32 $0xC400  }
0x166: {  	[tilespmem:s19], [sflag:$0x5] =	stream.indirect.gather [hbm4b:s1+s17], $0x80, s13, s17, $0xb8;
	[tilespmem:$0x19400] =	vst v63  }
0x167: {  	s28 =	simm.s32 $0x1280;
	s29 =	simm.s32 $0xD400  }
0x168: {  	[tilespmem:s29], [sflag:$0x5] =	stream.indirect.gather [hbm4b:s1+s17], $0x80, s28, s17, $0xb8;
	[tilespmem:$0x19400] =	vst v63  }
0x169: {  	s30 =	simm.s32 $0x12A0;
	s31 =	simm.s32 $0xE400  }
0x16a: {  	[tilespmem:s31], [sflag:$0x5] =	stream.indirect.gather [hbm4b:s1+s17], $0x80, s30, s17, $0xb8;
	[tilespmem:$0x19400] =	vst v63  }
0x16b: {  	_ = 	snop  }
0x16c: {  	[tilespmem:s24], [sflag:$0x3] =	stream.indirect.gather [hbm4b:s1+s17], $0x80, s2, s17, $0xb8;
	[tilespmem:$0x19400] =	vst v63  }
0x16d: {  	s11 =	simm.s32 $0x0  }
0x16e: {  	[tilespmem:s25], [sflag:$0x2] =	stream.indirect.gather [hbm4b:s4+s17], $0x10, s17, s17, $0xb8;
	[tilespmem:$0x19400] =	vst v63  }
.LBB2_2:
0x16f: {  	_ = 	snop  }
0x170: {  	_ =	swait.ge [sflag:s26], $0x200  }
0x171: {  	[sflag:s26] =	ssyncset.done $0x0  }
0x172: {  	[sflag:s26] =	ssyncadd.s32 $0xFFFFFE00  }
0x173: {  	v14 =	vld.idx.msk [tilespmem:v0+s25+$0x0], $0xffff;
	_ =	sdelay $0x4  }
0x174: {  	[tilespmem:$0x12C0] =	vst v14  }
0x175: {  	v14 =	vld.idx.msk [tilespmem:v2+s25+$0x0], $0xffff;
	_ =	sdelay $0x4  }
0x176: {  	[tilespmem:$0x12D0] =	vst v14  }
0x177: {  	v14 =	vld.idx.msk [tilespmem:v16+s25+$0x0], $0xffff;
	_ =	sdelay $0x4  }
0x178: {  	[tilespmem:$0x12E0] =	vst v14  }
0x179: {  	v14 =	vld.idx.msk [tilespmem:v18+s25+$0x0], $0xffff;
	_ =	sdelay $0x4  }
0x17a: {  	[tilespmem:$0x12F0] =	vst v14  }
0x17b: {  	v14 =	vld.idx.msk [tilespmem:v32+s25+$0x0], $0xffff;
	_ =	sdelay $0x4  }
0x17c: {  	[tilespmem:$0x1300] =	vst v14  }
0x17d: {  	v14 =	vld.idx.msk [tilespmem:v34+s25+$0x0], $0xffff;
	_ =	sdelay $0x4  }
0x17e: {  	[tilespmem:$0x1310] =	vst v14  }
0x17f: {  	v14 =	vld.idx.msk [tilespmem:v48+s25+$0x0], $0xffff;
	_ =	sdelay $0x4  }
0x180: {  	[tilespmem:$0x1320] =	vst v14  }
0x181: {  	v14 =	vld.idx.msk [tilespmem:v50+s25+$0x0], $0xffff;
	_ =	sdelay $0x4  }
0x182: {  	[tilespmem:$0x1330] =	vst v14  }
0x183: {  	v14 =	vld.idx.msk [tilespmem:v63+s25+$0x0], $0xffff;
	_ =	sdelay $0x4  }
0x184: {  	[tilespmem:$0x1340] =	vst v14  }
0x185: {  	v14 =	vld.idx.msk [tilespmem:v3+s25+$0x0], $0xffff;
	_ =	sdelay $0x4  }
0x186: {  	[tilespmem:$0x1350] =	vst v14  }
0x187: {  	v14 =	vld.idx.msk [tilespmem:v4+s25+$0x0], $0xffff;
	_ =	sdelay $0x4  }
0x188: {  	[tilespmem:$0x1360] =	vst v14  }
0x189: {  	v14 =	vld.idx.msk [tilespmem:v5+s25+$0x0], $0xffff;
	_ =	sdelay $0x4  }
0x18a: {  	[tilespmem:$0x1370] =	vst v14  }
0x18b: {  	v14 =	vld.idx.msk [tilespmem:v6+s25+$0x0], $0xffff;
	_ =	sdelay $0x4  }
0x18c: {  	[tilespmem:$0x1380] =	vst v14  }
0x18d: {  	v14 =	vld.idx.msk [tilespmem:v7+s25+$0x0], $0xffff;
	_ =	sdelay $0x4  }
0x18e: {  	[tilespmem:$0x1390] =	vst v14  }
0x18f: {  	v14 =	vld.idx.msk [tilespmem:v8+s25+$0x0], $0xffff;
	_ =	sdelay $0x4  }
0x190: {  	[tilespmem:$0x13A0] =	vst v14  }
0x191: {  	v14 =	vld.idx.msk [tilespmem:v9+s25+$0x0], $0xffff;
	_ =	sdelay $0x4  }
0x192: {  	[tilespmem:$0x13B0] =	vst v14  }
0x193: {  	v14 =	vld.idx.msk [tilespmem:v10+s25+$0x0], $0xffff;
	_ =	sdelay $0x4  }
0x194: {  	[tilespmem:$0x13C0] =	vst v14  }
0x195: {  	v14 =	vld.idx.msk [tilespmem:v11+s25+$0x0], $0xffff;
	_ =	sdelay $0x4  }
0x196: {  	[tilespmem:$0x13D0] =	vst v14  }
0x197: {  	v14 =	vld.idx.msk [tilespmem:v12+s25+$0x0], $0xffff;
	_ =	sdelay $0x4  }
0x198: {  	p0 =	seq.s32 s11, $0x15;
	[tilespmem:$0x13E0] =	vst v14  }
0x199: {  	p1 =	seq.s32 @!p0 s11, $0x0;
	v14 =	vld.idx.msk [tilespmem:v13+s25+$0x0], $0xffff  }
0x19a: {  	p1 =	por p0, !p1  }
.Ltmp0:
0x19b: {  	s13 =	sshll.u32 s11, $0x1;
	(pc) =	sbr.rel @!p1 .LBB2_3-.Ltmp0, $4  }
0x19c: {  	s13 =	sadd.s32 $0x2, s13  }
0x19d: {  	s13 =	sshll.u32 @!p0 s13, $0x5  }
0x19e: {  	s29 =	simm.s32 @!p0 $0xD80;
	s28 =	sand.u32 @!p0 $0x3FFFFFE0, s13;
	s13 =	simm.s32 @!p0 $0x20;
	[tilespmem:$0x13F0] =	vst v14  }
0x19f: {  	[tilespmem:s29], [sflag:$0x1] =	stream.indirect.gather @!p0 [hbm4b:s4+s13], $0x10, s28, s13, $0xb8;
	[tilespmem:$0x19400] =	vst v63  }
0x1a0: {  	_ =	swait.ge [sflag:s12], $0x1000  }
.Ltmp1:
0x1a1: {  	[sflag:s12] =	ssyncset.done $0x0;
	(pc) =	sbr.rel .LBB2_5-.Ltmp1, $4  }
0x1a2: {  	[sflag:s12] =	ssyncadd.s32 $0xFFFFF000  }
0x1a3: {  	_ =	swait.ge [sflag:s8], $0x1000  }
0x1a4: {  	[sflag:s8] =	ssyncset.done $0x0  }
0x1a5: {  	p2 =	por $0x0, $0x0;
	[sflag:s8] =	ssyncadd.s32 $0xFFFFF000  }
.LBB2_3:
0x1a6: {  	p2 =	por @!p0 $0x1, $0x1  }
.LBB2_5:
0x1a7: {  	s13 =	simm.s32 $0x12C0;
	s19 =	simm.s32 $0xF400  }
0x1a8: {  	[tilespmem:s19], [sflag:$0x6] =	stream.indirect.gather [hbm4b:s1+s17], $0x80, s13, s17, $0xb8;
	[tilespmem:$0x19400] =	vst v63  }
0x1a9: {  	s13 =	simm.s32 $0x12E0;
	s19 =	simm.s32 $0x10400  }
0x1aa: {  	[tilespmem:s19], [sflag:$0x6] =	stream.indirect.gather [hbm4b:s1+s17], $0x80, s13, s17, $0xb8;
	[tilespmem:$0x19400] =	vst v63  }
0x1ab: {  	s13 =	simm.s32 $0x1300;
	s19 =	simm.s32 $0x11400  }
0x1ac: {  	[tilespmem:s19], [sflag:$0x6] =	stream.indirect.gather [hbm4b:s1+s17], $0x80, s13, s17, $0xb8;
	[tilespmem:$0x19400] =	vst v63  }
0x1ad: {  	s13 =	simm.s32 $0x1320;
	s19 =	simm.s32 $0x12400  }
0x1ae: {  	[tilespmem:s19], [sflag:$0x6] =	stream.indirect.gather [hbm4b:s1+s17], $0x80, s13, s17, $0xb8;
	[tilespmem:$0x19400] =	vst v63  }
0x1af: {  	s13 =	simm.s32 $0x1340;
	s19 =	simm.s32 $0x13400  }
0x1b0: {  	[tilespmem:s19], [sflag:$0x6] =	stream.indirect.gather [hbm4b:s1+s17], $0x80, s13, s17, $0xb8;
	[tilespmem:$0x19400] =	vst v63  }
0x1b1: {  	s13 =	simm.s32 $0x1360;
	s19 =	simm.s32 $0x14400  }
0x1b2: {  	[tilespmem:s19], [sflag:$0x6] =	stream.indirect.gather [hbm4b:s1+s17], $0x80, s13, s17, $0xb8;
	[tilespmem:$0x19400] =	vst v63  }
0x1b3: {  	s13 =	simm.s32 $0x1380;
	s19 =	simm.s32 $0x15400  }
0x1b4: {  	[tilespmem:s19], [sflag:$0x6] =	stream.indirect.gather [hbm4b:s1+s17], $0x80, s13, s17, $0xb8;
	[tilespmem:$0x19400] =	vst v63  }
0x1b5: {  	s13 =	simm.s32 $0x13A0;
	s19 =	simm.s32 $0x16400  }
0x1b6: {  	[tilespmem:s19], [sflag:$0x6] =	stream.indirect.gather [hbm4b:s1+s17], $0x80, s13, s17, $0xb8;
	[tilespmem:$0x19400] =	vst v63  }
0x1b7: {  	s13 =	simm.s32 $0x13C0;
	s19 =	simm.s32 $0x17400  }
0x1b8: {  	[tilespmem:s19], [sflag:$0x6] =	stream.indirect.gather [hbm4b:s1+s17], $0x80, s13, s17, $0xb8;
	[tilespmem:$0x19400] =	vst v63  }
0x1b9: {  	s13 =	sshllo.u32 s11, $0x1  }
0x1ba: {  	s29 =	simm.s32 $0x18400;
	s19 =	simm.s32 $0x13E0;
	s13 =	sshll.u32 s13, $0x5  }
0x1bb: {  	[tilespmem:s29], [sflag:$0x6] =	stream.indirect.gather [hbm4b:s1+s17], $0x80, s19, s17, $0xb8;
	[tilespmem:$0x19400] =	vst v63  }
0x1bc: {  	s29 =	sand.u32 $0x3FFFFFE0, s13  }
0x1bd: {  	[tilespmem:s0], [sflag:$0x4] =	stream.indirect.gather [hbm4b:s1+s17], $0x80, s29, s17, $0xb8;
	[tilespmem:$0x19400] =	vst v63  }
0x1be: {  	_ =	swait.ge [sflag:s3], $0x1000  }
0x1bf: {  	[sflag:s3] =	ssyncset.done $0x0  }
0x1c0: {  	[sflag:s3] =	ssyncadd.s32 $0xFFFFF000  }
0x1c1: {  	_ =	swait.ge [sflag:s3], $0x1000  }
0x1c2: {  	[sflag:s3] =	ssyncset.done $0x0  }
0x1c3: {  	[sflag:s3] =	ssyncadd.s32 $0xFFFFF000  }
0x1c4: {  	_ =	swait.ge [sflag:s3], $0x1000  }
0x1c5: {  	[sflag:s3] =	ssyncset.done $0x0  }
0x1c6: {  	[sflag:s3] =	ssyncadd.s32 $0xFFFFF000  }
0x1c7: {  	_ =	swait.ge [sflag:s3], $0x1000  }
0x1c8: {  	[sflag:s3] =	ssyncset.done $0x0  }
0x1c9: {  	[sflag:s3] =	ssyncadd.s32 $0xFFFFF000  }
0x1ca: {  	_ =	swait.ge [sflag:s3], $0x1000  }
0x1cb: {  	[sflag:s3] =	ssyncset.done $0x0  }
0x1cc: {  	[sflag:s3] =	ssyncadd.s32 $0xFFFFF000  }
0x1cd: {  	_ =	swait.ge [sflag:s3], $0x1000  }
0x1ce: {  	[sflag:s3] =	ssyncset.done $0x0  }
0x1cf: {  	[sflag:s3] =	ssyncadd.s32 $0xFFFFF000  }
0x1d0: {  	_ =	swait.ge [sflag:s3], $0x1000  }
0x1d1: {  	[sflag:s3] =	ssyncset.done $0x0  }
0x1d2: {  	[sflag:s3] =	ssyncadd.s32 $0xFFFFF000  }
0x1d3: {  	_ =	swait.ge [sflag:s3], $0x1000  }
0x1d4: {  	[sflag:s3] =	ssyncset.done $0x0  }
0x1d5: {  	[sflag:s3] =	ssyncadd.s32 $0xFFFFF000  }
0x1d6: {  	_ =	swait.ge [sflag:s3], $0x1000  }
0x1d7: {  	[sflag:s3] =	ssyncset.done $0x0  }
0x1d8: {  	[sflag:s3] =	ssyncadd.s32 $0xFFFFF000  }
0x1d9: {  	_ =	swait.ge [sflag:s3], $0x1000  }
0x1da: {  	[sflag:s3] =	ssyncset.done $0x0  }
0x1db: {  	s29 =	simm.s32 $0x0;
	[sflag:s3] =	ssyncadd.s32 $0xFFFFF000  }
0x1dc: {  	v14 =	vld [tilespmem:s29+$0x5470]  }
0x1dd: {  	v15 =	vld [tilespmem:s29+$0x6470]  }
0x1de: {  	v17 =	vld [tilespmem:s29+$0x5400]  }
0x1df: {  	v19 =	vld [tilespmem:s29+$0x7470]  }
0x1e0: {  	v20 =	vld [tilespmem:s29+$0x6400]  }
0x1e1: {  	v21 =	vld [tilespmem:s29+$0x8470]  }
0x1e2: {  	v22 =	vld [tilespmem:s29+$0x5410]  }
0x1e3: {  	v23 =	vld [tilespmem:s29+$0x6410]  }
0x1e4: {  	v24 =	vld [tilespmem:s29+$0x5420]  }
0x1e5: {  	v25 =	vld [tilespmem:s29+$0x6420]  }
0x1e6: {  	v26 =	vld [tilespmem:s29+$0x5430]  }
0x1e7: {  	v27 =	vld [tilespmem:s29+$0x6430]  }
0x1e8: {  	v28 =	vld [tilespmem:s29+$0x5440]  }
0x1e9: {  	v29 =	vld [tilespmem:s29+$0x5450]  }
0x1ea: {  	v30 =	vld [tilespmem:s29+$0x5460]  }
0x1eb: {  	v31 =	vld [tilespmem:s29+$0x7400]  }
0x1ec: {  	v33 =	vld [tilespmem:s29+$0x7420]  }
0x1ed: {  	v35 =	vld [tilespmem:s29+$0x7430]  }
0x1ee: {  	v36 =	vld [tilespmem:s29+$0x7440]  }
0x1ef: {  	v37 =	vld [tilespmem:s29+$0x7450]  }
0x1f0: {  	v38 =	vld [tilespmem:s29+$0x7460]  }
0x1f1: {  	v39 =	vld [tilespmem:s29+$0x8400]  }
0x1f2: {  	v40 =	vld [tilespmem:s29+$0x8410]  }
0x1f3: {  	v41 =	vld [tilespmem:s29+$0x8420]  }
0x1f4: {  	v42 =	vld [tilespmem:s29+$0x8430]  }
0x1f5: {  	v43 =	vld [tilespmem:s29+$0x8440]  }
0x1f6: {  	v44 =	vld [tilespmem:s29+$0x8450]  }
0x1f7: {  	v45 =	vld [tilespmem:s29+$0x8460]  }
0x1f8: {  	v46 =	vld [tilespmem:s29+$0x9400]  }
0x1f9: {  	v47 =	vld [tilespmem:s29+$0x9410]  }
0x1fa: {  	v49 =	vld [tilespmem:s29+$0x9420]  }
0x1fb: {  	v51 =	vld [tilespmem:s29+$0x9430]  }
0x1fc: {  	v52 =	vld [tilespmem:s29+$0x9440]  }
0x1fd: {  	v53 =	vld [tilespmem:s29+$0x9450]  }
0x1fe: {  	v54 =	vld [tilespmem:s29+$0x9460]  }
0x1ff: {  	v55 =	vld [tilespmem:s29+$0xA400]  }
0x200: {  	v56 =	vld [tilespmem:s29+$0xA410]  }
0x201: {  	v57 =	vld [tilespmem:s29+$0xA420]  }
0x202: {  	v58 =	vld [tilespmem:s29+$0xA430]  }
0x203: {  	v59 =	vld [tilespmem:s29+$0xA440]  }
0x204: {  	v60 =	vld [tilespmem:s29+$0xA450]  }
0x205: {  	v61 =	vld [tilespmem:s29+$0xA460];
	v14 =	vadd.f32 v15, v14  }
0x206: {  	v15 =	vld [tilespmem:s29+$0x9470]  }
0x207: {  	v17 =	vadd.f32 v20, v17;
	v20 =	vld [tilespmem:s29+$0xB400];
	v14 =	vadd.f32 v19, v14  }
0x208: {  	v22 =	vadd.f32 v23, v22;
	v19 =	vld [tilespmem:s29+$0xA470]  }
0x209: {  	v23 =	vadd.f32 v25, v24;
	v24 =	vld [tilespmem:s29+$0xB410];
	v14 =	vadd.f32 v21, v14  }
0x20a: {  	v21 =	vld [tilespmem:s29+$0xB470]  }
0x20b: {  	v25 =	vadd.f32 v27, v26;
	v26 =	vld [tilespmem:s29+$0xB420];
	v14 =	vadd.f32 v15, v14  }
0x20c: {  	v15 =	vld [tilespmem:s29+$0xC470]  }
0x20d: {  	v27 =	vld [tilespmem:s29+$0xB430];
	v14 =	vadd.f32 v19, v14  }
0x20e: {  	v19 =	vld [tilespmem:s29+$0xD470]  }
0x20f: {  	v17 =	vadd.f32 v31, v17;
	v31 =	vld [tilespmem:s29+$0xC410];
	v14 =	vadd.f32 v21, v14  }
0x210: {  	v23 =	vadd.f32 v33, v23;
	v25 =	vadd.f32 v35, v25;
	v21 =	vld [tilespmem:s29+$0xE470]  }
0x211: {  	v33 =	vld [tilespmem:s29+$0xC420];
	v17 =	vadd.f32 v39, v17;
	v14 =	vadd.f32 v15, v14  }
0x212: {  	v23 =	vadd.f32 v41, v23;
	v25 =	vadd.f32 v42, v25;
	v15 =	vld [tilespmem:s29+$0x6440]  }
0x213: {  	v17 =	vadd.f32 v46, v17;
	v46 =	vld [tilespmem:s29+$0xC440];
	v14 =	vadd.f32 v19, v14  }
0x214: {  	v23 =	vadd.f32 v49, v23;
	v19 =	vld [tilespmem:s29+$0x6450]  }
0x215: {  	v25 =	vadd.f32 v51, v25;
	v14 =	vadd.f32 v21, v14;
	v21 =	vld [tilespmem:s29+$0x6460]  }
0x216: {  	v49 =	vld [tilespmem:s29+$0xC460];
	v17 =	vadd.f32 v55, v17;
	v23 =	vadd.f32 v57, v23  }
0x217: {  	v25 =	vadd.f32 v58, v25;
	v15 =	vadd.f32 v15, v28;
	[tilespmem:s29+$0x3470] =	vst v14;
	v14 =	vld [tilespmem:s29+$0x7410]  }
0x218: {  	v51 =	vld [tilespmem:s29+$0xD400];
	v17 =	vadd.f32 v20, v17;
	v20 =	vadd.f32 v26, v23  }
0x219: {  	v55 =	vld [tilespmem:s29+$0xE410];
	v19 =	vadd.f32 v19, v29;
	v15 =	vadd.f32 v36, v15  }
0x21a: {  	v57 =	vld [tilespmem:s29+$0xE420];
	v23 =	vadd.f32 v27, v25;
	v21 =	vadd.f32 v21, v30  }
0x21b: {  	v19 =	vadd.f32 v37, v19;
	v30 =	vld [tilespmem:s29+$0xC400];
	v15 =	vadd.f32 v43, v15  }
0x21c: {  	v27 =	vld [tilespmem:s29+$0xE400];
	v14 =	vadd.f32 v14, v22;
	v21 =	vadd.f32 v38, v21  }
0x21d: {  	v22 =	vld [tilespmem:s29+$0xB440];
	v19 =	vadd.f32 v44, v19;
	v15 =	vadd.f32 v52, v15  }
0x21e: {  	v28 =	vld [tilespmem:s29+$0xB450];
	v14 =	vadd.f32 v40, v14;
	v21 =	vadd.f32 v45, v21  }
0x21f: {  	v29 =	vld [tilespmem:s29+$0xB460];
	v19 =	vadd.f32 v53, v19;
	v15 =	vadd.f32 v59, v15  }
0x220: {  	v45 =	vld [tilespmem:s29+$0xC430];
	v17 =	vadd.f32 v30, v17;
	v14 =	vadd.f32 v47, v14  }
0x221: {  	v53 =	vld [tilespmem:s29+$0xD420];
	v21 =	vadd.f32 v54, v21;
	v19 =	vadd.f32 v60, v19  }
0x222: {  	v52 =	vld [tilespmem:s29+$0xD410];
	v15 =	vadd.f32 v22, v15;
	v22 =	vadd.f32 v33, v20  }
0x223: {  	v47 =	vld [tilespmem:s29+$0xC450];
	v59 =	vadd.f32 v51, v17;
	v14 =	vadd.f32 v56, v14  }
0x224: {  	v54 =	vld [tilespmem:s29+$0xD430];
	v21 =	vadd.f32 v61, v21;
	v19 =	vadd.f32 v28, v19  }
0x225: {  	v25 =	vld [tilespmem:s29+$0xD450];
	v56 =	vadd.f32 v45, v23;
	v14 =	vadd.f32 v24, v14  }
0x226: {  	v15 =	vadd.f32 v46, v15;
	v61 =	vadd.f32 v53, v22;
	v24 =	vld [tilespmem:s29+$0xD440]  }
0x227: {  	v26 =	vld [tilespmem:s29+$0xD460];
	v27 =	vadd.f32 v27, v59;
	v14 =	vadd.f32 v31, v14  }
0x228: {  	v23 =	vld [tilespmem:s29+$0xE430];
	v21 =	vadd.f32 v29, v21;
	v19 =	vadd.f32 v47, v19  }
0x229: {  	v20 =	vld [tilespmem:s29+$0xE440];
	v22 =	vadd.f32 v54, v56;
	v60 =	vadd.f32 v52, v14  }
0x22a: {  	v58 =	vadd.f32 v49, v21;
	v21 =	vld [tilespmem:s29+$0xE450];
	v19 =	vadd.f32 v25, v19  }
0x22b: {  	s31 =	simm.s32 $0x80;
	v17 =	vadd.f32 v24, v15;
	v24 =	vld [tilespmem:s29+$0xE460];
	v25 =	vadd.f32 v55, v60  }
0x22c: {  	s30 =	simm.s32 $0x400;
	v14 =	vadd.f32 v26, v58;
	v26 =	vadd.f32 v57, v61;
	v15 =	vld [tilespmem:s31+$0x5470];
	[tilespmem:s29+$0x3400] =	vst v27  }
.LBB2_6:
0x22d: {  	p1 =	sne.s32 s30, $0x3E00;
	v27 =	vld [tilespmem:s31+$0x6470];
	[tilespmem:s29+$0x3410] =	vst v25;
	v22 =	vadd.f32 v23, v22  }
0x22e: {  	v23 =	vld [tilespmem:s31+$0x5400];
	[tilespmem:s29+$0x3420] =	vst v26;
	v17 =	vadd.f32 v20, v17  }
0x22f: {  	v20 =	vld [tilespmem:s31+$0x7470];
	[tilespmem:s29+$0x3430] =	vst v22;
	v19 =	vadd.f32 v21, v19  }
0x230: {  	v21 =	vld [tilespmem:s31+$0x6400];
	[tilespmem:s29+$0x3440] =	vst v17;
	v14 =	vadd.f32 v24, v14  }
0x231: {  	v17 =	vld [tilespmem:s31+$0x8470];
	[tilespmem:s29+$0x3450] =	vst v19  }
0x232: {  	v19 =	vld [tilespmem:s31+$0x5410];
	v15 =	vadd.f32 v27, v15;
	[tilespmem:s29+$0x3460] =	vst v14;
	s29 =	smov.u32 s31  }
0x233: {  	v14 =	vld [tilespmem:s29+$0x9470]  }
0x234: {  	v22 =	vld [tilespmem:s29+$0x6410];
	v15 =	vadd.f32 v20, v15  }
0x235: {  	v20 =	vadd.f32 v21, v23;
	v21 =	vld [tilespmem:s29+$0xA470]  }
0x236: {  	v23 =	vld [tilespmem:s29+$0x5420];
	v15 =	vadd.f32 v17, v15  }
0x237: {  	v17 =	vld [tilespmem:s29+$0xB470]  }
0x238: {  	v24 =	vld [tilespmem:s29+$0x6420];
	v14 =	vadd.f32 v14, v15  }
0x239: {  	v15 =	vadd.f32 v22, v19;
	v19 =	vld [tilespmem:s29+$0xC470]  }
0x23a: {  	v22 =	vld [tilespmem:s29+$0x5430];
	v14 =	vadd.f32 v21, v14  }
0x23b: {  	v21 =	vld [tilespmem:s29+$0xD470]  }
0x23c: {  	v25 =	vld [tilespmem:s29+$0x6430];
	v14 =	vadd.f32 v17, v14  }
0x23d: {  	v17 =	vadd.f32 v24, v23;
	v23 =	vld [tilespmem:s29+$0xE470]  }
0x23e: {  	v24 =	vld [tilespmem:s29+$0x5440];
	v14 =	vadd.f32 v19, v14  }
0x23f: {  	v19 =	vld [tilespmem:s29+$0x6440]  }
0x240: {  	v26 =	vld [tilespmem:s29+$0x5450];
	v14 =	vadd.f32 v21, v14  }
0x241: {  	v21 =	vadd.f32 v25, v22;
	v22 =	vld [tilespmem:s29+$0x6450]  }
0x242: {  	v25 =	vld [tilespmem:s29+$0x5460];
	v14 =	vadd.f32 v23, v14  }
0x243: {  	v23 =	vld [tilespmem:s29+$0x6460]  }
0x244: {  	v27 =	vld [tilespmem:s29+$0x7400];
	v19 =	vadd.f32 v19, v24;
	[tilespmem:s29+$0x3470] =	vst v14  }
0x245: {  	v14 =	vld [tilespmem:s29+$0x7410]  }
0x246: {  	v24 =	vld [tilespmem:s29+$0x7420];
	v22 =	vadd.f32 v22, v26  }
0x247: {  	v26 =	vld [tilespmem:s29+$0x7430]  }
0x248: {  	v28 =	vld [tilespmem:s29+$0x7440];
	v23 =	vadd.f32 v23, v25  }
0x249: {  	v20 =	vadd.f32 v27, v20;
	v25 =	vld [tilespmem:s29+$0x7450]  }
0x24a: {  	v14 =	vadd.f32 v14, v15;
	v15 =	vld [tilespmem:s29+$0x7460]  }
0x24b: {  	v27 =	vld [tilespmem:s29+$0x8400];
	v17 =	vadd.f32 v24, v17  }
0x24c: {  	v24 =	vld [tilespmem:s29+$0x8410];
	v21 =	vadd.f32 v26, v21  }
0x24d: {  	v26 =	vld [tilespmem:s29+$0x8420];
	v19 =	vadd.f32 v28, v19  }
0x24e: {  	v28 =	vld [tilespmem:s29+$0x8430];
	v22 =	vadd.f32 v25, v22  }
0x24f: {  	v25 =	vld [tilespmem:s29+$0x8440];
	v15 =	vadd.f32 v15, v23  }
0x250: {  	v20 =	vadd.f32 v27, v20;
	v23 =	vld [tilespmem:s29+$0x8450]  }
0x251: {  	v14 =	vadd.f32 v24, v14;
	v24 =	vld [tilespmem:s29+$0x8460]  }
0x252: {  	v27 =	vld [tilespmem:s29+$0x9400];
	v17 =	vadd.f32 v26, v17  }
0x253: {  	v26 =	vld [tilespmem:s29+$0x9410];
	v21 =	vadd.f32 v28, v21  }
0x254: {  	v28 =	vld [tilespmem:s29+$0x9420];
	v19 =	vadd.f32 v25, v19  }
0x255: {  	v25 =	vld [tilespmem:s29+$0x9430];
	v22 =	vadd.f32 v23, v22  }
0x256: {  	v23 =	vld [tilespmem:s29+$0x9440];
	v15 =	vadd.f32 v24, v15  }
0x257: {  	v20 =	vadd.f32 v27, v20;
	v24 =	vld [tilespmem:s29+$0x9450]  }
0x258: {  	v14 =	vadd.f32 v26, v14;
	v26 =	vld [tilespmem:s29+$0x9460]  }
0x259: {  	v27 =	vld [tilespmem:s29+$0xA400];
	v17 =	vadd.f32 v28, v17  }
0x25a: {  	v28 =	vld [tilespmem:s29+$0xA410];
	v21 =	vadd.f32 v25, v21  }
0x25b: {  	v25 =	vld [tilespmem:s29+$0xA420];
	v19 =	vadd.f32 v23, v19  }
0x25c: {  	v23 =	vld [tilespmem:s29+$0xA430];
	v22 =	vadd.f32 v24, v22  }
0x25d: {  	v24 =	vld [tilespmem:s29+$0xA440];
	v15 =	vadd.f32 v26, v15  }
0x25e: {  	v20 =	vadd.f32 v27, v20;
	v26 =	vld [tilespmem:s29+$0xA450]  }
0x25f: {  	v14 =	vadd.f32 v28, v14;
	v27 =	vld [tilespmem:s29+$0xA460]  }
0x260: {  	v28 =	vld [tilespmem:s29+$0xB400];
	v17 =	vadd.f32 v25, v17  }
0x261: {  	v25 =	vld [tilespmem:s29+$0xB410];
	v21 =	vadd.f32 v23, v21  }
0x262: {  	v23 =	vld [tilespmem:s29+$0xB420];
	v19 =	vadd.f32 v24, v19  }
0x263: {  	v24 =	vld [tilespmem:s29+$0xB430];
	v22 =	vadd.f32 v26, v22  }
0x264: {  	v26 =	vld [tilespmem:s29+$0xB440];
	v15 =	vadd.f32 v27, v15  }
0x265: {  	v20 =	vadd.f32 v28, v20;
	v27 =	vld [tilespmem:s29+$0xB450]  }
0x266: {  	v14 =	vadd.f32 v25, v14;
	v25 =	vld [tilespmem:s29+$0xB460]  }
0x267: {  	v28 =	vld [tilespmem:s29+$0xC400];
	v17 =	vadd.f32 v23, v17  }
0x268: {  	v23 =	vld [tilespmem:s29+$0xC410];
	v21 =	vadd.f32 v24, v21  }
0x269: {  	v24 =	vld [tilespmem:s29+$0xC420];
	v19 =	vadd.f32 v26, v19  }
0x26a: {  	v26 =	vld [tilespmem:s29+$0xC430];
	v22 =	vadd.f32 v27, v22  }
0x26b: {  	v27 =	vld [tilespmem:s29+$0xC440];
	v15 =	vadd.f32 v25, v15  }
0x26c: {  	v20 =	vadd.f32 v28, v20;
	v25 =	vld [tilespmem:s29+$0xC450]  }
0x26d: {  	v14 =	vadd.f32 v23, v14;
	v23 =	vld [tilespmem:s29+$0xC460]  }
0x26e: {  	v28 =	vld [tilespmem:s29+$0xD400];
	v17 =	vadd.f32 v24, v17  }
0x26f: {  	v24 =	vld [tilespmem:s29+$0xD410];
	v21 =	vadd.f32 v26, v21  }
0x270: {  	v26 =	vld [tilespmem:s29+$0xD420];
	v19 =	vadd.f32 v27, v19  }
0x271: {  	v27 =	vld [tilespmem:s29+$0xD430];
	v25 =	vadd.f32 v25, v22  }
0x272: {  	v29 =	vld [tilespmem:s29+$0xD440];
	v15 =	vadd.f32 v23, v15  }
0x273: {  	v28 =	vadd.f32 v28, v20;
	v20 =	vld [tilespmem:s29+$0xD450]  }
0x274: {  	v24 =	vadd.f32 v24, v14;
	v14 =	vld [tilespmem:s29+$0xD460]  }
0x275: {  	v30 =	vld [tilespmem:s29+$0xE400];
	v26 =	vadd.f32 v26, v17  }
0x276: {  	v31 =	vld [tilespmem:s29+$0xE410];
	v22 =	vadd.f32 v27, v21  }
0x277: {  	v27 =	vld [tilespmem:s29+$0xE420];
	v17 =	vadd.f32 v29, v19  }
.Ltmp2:
0x278: {  	v23 =	vld [tilespmem:s29+$0xE430];
	v19 =	vadd.f32 v20, v25;
	(pc) =	sbr.rel @p1 .LBB2_6-.Ltmp2, $4  }
0x279: {  	v20 =	vld [tilespmem:s29+$0xE440];
	v14 =	vadd.f32 v14, v15  }
0x27a: {  	v28 =	vadd.f32 v30, v28;
	v21 =	vld [tilespmem:s29+$0xE450]  }
0x27b: {  	s31 =	sshra.s32 s30, $0x2;
	v25 =	vadd.f32 v31, v24;
	v24 =	vld [tilespmem:s29+$0xE460]  }
0x27c: {  	s30 =	sadd.s32 $0x200, s30;
	v15 =	vld [tilespmem:s31+$0x5470];
	[tilespmem:s29+$0x3400] =	vst v28;
	v26 =	vadd.f32 v27, v26  }
0x27d: {  	v27 =	vld [tilespmem:s31+$0x6470];
	[tilespmem:s29+$0x3410] =	vst v25;
	v22 =	vadd.f32 v23, v22  }
0x27e: {  	v25 =	vld [tilespmem:s31+$0x5400];
	[tilespmem:s29+$0x3420] =	vst v26;
	v17 =	vadd.f32 v20, v17  }
0x27f: {  	v23 =	vld [tilespmem:s31+$0x7470];
	[tilespmem:s29+$0x3430] =	vst v22;
	v19 =	vadd.f32 v21, v19  }
0x280: {  	v20 =	vld [tilespmem:s31+$0x6400];
	[tilespmem:s29+$0x3440] =	vst v17;
	v14 =	vadd.f32 v24, v14  }
0x281: {  	v17 =	vld [tilespmem:s31+$0x8470];
	[tilespmem:s29+$0x3450] =	vst v19  }
0x282: {  	v19 =	vld [tilespmem:s31+$0x5410];
	[tilespmem:s29+$0x3460] =	vst v14  }
0x283: {  	v14 =	vadd.f32 v27, v15;
	v15 =	vld [tilespmem:s31+$0x9470]  }
0x284: {  	v21 =	vld [tilespmem:s31+$0x6410]  }
0x285: {  	v22 =	vld [tilespmem:s31+$0xA470]  }
0x286: {  	v24 =	vld [tilespmem:s31+$0x6420]  }
0x287: {  	v26 =	vld [tilespmem:s31+$0x5430]  }
0x288: {  	v27 =	vld [tilespmem:s31+$0x6430]  }
0x289: {  	v28 =	vld [tilespmem:s31+$0x5440]  }
0x28a: {  	v29 =	vld [tilespmem:s31+$0x5450]  }
0x28b: {  	v30 =	vld [tilespmem:s31+$0x5460]  }
0x28c: {  	v31 =	vld [tilespmem:s31+$0x7400]  }
0x28d: {  	v33 =	vld [tilespmem:s31+$0x7420]  }
0x28e: {  	v35 =	vld [tilespmem:s31+$0x7430]  }
0x28f: {  	v36 =	vld [tilespmem:s31+$0x7440]  }
0x290: {  	v37 =	vld [tilespmem:s31+$0x7450]  }
0x291: {  	v38 =	vld [tilespmem:s31+$0x7460]  }
0x292: {  	v39 =	vld [tilespmem:s31+$0x8400]  }
0x293: {  	v40 =	vld [tilespmem:s31+$0x8410]  }
0x294: {  	v41 =	vld [tilespmem:s31+$0x8420]  }
0x295: {  	v42 =	vld [tilespmem:s31+$0x8430]  }
0x296: {  	v43 =	vld [tilespmem:s31+$0x8440]  }
0x297: {  	v44 =	vld [tilespmem:s31+$0x8450]  }
0x298: {  	v45 =	vld [tilespmem:s31+$0x8460]  }
0x299: {  	v46 =	vld [tilespmem:s31+$0x9400]  }
0x29a: {  	v47 =	vld [tilespmem:s31+$0x9410]  }
0x29b: {  	v49 =	vld [tilespmem:s31+$0x9420]  }
0x29c: {  	v51 =	vld [tilespmem:s31+$0x9430]  }
0x29d: {  	v52 =	vld [tilespmem:s31+$0x9440]  }
0x29e: {  	v53 =	vld [tilespmem:s31+$0x9450]  }
0x29f: {  	v54 =	vld [tilespmem:s31+$0x9460]  }
0x2a0: {  	v55 =	vld [tilespmem:s31+$0xA400]  }
0x2a1: {  	v56 =	vld [tilespmem:s31+$0xA410]  }
0x2a2: {  	v57 =	vld [tilespmem:s31+$0xA420]  }
0x2a3: {  	v58 =	vld [tilespmem:s31+$0xA430]  }
0x2a4: {  	v59 =	vld [tilespmem:s31+$0xA440]  }
0x2a5: {  	v60 =	vld [tilespmem:s31+$0xA450]  }
0x2a6: {  	v61 =	vld [tilespmem:s31+$0xA460];
	v14 =	vadd.f32 v23, v14  }
0x2a7: {  	v23 =	vld [tilespmem:s31+$0x5420]  }
0x2a8: {  	v20 =	vadd.f32 v20, v25;
	v25 =	vld [tilespmem:s31+$0xB400];
	v14 =	vadd.f32 v17, v14  }
0x2a9: {  	v17 =	vld [tilespmem:s31+$0xB470]  }
0x2aa: {  	v14 =	vadd.f32 v15, v14;
	v15 =	vld [tilespmem:s31+$0xC470]  }
0x2ab: {  	v20 =	vadd.f32 v31, v20;
	v31 =	vld [tilespmem:s31+$0xC410]  }
0x2ac: {  	v19 =	vadd.f32 v21, v19;
	v21 =	vadd.f32 v24, v23;
	v23 =	vld [tilespmem:s31+$0xB410]  }
0x2ad: {  	v24 =	vadd.f32 v27, v26;
	v26 =	vld [tilespmem:s31+$0xB420]  }
0x2ae: {  	v27 =	vld [tilespmem:s31+$0xB430];
	v14 =	vadd.f32 v22, v14  }
0x2af: {  	v22 =	vld [tilespmem:s31+$0xD470];
	v20 =	vadd.f32 v39, v20;
	v21 =	vadd.f32 v33, v21  }
0x2b0: {  	v24 =	vadd.f32 v35, v24;
	v33 =	vld [tilespmem:s31+$0xC420];
	v14 =	vadd.f32 v17, v14  }
0x2b1: {  	v17 =	vld [tilespmem:s31+$0xE470];
	v20 =	vadd.f32 v46, v20  }
0x2b2: {  	v24 =	vadd.f32 v42, v24;
	v14 =	vadd.f32 v15, v14;
	v15 =	vld [tilespmem:s31+$0x6440]  }
0x2b3: {  	v21 =	vadd.f32 v41, v21;
	v20 =	vadd.f32 v55, v20;
	v55 =	vld [tilespmem:s31+$0xD400]  }
0x2b4: {  	v24 =	vadd.f32 v51, v24;
	v51 =	vld [tilespmem:s31+$0xC450];
	v14 =	vadd.f32 v22, v14  }
0x2b5: {  	v21 =	vadd.f32 v49, v21;
	v22 =	vld [tilespmem:s31+$0x6450]  }
0x2b6: {  	v20 =	vadd.f32 v25, v20;
	v25 =	vld [tilespmem:s31+$0xD450];
	v14 =	vadd.f32 v17, v14  }
0x2b7: {  	v21 =	vadd.f32 v57, v21;
	v17 =	vld [tilespmem:s31+$0x6460]  }
0x2b8: {  	v24 =	vadd.f32 v58, v24;
	[tilespmem:s31+$0x3470] =	vst v14;
	v14 =	vld [tilespmem:s31+$0x7410]  }
0x2b9: {  	v57 =	vld [tilespmem:s31+$0xD410];
	v15 =	vadd.f32 v15, v28;
	v21 =	vadd.f32 v26, v21  }
0x2ba: {  	v28 =	vld [tilespmem:s31+$0xB450];
	v24 =	vadd.f32 v27, v24;
	v22 =	vadd.f32 v22, v29  }
0x2bb: {  	v26 =	vld [tilespmem:s31+$0xE400];
	v15 =	vadd.f32 v36, v15;
	v21 =	vadd.f32 v33, v21  }
0x2bc: {  	v27 =	vld [tilespmem:s31+$0xE410];
	v17 =	vadd.f32 v17, v30;
	v22 =	vadd.f32 v37, v22  }
0x2bd: {  	v30 =	vld [tilespmem:s31+$0xC400];
	v15 =	vadd.f32 v43, v15;
	v14 =	vadd.f32 v14, v19  }
0x2be: {  	v29 =	vld [tilespmem:s31+$0xB460];
	v17 =	vadd.f32 v38, v17;
	v22 =	vadd.f32 v44, v22  }
0x2bf: {  	v19 =	vld [tilespmem:s31+$0xB440];
	v15 =	vadd.f32 v52, v15;
	v14 =	vadd.f32 v40, v14  }
0x2c0: {  	v36 =	vld [tilespmem:s31+$0xE420];
	v17 =	vadd.f32 v45, v17;
	v22 =	vadd.f32 v53, v22  }
0x2c1: {  	v45 =	vld [tilespmem:s31+$0xC430];
	v15 =	vadd.f32 v59, v15;
	v14 =	vadd.f32 v47, v14  }
0x2c2: {  	v59 =	vld [tilespmem:s31+$0xD420];
	v20 =	vadd.f32 v30, v20;
	v17 =	vadd.f32 v54, v17  }
0x2c3: {  	v43 =	vld [tilespmem:s31+$0xE430];
	v22 =	vadd.f32 v60, v22;
	v14 =	vadd.f32 v56, v14  }
0x2c4: {  	v53 =	vld [tilespmem:s31+$0xC460];
	v15 =	vadd.f32 v19, v15;
	v20 =	vadd.f32 v55, v20  }
0x2c5: {  	v47 =	vld [tilespmem:s31+$0xC440];
	v17 =	vadd.f32 v61, v17;
	v14 =	vadd.f32 v23, v14  }
0x2c6: {  	v61 =	vld [tilespmem:s31+$0xD430];
	v19 =	vadd.f32 v28, v22;
	v24 =	vadd.f32 v45, v24  }
0x2c7: {  	v21 =	vadd.f32 v59, v21;
	v23 =	vld [tilespmem:s31+$0xD440];
	v14 =	vadd.f32 v31, v14  }
0x2c8: {  	v44 =	vld [tilespmem:s31+$0xE440];
	v20 =	vadd.f32 v26, v20;
	v17 =	vadd.f32 v29, v17  }
0x2c9: {  	v22 =	vld [tilespmem:s31+$0xD460];
	v19 =	vadd.f32 v51, v19;
	v14 =	vadd.f32 v57, v14  }
0x2ca: {  	v26 =	vld [tilespmem:s31+$0xE450];
	v15 =	vadd.f32 v47, v15;
	[tilespmem:s31+$0x3400] =	vst v20;
	v20 =	vadd.f32 v36, v21  }
0x2cb: {  	v24 =	vadd.f32 v61, v24;
	v14 =	vadd.f32 v27, v14;
	v27 =	vld [tilespmem:s31+$0xE460]  }
0x2cc: {  	v17 =	vadd.f32 v53, v17;
	v15 =	vadd.f32 v23, v15  }
0x2cd: {  	v19 =	vadd.f32 v25, v19;
	[tilespmem:s31+$0x3410] =	vst v14;
	v14 =	vadd.f32 v43, v24  }
0x2ce: {  	[tilespmem:s31+$0x3420] =	vst v20;
	v17 =	vadd.f32 v22, v17;
	v15 =	vadd.f32 v44, v15  }
0x2cf: {  	[tilespmem:s31+$0x3430] =	vst v14;
	v14 =	vadd.f32 v26, v19  }
0x2d0: {  	p1 =	slt.u32 s11, $0x14;
	s30 =	smov.u32 s9;
	[tilespmem:s31+$0x3440] =	vst v15;
	v15 =	vadd.f32 v27, v17  }
0x2d1: {  	s30 =	smov.u32 @p1 s7;
	s29 =	sshll.u32 s11, $0x6;
	[tilespmem:s31+$0x3450] =	vst v14  }
0x2d2: {  	s30 =	sadd.s32 s30, s29;
	[tilespmem:s31+$0x3460] =	vst v15  }
0x2d3: {  	s30 =	sshll.u32 s30, $0x4;
	_ =	swait.ge [sflag:s14], $0x1000  }
0x2d4: {  	s30 =	sand.u32 $0x1FFFFC00, s30;
	[sflag:s14] =	ssyncset.done $0x0  }
0x2d5: {  	s31 =	sadd.s32 s5, s30;
	[sflag:s14] =	ssyncadd.s32 $0xFFFFF000  }
0x2d6: {  	[hbm4b:s31+s2] =	stream.linear.scatter [tilespmem:s24], [sflag:$0x7], $0x1000, $0x38;
	[tilespmem:$0x19400] =	vst v63  }
0x2d7: {  	s19 =	simm.s32 $0x3400;
	s30 =	sadd.s32 s6, s30  }
0x2d8: {  	[hbm4b:s30+s2] =	stream.linear.scatter [tilespmem:s19], [sflag:$0x9], $0x1000, $0x38;
	[tilespmem:$0x19400] =	vst v63  }
0x2d9: {  	_ =	swait.ge @!p0 [sflag:s16], $0x200  }
0x2da: {  	[sflag:s16] =	ssyncset.done @!p0 $0x0  }
0x2db: {  	[sflag:s16] =	ssyncadd.s32 @!p0 $0xFFFFFE00  }
0x2dc: {  	v14 =	vld.idx.msk @!p0 [tilespmem:v0+s18+$0x0], $0xffff;
	_ =	sdelay $0x4  }
0x2dd: {  	[tilespmem:$0x1180] =	vst @!p0 v14  }
0x2de: {  	v14 =	vld.idx.msk @!p0 [tilespmem:v2+s18+$0x0], $0xffff;
	_ =	sdelay $0x4  }
0x2df: {  	[tilespmem:$0x1190] =	vst @!p0 v14  }
0x2e0: {  	v14 =	vld.idx.msk @!p0 [tilespmem:v16+s18+$0x0], $0xffff;
	_ =	sdelay $0x4  }
0x2e1: {  	[tilespmem:$0x11A0] =	vst @!p0 v14  }
0x2e2: {  	v14 =	vld.idx.msk @!p0 [tilespmem:v18+s18+$0x0], $0xffff;
	_ =	sdelay $0x4  }
0x2e3: {  	[tilespmem:$0x11B0] =	vst @!p0 v14  }
0x2e4: {  	v14 =	vld.idx.msk @!p0 [tilespmem:v32+s18+$0x0], $0xffff;
	_ =	sdelay $0x4  }
0x2e5: {  	[tilespmem:$0x11C0] =	vst @!p0 v14  }
0x2e6: {  	v14 =	vld.idx.msk @!p0 [tilespmem:v34+s18+$0x0], $0xffff;
	_ =	sdelay $0x4  }
0x2e7: {  	[tilespmem:$0x11D0] =	vst @!p0 v14  }
0x2e8: {  	v14 =	vld.idx.msk @!p0 [tilespmem:v48+s18+$0x0], $0xffff;
	_ =	sdelay $0x4  }
0x2e9: {  	[tilespmem:$0x11E0] =	vst @!p0 v14  }
0x2ea: {  	v14 =	vld.idx.msk @!p0 [tilespmem:v50+s18+$0x0], $0xffff;
	_ =	sdelay $0x4  }
0x2eb: {  	[tilespmem:$0x11F0] =	vst @!p0 v14  }
0x2ec: {  	v14 =	vld.idx.msk @!p0 [tilespmem:v63+s18+$0x0], $0xffff;
	_ =	sdelay $0x4  }
0x2ed: {  	[tilespmem:$0x1200] =	vst @!p0 v14  }
0x2ee: {  	v14 =	vld.idx.msk @!p0 [tilespmem:v3+s18+$0x0], $0xffff;
	_ =	sdelay $0x4  }
0x2ef: {  	[tilespmem:$0x1210] =	vst @!p0 v14  }
0x2f0: {  	v14 =	vld.idx.msk @!p0 [tilespmem:v4+s18+$0x0], $0xffff;
	_ =	sdelay $0x4  }
0x2f1: {  	[tilespmem:$0x1220] =	vst @!p0 v14  }
0x2f2: {  	v14 =	vld.idx.msk @!p0 [tilespmem:v5+s18+$0x0], $0xffff;
	_ =	sdelay $0x4  }
0x2f3: {  	[tilespmem:$0x1230] =	vst @!p0 v14  }
0x2f4: {  	v14 =	vld.idx.msk @!p0 [tilespmem:v6+s18+$0x0], $0xffff;
	_ =	sdelay $0x4  }
0x2f5: {  	[tilespmem:$0x1240] =	vst @!p0 v14  }
0x2f6: {  	v14 =	vld.idx.msk @!p0 [tilespmem:v7+s18+$0x0], $0xffff;
	_ =	sdelay $0x4  }
0x2f7: {  	[tilespmem:$0x1250] =	vst @!p0 v14  }
0x2f8: {  	v14 =	vld.idx.msk @!p0 [tilespmem:v8+s18+$0x0], $0xffff;
	_ =	sdelay $0x4  }
0x2f9: {  	[tilespmem:$0x1260] =	vst @!p0 v14  }
0x2fa: {  	v14 =	vld.idx.msk @!p0 [tilespmem:v9+s18+$0x0], $0xffff;
	_ =	sdelay $0x4  }
0x2fb: {  	[tilespmem:$0x1270] =	vst @!p0 v14  }
0x2fc: {  	v14 =	vld.idx.msk @!p0 [tilespmem:v10+s18+$0x0], $0xffff;
	_ =	sdelay $0x4  }
0x2fd: {  	[tilespmem:$0x1280] =	vst @!p0 v14  }
0x2fe: {  	v14 =	vld.idx.msk @!p0 [tilespmem:v11+s18+$0x0], $0xffff;
	_ =	sdelay $0x4  }
0x2ff: {  	[tilespmem:$0x1290] =	vst @!p0 v14  }
0x300: {  	v14 =	vld.idx.msk @!p0 [tilespmem:v12+s18+$0x0], $0xffff;
	_ =	sdelay $0x4  }
0x301: {  	[tilespmem:$0x12A0] =	vst @!p0 v14  }
0x302: {  	v14 =	vld.idx.msk @!p0 [tilespmem:v13+s18+$0x0], $0xffff;
	_ =	sdelay $0x3  }
0x303: {  	s30 =	sand.u32 @!p0 $0x3FFFFFC0, s29  }
0x304: {  	s30 =	sadd.s32 @!p0 $0x60, s30;
	[tilespmem:$0x12B0] =	vst @!p0 v14  }
0x305: {  	[tilespmem:s25], [sflag:$0x2] =	stream.indirect.gather @!p0 [hbm4b:s4+s17], $0x10, s30, s17, $0xb8;
	[tilespmem:$0x19400] =	vst v63  }
0x306: {  	_ =	swait.ge [sflag:s20], $0x1000  }
0x307: {  	[sflag:s20] =	ssyncset.done $0x0  }
0x308: {  	s30 =	simm.s32 @!p2 $0xA;
	[sflag:s20] =	ssyncadd.s32 $0xFFFFF000  }
0x309: {  	_ =	swait.ge @!p2 [sflag:s30], $0x1000  }
0x30a: {  	s31 =	simm.s32 @!p0 $0x1180;
	[sflag:s30] =	ssyncset.done @!p2 $0x0  }
0x30b: {  	s19 =	simm.s32 @!p0 $0x5400;
	[sflag:s30] =	ssyncadd.s32 @!p2 $0xFFFFF000;
	s30 =	simm.s32 @!p0 $0x20  }
0x30c: {  	[tilespmem:s19], [sflag:$0x5] =	stream.indirect.gather @!p0 [hbm4b:s1+s30], $0x80, s31, s30, $0xb8;
	[tilespmem:$0x19400] =	vst v63  }
0x30d: {  	s19 =	simm.s32 @!p0 $0x11A0;
	s31 =	simm.s32 @!p0 $0x6400  }
0x30e: {  	[tilespmem:s31], [sflag:$0x5] =	stream.indirect.gather @!p0 [hbm4b:s1+s30], $0x80, s19, s30, $0xb8;
	[tilespmem:$0x19400] =	vst v63  }
0x30f: {  	s19 =	simm.s32 @!p0 $0x11C0;
	s31 =	simm.s32 @!p0 $0x7400  }
0x310: {  	[tilespmem:s31], [sflag:$0x5] =	stream.indirect.gather @!p0 [hbm4b:s1+s30], $0x80, s19, s30, $0xb8;
	[tilespmem:$0x19400] =	vst v63  }
0x311: {  	s19 =	simm.s32 @!p0 $0x11E0;
	s31 =	simm.s32 @!p0 $0x8400  }
0x312: {  	[tilespmem:s31], [sflag:$0x5] =	stream.indirect.gather @!p0 [hbm4b:s1+s30], $0x80, s19, s30, $0xb8;
	[tilespmem:$0x19400] =	vst v63  }
0x313: {  	s19 =	simm.s32 @!p0 $0x1200;
	s31 =	simm.s32 @!p0 $0x9400  }
0x314: {  	[tilespmem:s31], [sflag:$0x5] =	stream.indirect.gather @!p0 [hbm4b:s1+s30], $0x80, s19, s30, $0xb8;
	[tilespmem:$0x19400] =	vst v63  }
0x315: {  	s19 =	simm.s32 @!p0 $0x1220;
	s31 =	simm.s32 @!p0 $0xA400  }
0x316: {  	[tilespmem:s31], [sflag:$0x5] =	stream.indirect.gather @!p0 [hbm4b:s1+s30], $0x80, s19, s30, $0xb8;
	[tilespmem:$0x19400] =	vst v63  }
0x317: {  	s19 =	simm.s32 @!p0 $0x1240;
	s31 =	simm.s32 @!p0 $0xB400  }
0x318: {  	[tilespmem:s31], [sflag:$0x5] =	stream.indirect.gather @!p0 [hbm4b:s1+s30], $0x80, s19, s30, $0xb8;
	[tilespmem:$0x19400] =	vst v63  }
0x319: {  	s19 =	simm.s32 @!p0 $0x1260;
	s31 =	simm.s32 @!p0 $0xC400  }
0x31a: {  	[tilespmem:s31], [sflag:$0x5] =	stream.indirect.gather @!p0 [hbm4b:s1+s30], $0x80, s19, s30, $0xb8;
	[tilespmem:$0x19400] =	vst v63  }
0x31b: {  	s19 =	simm.s32 @!p0 $0x1280;
	s31 =	simm.s32 @!p0 $0xD400  }
0x31c: {  	[tilespmem:s31], [sflag:$0x5] =	stream.indirect.gather @!p0 [hbm4b:s1+s30], $0x80, s19, s30, $0xb8;
	[tilespmem:$0x19400] =	vst v63  }
0x31d: {  	s19 =	simm.s32 @!p0 $0x12A0;
	s31 =	simm.s32 @!p0 $0xE400  }
0x31e: {  	[tilespmem:s31], [sflag:$0x5] =	stream.indirect.gather @!p0 [hbm4b:s1+s30], $0x80, s19, s30, $0xb8;
	[tilespmem:$0x19400] =	vst v63  }
0x31f: {  	s19 =	simm.s32 @!p0 $0x1400  }
0x320: {  	[tilespmem:s19], [sflag:$0x3] =	stream.indirect.gather @!p0 [hbm4b:s1+s30], $0x80, s28, s30, $0xb8;
	[tilespmem:$0x19400] =	vst v63  }
0x321: {  	_ =	swait.ge [sflag:s21], $0x1000  }
0x322: {  	[sflag:s21] =	ssyncset.done $0x0  }
0x323: {  	[sflag:s21] =	ssyncadd.s32 $0xFFFFF000  }
0x324: {  	_ =	swait.ge [sflag:s21], $0x1000  }
0x325: {  	[sflag:s21] =	ssyncset.done $0x0  }
0x326: {  	[sflag:s21] =	ssyncadd.s32 $0xFFFFF000  }
0x327: {  	_ =	swait.ge [sflag:s21], $0x1000  }
0x328: {  	[sflag:s21] =	ssyncset.done $0x0  }
0x329: {  	[sflag:s21] =	ssyncadd.s32 $0xFFFFF000  }
0x32a: {  	_ =	swait.ge [sflag:s21], $0x1000  }
0x32b: {  	[sflag:s21] =	ssyncset.done $0x0  }
0x32c: {  	[sflag:s21] =	ssyncadd.s32 $0xFFFFF000  }
0x32d: {  	_ =	swait.ge [sflag:s21], $0x1000  }
0x32e: {  	[sflag:s21] =	ssyncset.done $0x0  }
0x32f: {  	[sflag:s21] =	ssyncadd.s32 $0xFFFFF000  }
0x330: {  	_ =	swait.ge [sflag:s21], $0x1000  }
0x331: {  	[sflag:s21] =	ssyncset.done $0x0  }
0x332: {  	[sflag:s21] =	ssyncadd.s32 $0xFFFFF000  }
0x333: {  	_ =	swait.ge [sflag:s21], $0x1000  }
0x334: {  	[sflag:s21] =	ssyncset.done $0x0  }
0x335: {  	[sflag:s21] =	ssyncadd.s32 $0xFFFFF000  }
0x336: {  	_ =	swait.ge [sflag:s21], $0x1000  }
0x337: {  	[sflag:s21] =	ssyncset.done $0x0  }
0x338: {  	[sflag:s21] =	ssyncadd.s32 $0xFFFFF000  }
0x339: {  	_ =	swait.ge [sflag:s21], $0x1000  }
0x33a: {  	[sflag:s21] =	ssyncset.done $0x0  }
0x33b: {  	[sflag:s21] =	ssyncadd.s32 $0xFFFFF000  }
0x33c: {  	_ =	swait.ge [sflag:s21], $0x1000  }
0x33d: {  	[sflag:s21] =	ssyncset.done $0x0  }
0x33e: {  	s28 =	simm.s32 $0x0;
	[sflag:s21] =	ssyncadd.s32 $0xFFFFF000  }
0x33f: {  	v14 =	vld [tilespmem:s28+$0xF470]  }
0x340: {  	v15 =	vld [tilespmem:s28+$0x10470]  }
0x341: {  	v17 =	vld [tilespmem:s28+$0xF400]  }
0x342: {  	v19 =	vld [tilespmem:s28+$0x11470]  }
0x343: {  	v20 =	vld [tilespmem:s28+$0x10400]  }
0x344: {  	v21 =	vld [tilespmem:s28+$0x12470]  }
0x345: {  	v22 =	vld [tilespmem:s28+$0xF410]  }
0x346: {  	v23 =	vld [tilespmem:s28+$0x10410]  }
0x347: {  	v24 =	vld [tilespmem:s28+$0xF420]  }
0x348: {  	v25 =	vld [tilespmem:s28+$0x10420]  }
0x349: {  	v26 =	vld [tilespmem:s28+$0xF430]  }
0x34a: {  	v27 =	vld [tilespmem:s28+$0x10430]  }
0x34b: {  	v28 =	vld [tilespmem:s28+$0xF440]  }
0x34c: {  	v29 =	vld [tilespmem:s28+$0xF450]  }
0x34d: {  	v30 =	vld [tilespmem:s28+$0xF460]  }
0x34e: {  	v31 =	vld [tilespmem:s28+$0x11400]  }
0x34f: {  	v33 =	vld [tilespmem:s28+$0x11420]  }
0x350: {  	v35 =	vld [tilespmem:s28+$0x11430]  }
0x351: {  	v36 =	vld [tilespmem:s28+$0x11440]  }
0x352: {  	v37 =	vld [tilespmem:s28+$0x11450]  }
0x353: {  	v38 =	vld [tilespmem:s28+$0x11460]  }
0x354: {  	v39 =	vld [tilespmem:s28+$0x12400]  }
0x355: {  	v40 =	vld [tilespmem:s28+$0x12410]  }
0x356: {  	v41 =	vld [tilespmem:s28+$0x12420]  }
0x357: {  	v42 =	vld [tilespmem:s28+$0x12430]  }
0x358: {  	v43 =	vld [tilespmem:s28+$0x12440]  }
0x359: {  	v44 =	vld [tilespmem:s28+$0x12450]  }
0x35a: {  	v45 =	vld [tilespmem:s28+$0x12460]  }
0x35b: {  	v46 =	vld [tilespmem:s28+$0x13400]  }
0x35c: {  	v47 =	vld [tilespmem:s28+$0x13410]  }
0x35d: {  	v49 =	vld [tilespmem:s28+$0x13420]  }
0x35e: {  	v51 =	vld [tilespmem:s28+$0x13430]  }
0x35f: {  	v52 =	vld [tilespmem:s28+$0x13440]  }
0x360: {  	v53 =	vld [tilespmem:s28+$0x13450]  }
0x361: {  	v54 =	vld [tilespmem:s28+$0x13460]  }
0x362: {  	v55 =	vld [tilespmem:s28+$0x14400]  }
0x363: {  	v56 =	vld [tilespmem:s28+$0x14410]  }
0x364: {  	v57 =	vld [tilespmem:s28+$0x14420]  }
0x365: {  	v58 =	vld [tilespmem:s28+$0x14430]  }
0x366: {  	v59 =	vld [tilespmem:s28+$0x14440]  }
0x367: {  	v60 =	vld [tilespmem:s28+$0x14450]  }
0x368: {  	v61 =	vld [tilespmem:s28+$0x14460];
	v14 =	vadd.f32 v15, v14  }
0x369: {  	v15 =	vld [tilespmem:s28+$0x13470]  }
0x36a: {  	v17 =	vadd.f32 v20, v17;
	v20 =	vld [tilespmem:s28+$0x15400];
	v14 =	vadd.f32 v19, v14  }
0x36b: {  	v22 =	vadd.f32 v23, v22;
	v19 =	vld [tilespmem:s28+$0x14470]  }
0x36c: {  	v23 =	vadd.f32 v25, v24;
	v24 =	vld [tilespmem:s28+$0x15410];
	v14 =	vadd.f32 v21, v14  }
0x36d: {  	v21 =	vld [tilespmem:s28+$0x15470]  }
0x36e: {  	v25 =	vadd.f32 v27, v26;
	v26 =	vld [tilespmem:s28+$0x15420];
	v14 =	vadd.f32 v15, v14  }
0x36f: {  	v15 =	vld [tilespmem:s28+$0x16470]  }
0x370: {  	v27 =	vld [tilespmem:s28+$0x15430];
	v14 =	vadd.f32 v19, v14  }
0x371: {  	v19 =	vld [tilespmem:s28+$0x17470]  }
0x372: {  	v17 =	vadd.f32 v31, v17;
	v31 =	vld [tilespmem:s28+$0x16410];
	v14 =	vadd.f32 v21, v14  }
0x373: {  	v23 =	vadd.f32 v33, v23;
	v25 =	vadd.f32 v35, v25;
	v21 =	vld [tilespmem:s28+$0x18470]  }
0x374: {  	v33 =	vld [tilespmem:s28+$0x16420];
	v17 =	vadd.f32 v39, v17;
	v14 =	vadd.f32 v15, v14  }
0x375: {  	v23 =	vadd.f32 v41, v23;
	v25 =	vadd.f32 v42, v25;
	v15 =	vld [tilespmem:s28+$0x10440]  }
0x376: {  	v17 =	vadd.f32 v46, v17;
	v46 =	vld [tilespmem:s28+$0x16440];
	v14 =	vadd.f32 v19, v14  }
0x377: {  	v23 =	vadd.f32 v49, v23;
	v19 =	vld [tilespmem:s28+$0x10450]  }
0x378: {  	v25 =	vadd.f32 v51, v25;
	v14 =	vadd.f32 v21, v14;
	v21 =	vld [tilespmem:s28+$0x10460]  }
0x379: {  	v49 =	vld [tilespmem:s28+$0x16460];
	v17 =	vadd.f32 v55, v17;
	v23 =	vadd.f32 v57, v23  }
0x37a: {  	v25 =	vadd.f32 v58, v25;
	v15 =	vadd.f32 v15, v28;
	[tilespmem:s28+$0x4470] =	vst v14;
	v14 =	vld [tilespmem:s28+$0x11410]  }
0x37b: {  	v51 =	vld [tilespmem:s28+$0x17400];
	v17 =	vadd.f32 v20, v17;
	v20 =	vadd.f32 v26, v23  }
0x37c: {  	v55 =	vld [tilespmem:s28+$0x18410];
	v19 =	vadd.f32 v19, v29;
	v15 =	vadd.f32 v36, v15  }
0x37d: {  	v57 =	vld [tilespmem:s28+$0x18420];
	v23 =	vadd.f32 v27, v25;
	v21 =	vadd.f32 v21, v30  }
0x37e: {  	v19 =	vadd.f32 v37, v19;
	v30 =	vld [tilespmem:s28+$0x16400];
	v15 =	vadd.f32 v43, v15  }
0x37f: {  	v27 =	vld [tilespmem:s28+$0x18400];
	v14 =	vadd.f32 v14, v22;
	v21 =	vadd.f32 v38, v21  }
0x380: {  	v22 =	vld [tilespmem:s28+$0x15440];
	v19 =	vadd.f32 v44, v19;
	v15 =	vadd.f32 v52, v15  }
0x381: {  	v28 =	vld [tilespmem:s28+$0x15450];
	v14 =	vadd.f32 v40, v14;
	v21 =	vadd.f32 v45, v21  }
0x382: {  	v29 =	vld [tilespmem:s28+$0x15460];
	v19 =	vadd.f32 v53, v19;
	v15 =	vadd.f32 v59, v15  }
0x383: {  	v45 =	vld [tilespmem:s28+$0x16430];
	v17 =	vadd.f32 v30, v17;
	v14 =	vadd.f32 v47, v14  }
0x384: {  	v53 =	vld [tilespmem:s28+$0x17420];
	v21 =	vadd.f32 v54, v21;
	v19 =	vadd.f32 v60, v19  }
0x385: {  	v52 =	vld [tilespmem:s28+$0x17410];
	v15 =	vadd.f32 v22, v15;
	v22 =	vadd.f32 v33, v20  }
0x386: {  	v47 =	vld [tilespmem:s28+$0x16450];
	v59 =	vadd.f32 v51, v17;
	v14 =	vadd.f32 v56, v14  }
0x387: {  	v54 =	vld [tilespmem:s28+$0x17430];
	v21 =	vadd.f32 v61, v21;
	v19 =	vadd.f32 v28, v19  }
0x388: {  	v25 =	vld [tilespmem:s28+$0x17450];
	v56 =	vadd.f32 v45, v23;
	v14 =	vadd.f32 v24, v14  }
0x389: {  	v15 =	vadd.f32 v46, v15;
	v61 =	vadd.f32 v53, v22;
	v24 =	vld [tilespmem:s28+$0x17440]  }
0x38a: {  	v26 =	vld [tilespmem:s28+$0x17460];
	v27 =	vadd.f32 v27, v59;
	v14 =	vadd.f32 v31, v14  }
0x38b: {  	v23 =	vld [tilespmem:s28+$0x18430];
	v21 =	vadd.f32 v29, v21;
	v19 =	vadd.f32 v47, v19  }
0x38c: {  	v20 =	vld [tilespmem:s28+$0x18440];
	v22 =	vadd.f32 v54, v56;
	v60 =	vadd.f32 v52, v14  }
0x38d: {  	v58 =	vadd.f32 v49, v21;
	v21 =	vld [tilespmem:s28+$0x18450];
	v19 =	vadd.f32 v25, v19  }
0x38e: {  	s31 =	simm.s32 $0x80;
	v17 =	vadd.f32 v24, v15;
	v24 =	vld [tilespmem:s28+$0x18460];
	v25 =	vadd.f32 v55, v60  }
0x38f: {  	s30 =	simm.s32 $0x400;
	v14 =	vadd.f32 v26, v58;
	v26 =	vadd.f32 v57, v61;
	v15 =	vld [tilespmem:s31+$0xF470];
	[tilespmem:s28+$0x4400] =	vst v27  }
.LBB2_8:
0x390: {  	p0 =	sne.s32 s30, $0x3E00;
	v27 =	vld [tilespmem:s31+$0x10470];
	[tilespmem:s28+$0x4410] =	vst v25;
	v22 =	vadd.f32 v23, v22  }
0x391: {  	v23 =	vld [tilespmem:s31+$0xF400];
	[tilespmem:s28+$0x4420] =	vst v26;
	v17 =	vadd.f32 v20, v17  }
0x392: {  	v20 =	vld [tilespmem:s31+$0x11470];
	[tilespmem:s28+$0x4430] =	vst v22;
	v19 =	vadd.f32 v21, v19  }
0x393: {  	v21 =	vld [tilespmem:s31+$0x10400];
	[tilespmem:s28+$0x4440] =	vst v17;
	v14 =	vadd.f32 v24, v14  }
0x394: {  	v17 =	vld [tilespmem:s31+$0x12470];
	[tilespmem:s28+$0x4450] =	vst v19  }
0x395: {  	v19 =	vld [tilespmem:s31+$0xF410];
	v15 =	vadd.f32 v27, v15;
	[tilespmem:s28+$0x4460] =	vst v14;
	s28 =	smov.u32 s31  }
0x396: {  	v14 =	vld [tilespmem:s28+$0x13470]  }
0x397: {  	v22 =	vld [tilespmem:s28+$0x10410];
	v15 =	vadd.f32 v20, v15  }
0x398: {  	v20 =	vadd.f32 v21, v23;
	v21 =	vld [tilespmem:s28+$0x14470]  }
0x399: {  	v23 =	vld [tilespmem:s28+$0xF420];
	v15 =	vadd.f32 v17, v15  }
0x39a: {  	v17 =	vld [tilespmem:s28+$0x15470]  }
0x39b: {  	v24 =	vld [tilespmem:s28+$0x10420];
	v14 =	vadd.f32 v14, v15  }
0x39c: {  	v15 =	vadd.f32 v22, v19;
	v19 =	vld [tilespmem:s28+$0x16470]  }
0x39d: {  	v22 =	vld [tilespmem:s28+$0xF430];
	v14 =	vadd.f32 v21, v14  }
0x39e: {  	v21 =	vld [tilespmem:s28+$0x17470]  }
0x39f: {  	v25 =	vld [tilespmem:s28+$0x10430];
	v14 =	vadd.f32 v17, v14  }
0x3a0: {  	v17 =	vadd.f32 v24, v23;
	v23 =	vld [tilespmem:s28+$0x18470]  }
0x3a1: {  	v24 =	vld [tilespmem:s28+$0xF440];
	v14 =	vadd.f32 v19, v14  }
0x3a2: {  	v19 =	vld [tilespmem:s28+$0x10440]  }
0x3a3: {  	v26 =	vld [tilespmem:s28+$0xF450];
	v14 =	vadd.f32 v21, v14  }
0x3a4: {  	v21 =	vadd.f32 v25, v22;
	v22 =	vld [tilespmem:s28+$0x10450]  }
0x3a5: {  	v25 =	vld [tilespmem:s28+$0xF460];
	v14 =	vadd.f32 v23, v14  }
0x3a6: {  	v23 =	vld [tilespmem:s28+$0x10460]  }
0x3a7: {  	v27 =	vld [tilespmem:s28+$0x11400];
	v19 =	vadd.f32 v19, v24;
	[tilespmem:s28+$0x4470] =	vst v14  }
0x3a8: {  	v14 =	vld [tilespmem:s28+$0x11410]  }
0x3a9: {  	v24 =	vld [tilespmem:s28+$0x11420];
	v22 =	vadd.f32 v22, v26  }
0x3aa: {  	v26 =	vld [tilespmem:s28+$0x11430]  }
0x3ab: {  	v28 =	vld [tilespmem:s28+$0x11440];
	v23 =	vadd.f32 v23, v25  }
0x3ac: {  	v20 =	vadd.f32 v27, v20;
	v25 =	vld [tilespmem:s28+$0x11450]  }
0x3ad: {  	v14 =	vadd.f32 v14, v15;
	v15 =	vld [tilespmem:s28+$0x11460]  }
0x3ae: {  	v27 =	vld [tilespmem:s28+$0x12400];
	v17 =	vadd.f32 v24, v17  }
0x3af: {  	v24 =	vld [tilespmem:s28+$0x12410];
	v21 =	vadd.f32 v26, v21  }
0x3b0: {  	v26 =	vld [tilespmem:s28+$0x12420];
	v19 =	vadd.f32 v28, v19  }
0x3b1: {  	v28 =	vld [tilespmem:s28+$0x12430];
	v22 =	vadd.f32 v25, v22  }
0x3b2: {  	v25 =	vld [tilespmem:s28+$0x12440];
	v15 =	vadd.f32 v15, v23  }
0x3b3: {  	v20 =	vadd.f32 v27, v20;
	v23 =	vld [tilespmem:s28+$0x12450]  }
0x3b4: {  	v14 =	vadd.f32 v24, v14;
	v24 =	vld [tilespmem:s28+$0x12460]  }
0x3b5: {  	v27 =	vld [tilespmem:s28+$0x13400];
	v17 =	vadd.f32 v26, v17  }
0x3b6: {  	v26 =	vld [tilespmem:s28+$0x13410];
	v21 =	vadd.f32 v28, v21  }
0x3b7: {  	v28 =	vld [tilespmem:s28+$0x13420];
	v19 =	vadd.f32 v25, v19  }
0x3b8: {  	v25 =	vld [tilespmem:s28+$0x13430];
	v22 =	vadd.f32 v23, v22  }
0x3b9: {  	v23 =	vld [tilespmem:s28+$0x13440];
	v15 =	vadd.f32 v24, v15  }
0x3ba: {  	v20 =	vadd.f32 v27, v20;
	v24 =	vld [tilespmem:s28+$0x13450]  }
0x3bb: {  	v14 =	vadd.f32 v26, v14;
	v26 =	vld [tilespmem:s28+$0x13460]  }
0x3bc: {  	v27 =	vld [tilespmem:s28+$0x14400];
	v17 =	vadd.f32 v28, v17  }
0x3bd: {  	v28 =	vld [tilespmem:s28+$0x14410];
	v21 =	vadd.f32 v25, v21  }
0x3be: {  	v25 =	vld [tilespmem:s28+$0x14420];
	v19 =	vadd.f32 v23, v19  }
0x3bf: {  	v23 =	vld [tilespmem:s28+$0x14430];
	v22 =	vadd.f32 v24, v22  }
0x3c0: {  	v24 =	vld [tilespmem:s28+$0x14440];
	v15 =	vadd.f32 v26, v15  }
0x3c1: {  	v20 =	vadd.f32 v27, v20;
	v26 =	vld [tilespmem:s28+$0x14450]  }
0x3c2: {  	v14 =	vadd.f32 v28, v14;
	v27 =	vld [tilespmem:s28+$0x14460]  }
0x3c3: {  	v28 =	vld [tilespmem:s28+$0x15400];
	v17 =	vadd.f32 v25, v17  }
0x3c4: {  	v25 =	vld [tilespmem:s28+$0x15410];
	v21 =	vadd.f32 v23, v21  }
0x3c5: {  	v23 =	vld [tilespmem:s28+$0x15420];
	v19 =	vadd.f32 v24, v19  }
0x3c6: {  	v24 =	vld [tilespmem:s28+$0x15430];
	v22 =	vadd.f32 v26, v22  }
0x3c7: {  	v26 =	vld [tilespmem:s28+$0x15440];
	v15 =	vadd.f32 v27, v15  }
0x3c8: {  	v20 =	vadd.f32 v28, v20;
	v27 =	vld [tilespmem:s28+$0x15450]  }
0x3c9: {  	v14 =	vadd.f32 v25, v14;
	v25 =	vld [tilespmem:s28+$0x15460]  }
0x3ca: {  	v28 =	vld [tilespmem:s28+$0x16400];
	v17 =	vadd.f32 v23, v17  }
0x3cb: {  	v23 =	vld [tilespmem:s28+$0x16410];
	v21 =	vadd.f32 v24, v21  }
0x3cc: {  	v24 =	vld [tilespmem:s28+$0x16420];
	v19 =	vadd.f32 v26, v19  }
0x3cd: {  	v26 =	vld [tilespmem:s28+$0x16430];
	v22 =	vadd.f32 v27, v22  }
0x3ce: {  	v27 =	vld [tilespmem:s28+$0x16440];
	v15 =	vadd.f32 v25, v15  }
0x3cf: {  	v20 =	vadd.f32 v28, v20;
	v25 =	vld [tilespmem:s28+$0x16450]  }
0x3d0: {  	v14 =	vadd.f32 v23, v14;
	v23 =	vld [tilespmem:s28+$0x16460]  }
0x3d1: {  	v28 =	vld [tilespmem:s28+$0x17400];
	v17 =	vadd.f32 v24, v17  }
0x3d2: {  	v24 =	vld [tilespmem:s28+$0x17410];
	v21 =	vadd.f32 v26, v21  }
0x3d3: {  	v26 =	vld [tilespmem:s28+$0x17420];
	v19 =	vadd.f32 v27, v19  }
0x3d4: {  	v27 =	vld [tilespmem:s28+$0x17430];
	v25 =	vadd.f32 v25, v22  }
0x3d5: {  	v29 =	vld [tilespmem:s28+$0x17440];
	v15 =	vadd.f32 v23, v15  }
0x3d6: {  	v28 =	vadd.f32 v28, v20;
	v20 =	vld [tilespmem:s28+$0x17450]  }
0x3d7: {  	v24 =	vadd.f32 v24, v14;
	v14 =	vld [tilespmem:s28+$0x17460]  }
0x3d8: {  	v30 =	vld [tilespmem:s28+$0x18400];
	v26 =	vadd.f32 v26, v17  }
0x3d9: {  	v31 =	vld [tilespmem:s28+$0x18410];
	v22 =	vadd.f32 v27, v21  }
0x3da: {  	v27 =	vld [tilespmem:s28+$0x18420];
	v17 =	vadd.f32 v29, v19  }
.Ltmp3:
0x3db: {  	v23 =	vld [tilespmem:s28+$0x18430];
	v19 =	vadd.f32 v20, v25;
	(pc) =	sbr.rel @p0 .LBB2_8-.Ltmp3, $4  }
0x3dc: {  	v20 =	vld [tilespmem:s28+$0x18440];
	v14 =	vadd.f32 v14, v15  }
0x3dd: {  	v28 =	vadd.f32 v30, v28;
	v21 =	vld [tilespmem:s28+$0x18450]  }
0x3de: {  	s31 =	sshra.s32 s30, $0x2;
	v25 =	vadd.f32 v31, v24;
	v24 =	vld [tilespmem:s28+$0x18460]  }
0x3df: {  	s30 =	sadd.s32 $0x200, s30;
	v15 =	vld [tilespmem:s31+$0xF470];
	[tilespmem:s28+$0x4400] =	vst v28;
	v26 =	vadd.f32 v27, v26  }
0x3e0: {  	v27 =	vld [tilespmem:s31+$0x10470];
	[tilespmem:s28+$0x4410] =	vst v25;
	v22 =	vadd.f32 v23, v22  }
0x3e1: {  	v25 =	vld [tilespmem:s31+$0xF400];
	[tilespmem:s28+$0x4420] =	vst v26;
	v17 =	vadd.f32 v20, v17  }
0x3e2: {  	v43 =	vld [tilespmem:s31+$0x11470];
	[tilespmem:s28+$0x4430] =	vst v22;
	v19 =	vadd.f32 v21, v19  }
0x3e3: {  	v20 =	vld [tilespmem:s31+$0x10400];
	[tilespmem:s28+$0x4440] =	vst v17;
	v14 =	vadd.f32 v24, v14  }
0x3e4: {  	v17 =	vld [tilespmem:s31+$0x12470];
	[tilespmem:s28+$0x4450] =	vst v19  }
0x3e5: {  	v19 =	vld [tilespmem:s31+$0xF410];
	[tilespmem:s28+$0x4460] =	vst v14  }
0x3e6: {  	v14 =	vadd.f32 v27, v15;
	v15 =	vld [tilespmem:s31+$0x13470]  }
0x3e7: {  	v21 =	vld [tilespmem:s31+$0x10410]  }
0x3e8: {  	v22 =	vld [tilespmem:s31+$0x14470]  }
0x3e9: {  	v23 =	vld [tilespmem:s31+$0xF420]  }
0x3ea: {  	v24 =	vld [tilespmem:s31+$0x10420]  }
0x3eb: {  	v26 =	vld [tilespmem:s31+$0xF430]  }
0x3ec: {  	v44 =	vld [tilespmem:s31+$0x17470]  }
0x3ed: {  	v27 =	vld [tilespmem:s31+$0x10430]  }
0x3ee: {  	v28 =	vld [tilespmem:s31+$0xF440]  }
0x3ef: {  	v29 =	vld [tilespmem:s31+$0xF450]  }
0x3f0: {  	v30 =	vld [tilespmem:s31+$0xF460]  }
0x3f1: {  	v31 =	vld [tilespmem:s31+$0x11400]  }
0x3f2: {  	v33 =	vld [tilespmem:s31+$0x11420]  }
0x3f3: {  	v35 =	vld [tilespmem:s31+$0x11430]  }
0x3f4: {  	v36 =	vld [tilespmem:s31+$0x11440]  }
0x3f5: {  	v37 =	vld [tilespmem:s31+$0x11450]  }
0x3f6: {  	v38 =	vld [tilespmem:s31+$0x11460]  }
0x3f7: {  	v39 =	vld [tilespmem:s31+$0x12400]  }
0x3f8: {  	v40 =	vld [tilespmem:s31+$0x12410]  }
0x3f9: {  	v41 =	vld [tilespmem:s31+$0x12420]  }
0x3fa: {  	v42 =	vld [tilespmem:s31+$0x12430]  }
0x3fb: {  	v45 =	vld [tilespmem:s31+$0x12460]  }
0x3fc: {  	v46 =	vld [tilespmem:s31+$0x13400]  }
0x3fd: {  	v47 =	vld [tilespmem:s31+$0x13410]  }
0x3fe: {  	v49 =	vld [tilespmem:s31+$0x13420]  }
0x3ff: {  	v51 =	vld [tilespmem:s31+$0x13430]  }
0x400: {  	v52 =	vld [tilespmem:s31+$0x13440]  }
0x401: {  	v53 =	vld [tilespmem:s31+$0x13450]  }
0x402: {  	v54 =	vld [tilespmem:s31+$0x13460]  }
0x403: {  	v55 =	vld [tilespmem:s31+$0x14400]  }
0x404: {  	v56 =	vld [tilespmem:s31+$0x14410]  }
0x405: {  	v57 =	vld [tilespmem:s31+$0x14420]  }
0x406: {  	v58 =	vld [tilespmem:s31+$0x14430]  }
0x407: {  	v59 =	vld [tilespmem:s31+$0x14440]  }
0x408: {  	v60 =	vld [tilespmem:s31+$0x14450]  }
0x409: {  	v61 =	vld [tilespmem:s31+$0x14460];
	v14 =	vadd.f32 v43, v14  }
0x40a: {  	v43 =	vld [tilespmem:s31+$0x12440]  }
0x40b: {  	v20 =	vadd.f32 v20, v25;
	v25 =	vld [tilespmem:s31+$0x15400];
	v14 =	vadd.f32 v17, v14  }
0x40c: {  	v17 =	vld [tilespmem:s31+$0x15470]  }
0x40d: {  	v14 =	vadd.f32 v15, v14;
	v15 =	vld [tilespmem:s31+$0x16470]  }
0x40e: {  	v19 =	vadd.f32 v21, v19;
	v21 =	vadd.f32 v24, v23;
	v23 =	vld [tilespmem:s31+$0x15410]  }
0x40f: {  	v24 =	vadd.f32 v27, v26;
	v26 =	vld [tilespmem:s31+$0x15420]  }
0x410: {  	v27 =	vld [tilespmem:s31+$0x15430]  }
0x411: {  	v20 =	vadd.f32 v31, v20;
	v31 =	vld [tilespmem:s31+$0x16410]  }
0x412: {  	v14 =	vadd.f32 v22, v14;
	v22 =	vld [tilespmem:s31+$0x10450]  }
0x413: {  	v21 =	vadd.f32 v33, v21;
	v24 =	vadd.f32 v35, v24;
	v33 =	vld [tilespmem:s31+$0x16420]  }
0x414: {  	v20 =	vadd.f32 v39, v20;
	v35 =	vld [tilespmem:s31+$0x16430];
	v14 =	vadd.f32 v17, v14  }
0x415: {  	v17 =	vld [tilespmem:s31+$0x18470];
	v21 =	vadd.f32 v41, v21  }
0x416: {  	v20 =	vadd.f32 v46, v20;
	v46 =	vld [tilespmem:s31+$0x17400];
	v14 =	vadd.f32 v15, v14  }
0x417: {  	v24 =	vadd.f32 v42, v24;
	v15 =	vld [tilespmem:s31+$0x10440]  }
0x418: {  	v21 =	vadd.f32 v49, v21;
	v49 =	vld [tilespmem:s31+$0x17420];
	v14 =	vadd.f32 v44, v14  }
0x419: {  	v24 =	vadd.f32 v51, v24;
	v20 =	vadd.f32 v55, v20;
	v51 =	vld [tilespmem:s31+$0x17430]  }
0x41a: {  	v55 =	vld [tilespmem:s31+$0x18400];
	v21 =	vadd.f32 v57, v21;
	v14 =	vadd.f32 v17, v14  }
0x41b: {  	v22 =	vadd.f32 v22, v29;
	v44 =	vld [tilespmem:s31+$0x12450];
	v24 =	vadd.f32 v58, v24  }
0x41c: {  	v20 =	vadd.f32 v25, v20;
	v21 =	vadd.f32 v26, v21;
	[tilespmem:s31+$0x4470] =	vst v14;
	v14 =	vld [tilespmem:s31+$0x11410]  }
0x41d: {  	v17 =	vld [tilespmem:s31+$0x10460];
	v24 =	vadd.f32 v27, v24;
	v15 =	vadd.f32 v15, v28  }
0x41e: {  	v29 =	vld [tilespmem:s31+$0x15460];
	v22 =	vadd.f32 v37, v22;
	v21 =	vadd.f32 v33, v21  }
0x41f: {  	v57 =	vld [tilespmem:s31+$0x18420];
	v24 =	vadd.f32 v35, v24;
	v15 =	vadd.f32 v36, v15  }
0x420: {  	v58 =	vld [tilespmem:s31+$0x18430];
	v22 =	vadd.f32 v44, v22;
	v21 =	vadd.f32 v49, v21  }
0x421: {  	v37 =	vld [tilespmem:s31+$0x16450];
	v24 =	vadd.f32 v51, v24;
	v14 =	vadd.f32 v14, v19  }
0x422: {  	v17 =	vadd.f32 v17, v30;
	v30 =	vld [tilespmem:s31+$0x16400];
	v15 =	vadd.f32 v43, v15  }
0x423: {  	v22 =	vadd.f32 v53, v22;
	v19 =	vld [tilespmem:s31+$0x15440];
	v14 =	vadd.f32 v40, v14  }
0x424: {  	v28 =	vld [tilespmem:s31+$0x15450];
	v17 =	vadd.f32 v38, v17;
	v15 =	vadd.f32 v52, v15  }
0x425: {  	v36 =	vld [tilespmem:s31+$0x16440];
	v22 =	vadd.f32 v60, v22;
	v14 =	vadd.f32 v47, v14  }
0x426: {  	v52 =	vld [tilespmem:s31+$0x17440];
	v17 =	vadd.f32 v45, v17;
	v15 =	vadd.f32 v59, v15  }
0x427: {  	v45 =	vld [tilespmem:s31+$0x16460];
	v20 =	vadd.f32 v30, v20;
	v14 =	vadd.f32 v56, v14  }
0x428: {  	v17 =	vadd.f32 v54, v17;
	v47 =	vld [tilespmem:s31+$0x17410];
	v15 =	vadd.f32 v19, v15  }
0x429: {  	v59 =	vld [tilespmem:s31+$0x18440];
	v19 =	vadd.f32 v28, v22;
	v14 =	vadd.f32 v23, v14  }
0x42a: {  	v20 =	vadd.f32 v46, v20;
	v17 =	vadd.f32 v61, v17;
	v56 =	vld [tilespmem:s31+$0x18410]  }
0x42b: {  	v54 =	vld [tilespmem:s31+$0x17460];
	v15 =	vadd.f32 v36, v15;
	v14 =	vadd.f32 v31, v14  }
0x42c: {  	v53 =	vld [tilespmem:s31+$0x17450];
	v20 =	vadd.f32 v55, v20;
	v17 =	vadd.f32 v29, v17  }
0x42d: {  	v61 =	vld [tilespmem:s31+$0x18460];
	v15 =	vadd.f32 v52, v15;
	v14 =	vadd.f32 v47, v14  }
0x42e: {  	v60 =	vld [tilespmem:s31+$0x18450];
	[tilespmem:s31+$0x4400] =	vst v20;
	v20 =	vadd.f32 v57, v21;
	v17 =	vadd.f32 v45, v17  }
0x42f: {  	v19 =	vadd.f32 v37, v19;
	v14 =	vadd.f32 v56, v14  }
0x430: {  	[tilespmem:s31+$0x4420] =	vst v20;
	v15 =	vadd.f32 v59, v15;
	v17 =	vadd.f32 v54, v17  }
0x431: {  	v19 =	vadd.f32 v53, v19;
	[tilespmem:s31+$0x4410] =	vst v14;
	v14 =	vadd.f32 v58, v24  }
0x432: {  	[tilespmem:s31+$0x4440] =	vst v15;
	v15 =	vadd.f32 v61, v17  }
0x433: {  	[tilespmem:s31+$0x4430] =	vst v14;
	v14 =	vadd.f32 v60, v19  }
0x434: {  	s13 =	sadd.s32 s7, s13;
	s19 =	sadd.s32 s29, s10;
	[tilespmem:s31+$0x4460] =	vst v15  }
0x435: {  	s11 =	sadd.s32 $0x1, s11;
	s19 =	smov.u32 @p1 s13;
	[tilespmem:s31+$0x4450] =	vst v14  }
0x436: {  	p0 =	sne.s32 s11, $0x16;
	s13 =	sshll.u32 s19, $0x4;
	_ =	swait.ge [sflag:s22], $0x1000  }
.Ltmp4:
0x437: {  	s13 =	sand.u32 $0x1FFFFE00, s13;
	[sflag:s22] =	ssyncset.done $0x0;
	(pc) =	sbr.rel @p0 .LBB2_2-.Ltmp4, $4  }
0x438: {  	s31 =	sadd.s32 s5, s13;
	[sflag:s22] =	ssyncadd.s32 $0xFFFFF000  }
0x439: {  	[hbm4b:s31+s2] =	stream.linear.scatter [tilespmem:s0], [sflag:$0x8], $0x1000, $0x38;
	[tilespmem:$0x19400] =	vst v63  }
0x43a: {  	s13 =	sadd.s32 s6, s13  }
0x43b: {  	[hbm4b:s13+s2] =	stream.linear.scatter [tilespmem:s23], [sflag:$0xA], $0x1000, $0x38;
	[tilespmem:$0x19400] =	vst v63  }
0x43c: {  	_ =	swait.ge [sflag:s12], $0x1000  }
0x43d: {  	[sflag:s12] =	ssyncset.done $0x0  }
0x43e: {  	[sflag:s12] =	ssyncadd.s32 $0xFFFFF000  }
0x43f: {  	_ =	swait.ge [sflag:s8], $0x1000  }
0x440: {  	[sflag:s8] =	ssyncset.done $0x0  }
0x441: {  	s13 =	simm.s32 $0xA;
	[sflag:s8] =	ssyncadd.s32 $0xFFFFF000  }
0x442: {  	_ =	swait.ge [sflag:s13], $0x1000  }
0x443: {  	s19 =	rddreg [dreg:$0x6]  }
0x444: {  	s11 =	rddreg [dreg:$0x5];
	s19 =	sadd.s32 $0x1, s19  }
0x445: {  	p0 =	sne.s32 s19, s11  }
.Ltmp5:
0x446: {  	_ = 	snop;
	(pc) =	sbr.rel @p0 .LBB2_1-.Ltmp5, $3  }
0x447: {  	_ =	sdelay $0x1  }
0x448: {  	[sflag:s13] =	ssyncset.done $0x0  }
0x449: {  	[sflag:s13] =	ssyncadd.s32 $0xFFFFF000  }
0x44a: {  	_ =	sfence.sel $0x180000  }
0x44b: {  	[bflag:$0x0] =	sbarrier.arrive $0xFFFF  }
0x44c: {  	_ =	strace $0x90000047  }
0x44d: {  	s0 =	stileid.u32;
	[bflag:$0x2] =	sbarrier.arrive $0xFFFF  }
0x44e: {  	p0 =	sne.s32 s0, $0x0;
	s0 =	rddreg [dreg:$0x3]  }
0x44f: {  	s0 =	sadd.s32 @!p0 $0x100000, s0  }
0x450: {  	[sflag:s0] =	ssyncadd.tile.s32 @!p0 $0x1;
	_ =	shalt  }
.Lfunc_end2:
_tile_overlayer_lowered:
.L_overlay_start_2:
0x451: {  	(tag) =	ssettag $0x2  }
0x452: {  	s0 =	rddreg [dreg:$0x0];
	s2 =	stileid.u32  }
0x453: {  	s1 =	rddreg [dreg:$0x1];
	p0 =	sne.s32 s2, $0x0  }
0x454: {  	s3 =	rddreg [dreg:$0x2];
	[bflag:$0x3] =	sbarrier.arrive $0xFFFF;
	s2 =	simm.s32 @!p0 $0x1C0B  }
0x455: {  	[timem:s3], [sflag:s2] =	dma.local @!p0 [hbm:s0], s1  }
0x456: {  	s0 =	simm.s32 @!p0 $0xB  }
0x457: {  	_ =	swait.ge @!p0 [sflag:s0], s1  }
0x458: {  	s1 =	ssub.s32 @!p0 $0x0, s1;
	[sflag:s0] =	ssyncset.done @!p0 $0x0  }
0x459: {  	[sflag:s0] =	ssyncadd.s32 @!p0 s1  }
0x45a: {  	[bflag:$0x3] =	sbarrier.arrive $0xFFFF  }
0x45b: {  	_ =	shalt  }

</sc_bundles>
